<compile_context>
chip_gen: v7x
topology: tpu7x:2x2x1
jax: 0.10.2.dev20260603
libtpu: 0.0.44.dev20260713+nightly
codegen_flags: <defaults>
</compile_context>

<pallas_src>
import functools

import jax
import jax.numpy as jnp
from jax import lax
from jax.experimental import pallas as pl
from jax.experimental.pallas import tpu as pltpu
from jax.experimental.pallas import tpu_sc as plsc

NC = 2
NS = 16
NW = NC * NS
CHUNK = 128
LANES = 16


def _sc_degree(dst, ew, np_):
    ep = dst.shape[0]
    cpw = ep // (NW * CHUNK)
    per_sub = np_ // NS
    mesh = plsc.VectorSubcoreMesh(
        core_axis_name="c", subcore_axis_name="s", num_cores=NC, num_subcores=NS
    )

    @functools.partial(
        pl.kernel,
        out_type=jax.ShapeDtypeStruct((NC * np_,), jnp.float32),
        mesh=mesh,
        scratch_types=[
            pltpu.VMEM((CHUNK,), jnp.int32),
            pltpu.VMEM((CHUNK,), jnp.int32),
            pltpu.VMEM((CHUNK,), jnp.float32),
            pltpu.VMEM((CHUNK,), jnp.float32),
            pltpu.VMEM((per_sub,), jnp.float32),
            pltpu.VMEM_SHARED((np_,), jnp.float32),
            pltpu.SemaphoreType.DMA,
        ],
    )
    def deg_kernel(dst_hbm, ew_hbm, out_hbm, didx0, didx1, ewb0, ewb1,
                   zbuf, deg_sh, isem):
        c = lax.axis_index("c")
        s = lax.axis_index("s")
        wid = c * NS + s
        didxb = (didx0, didx1)
        ewbb = (ewb0, ewb1)

        @pl.loop(0, per_sub // LANES)
        def _(j):
            zbuf[pl.ds(j * LANES, LANES)] = jnp.zeros((LANES,), jnp.float32)

        sl = pl.ds(s * per_sub, per_sub)
        pltpu.sync_copy(zbuf, deg_sh.at[sl])
        plsc.subcore_barrier()

        def ld_start(i, b):
            base = (wid * cpw + i) * CHUNK
            pltpu.async_copy(dst_hbm.at[pl.ds(base, CHUNK)], didxb[b], isem)
            pltpu.async_copy(ew_hbm.at[pl.ds(base, CHUNK)], ewbb[b], isem)

        def ld_wait(i, b):
            base = (wid * cpw + i) * CHUNK
            pltpu.make_async_copy(dst_hbm.at[pl.ds(base, CHUNK)], didxb[b],
                                  isem).wait()
            pltpu.make_async_copy(ew_hbm.at[pl.ds(base, CHUNK)], ewbb[b],
                                  isem).wait()

        base0 = wid * cpw * CHUNK
        pltpu.sync_copy(dst_hbm.at[pl.ds(base0, CHUNK)], didx0)
        pltpu.sync_copy(ew_hbm.at[pl.ds(base0, CHUNK)], ewb0)

        @pl.loop(0, cpw // 2)
        def _(p):
            for b in (0, 1):
                i = p * 2 + b

                @pl.when(i > 0)
                def _():
                    ld_wait(i, b)

                @pl.when(i < cpw - 1)
                def _():
                    ld_start(i + 1, 1 - b)

                pltpu.sync_copy(ewbb[b], deg_sh.at[didxb[b]], add=True)

        plsc.subcore_barrier()
        pltpu.sync_copy(deg_sh.at[sl], zbuf)
        pltpu.sync_copy(zbuf, out_hbm.at[pl.ds(c * np_ + s * per_sub, per_sub)])

    return deg_kernel(dst, ew).reshape(NC, np_)


def _sc_gather_scale_scatter(g_tab, pidx, ew_rep, np_, d):
    cpw = pidx.shape[0] // NW
    per_sub = np_ // NS
    mesh = plsc.VectorSubcoreMesh(
        core_axis_name="c", subcore_axis_name="s", num_cores=NC, num_subcores=NS
    )

    @functools.partial(
        pl.kernel,
        out_type=jax.ShapeDtypeStruct((NC, np_, d), jnp.float32),
        mesh=mesh,
        scratch_types=[
            pltpu.VMEM((2, CHUNK), jnp.int32),
            pltpu.VMEM((2, CHUNK), jnp.int32),
            pltpu.VMEM((CHUNK * LANES,), jnp.float32),
            pltpu.VMEM((CHUNK * LANES,), jnp.float32),
            pltpu.VMEM((CHUNK, d), jnp.float32),
            pltpu.VMEM((CHUNK, d), jnp.float32),
            pltpu.VMEM_SHARED((np_, d), jnp.float32),
            pltpu.SemaphoreType.DMA,
            pltpu.SemaphoreType.DMA,
            pltpu.SemaphoreType.DMA,
        ],
    )
    def layer_kernel(g_hbm, pidx_hbm, ew_hbm, out_hbm,
                     idx0, idx1, wr0, wr1, rows0, rows1, acc_sh,
                     gsem0, gsem1, isem):
        c = lax.axis_index("c")
        s = lax.axis_index("s")
        wid = c * NS + s
        idxb = (idx0, idx1)
        wrb = (wr0, wr1)
        rowsb = (rows0, rows1)
        gsemb = (gsem0, gsem1)

        @pl.loop(0, CHUNK)
        def _(j):
            for k in range(d // LANES):
                rows0[j, pl.ds(k * LANES, LANES)] = jnp.zeros((LANES,), jnp.float32)

        for k in range(per_sub // CHUNK):
            pltpu.sync_copy(rows0, acc_sh.at[pl.ds(s * per_sub + k * CHUNK, CHUNK)])
        plsc.subcore_barrier()

        def idx_start(i, b):
            ch = wid * cpw + i
            pltpu.async_copy(pidx_hbm.at[ch], idxb[b], isem)
            pltpu.async_copy(
                ew_hbm.at[pl.ds(ch * CHUNK * LANES, CHUNK * LANES)], wrb[b], isem)

        def idx_wait(i, b):
            ch = wid * cpw + i
            pltpu.make_async_copy(pidx_hbm.at[ch], idxb[b], isem).wait()
            pltpu.make_async_copy(
                ew_hbm.at[pl.ds(ch * CHUNK * LANES, CHUNK * LANES)], wrb[b],
                isem).wait()

        def gather_start(b):
            pltpu.async_copy(g_hbm.at[idxb[b].at[0]], rowsb[b], gsemb[b])

        def gather_wait(b):
            pltpu.make_async_copy(g_hbm.at[idxb[b].at[0]], rowsb[b],
                                  gsemb[b]).wait()

        ch0 = wid * cpw
        pltpu.sync_copy(pidx_hbm.at[ch0], idx0)
        pltpu.sync_copy(ew_hbm.at[pl.ds(ch0 * CHUNK * LANES, CHUNK * LANES)], wr0)
        gather_start(0)
        idx_start(1, 1)

        @pl.loop(0, cpw // 2)
        def _(p):
            for b in (0, 1):
                i = p * 2 + b
                nb = 1 - b
                gather_wait(b)

                @pl.when(i < cpw - 1)
                def _():
                    idx_wait(i + 1, nb)
                    gather_start(nb)

                rows = rowsb[b]
                wr = wrb[b]

                @plsc.parallel_loop(0, CHUNK, unroll=4)
                def _(j):
                    wv = wr[pl.ds(j * LANES, LANES)]
                    for k in range(d // LANES):
                        slk = pl.ds(k * LANES, LANES)
                        rows[j, slk] = rows[j, slk] * wv

                pltpu.sync_copy(rows, acc_sh.at[idxb[b].at[1]], add=True)

                @pl.when(i < cpw - 2)
                def _():
                    idx_start(i + 2, b)

        plsc.subcore_barrier()
        out_core = out_hbm.at[c]
        for k in range(per_sub // CHUNK):
            sl = pl.ds(s * per_sub + k * CHUNK, CHUNK)
            pltpu.sync_copy(acc_sh.at[sl], out_core.at[sl])

    return layer_kernel(g_tab, pidx, ew_rep)


def _dinv_from_partials(deg2):
    deg = 1.0 + deg2[:, 0] + deg2[:, 1]
    return jnp.where(deg > 0, lax.rsqrt(deg), 0.0)


def _tc_stage_a1(x, w_in, b_in, w0, rb):
    n, din = x.shape
    h = w0.shape[1]

    def body(x_ref, wi_ref, bi_ref, w0_ref, t_ref):
        h1 = jnp.maximum(
            jnp.dot(x_ref[...], wi_ref[...], preferred_element_type=jnp.float32,
                    precision=lax.Precision.HIGHEST) + bi_ref[...], 0.0)
        t_ref[...] = jnp.dot(h1, w0_ref[...], preferred_element_type=jnp.float32,
                             precision=lax.Precision.HIGHEST)

    return pl.pallas_call(
        body,
        grid=(n // rb,),
        in_specs=[
            pl.BlockSpec((rb, din), lambda r: (r, 0)),
            pl.BlockSpec((din, h), lambda r: (0, 0)),
            pl.BlockSpec((1, h), lambda r: (0, 0)),
            pl.BlockSpec((h, h), lambda r: (0, 0)),
        ],
        out_specs=pl.BlockSpec((rb, h), lambda r: (r, 0)),
        out_shape=jax.ShapeDtypeStruct((n, h), jnp.float32),
    )(x, w_in, b_in, w0)


def _tc_stage_a2(degt, t1, rb):
    n, h = t1.shape

    def body(deg_ref, t_ref, g_ref):
        dinv = _dinv_from_partials(deg_ref[...])
        g_ref[...] = dinv[:, None] * t_ref[...]

    return pl.pallas_call(
        body,
        grid=(n // rb,),
        in_specs=[
            pl.BlockSpec((rb, NC), lambda r: (r, 0)),
            pl.BlockSpec((rb, h), lambda r: (r, 0)),
        ],
        out_specs=pl.BlockSpec((rb, h), lambda r: (r, 0)),
        out_shape=jax.ShapeDtypeStruct((n, h), jnp.float32),
    )(degt, t1)


def _tc_stage_b(accp, degt, t_prev, b_prev, w_next, rb):
    n, h = t_prev.shape
    hn = w_next.shape[1]

    def body(acc_ref, deg_ref, t_ref, b_ref, w_ref, tn_ref, gn_ref):
        dinv = _dinv_from_partials(deg_ref[...])
        acc = acc_ref[0] + acc_ref[1]
        hh = jnp.maximum(
            dinv[:, None] * acc + (dinv * dinv)[:, None] * t_ref[...] + b_ref[...],
            0.0)
        t = jnp.dot(hh, w_ref[...], preferred_element_type=jnp.float32,
                    precision=lax.Precision.HIGHEST)
        tn_ref[...] = t
        gn_ref[...] = dinv[:, None] * t

    return pl.pallas_call(
        body,
        grid=(n // rb,),
        in_specs=[
            pl.BlockSpec((NC, rb, h), lambda r: (0, r, 0)),
            pl.BlockSpec((rb, NC), lambda r: (r, 0)),
            pl.BlockSpec((rb, h), lambda r: (r, 0)),
            pl.BlockSpec((1, h), lambda r: (0, 0)),
            pl.BlockSpec((h, hn), lambda r: (0, 0)),
        ],
        out_specs=[
            pl.BlockSpec((rb, hn), lambda r: (r, 0)),
            pl.BlockSpec((rb, hn), lambda r: (r, 0)),
        ],
        out_shape=[
            jax.ShapeDtypeStruct((n, hn), jnp.float32),
            jax.ShapeDtypeStruct((n, hn), jnp.float32),
        ],
    )(accp, degt, t_prev, b_prev, w_next)


def _tc_stage_c(accp, degt, t_prev, b_prev, w_out, b_out, rb):
    n, h = t_prev.shape
    c = w_out.shape[1]

    def body(acc_ref, deg_ref, t_ref, b_ref, w_ref, bo_ref, o_ref):
        dinv = _dinv_from_partials(deg_ref[...])
        acc = acc_ref[0] + acc_ref[1]
        hh = jnp.maximum(
            dinv[:, None] * acc + (dinv * dinv)[:, None] * t_ref[...] + b_ref[...],
            0.0)
        o_ref[...] = jnp.dot(hh, w_ref[...], preferred_element_type=jnp.float32,
                             precision=lax.Precision.HIGHEST) + bo_ref[...]

    return pl.pallas_call(
        body,
        grid=(n // rb,),
        in_specs=[
            pl.BlockSpec((NC, rb, h), lambda r: (0, r, 0)),
            pl.BlockSpec((rb, NC), lambda r: (r, 0)),
            pl.BlockSpec((rb, h), lambda r: (r, 0)),
            pl.BlockSpec((1, h), lambda r: (0, 0)),
            pl.BlockSpec((h, c), lambda r: (0, 0)),
            pl.BlockSpec((1, c), lambda r: (0, 0)),
        ],
        out_specs=pl.BlockSpec((rb, c), lambda r: (r, 0)),
        out_shape=jax.ShapeDtypeStruct((n, c), jnp.float32),
    )(accp, degt, t_prev, b_prev, w_out, b_out)


def kernel(x, edge_index, edge_weight, W_in, b_in, W0, b0, W1, b1, W_out, b_out):
    n, _ = x.shape
    e = edge_weight.shape[0]
    rb = next((b for b in (2000, 1000, 504, 8) if n % b == 0), n)

    step = NW * CHUNK * 2
    ep = ((e + step - 1) // step) * step
    pad = ep - e
    if pad:
        fill = (jnp.arange(pad, dtype=jnp.int32) * 97) % n
        src = jnp.concatenate([edge_index[0], fill])
        dst = jnp.concatenate([edge_index[1], fill])
        ew = jnp.concatenate([edge_weight, jnp.zeros((pad,), edge_weight.dtype)])
    else:
        src, dst, ew = edge_index[0], edge_index[1], edge_weight

    ew_rep = jnp.repeat(ew, LANES)
    pidx = jnp.stack(
        [src.reshape(-1, CHUNK), dst.reshape(-1, CHUNK)], axis=1)

    b_in2 = b_in.reshape(1, -1)
    b02 = b0.reshape(1, -1)
    b12 = b1.reshape(1, -1)
    b_out2 = b_out.reshape(1, -1)

    np_ = ((n + NS * LANES - 1) // (NS * LANES)) * (NS * LANES)

    t1 = _tc_stage_a1(x, W_in, b_in2, W0, rb)
    degp = _sc_degree(dst, ew, np_)
    degt = degp[:, :n].T

    g1 = _tc_stage_a2(degt, t1, rb)
    acc1 = _sc_gather_scale_scatter(g1, pidx, ew_rep, np_, g1.shape[1])
    t2, g2 = _tc_stage_b(acc1[:, :n], degt, t1, b02, W1, rb)
    acc2 = _sc_gather_scale_scatter(g2, pidx, ew_rep, np_, g2.shape[1])
    return _tc_stage_c(acc2[:, :n], degt, t2, b12, W_out, b_out2, rb)

# --- scband reference (transcript-rebuilt; emitter-appended) ---
"""Pipeline reference for scband-graph-convolution-stack-44959717655156 (READ-ONLY COPY).

The authoritative reference and input builder live on the scoring server;
editing this copy changes nothing except your own understanding.
"""

import jax, jax.numpy as jnp
import numpy as np

N = 10000
E = 320000
D = 128
H = 128
C = 40


def gcn_conv(x, src, dst, ew, W, b):
    # PyG-style GCNConv: add self-loops, symmetric normalization with edge weights
    n = x.shape[0]
    loop = jnp.arange(n, dtype=src.dtype)
    s = jnp.concatenate([src, loop])
    d = jnp.concatenate([dst, loop])
    w = jnp.concatenate([ew, jnp.ones((n,), dtype=ew.dtype)])
    deg = jnp.zeros((n,), dtype=ew.dtype).at[d].add(w)
    dinv = jnp.where(deg > 0, jax.lax.rsqrt(deg), 0.0)
    norm = dinv[s] * w * dinv[d]
    h = x @ W
    out = jnp.zeros_like(h).at[d].add(h[s] * norm[:, None])
    return out + b


def setup_inputs(seed: int = 0) -> dict:
    key = jax.random.key(seed)
    ks = jax.random.split(key, 12)
    x = jax.random.normal(ks[0], (N, D), dtype=jnp.float32)
    edge_index = jax.random.randint(ks[1], (2, E), 0, N, dtype=jnp.int32)
    edge_weight = jax.random.uniform(ks[2], (E,), dtype=jnp.float32)
    W_in = jax.random.normal(ks[3], (D, H), dtype=jnp.float32) * 0.05
    b_in = jnp.zeros((H,), dtype=jnp.float32)
    W0 = jax.random.normal(ks[4], (H, H), dtype=jnp.float32) * 0.05
    b0 = jnp.zeros((H,), dtype=jnp.float32)
    W1 = jax.random.normal(ks[5], (H, H), dtype=jnp.float32) * 0.05
    b1 = jnp.zeros((H,), dtype=jnp.float32)
    W_out = jax.random.normal(ks[6], (H, C), dtype=jnp.float32) * 0.05
    b_out = jnp.zeros((C,), dtype=jnp.float32)
    return {"x": x, "edge_index": edge_index, "edge_weight": edge_weight,
            "W_in": W_in, "b_in": b_in, "W0": W0, "b0": b0,
            "W1": W1, "b1": b1, "W_out": W_out, "b_out": b_out}


def reference(x, edge_index, edge_weight, W_in, b_in, W0, b0, W1, b1, W_out, b_out):
    src = edge_index[0]
    dst = edge_index[1]
    # input FC + activation (dropout is identity in eval mode)
    h = jax.nn.relu(x @ W_in + b_in)
    # GCN layer 1
    h = jax.nn.relu(gcn_conv(h, src, dst, edge_weight, W0, b0))
    # GCN layer 2
    h = jax.nn.relu(gcn_conv(h, src, dst, edge_weight, W1, b1))
    # output FC
    return h @ W_out + b_out

if __name__ == "__main__":
    import jax
    _d = setup_inputs()
    print(jax.jit(kernel)(*tuple(_d.values())))

</pallas_src>

<mosaic_0001>
#map = affine_map<(d0, d1) -> (0)>
module attributes {stable_mosaic.version = 14 : i64} {
  func.func @deg_kernel(%arg0: i32, %arg1: i32, %arg2: memref<327680xi32, #tpu.memory_space<hbm>>, %arg3: memref<327680xf32, #tpu.memory_space<hbm>>, %arg4: memref<20480xf32, #tpu.memory_space<hbm>>, %arg5: memref<128xi32, #tpu.memory_space<vmem>>, %arg6: memref<128xi32, #tpu.memory_space<vmem>>, %arg7: memref<128xf32, #tpu.memory_space<vmem>>, %arg8: memref<128xf32, #tpu.memory_space<vmem>>, %arg9: memref<640xf32, #tpu.memory_space<vmem>>, %arg10: memref<10240xf32, #tpu.memory_space<vmem_shared>>, %arg11: memref<!tpu.dma_semaphore, #tpu.memory_space<semaphore_mem>>) attributes {dimension_semantics = [#tpu.dimension_semantics<core_parallel>, #tpu.dimension_semantics<subcore_parallel>], iteration_bounds = array<i64: 2, 16>, scalar_prefetch = 0 : i64, scratch_operands = 7 : i64, tpu.core_type = #tpu.core_type<sc_vector_subcore>, window_params = [{transform_indices = #map}, {transform_indices = #map}, {transform_indices = #map}]} {
    %mul3A = arith.constant 16 : i32
    %mul3A_0 = arith.muli %arg0, %mul3A : i32
    %add3A = arith.addi %mul3A_0, %arg1 : i32
    %scan3A = arith.constant 0 : i32
    %scan3A_1 = arith.constant 40 : i32
    %scan3A_2 = arith.addi %scan3A, %scan3A_1 : i32
    %scan3A_3 = arith.constant 1 : i32
    scf.for %scan3A_22 = %scan3A to %scan3A_2 step %scan3A_3  : i32 {
      %mul3A_23 = arith.constant 1 : i32
      %mul3A_24 = arith.muli %scan3A_22, %mul3A_23 : i32
      %add3A_25 = arith.constant 0 : i32
      %add3A_26 = arith.addi %add3A_25, %mul3A_24 : i32
      %broadcast_in_dim3A = arith.constant 0.000000e+00 : f32
      %broadcast_in_dim3A_27 = vector.broadcast %broadcast_in_dim3A : f32 to vector<16xf32>
      %mul3A_28 = arith.constant 16 : i32
      %mul3A_29 = arith.muli %add3A_26, %mul3A_28 : i32
      %swap3A = arith.index_cast %mul3A_29 : i32 to index
      %swap3A_30 = tpu.vector_load %arg9[%swap3A] {strides = array<i32>} : memref<640xf32, #tpu.memory_space<vmem>>, vector<16xf32>,
      %swap3A_31 = vector.shape_cast %swap3A_30 : vector<16xf32> to vector<16xf32>
      %swap3A_32 = vector.shape_cast %broadcast_in_dim3A_27 : vector<16xf32> to vector<16xf32>
      tpu.vector_store %arg9[%swap3A], %swap3A_32 {strides = array<i32>} : memref<640xf32, #tpu.memory_space<vmem>>, vector<16xf32>,
    }
    %scan3A_4 = arith.constant 40 : i32
    %mul3A_5 = arith.constant 640 : i32
    %mul3A_6 = arith.muli %arg1, %mul3A_5 : i32
    "tpu.region"() ({
      %run_scoped3A = tpu.sem_alloc : memref<!tpu.dma_semaphore, #tpu.memory_space<semaphore_mem>>
      %dma_start3A = tpu.memref_slice %arg10[%mul3A_6] : memref<10240xf32, #tpu.memory_space<vmem_shared>> -> memref<640xf32, #tpu.memory_space<vmem_shared>>
      %dma_start3A_22 = tpu.memref_slice %arg10[%mul3A_6] : memref<10240xf32, #tpu.memory_space<vmem_shared>> -> memref<640xf32, #tpu.memory_space<vmem_shared>>
      tpu.enqueue_dma source(%arg9 : memref<640xf32, #tpu.memory_space<vmem>>) target(%dma_start3A_22 : memref<640xf32, #tpu.memory_space<vmem_shared>>) target_semaphore(%run_scoped3A : memref<!tpu.dma_semaphore, #tpu.memory_space<semaphore_mem>>)
      %dma_wait3A = tpu.memref_slice %arg10[%mul3A_6] : memref<10240xf32, #tpu.memory_space<vmem_shared>> -> memref<640xf32, #tpu.memory_space<vmem_shared>>
      %dma_wait3A_23 = tpu.memref_slice %arg10[%mul3A_6] : memref<10240xf32, #tpu.memory_space<vmem_shared>> -> memref<640xf32, #tpu.memory_space<vmem_shared>>
      tpu.wait_dma2 semaphore(%run_scoped3A : memref<!tpu.dma_semaphore, #tpu.memory_space<semaphore_mem>>) src(%arg9 : memref<640xf32, #tpu.memory_space<vmem>>) dst(%dma_wait3A_23 : memref<640xf32, #tpu.memory_space<vmem_shared>>)
      tpu.yield
    }) : () -> ()
    %barrier3A = arith.constant 0 : index
    tpu.barrier barrier_id(%barrier3A)
    %mul3A_7 = arith.constant 80 : i32
    %mul3A_8 = arith.muli %add3A, %mul3A_7 : i32
    %mul3A_9 = arith.constant 128 : i32
    %mul3A_10 = arith.muli %mul3A_8, %mul3A_9 : i32
    "tpu.region"() ({
      %run_scoped3A = tpu.sem_alloc : memref<!tpu.dma_semaphore, #tpu.memory_space<semaphore_mem>>
      %dma_start3A = tpu.memref_slice %arg2[%mul3A_10] : memref<327680xi32, #tpu.memory_space<hbm>> -> memref<128xi32, #tpu.memory_space<hbm>>
      %dma_start3A_22 = tpu.memref_slice %arg2[%mul3A_10] : memref<327680xi32, #tpu.memory_space<hbm>> -> memref<128xi32, #tpu.memory_space<hbm>>
      tpu.enqueue_dma source(%dma_start3A_22 : memref<128xi32, #tpu.memory_space<hbm>>) target(%arg5 : memref<128xi32, #tpu.memory_space<vmem>>) target_semaphore(%run_scoped3A : memref<!tpu.dma_semaphore, #tpu.memory_space<semaphore_mem>>)
      %dma_wait3A = tpu.memref_slice %arg2[%mul3A_10] : memref<327680xi32, #tpu.memory_space<hbm>> -> memref<128xi32, #tpu.memory_space<hbm>>
      %dma_wait3A_23 = tpu.memref_slice %arg2[%mul3A_10] : memref<327680xi32, #tpu.memory_space<hbm>> -> memref<128xi32, #tpu.memory_space<hbm>>
      tpu.wait_dma2 semaphore(%run_scoped3A : memref<!tpu.dma_semaphore, #tpu.memory_space<semaphore_mem>>) src(%dma_wait3A_23 : memref<128xi32, #tpu.memory_space<hbm>>) dst(%arg5 : memref<128xi32, #tpu.memory_space<vmem>>)
      tpu.yield
    }) : () -> ()
    "tpu.region"() ({
      %run_scoped3A = tpu.sem_alloc : memref<!tpu.dma_semaphore, #tpu.memory_space<semaphore_mem>>
      %dma_start3A = tpu.memref_slice %arg3[%mul3A_10] : memref<327680xf32, #tpu.memory_space<hbm>> -> memref<128xf32, #tpu.memory_space<hbm>>
      %dma_start3A_22 = tpu.memref_slice %arg3[%mul3A_10] : memref<327680xf32, #tpu.memory_space<hbm>> -> memref<128xf32, #tpu.memory_space<hbm>>
      tpu.enqueue_dma source(%dma_start3A_22 : memref<128xf32, #tpu.memory_space<hbm>>) target(%arg7 : memref<128xf32, #tpu.memory_space<vmem>>) target_semaphore(%run_scoped3A : memref<!tpu.dma_semaphore, #tpu.memory_space<semaphore_mem>>)
      %dma_wait3A = tpu.memref_slice %arg3[%mul3A_10] : memref<327680xf32, #tpu.memory_space<hbm>> -> memref<128xf32, #tpu.memory_space<hbm>>
      %dma_wait3A_23 = tpu.memref_slice %arg3[%mul3A_10] : memref<327680xf32, #tpu.memory_space<hbm>> -> memref<128xf32, #tpu.memory_space<hbm>>
      tpu.wait_dma2 semaphore(%run_scoped3A : memref<!tpu.dma_semaphore, #tpu.memory_space<semaphore_mem>>) src(%dma_wait3A_23 : memref<128xf32, #tpu.memory_space<hbm>>) dst(%arg7 : memref<128xf32, #tpu.memory_space<vmem>>)
      tpu.yield
    }) : () -> ()
    %scan3A_11 = arith.constant 0 : i32
    %scan3A_12 = arith.constant 40 : i32
    %scan3A_13 = arith.addi %scan3A_11, %scan3A_12 : i32
    %scan3A_14 = arith.constant 1 : i32
    scf.for %scan3A_22 = %scan3A_11 to %scan3A_13 step %scan3A_14  : i32 {
      %mul3A_23 = arith.constant 1 : i32
      %mul3A_24 = arith.muli %scan3A_22, %mul3A_23 : i32
      %add3A_25 = arith.constant 0 : i32
      %add3A_26 = arith.addi %add3A_25, %mul3A_24 : i32
      %mul3A_27 = arith.constant 2 : i32
      %mul3A_28 = arith.muli %add3A_26, %mul3A_27 : i32
      %add3A_29 = arith.constant 0 : i32
      %add3A_30 = arith.addi %mul3A_28, %add3A_29 : i32
      %gt3A = arith.constant 0 : i32
      %gt3A_31 = arith.cmpi sgt, %add3A_30, %gt3A : i32
      %convert_element_type3A = arith.extui %gt3A_31 : i1 to i32
      %cond3A = arith.constant 0 : i32
      %cond3A_32 = arith.cmpi ne, %convert_element_type3A, %cond3A : i32
      scf.if %cond3A_32 {
        %mul3A_51 = arith.constant 80 : i32
        %mul3A_52 = arith.muli %add3A, %mul3A_51 : i32
        %add3A_53 = arith.addi %mul3A_52, %add3A_30 : i32
        %mul3A_54 = arith.constant 128 : i32
        %mul3A_55 = arith.muli %add3A_53, %mul3A_54 : i32
        %dma_wait3A = tpu.memref_slice %arg2[%mul3A_55] : memref<327680xi32, #tpu.memory_space<hbm>> -> memref<128xi32, #tpu.memory_space<hbm>>
        %dma_wait3A_56 = tpu.memref_slice %arg2[%mul3A_55] : memref<327680xi32, #tpu.memory_space<hbm>> -> memref<128xi32, #tpu.memory_space<hbm>>
        tpu.wait_dma2 semaphore(%arg11 : memref<!tpu.dma_semaphore, #tpu.memory_space<semaphore_mem>>) src(%dma_wait3A_56 : memref<128xi32, #tpu.memory_space<hbm>>) dst(%arg5 : memref<128xi32, #tpu.memory_space<vmem>>)
        %dma_wait3A_57 = tpu.memref_slice %arg3[%mul3A_55] : memref<327680xf32, #tpu.memory_space<hbm>> -> memref<128xf32, #tpu.memory_space<hbm>>
        %dma_wait3A_58 = tpu.memref_slice %arg3[%mul3A_55] : memref<327680xf32, #tpu.memory_space<hbm>> -> memref<128xf32, #tpu.memory_space<hbm>>
        tpu.wait_dma2 semaphore(%arg11 : memref<!tpu.dma_semaphore, #tpu.memory_space<semaphore_mem>>) src(%dma_wait3A_58 : memref<128xf32, #tpu.memory_space<hbm>>) dst(%arg7 : memref<128xf32, #tpu.memory_space<vmem>>)
      } else {
      }
      %lt3A = arith.constant 79 : i32
      %lt3A_33 = arith.cmpi slt, %add3A_30, %lt3A : i32
      %convert_element_type3A_34 = arith.extui %lt3A_33 : i1 to i32
      %cond3A_35 = arith.constant 0 : i32
      %cond3A_36 = arith.cmpi ne, %convert_element_type3A_34, %cond3A_35 : i32
      scf.if %cond3A_36 {
        %add3A_51 = arith.constant 1 : i32
        %add3A_52 = arith.addi %add3A_30, %add3A_51 : i32
        %mul3A_53 = arith.constant 80 : i32
        %mul3A_54 = arith.muli %add3A, %mul3A_53 : i32
        %add3A_55 = arith.addi %mul3A_54, %add3A_52 : i32
        %mul3A_56 = arith.constant 128 : i32
        %mul3A_57 = arith.muli %add3A_55, %mul3A_56 : i32
        %dma_start3A = tpu.memref_slice %arg2[%mul3A_57] : memref<327680xi32, #tpu.memory_space<hbm>> -> memref<128xi32, #tpu.memory_space<hbm>>
        %dma_start3A_58 = tpu.memref_slice %arg2[%mul3A_57] : memref<327680xi32, #tpu.memory_space<hbm>> -> memref<128xi32, #tpu.memory_space<hbm>>
        tpu.enqueue_dma source(%dma_start3A_58 : memref<128xi32, #tpu.memory_space<hbm>>) target(%arg6 : memref<128xi32, #tpu.memory_space<vmem>>) target_semaphore(%arg11 : memref<!tpu.dma_semaphore, #tpu.memory_space<semaphore_mem>>)
        %dma_start3A_59 = tpu.memref_slice %arg3[%mul3A_57] : memref<327680xf32, #tpu.memory_space<hbm>> -> memref<128xf32, #tpu.memory_space<hbm>>
        %dma_start3A_60 = tpu.memref_slice %arg3[%mul3A_57] : memref<327680xf32, #tpu.memory_space<hbm>> -> memref<128xf32, #tpu.memory_space<hbm>>
        tpu.enqueue_dma source(%dma_start3A_60 : memref<128xf32, #tpu.memory_space<hbm>>) target(%arg8 : memref<128xf32, #tpu.memory_space<vmem>>) target_semaphore(%arg11 : memref<!tpu.dma_semaphore, #tpu.memory_space<semaphore_mem>>)
      } else {
      }
      "tpu.region"() ({
        %run_scoped3A = tpu.sem_alloc : memref<!tpu.dma_semaphore, #tpu.memory_space<semaphore_mem>>
        %dma_start3A = arith.constant 0 : i32
        %dma_start3A_51 = tpu.memref_slice %arg10[%dma_start3A] : memref<10240xf32, #tpu.memory_space<vmem_shared>> -> memref<10240xf32, #tpu.memory_space<vmem_shared>>
        tpu.enqueue_indirect_dma source(%arg7 : memref<128xf32, #tpu.memory_space<vmem>>) target(%dma_start3A_51 : memref<10240xf32, #tpu.memory_space<vmem_shared>>) offsets(%arg5 : memref<128xi32, #tpu.memory_space<vmem>>) semaphore(%run_scoped3A : memref<!tpu.dma_semaphore, #tpu.memory_space<semaphore_mem>>) {add = true}
        %dma_wait3A = arith.constant 0 : i32
        %dma_wait3A_52 = tpu.memref_slice %arg10[%dma_wait3A] : memref<10240xf32, #tpu.memory_space<vmem_shared>> -> memref<10240xf32, #tpu.memory_space<vmem_shared>>
        tpu.wait_indirect_dma semaphore(%run_scoped3A : memref<!tpu.dma_semaphore, #tpu.memory_space<semaphore_mem>>) src(%arg7 : memref<128xf32, #tpu.memory_space<vmem>>) dst(%dma_wait3A_52 : memref<10240xf32, #tpu.memory_space<vmem_shared>>)
        tpu.yield
      }) : () -> ()
      %mul3A_37 = arith.constant 2 : i32
      %mul3A_38 = arith.muli %add3A_26, %mul3A_37 : i32
      %add3A_39 = arith.constant 1 : i32
      %add3A_40 = arith.addi %mul3A_38, %add3A_39 : i32
      %gt3A_41 = arith.constant 0 : i32
      %gt3A_42 = arith.cmpi sgt, %add3A_40, %gt3A_41 : i32
      %convert_element_type3A_43 = arith.extui %gt3A_42 : i1 to i32
      %cond3A_44 = arith.constant 0 : i32
      %cond3A_45 = arith.cmpi ne, %convert_element_type3A_43, %cond3A_44 : i32
      scf.if %cond3A_45 {
        %mul3A_51 = arith.constant 80 : i32
        %mul3A_52 = arith.muli %add3A, %mul3A_51 : i32
        %add3A_53 = arith.addi %mul3A_52, %add3A_40 : i32
        %mul3A_54 = arith.constant 128 : i32
        %mul3A_55 = arith.muli %add3A_53, %mul3A_54 : i32
        %dma_wait3A = tpu.memref_slice %arg2[%mul3A_55] : memref<327680xi32, #tpu.memory_space<hbm>> -> memref<128xi32, #tpu.memory_space<hbm>>
        %dma_wait3A_56 = tpu.memref_slice %arg2[%mul3A_55] : memref<327680xi32, #tpu.memory_space<hbm>> -> memref<128xi32, #tpu.memory_space<hbm>>
        tpu.wait_dma2 semaphore(%arg11 : memref<!tpu.dma_semaphore, #tpu.memory_space<semaphore_mem>>) src(%dma_wait3A_56 : memref<128xi32, #tpu.memory_space<hbm>>) dst(%arg6 : memref<128xi32, #tpu.memory_space<vmem>>)
        %dma_wait3A_57 = tpu.memref_slice %arg3[%mul3A_55] : memref<327680xf32, #tpu.memory_space<hbm>> -> memref<128xf32, #tpu.memory_space<hbm>>
        %dma_wait3A_58 = tpu.memref_slice %arg3[%mul3A_55] : memref<327680xf32, #tpu.memory_space<hbm>> -> memref<128xf32, #tpu.memory_space<hbm>>
        tpu.wait_dma2 semaphore(%arg11 : memref<!tpu.dma_semaphore, #tpu.memory_space<semaphore_mem>>) src(%dma_wait3A_58 : memref<128xf32, #tpu.memory_space<hbm>>) dst(%arg8 : memref<128xf32, #tpu.memory_space<vmem>>)
      } else {
      }
      %lt3A_46 = arith.constant 79 : i32
      %lt3A_47 = arith.cmpi slt, %add3A_40, %lt3A_46 : i32
      %convert_element_type3A_48 = arith.extui %lt3A_47 : i1 to i32
      %cond3A_49 = arith.constant 0 : i32
      %cond3A_50 = arith.cmpi ne, %convert_element_type3A_48, %cond3A_49 : i32
      scf.if %cond3A_50 {
        %add3A_51 = arith.constant 1 : i32
        %add3A_52 = arith.addi %add3A_40, %add3A_51 : i32
        %mul3A_53 = arith.constant 80 : i32
        %mul3A_54 = arith.muli %add3A, %mul3A_53 : i32
        %add3A_55 = arith.addi %mul3A_54, %add3A_52 : i32
        %mul3A_56 = arith.constant 128 : i32
        %mul3A_57 = arith.muli %add3A_55, %mul3A_56 : i32
        %dma_start3A = tpu.memref_slice %arg2[%mul3A_57] : memref<327680xi32, #tpu.memory_space<hbm>> -> memref<128xi32, #tpu.memory_space<hbm>>
        %dma_start3A_58 = tpu.memref_slice %arg2[%mul3A_57] : memref<327680xi32, #tpu.memory_space<hbm>> -> memref<128xi32, #tpu.memory_space<hbm>>
        tpu.enqueue_dma source(%dma_start3A_58 : memref<128xi32, #tpu.memory_space<hbm>>) target(%arg5 : memref<128xi32, #tpu.memory_space<vmem>>) target_semaphore(%arg11 : memref<!tpu.dma_semaphore, #tpu.memory_space<semaphore_mem>>)
        %dma_start3A_59 = tpu.memref_slice %arg3[%mul3A_57] : memref<327680xf32, #tpu.memory_space<hbm>> -> memref<128xf32, #tpu.memory_space<hbm>>
        %dma_start3A_60 = tpu.memref_slice %arg3[%mul3A_57] : memref<327680xf32, #tpu.memory_space<hbm>> -> memref<128xf32, #tpu.memory_space<hbm>>
        tpu.enqueue_dma source(%dma_start3A_60 : memref<128xf32, #tpu.memory_space<hbm>>) target(%arg7 : memref<128xf32, #tpu.memory_space<vmem>>) target_semaphore(%arg11 : memref<!tpu.dma_semaphore, #tpu.memory_space<semaphore_mem>>)
      } else {
      }
      "tpu.region"() ({
        %run_scoped3A = tpu.sem_alloc : memref<!tpu.dma_semaphore, #tpu.memory_space<semaphore_mem>>
        %dma_start3A = arith.constant 0 : i32
        %dma_start3A_51 = tpu.memref_slice %arg10[%dma_start3A] : memref<10240xf32, #tpu.memory_space<vmem_shared>> -> memref<10240xf32, #tpu.memory_space<vmem_shared>>
        tpu.enqueue_indirect_dma source(%arg8 : memref<128xf32, #tpu.memory_space<vmem>>) target(%dma_start3A_51 : memref<10240xf32, #tpu.memory_space<vmem_shared>>) offsets(%arg6 : memref<128xi32, #tpu.memory_space<vmem>>) semaphore(%run_scoped3A : memref<!tpu.dma_semaphore, #tpu.memory_space<semaphore_mem>>) {add = true}
        %dma_wait3A = arith.constant 0 : i32
        %dma_wait3A_52 = tpu.memref_slice %arg10[%dma_wait3A] : memref<10240xf32, #tpu.memory_space<vmem_shared>> -> memref<10240xf32, #tpu.memory_space<vmem_shared>>
        tpu.wait_indirect_dma semaphore(%run_scoped3A : memref<!tpu.dma_semaphore, #tpu.memory_space<semaphore_mem>>) src(%arg8 : memref<128xf32, #tpu.memory_space<vmem>>) dst(%dma_wait3A_52 : memref<10240xf32, #tpu.memory_space<vmem_shared>>)
        tpu.yield
      }) : () -> ()
    }
    %scan3A_15 = arith.constant 40 : i32
    %barrier3A_16 = arith.constant 0 : index
    tpu.barrier barrier_id(%barrier3A_16)
    "tpu.region"() ({
      %run_scoped3A = tpu.sem_alloc : memref<!tpu.dma_semaphore, #tpu.memory_space<semaphore_mem>>
      %dma_start3A = tpu.memref_slice %arg10[%mul3A_6] : memref<10240xf32, #tpu.memory_space<vmem_shared>> -> memref<640xf32, #tpu.memory_space<vmem_shared>>
      %dma_start3A_22 = tpu.memref_slice %arg10[%mul3A_6] : memref<10240xf32, #tpu.memory_space<vmem_shared>> -> memref<640xf32, #tpu.memory_space<vmem_shared>>
      tpu.enqueue_dma source(%dma_start3A_22 : memref<640xf32, #tpu.memory_space<vmem_shared>>) target(%arg9 : memref<640xf32, #tpu.memory_space<vmem>>) target_semaphore(%run_scoped3A : memref<!tpu.dma_semaphore, #tpu.memory_space<semaphore_mem>>)
      %dma_wait3A = tpu.memref_slice %arg10[%mul3A_6] : memref<10240xf32, #tpu.memory_space<vmem_shared>> -> memref<640xf32, #tpu.memory_space<vmem_shared>>
      %dma_wait3A_23 = tpu.memref_slice %arg10[%mul3A_6] : memref<10240xf32, #tpu.memory_space<vmem_shared>> -> memref<640xf32, #tpu.memory_space<vmem_shared>>
      tpu.wait_dma2 semaphore(%run_scoped3A : memref<!tpu.dma_semaphore, #tpu.memory_space<semaphore_mem>>) src(%dma_wait3A_23 : memref<640xf32, #tpu.memory_space<vmem_shared>>) dst(%arg9 : memref<640xf32, #tpu.memory_space<vmem>>)
      tpu.yield
    }) : () -> ()
    %mul3A_17 = arith.constant 10240 : i32
    %mul3A_18 = arith.muli %arg0, %mul3A_17 : i32
    %mul3A_19 = arith.constant 640 : i32
    %mul3A_20 = arith.muli %arg1, %mul3A_19 : i32
    %add3A_21 = arith.addi %mul3A_18, %mul3A_20 : i32
    "tpu.region"() ({
      %run_scoped3A = tpu.sem_alloc : memref<!tpu.dma_semaphore, #tpu.memory_space<semaphore_mem>>
      %dma_start3A = tpu.memref_slice %arg4[%add3A_21] : memref<20480xf32, #tpu.memory_space<hbm>> -> memref<640xf32, #tpu.memory_space<hbm>>
      %dma_start3A_22 = tpu.memref_slice %arg4[%add3A_21] : memref<20480xf32, #tpu.memory_space<hbm>> -> memref<640xf32, #tpu.memory_space<hbm>>
      tpu.enqueue_dma source(%arg9 : memref<640xf32, #tpu.memory_space<vmem>>) target(%dma_start3A_22 : memref<640xf32, #tpu.memory_space<hbm>>) target_semaphore(%run_scoped3A : memref<!tpu.dma_semaphore, #tpu.memory_space<semaphore_mem>>)
      %dma_wait3A = tpu.memref_slice %arg4[%add3A_21] : memref<20480xf32, #tpu.memory_space<hbm>> -> memref<640xf32, #tpu.memory_space<hbm>>
      %dma_wait3A_23 = tpu.memref_slice %arg4[%add3A_21] : memref<20480xf32, #tpu.memory_space<hbm>> -> memref<640xf32, #tpu.memory_space<hbm>>
      tpu.wait_dma2 semaphore(%run_scoped3A : memref<!tpu.dma_semaphore, #tpu.memory_space<semaphore_mem>>) src(%arg9 : memref<640xf32, #tpu.memory_space<vmem>>) dst(%dma_wait3A_23 : memref<640xf32, #tpu.memory_space<hbm>>)
      tpu.yield
    }) : () -> ()
    return
  }
}

#map = affine_map<(d0, d1) -> (0, 0)>
#map1 = affine_map<(d0, d1) -> (0, 0, 0)>
#map2 = affine_map<(d0, d1) -> (0)>
module attributes {stable_mosaic.version = 14 : i64} {
  func.func @layer_kernel(%arg0: i32, %arg1: i32, %arg2: memref<10000x128xf32, #tpu.memory_space<hbm>>, %arg3: memref<2560x2x128xi32, #tpu.memory_space<hbm>>, %arg4: memref<5242880xf32, #tpu.memory_space<hbm>>, %arg5: memref<2x10240x128xf32, #tpu.memory_space<hbm>>, %arg6: memref<2x128xi32, #tpu.memory_space<vmem>>, %arg7: memref<2x128xi32, #tpu.memory_space<vmem>>, %arg8: memref<2048xf32, #tpu.memory_space<vmem>>, %arg9: memref<2048xf32, #tpu.memory_space<vmem>>, %arg10: memref<128x128xf32, #tpu.memory_space<vmem>>, %arg11: memref<128x128xf32, #tpu.memory_space<vmem>>, %arg12: memref<10240x128xf32, #tpu.memory_space<vmem_shared>>, %arg13: memref<!tpu.dma_semaphore, #tpu.memory_space<semaphore_mem>>, %arg14: memref<!tpu.dma_semaphore, #tpu.memory_space<semaphore_mem>>, %arg15: memref<!tpu.dma_semaphore, #tpu.memory_space<semaphore_mem>>) attributes {dimension_semantics = [#tpu.dimension_semantics<core_parallel>, #tpu.dimension_semantics<subcore_parallel>], iteration_bounds = array<i64: 2, 16>, scalar_prefetch = 0 : i64, scratch_operands = 10 : i64, tpu.core_type = #tpu.core_type<sc_vector_subcore>, window_params = [{transform_indices = #map}, {transform_indices = #map1}, {transform_indices = #map2}, {transform_indices = #map1}]} {
    %mul3A = arith.constant 16 : i32
    %mul3A_0 = arith.muli %arg0, %mul3A : i32
    %add3A = arith.addi %mul3A_0, %arg1 : i32
    %scan3A = arith.constant 0 : i32
    %scan3A_1 = arith.constant 128 : i32
    %scan3A_2 = arith.addi %scan3A, %scan3A_1 : i32
    %scan3A_3 = arith.constant 1 : i32
    scf.for %scan3A_81 = %scan3A to %scan3A_2 step %scan3A_3  : i32 {
      %mul3A_82 = arith.constant 1 : i32
      %mul3A_83 = arith.muli %scan3A_81, %mul3A_82 : i32
      %add3A_84 = arith.constant 0 : i32
      %add3A_85 = arith.addi %add3A_84, %mul3A_83 : i32
      %broadcast_in_dim3A = arith.constant 0.000000e+00 : f32
      %broadcast_in_dim3A_86 = vector.broadcast %broadcast_in_dim3A : f32 to vector<16xf32>
      %swap3A = arith.index_cast %add3A_85 : i32 to index
      %swap3A_87 = arith.constant 0 : index
      %swap3A_88 = tpu.vector_load %arg10[%swap3A, %swap3A_87] {strides = array<i32>} : memref<128x128xf32, #tpu.memory_space<vmem>>, vector<1x16xf32>,
      %swap3A_89 = vector.shape_cast %swap3A_88 : vector<1x16xf32> to vector<16xf32>
      %swap3A_90 = vector.shape_cast %broadcast_in_dim3A_86 : vector<16xf32> to vector<1x16xf32>
      tpu.vector_store %arg10[%swap3A, %swap3A_87], %swap3A_90 {strides = array<i32>} : memref<128x128xf32, #tpu.memory_space<vmem>>, vector<1x16xf32>,
      %broadcast_in_dim3A_91 = arith.constant 0.000000e+00 : f32
      %broadcast_in_dim3A_92 = vector.broadcast %broadcast_in_dim3A_91 : f32 to vector<16xf32>
      %swap3A_93 = arith.index_cast %add3A_85 : i32 to index
      %swap3A_94 = arith.constant 16 : index
      %swap3A_95 = tpu.vector_load %arg10[%swap3A_93, %swap3A_94] {strides = array<i32>} : memref<128x128xf32, #tpu.memory_space<vmem>>, vector<1x16xf32>,
      %swap3A_96 = vector.shape_cast %swap3A_95 : vector<1x16xf32> to vector<16xf32>
      %swap3A_97 = vector.shape_cast %broadcast_in_dim3A_92 : vector<16xf32> to vector<1x16xf32>
      tpu.vector_store %arg10[%swap3A_93, %swap3A_94], %swap3A_97 {strides = array<i32>} : memref<128x128xf32, #tpu.memory_space<vmem>>, vector<1x16xf32>,
      %broadcast_in_dim3A_98 = arith.constant 0.000000e+00 : f32
      %broadcast_in_dim3A_99 = vector.broadcast %broadcast_in_dim3A_98 : f32 to vector<16xf32>
      %swap3A_100 = arith.index_cast %add3A_85 : i32 to index
      %swap3A_101 = arith.constant 32 : index
      %swap3A_102 = tpu.vector_load %arg10[%swap3A_100, %swap3A_101] {strides = array<i32>} : memref<128x128xf32, #tpu.memory_space<vmem>>, vector<1x16xf32>,
      %swap3A_103 = vector.shape_cast %swap3A_102 : vector<1x16xf32> to vector<16xf32>
      %swap3A_104 = vector.shape_cast %broadcast_in_dim3A_99 : vector<16xf32> to vector<1x16xf32>
      tpu.vector_store %arg10[%swap3A_100, %swap3A_101], %swap3A_104 {strides = array<i32>} : memref<128x128xf32, #tpu.memory_space<vmem>>, vector<1x16xf32>,
      %broadcast_in_dim3A_105 = arith.constant 0.000000e+00 : f32
      %broadcast_in_dim3A_106 = vector.broadcast %broadcast_in_dim3A_105 : f32 to vector<16xf32>
      %swap3A_107 = arith.index_cast %add3A_85 : i32 to index
      %swap3A_108 = arith.constant 48 : index
      %swap3A_109 = tpu.vector_load %arg10[%swap3A_107, %swap3A_108] {strides = array<i32>} : memref<128x128xf32, #tpu.memory_space<vmem>>, vector<1x16xf32>,
      %swap3A_110 = vector.shape_cast %swap3A_109 : vector<1x16xf32> to vector<16xf32>
      %swap3A_111 = vector.shape_cast %broadcast_in_dim3A_106 : vector<16xf32> to vector<1x16xf32>
      tpu.vector_store %arg10[%swap3A_107, %swap3A_108], %swap3A_111 {strides = array<i32>} : memref<128x128xf32, #tpu.memory_space<vmem>>, vector<1x16xf32>,
      %broadcast_in_dim3A_112 = arith.constant 0.000000e+00 : f32
      %broadcast_in_dim3A_113 = vector.broadcast %broadcast_in_dim3A_112 : f32 to vector<16xf32>
      %swap3A_114 = arith.index_cast %add3A_85 : i32 to index
      %swap3A_115 = arith.constant 64 : index
      %swap3A_116 = tpu.vector_load %arg10[%swap3A_114, %swap3A_115] {strides = array<i32>} : memref<128x128xf32, #tpu.memory_space<vmem>>, vector<1x16xf32>,
      %swap3A_117 = vector.shape_cast %swap3A_116 : vector<1x16xf32> to vector<16xf32>
      %swap3A_118 = vector.shape_cast %broadcast_in_dim3A_113 : vector<16xf32> to vector<1x16xf32>
      tpu.vector_store %arg10[%swap3A_114, %swap3A_115], %swap3A_118 {strides = array<i32>} : memref<128x128xf32, #tpu.memory_space<vmem>>, vector<1x16xf32>,
      %broadcast_in_dim3A_119 = arith.constant 0.000000e+00 : f32
      %broadcast_in_dim3A_120 = vector.broadcast %broadcast_in_dim3A_119 : f32 to vector<16xf32>
      %swap3A_121 = arith.index_cast %add3A_85 : i32 to index
      %swap3A_122 = arith.constant 80 : index
      %swap3A_123 = tpu.vector_load %arg10[%swap3A_121, %swap3A_122] {strides = array<i32>} : memref<128x128xf32, #tpu.memory_space<vmem>>, vector<1x16xf32>,
      %swap3A_124 = vector.shape_cast %swap3A_123 : vector<1x16xf32> to vector<16xf32>
      %swap3A_125 = vector.shape_cast %broadcast_in_dim3A_120 : vector<16xf32> to vector<1x16xf32>
      tpu.vector_store %arg10[%swap3A_121, %swap3A_122], %swap3A_125 {strides = array<i32>} : memref<128x128xf32, #tpu.memory_space<vmem>>, vector<1x16xf32>,
      %broadcast_in_dim3A_126 = arith.constant 0.000000e+00 : f32
      %broadcast_in_dim3A_127 = vector.broadcast %broadcast_in_dim3A_126 : f32 to vector<16xf32>
      %swap3A_128 = arith.index_cast %add3A_85 : i32 to index
      %swap3A_129 = arith.constant 96 : index
      %swap3A_130 = tpu.vector_load %arg10[%swap3A_128, %swap3A_129] {strides = array<i32>} : memref<128x128xf32, #tpu.memory_space<vmem>>, vector<1x16xf32>,
      %swap3A_131 = vector.shape_cast %swap3A_130 : vector<1x16xf32> to vector<16xf32>
      %swap3A_132 = vector.shape_cast %broadcast_in_dim3A_127 : vector<16xf32> to vector<1x16xf32>
      tpu.vector_store %arg10[%swap3A_128, %swap3A_129], %swap3A_132 {strides = array<i32>} : memref<128x128xf32, #tpu.memory_space<vmem>>, vector<1x16xf32>,
      %broadcast_in_dim3A_133 = arith.constant 0.000000e+00 : f32
      %broadcast_in_dim3A_134 = vector.broadcast %broadcast_in_dim3A_133 : f32 to vector<16xf32>
      %swap3A_135 = arith.index_cast %add3A_85 : i32 to index
      %swap3A_136 = arith.constant 112 : index
      %swap3A_137 = tpu.vector_load %arg10[%swap3A_135, %swap3A_136] {strides = array<i32>} : memref<128x128xf32, #tpu.memory_space<vmem>>, vector<1x16xf32>,
      %swap3A_138 = vector.shape_cast %swap3A_137 : vector<1x16xf32> to vector<16xf32>
      %swap3A_139 = vector.shape_cast %broadcast_in_dim3A_134 : vector<16xf32> to vector<1x16xf32>
      tpu.vector_store %arg10[%swap3A_135, %swap3A_136], %swap3A_139 {strides = array<i32>} : memref<128x128xf32, #tpu.memory_space<vmem>>, vector<1x16xf32>,
    }
    %scan3A_4 = arith.constant 128 : i32
    %mul3A_5 = arith.constant 640 : i32
    %mul3A_6 = arith.muli %arg1, %mul3A_5 : i32
    %add3A_7 = arith.constant 0 : i32
    %add3A_8 = arith.addi %mul3A_6, %add3A_7 : i32
    "tpu.region"() ({
      %run_scoped3A = tpu.sem_alloc : memref<!tpu.dma_semaphore, #tpu.memory_space<semaphore_mem>>
      %dma_start3A_81 = arith.constant 0 : i32
      %dma_start3A_82 = tpu.memref_slice %arg12[%add3A_8, %dma_start3A_81] : memref<10240x128xf32, #tpu.memory_space<vmem_shared>> -> memref<128x128xf32, #tpu.memory_space<vmem_shared>>
      %dma_start3A_83 = arith.constant 0 : i32
      %dma_start3A_84 = tpu.memref_slice %arg12[%add3A_8, %dma_start3A_83] : memref<10240x128xf32, #tpu.memory_space<vmem_shared>> -> memref<128x128xf32, #tpu.memory_space<vmem_shared>>
      tpu.enqueue_dma source(%arg10 : memref<128x128xf32, #tpu.memory_space<vmem>>) target(%dma_start3A_84 : memref<128x128xf32, #tpu.memory_space<vmem_shared>>) target_semaphore(%run_scoped3A : memref<!tpu.dma_semaphore, #tpu.memory_space<semaphore_mem>>)
      %dma_wait3A = arith.constant 0 : i32
      %dma_wait3A_85 = tpu.memref_slice %arg12[%add3A_8, %dma_wait3A] : memref<10240x128xf32, #tpu.memory_space<vmem_shared>> -> memref<128x128xf32, #tpu.memory_space<vmem_shared>>
      %dma_wait3A_86 = arith.constant 0 : i32
      %dma_wait3A_87 = tpu.memref_slice %arg12[%add3A_8, %dma_wait3A_86] : memref<10240x128xf32, #tpu.memory_space<vmem_shared>> -> memref<128x128xf32, #tpu.memory_space<vmem_shared>>
      tpu.wait_dma2 semaphore(%run_scoped3A : memref<!tpu.dma_semaphore, #tpu.memory_space<semaphore_mem>>) src(%arg10 : memref<128x128xf32, #tpu.memory_space<vmem>>) dst(%dma_wait3A_87 : memref<128x128xf32, #tpu.memory_space<vmem_shared>>)
      tpu.yield
    }) : () -> ()
    %mul3A_9 = arith.constant 640 : i32
    %mul3A_10 = arith.muli %arg1, %mul3A_9 : i32
    %add3A_11 = arith.constant 128 : i32
    %add3A_12 = arith.addi %mul3A_10, %add3A_11 : i32
    "tpu.region"() ({
      %run_scoped3A = tpu.sem_alloc : memref<!tpu.dma_semaphore, #tpu.memory_space<semaphore_mem>>
      %dma_start3A_81 = arith.constant 0 : i32
      %dma_start3A_82 = tpu.memref_slice %arg12[%add3A_12, %dma_start3A_81] : memref<10240x128xf32, #tpu.memory_space<vmem_shared>> -> memref<128x128xf32, #tpu.memory_space<vmem_shared>>
      %dma_start3A_83 = arith.constant 0 : i32
      %dma_start3A_84 = tpu.memref_slice %arg12[%add3A_12, %dma_start3A_83] : memref<10240x128xf32, #tpu.memory_space<vmem_shared>> -> memref<128x128xf32, #tpu.memory_space<vmem_shared>>
      tpu.enqueue_dma source(%arg10 : memref<128x128xf32, #tpu.memory_space<vmem>>) target(%dma_start3A_84 : memref<128x128xf32, #tpu.memory_space<vmem_shared>>) target_semaphore(%run_scoped3A : memref<!tpu.dma_semaphore, #tpu.memory_space<semaphore_mem>>)
      %dma_wait3A = arith.constant 0 : i32
      %dma_wait3A_85 = tpu.memref_slice %arg12[%add3A_12, %dma_wait3A] : memref<10240x128xf32, #tpu.memory_space<vmem_shared>> -> memref<128x128xf32, #tpu.memory_space<vmem_shared>>
      %dma_wait3A_86 = arith.constant 0 : i32
      %dma_wait3A_87 = tpu.memref_slice %arg12[%add3A_12, %dma_wait3A_86] : memref<10240x128xf32, #tpu.memory_space<vmem_shared>> -> memref<128x128xf32, #tpu.memory_space<vmem_shared>>
      tpu.wait_dma2 semaphore(%run_scoped3A : memref<!tpu.dma_semaphore, #tpu.memory_space<semaphore_mem>>) src(%arg10 : memref<128x128xf32, #tpu.memory_space<vmem>>) dst(%dma_wait3A_87 : memref<128x128xf32, #tpu.memory_space<vmem_shared>>)
      tpu.yield
    }) : () -> ()
    %mul3A_13 = arith.constant 640 : i32
    %mul3A_14 = arith.muli %arg1, %mul3A_13 : i32
    %add3A_15 = arith.constant 256 : i32
    %add3A_16 = arith.addi %mul3A_14, %add3A_15 : i32
    "tpu.region"() ({
      %run_scoped3A = tpu.sem_alloc : memref<!tpu.dma_semaphore, #tpu.memory_space<semaphore_mem>>
      %dma_start3A_81 = arith.constant 0 : i32
      %dma_start3A_82 = tpu.memref_slice %arg12[%add3A_16, %dma_start3A_81] : memref<10240x128xf32, #tpu.memory_space<vmem_shared>> -> memref<128x128xf32, #tpu.memory_space<vmem_shared>>
      %dma_start3A_83 = arith.constant 0 : i32
      %dma_start3A_84 = tpu.memref_slice %arg12[%add3A_16, %dma_start3A_83] : memref<10240x128xf32, #tpu.memory_space<vmem_shared>> -> memref<128x128xf32, #tpu.memory_space<vmem_shared>>
      tpu.enqueue_dma source(%arg10 : memref<128x128xf32, #tpu.memory_space<vmem>>) target(%dma_start3A_84 : memref<128x128xf32, #tpu.memory_space<vmem_shared>>) target_semaphore(%run_scoped3A : memref<!tpu.dma_semaphore, #tpu.memory_space<semaphore_mem>>)
      %dma_wait3A = arith.constant 0 : i32
      %dma_wait3A_85 = tpu.memref_slice %arg12[%add3A_16, %dma_wait3A] : memref<10240x128xf32, #tpu.memory_space<vmem_shared>> -> memref<128x128xf32, #tpu.memory_space<vmem_shared>>
      %dma_wait3A_86 = arith.constant 0 : i32
      %dma_wait3A_87 = tpu.memref_slice %arg12[%add3A_16, %dma_wait3A_86] : memref<10240x128xf32, #tpu.memory_space<vmem_shared>> -> memref<128x128xf32, #tpu.memory_space<vmem_shared>>
      tpu.wait_dma2 semaphore(%run_scoped3A : memref<!tpu.dma_semaphore, #tpu.memory_space<semaphore_mem>>) src(%arg10 : memref<128x128xf32, #tpu.memory_space<vmem>>) dst(%dma_wait3A_87 : memref<128x128xf32, #tpu.memory_space<vmem_shared>>)
      tpu.yield
    }) : () -> ()
    %mul3A_17 = arith.constant 640 : i32
    %mul3A_18 = arith.muli %arg1, %mul3A_17 : i32
    %add3A_19 = arith.constant 384 : i32
    %add3A_20 = arith.addi %mul3A_18, %add3A_19 : i32
    "tpu.region"() ({
      %run_scoped3A = tpu.sem_alloc : memref<!tpu.dma_semaphore, #tpu.memory_space<semaphore_mem>>
      %dma_start3A_81 = arith.constant 0 : i32
      %dma_start3A_82 = tpu.memref_slice %arg12[%add3A_20, %dma_start3A_81] : memref<10240x128xf32, #tpu.memory_space<vmem_shared>> -> memref<128x128xf32, #tpu.memory_space<vmem_shared>>
      %dma_start3A_83 = arith.constant 0 : i32
      %dma_start3A_84 = tpu.memref_slice %arg12[%add3A_20, %dma_start3A_83] : memref<10240x128xf32, #tpu.memory_space<vmem_shared>> -> memref<128x128xf32, #tpu.memory_space<vmem_shared>>
      tpu.enqueue_dma source(%arg10 : memref<128x128xf32, #tpu.memory_space<vmem>>) target(%dma_start3A_84 : memref<128x128xf32, #tpu.memory_space<vmem_shared>>) target_semaphore(%run_scoped3A : memref<!tpu.dma_semaphore, #tpu.memory_space<semaphore_mem>>)
      %dma_wait3A = arith.constant 0 : i32
      %dma_wait3A_85 = tpu.memref_slice %arg12[%add3A_20, %dma_wait3A] : memref<10240x128xf32, #tpu.memory_space<vmem_shared>> -> memref<128x128xf32, #tpu.memory_space<vmem_shared>>
      %dma_wait3A_86 = arith.constant 0 : i32
      %dma_wait3A_87 = tpu.memref_slice %arg12[%add3A_20, %dma_wait3A_86] : memref<10240x128xf32, #tpu.memory_space<vmem_shared>> -> memref<128x128xf32, #tpu.memory_space<vmem_shared>>
      tpu.wait_dma2 semaphore(%run_scoped3A : memref<!tpu.dma_semaphore, #tpu.memory_space<semaphore_mem>>) src(%arg10 : memref<128x128xf32, #tpu.memory_space<vmem>>) dst(%dma_wait3A_87 : memref<128x128xf32, #tpu.memory_space<vmem_shared>>)
      tpu.yield
    }) : () -> ()
    %mul3A_21 = arith.constant 640 : i32
    %mul3A_22 = arith.muli %arg1, %mul3A_21 : i32
    %add3A_23 = arith.constant 512 : i32
    %add3A_24 = arith.addi %mul3A_22, %add3A_23 : i32
    "tpu.region"() ({
      %run_scoped3A = tpu.sem_alloc : memref<!tpu.dma_semaphore, #tpu.memory_space<semaphore_mem>>
      %dma_start3A_81 = arith.constant 0 : i32
      %dma_start3A_82 = tpu.memref_slice %arg12[%add3A_24, %dma_start3A_81] : memref<10240x128xf32, #tpu.memory_space<vmem_shared>> -> memref<128x128xf32, #tpu.memory_space<vmem_shared>>
      %dma_start3A_83 = arith.constant 0 : i32
      %dma_start3A_84 = tpu.memref_slice %arg12[%add3A_24, %dma_start3A_83] : memref<10240x128xf32, #tpu.memory_space<vmem_shared>> -> memref<128x128xf32, #tpu.memory_space<vmem_shared>>
      tpu.enqueue_dma source(%arg10 : memref<128x128xf32, #tpu.memory_space<vmem>>) target(%dma_start3A_84 : memref<128x128xf32, #tpu.memory_space<vmem_shared>>) target_semaphore(%run_scoped3A : memref<!tpu.dma_semaphore, #tpu.memory_space<semaphore_mem>>)
      %dma_wait3A = arith.constant 0 : i32
      %dma_wait3A_85 = tpu.memref_slice %arg12[%add3A_24, %dma_wait3A] : memref<10240x128xf32, #tpu.memory_space<vmem_shared>> -> memref<128x128xf32, #tpu.memory_space<vmem_shared>>
      %dma_wait3A_86 = arith.constant 0 : i32
      %dma_wait3A_87 = tpu.memref_slice %arg12[%add3A_24, %dma_wait3A_86] : memref<10240x128xf32, #tpu.memory_space<vmem_shared>> -> memref<128x128xf32, #tpu.memory_space<vmem_shared>>
      tpu.wait_dma2 semaphore(%run_scoped3A : memref<!tpu.dma_semaphore, #tpu.memory_space<semaphore_mem>>) src(%arg10 : memref<128x128xf32, #tpu.memory_space<vmem>>) dst(%dma_wait3A_87 : memref<128x128xf32, #tpu.memory_space<vmem_shared>>)
      tpu.yield
    }) : () -> ()
    %barrier3A = arith.constant 0 : index
    tpu.barrier barrier_id(%barrier3A)
    %mul3A_25 = arith.constant 80 : i32
    %mul3A_26 = arith.muli %add3A, %mul3A_25 : i32
    "tpu.region"() ({
      %run_scoped3A = tpu.sem_alloc : memref<!tpu.dma_semaphore, #tpu.memory_space<semaphore_mem>>
      %dma_start3A_81 = arith.constant 0 : i32
      %dma_start3A_82 = arith.constant 0 : i32
      %dma_start3A_83 = tpu.memref_slice %arg3[%mul3A_26, %dma_start3A_81, %dma_start3A_82] : memref<2560x2x128xi32, #tpu.memory_space<hbm>> -> memref<1x2x128xi32, #tpu.memory_space<hbm>>
      %dma_start3A_84 = tpu.memref_squeeze %dma_start3A_83 : memref<1x2x128xi32, #tpu.memory_space<hbm>> -> memref<2x128xi32, #tpu.memory_space<hbm>>
      %dma_start3A_85 = arith.constant 0 : i32
      %dma_start3A_86 = arith.constant 0 : i32
      %dma_start3A_87 = tpu.memref_slice %arg3[%mul3A_26, %dma_start3A_85, %dma_start3A_86] : memref<2560x2x128xi32, #tpu.memory_space<hbm>> -> memref<1x2x128xi32, #tpu.memory_space<hbm>>
      %dma_start3A_88 = tpu.memref_squeeze %dma_start3A_87 : memref<1x2x128xi32, #tpu.memory_space<hbm>> -> memref<2x128xi32, #tpu.memory_space<hbm>>
      tpu.enqueue_dma source(%dma_start3A_88 : memref<2x128xi32, #tpu.memory_space<hbm>>) target(%arg6 : memref<2x128xi32, #tpu.memory_space<vmem>>) target_semaphore(%run_scoped3A : memref<!tpu.dma_semaphore, #tpu.memory_space<semaphore_mem>>)
      %dma_wait3A = arith.constant 0 : i32
      %dma_wait3A_89 = arith.constant 0 : i32
      %dma_wait3A_90 = tpu.memref_slice %arg3[%mul3A_26, %dma_wait3A, %dma_wait3A_89] : memref<2560x2x128xi32, #tpu.memory_space<hbm>> -> memref<1x2x128xi32, #tpu.memory_space<hbm>>
      %dma_wait3A_91 = tpu.memref_squeeze %dma_wait3A_90 : memref<1x2x128xi32, #tpu.memory_space<hbm>> -> memref<2x128xi32, #tpu.memory_space<hbm>>
      %dma_wait3A_92 = arith.constant 0 : i32
      %dma_wait3A_93 = arith.constant 0 : i32
      %dma_wait3A_94 = tpu.memref_slice %arg3[%mul3A_26, %dma_wait3A_92, %dma_wait3A_93] : memref<2560x2x128xi32, #tpu.memory_space<hbm>> -> memref<1x2x128xi32, #tpu.memory_space<hbm>>
      %dma_wait3A_95 = tpu.memref_squeeze %dma_wait3A_94 : memref<1x2x128xi32, #tpu.memory_space<hbm>> -> memref<2x128xi32, #tpu.memory_space<hbm>>
      tpu.wait_dma2 semaphore(%run_scoped3A : memref<!tpu.dma_semaphore, #tpu.memory_space<semaphore_mem>>) src(%dma_wait3A_95 : memref<2x128xi32, #tpu.memory_space<hbm>>) dst(%arg6 : memref<2x128xi32, #tpu.memory_space<vmem>>)
      tpu.yield
    }) : () -> ()
    %mul3A_27 = arith.constant 128 : i32
    %mul3A_28 = arith.muli %mul3A_26, %mul3A_27 : i32
    %mul3A_29 = arith.constant 16 : i32
    %mul3A_30 = arith.muli %mul3A_28, %mul3A_29 : i32
    "tpu.region"() ({
      %run_scoped3A = tpu.sem_alloc : memref<!tpu.dma_semaphore, #tpu.memory_space<semaphore_mem>>
      %dma_start3A_81 = tpu.memref_slice %arg4[%mul3A_30] : memref<5242880xf32, #tpu.memory_space<hbm>> -> memref<2048xf32, #tpu.memory_space<hbm>>
      %dma_start3A_82 = tpu.memref_slice %arg4[%mul3A_30] : memref<5242880xf32, #tpu.memory_space<hbm>> -> memref<2048xf32, #tpu.memory_space<hbm>>
      tpu.enqueue_dma source(%dma_start3A_82 : memref<2048xf32, #tpu.memory_space<hbm>>) target(%arg8 : memref<2048xf32, #tpu.memory_space<vmem>>) target_semaphore(%run_scoped3A : memref<!tpu.dma_semaphore, #tpu.memory_space<semaphore_mem>>)
      %dma_wait3A = tpu.memref_slice %arg4[%mul3A_30] : memref<5242880xf32, #tpu.memory_space<hbm>> -> memref<2048xf32, #tpu.memory_space<hbm>>
      %dma_wait3A_83 = tpu.memref_slice %arg4[%mul3A_30] : memref<5242880xf32, #tpu.memory_space<hbm>> -> memref<2048xf32, #tpu.memory_space<hbm>>
      tpu.wait_dma2 semaphore(%run_scoped3A : memref<!tpu.dma_semaphore, #tpu.memory_space<semaphore_mem>>) src(%dma_wait3A_83 : memref<2048xf32, #tpu.memory_space<hbm>>) dst(%arg8 : memref<2048xf32, #tpu.memory_space<vmem>>)
      tpu.yield
    }) : () -> ()
    %dma_start3A = arith.constant 0 : i32
    %dma_start3A_31 = arith.constant 0 : i32
    %dma_start3A_32 = tpu.memref_slice %arg6[%dma_start3A, %dma_start3A_31] : memref<2x128xi32, #tpu.memory_space<vmem>> -> memref<1x128xi32, #tpu.memory_space<vmem>>
    %dma_start3A_33 = tpu.memref_squeeze %dma_start3A_32 : memref<1x128xi32, #tpu.memory_space<vmem>> -> memref<128xi32, #tpu.memory_space<vmem>>
    %dma_start3A_34 = arith.constant 0 : i32
    %dma_start3A_35 = arith.constant 0 : i32
    %dma_start3A_36 = tpu.memref_slice %arg2[%dma_start3A_34, %dma_start3A_35] : memref<10000x128xf32, #tpu.memory_space<hbm>> -> memref<10000x128xf32, #tpu.memory_space<hbm>>
    tpu.enqueue_indirect_dma source(%dma_start3A_36 : memref<10000x128xf32, #tpu.memory_space<hbm>>) target(%arg10 : memref<128x128xf32, #tpu.memory_space<vmem>>) offsets(%dma_start3A_33 : memref<128xi32, #tpu.memory_space<vmem>>) semaphore(%arg13 : memref<!tpu.dma_semaphore, #tpu.memory_space<semaphore_mem>>)
    %mul3A_37 = arith.constant 80 : i32
    %mul3A_38 = arith.muli %add3A, %mul3A_37 : i32
    %add3A_39 = arith.constant 1 : i32
    %add3A_40 = arith.addi %mul3A_38, %add3A_39 : i32
    %dma_start3A_41 = arith.constant 0 : i32
    %dma_start3A_42 = arith.constant 0 : i32
    %dma_start3A_43 = tpu.memref_slice %arg3[%add3A_40, %dma_start3A_41, %dma_start3A_42] : memref<2560x2x128xi32, #tpu.memory_space<hbm>> -> memref<1x2x128xi32, #tpu.memory_space<hbm>>
    %dma_start3A_44 = tpu.memref_squeeze %dma_start3A_43 : memref<1x2x128xi32, #tpu.memory_space<hbm>> -> memref<2x128xi32, #tpu.memory_space<hbm>>
    %dma_start3A_45 = arith.constant 0 : i32
    %dma_start3A_46 = arith.constant 0 : i32
    %dma_start3A_47 = tpu.memref_slice %arg3[%add3A_40, %dma_start3A_45, %dma_start3A_46] : memref<2560x2x128xi32, #tpu.memory_space<hbm>> -> memref<1x2x128xi32, #tpu.memory_space<hbm>>
    %dma_start3A_48 = tpu.memref_squeeze %dma_start3A_47 : memref<1x2x128xi32, #tpu.memory_space<hbm>> -> memref<2x128xi32, #tpu.memory_space<hbm>>
    tpu.enqueue_dma source(%dma_start3A_48 : memref<2x128xi32, #tpu.memory_space<hbm>>) target(%arg7 : memref<2x128xi32, #tpu.memory_space<vmem>>) target_semaphore(%arg15 : memref<!tpu.dma_semaphore, #tpu.memory_space<semaphore_mem>>)
    %mul3A_49 = arith.constant 128 : i32
    %mul3A_50 = arith.muli %add3A_40, %mul3A_49 : i32
    %mul3A_51 = arith.constant 16 : i32
    %mul3A_52 = arith.muli %mul3A_50, %mul3A_51 : i32
    %dma_start3A_53 = tpu.memref_slice %arg4[%mul3A_52] : memref<5242880xf32, #tpu.memory_space<hbm>> -> memref<2048xf32, #tpu.memory_space<hbm>>
    %dma_start3A_54 = tpu.memref_slice %arg4[%mul3A_52] : memref<5242880xf32, #tpu.memory_space<hbm>> -> memref<2048xf32, #tpu.memory_space<hbm>>
    tpu.enqueue_dma source(%dma_start3A_54 : memref<2048xf32, #tpu.memory_space<hbm>>) target(%arg9 : memref<2048xf32, #tpu.memory_space<vmem>>) target_semaphore(%arg15 : memref<!tpu.dma_semaphore, #tpu.memory_space<semaphore_mem>>)
    %scan3A_55 = arith.constant 0 : i32
    %scan3A_56 = arith.constant 40 : i32
    %scan3A_57 = arith.addi %scan3A_55, %scan3A_56 : i32
    %scan3A_58 = arith.constant 1 : i32
    scf.for %scan3A_81 = %scan3A_55 to %scan3A_57 step %scan3A_58  : i32 {
      %mul3A_82 = arith.constant 1 : i32
      %mul3A_83 = arith.muli %scan3A_81, %mul3A_82 : i32
      %add3A_84 = arith.constant 0 : i32
      %add3A_85 = arith.addi %add3A_84, %mul3A_83 : i32
      %mul3A_86 = arith.constant 2 : i32
      %mul3A_87 = arith.muli %add3A_85, %mul3A_86 : i32
      %add3A_88 = arith.constant 0 : i32
      %add3A_89 = arith.addi %mul3A_87, %add3A_88 : i32
      %dma_wait3A = arith.constant 0 : i32
      %dma_wait3A_90 = arith.constant 0 : i32
      %dma_wait3A_91 = tpu.memref_slice %arg6[%dma_wait3A, %dma_wait3A_90] : memref<2x128xi32, #tpu.memory_space<vmem>> -> memref<1x128xi32, #tpu.memory_space<vmem>>
      %dma_wait3A_92 = tpu.memref_squeeze %dma_wait3A_91 : memref<1x128xi32, #tpu.memory_space<vmem>> -> memref<128xi32, #tpu.memory_space<vmem>>
      %dma_wait3A_93 = arith.constant 0 : i32
      %dma_wait3A_94 = arith.constant 0 : i32
      %dma_wait3A_95 = tpu.memref_slice %arg2[%dma_wait3A_93, %dma_wait3A_94] : memref<10000x128xf32, #tpu.memory_space<hbm>> -> memref<10000x128xf32, #tpu.memory_space<hbm>>
      tpu.wait_indirect_dma semaphore(%arg13 : memref<!tpu.dma_semaphore, #tpu.memory_space<semaphore_mem>>) src(%dma_wait3A_95 : memref<10000x128xf32, #tpu.memory_space<hbm>>) dst(%arg10 : memref<128x128xf32, #tpu.memory_space<vmem>>)
      %lt3A = arith.constant 79 : i32
      %lt3A_96 = arith.cmpi slt, %add3A_89, %lt3A : i32
      %convert_element_type3A = arith.extui %lt3A_96 : i1 to i32
      %cond3A = arith.constant 0 : i32
      %cond3A_97 = arith.cmpi ne, %convert_element_type3A, %cond3A : i32
      scf.if %cond3A_97 {
        %add3A_130 = arith.constant 1 : i32
        %add3A_131 = arith.addi %add3A_89, %add3A_130 : i32
        %mul3A_132 = arith.constant 80 : i32
        %mul3A_133 = arith.muli %add3A, %mul3A_132 : i32
        %add3A_134 = arith.addi %mul3A_133, %add3A_131 : i32
        %dma_wait3A_135 = arith.constant 0 : i32
        %dma_wait3A_136 = arith.constant 0 : i32
        %dma_wait3A_137 = tpu.memref_slice %arg3[%add3A_134, %dma_wait3A_135, %dma_wait3A_136] : memref<2560x2x128xi32, #tpu.memory_space<hbm>> -> memref<1x2x128xi32, #tpu.memory_space<hbm>>
        %dma_wait3A_138 = tpu.memref_squeeze %dma_wait3A_137 : memref<1x2x128xi32, #tpu.memory_space<hbm>> -> memref<2x128xi32, #tpu.memory_space<hbm>>
        %dma_wait3A_139 = arith.constant 0 : i32
        %dma_wait3A_140 = arith.constant 0 : i32
        %dma_wait3A_141 = tpu.memref_slice %arg3[%add3A_134, %dma_wait3A_139, %dma_wait3A_140] : memref<2560x2x128xi32, #tpu.memory_space<hbm>> -> memref<1x2x128xi32, #tpu.memory_space<hbm>>
        %dma_wait3A_142 = tpu.memref_squeeze %dma_wait3A_141 : memref<1x2x128xi32, #tpu.memory_space<hbm>> -> memref<2x128xi32, #tpu.memory_space<hbm>>
        tpu.wait_dma2 semaphore(%arg15 : memref<!tpu.dma_semaphore, #tpu.memory_space<semaphore_mem>>) src(%dma_wait3A_142 : memref<2x128xi32, #tpu.memory_space<hbm>>) dst(%arg7 : memref<2x128xi32, #tpu.memory_space<vmem>>)
        %mul3A_143 = arith.constant 128 : i32
        %mul3A_144 = arith.muli %add3A_134, %mul3A_143 : i32
        %mul3A_145 = arith.constant 16 : i32
        %mul3A_146 = arith.muli %mul3A_144, %mul3A_145 : i32
        %dma_wait3A_147 = tpu.memref_slice %arg4[%mul3A_146] : memref<5242880xf32, #tpu.memory_space<hbm>> -> memref<2048xf32, #tpu.memory_space<hbm>>
        %dma_wait3A_148 = tpu.memref_slice %arg4[%mul3A_146] : memref<5242880xf32, #tpu.memory_space<hbm>> -> memref<2048xf32, #tpu.memory_space<hbm>>
        tpu.wait_dma2 semaphore(%arg15 : memref<!tpu.dma_semaphore, #tpu.memory_space<semaphore_mem>>) src(%dma_wait3A_148 : memref<2048xf32, #tpu.memory_space<hbm>>) dst(%arg9 : memref<2048xf32, #tpu.memory_space<vmem>>)
        %dma_start3A_149 = arith.constant 0 : i32
        %dma_start3A_150 = arith.constant 0 : i32
        %dma_start3A_151 = tpu.memref_slice %arg7[%dma_start3A_149, %dma_start3A_150] : memref<2x128xi32, #tpu.memory_space<vmem>> -> memref<1x128xi32, #tpu.memory_space<vmem>>
        %dma_start3A_152 = tpu.memref_squeeze %dma_start3A_151 : memref<1x128xi32, #tpu.memory_space<vmem>> -> memref<128xi32, #tpu.memory_space<vmem>>
        %dma_start3A_153 = arith.constant 0 : i32
        %dma_start3A_154 = arith.constant 0 : i32
        %dma_start3A_155 = tpu.memref_slice %arg2[%dma_start3A_153, %dma_start3A_154] : memref<10000x128xf32, #tpu.memory_space<hbm>> -> memref<10000x128xf32, #tpu.memory_space<hbm>>
        tpu.enqueue_indirect_dma source(%dma_start3A_155 : memref<10000x128xf32, #tpu.memory_space<hbm>>) target(%arg11 : memref<128x128xf32, #tpu.memory_space<vmem>>) offsets(%dma_start3A_152 : memref<128xi32, #tpu.memory_space<vmem>>) semaphore(%arg14 : memref<!tpu.dma_semaphore, #tpu.memory_space<semaphore_mem>>)
      } else {
      }
      %parallel_loop3A = arith.constant 0 : i32
      %parallel_loop3A_98 = arith.constant 128 : i32
      %parallel_loop3A_99 = arith.constant 1 : i32
      scf.for %parallel_loop3A_130 = %parallel_loop3A to %parallel_loop3A_98 step %parallel_loop3A_99  : i32 {
        %parallel_loop3A_131 = arith.constant 16 : i32
        %parallel_loop3A_132 = arith.muli %parallel_loop3A_130, %parallel_loop3A_131 : i32
        %parallel_loop3A_133 = arith.index_cast %parallel_loop3A_132 : i32 to index
        %parallel_loop3A_134 = tpu.vector_load %arg8[%parallel_loop3A_133] {strides = array<i32>} : memref<2048xf32, #tpu.memory_space<vmem>>, vector<16xf32>,
        %parallel_loop3A_135 = vector.shape_cast %parallel_loop3A_134 : vector<16xf32> to vector<16xf32>
        %parallel_loop3A_136 = arith.index_cast %parallel_loop3A_130 : i32 to index
        %parallel_loop3A_137 = arith.constant 0 : index
        %parallel_loop3A_138 = tpu.vector_load %arg10[%parallel_loop3A_136, %parallel_loop3A_137] {strides = array<i32>} : memref<128x128xf32, #tpu.memory_space<vmem>>, vector<1x16xf32>,
        %parallel_loop3A_139 = vector.shape_cast %parallel_loop3A_138 : vector<1x16xf32> to vector<16xf32>
        %parallel_loop3A_140 = arith.mulf %parallel_loop3A_139, %parallel_loop3A_135 : vector<16xf32>
        %parallel_loop3A_141 = arith.index_cast %parallel_loop3A_130 : i32 to index
        %parallel_loop3A_142 = arith.constant 0 : index
        %parallel_loop3A_143 = tpu.vector_load %arg10[%parallel_loop3A_141, %parallel_loop3A_142] {strides = array<i32>} : memref<128x128xf32, #tpu.memory_space<vmem>>, vector<1x16xf32>,
        %parallel_loop3A_144 = vector.shape_cast %parallel_loop3A_143 : vector<1x16xf32> to vector<16xf32>
        %parallel_loop3A_145 = vector.shape_cast %parallel_loop3A_140 : vector<16xf32> to vector<1x16xf32>
        tpu.vector_store %arg10[%parallel_loop3A_141, %parallel_loop3A_142], %parallel_loop3A_145 {strides = array<i32>} : memref<128x128xf32, #tpu.memory_space<vmem>>, vector<1x16xf32>,
        %parallel_loop3A_146 = arith.index_cast %parallel_loop3A_130 : i32 to index
        %parallel_loop3A_147 = arith.constant 16 : index
        %parallel_loop3A_148 = tpu.vector_load %arg10[%parallel_loop3A_146, %parallel_loop3A_147] {strides = array<i32>} : memref<128x128xf32, #tpu.memory_space<vmem>>, vector<1x16xf32>,
        %parallel_loop3A_149 = vector.shape_cast %parallel_loop3A_148 : vector<1x16xf32> to vector<16xf32>
        %parallel_loop3A_150 = arith.mulf %parallel_loop3A_149, %parallel_loop3A_135 : vector<16xf32>
        %parallel_loop3A_151 = arith.index_cast %parallel_loop3A_130 : i32 to index
        %parallel_loop3A_152 = arith.constant 16 : index
        %parallel_loop3A_153 = tpu.vector_load %arg10[%parallel_loop3A_151, %parallel_loop3A_152] {strides = array<i32>} : memref<128x128xf32, #tpu.memory_space<vmem>>, vector<1x16xf32>,
        %parallel_loop3A_154 = vector.shape_cast %parallel_loop3A_153 : vector<1x16xf32> to vector<16xf32>
        %parallel_loop3A_155 = vector.shape_cast %parallel_loop3A_150 : vector<16xf32> to vector<1x16xf32>
        tpu.vector_store %arg10[%parallel_loop3A_151, %parallel_loop3A_152], %parallel_loop3A_155 {strides = array<i32>} : memref<128x128xf32, #tpu.memory_space<vmem>>, vector<1x16xf32>,
        %parallel_loop3A_156 = arith.index_cast %parallel_loop3A_130 : i32 to index
        %parallel_loop3A_157 = arith.constant 32 : index
        %parallel_loop3A_158 = tpu.vector_load %arg10[%parallel_loop3A_156, %parallel_loop3A_157] {strides = array<i32>} : memref<128x128xf32, #tpu.memory_space<vmem>>, vector<1x16xf32>,
        %parallel_loop3A_159 = vector.shape_cast %parallel_loop3A_158 : vector<1x16xf32> to vector<16xf32>
        %parallel_loop3A_160 = arith.mulf %parallel_loop3A_159, %parallel_loop3A_135 : vector<16xf32>
        %parallel_loop3A_161 = arith.index_cast %parallel_loop3A_130 : i32 to index
        %parallel_loop3A_162 = arith.constant 32 : index
        %parallel_loop3A_163 = tpu.vector_load %arg10[%parallel_loop3A_161, %parallel_loop3A_162] {strides = array<i32>} : memref<128x128xf32, #tpu.memory_space<vmem>>, vector<1x16xf32>,
        %parallel_loop3A_164 = vector.shape_cast %parallel_loop3A_163 : vector<1x16xf32> to vector<16xf32>
        %parallel_loop3A_165 = vector.shape_cast %parallel_loop3A_160 : vector<16xf32> to vector<1x16xf32>
        tpu.vector_store %arg10[%parallel_loop3A_161, %parallel_loop3A_162], %parallel_loop3A_165 {strides = array<i32>} : memref<128x128xf32, #tpu.memory_space<vmem>>, vector<1x16xf32>,
        %parallel_loop3A_166 = arith.index_cast %parallel_loop3A_130 : i32 to index
        %parallel_loop3A_167 = arith.constant 48 : index
        %parallel_loop3A_168 = tpu.vector_load %arg10[%parallel_loop3A_166, %parallel_loop3A_167] {strides = array<i32>} : memref<128x128xf32, #tpu.memory_space<vmem>>, vector<1x16xf32>,
        %parallel_loop3A_169 = vector.shape_cast %parallel_loop3A_168 : vector<1x16xf32> to vector<16xf32>
        %parallel_loop3A_170 = arith.mulf %parallel_loop3A_169, %parallel_loop3A_135 : vector<16xf32>
        %parallel_loop3A_171 = arith.index_cast %parallel_loop3A_130 : i32 to index
        %parallel_loop3A_172 = arith.constant 48 : index
        %parallel_loop3A_173 = tpu.vector_load %arg10[%parallel_loop3A_171, %parallel_loop3A_172] {strides = array<i32>} : memref<128x128xf32, #tpu.memory_space<vmem>>, vector<1x16xf32>,
        %parallel_loop3A_174 = vector.shape_cast %parallel_loop3A_173 : vector<1x16xf32> to vector<16xf32>
        %parallel_loop3A_175 = vector.shape_cast %parallel_loop3A_170 : vector<16xf32> to vector<1x16xf32>
        tpu.vector_store %arg10[%parallel_loop3A_171, %parallel_loop3A_172], %parallel_loop3A_175 {strides = array<i32>} : memref<128x128xf32, #tpu.memory_space<vmem>>, vector<1x16xf32>,
        %parallel_loop3A_176 = arith.index_cast %parallel_loop3A_130 : i32 to index
        %parallel_loop3A_177 = arith.constant 64 : index
        %parallel_loop3A_178 = tpu.vector_load %arg10[%parallel_loop3A_176, %parallel_loop3A_177] {strides = array<i32>} : memref<128x128xf32, #tpu.memory_space<vmem>>, vector<1x16xf32>,
        %parallel_loop3A_179 = vector.shape_cast %parallel_loop3A_178 : vector<1x16xf32> to vector<16xf32>
        %parallel_loop3A_180 = arith.mulf %parallel_loop3A_179, %parallel_loop3A_135 : vector<16xf32>
        %parallel_loop3A_181 = arith.index_cast %parallel_loop3A_130 : i32 to index
        %parallel_loop3A_182 = arith.constant 64 : index
        %parallel_loop3A_183 = tpu.vector_load %arg10[%parallel_loop3A_181, %parallel_loop3A_182] {strides = array<i32>} : memref<128x128xf32, #tpu.memory_space<vmem>>, vector<1x16xf32>,
        %parallel_loop3A_184 = vector.shape_cast %parallel_loop3A_183 : vector<1x16xf32> to vector<16xf32>
        %parallel_loop3A_185 = vector.shape_cast %parallel_loop3A_180 : vector<16xf32> to vector<1x16xf32>
        tpu.vector_store %arg10[%parallel_loop3A_181, %parallel_loop3A_182], %parallel_loop3A_185 {strides = array<i32>} : memref<128x128xf32, #tpu.memory_space<vmem>>, vector<1x16xf32>,
        %parallel_loop3A_186 = arith.index_cast %parallel_loop3A_130 : i32 to index
        %parallel_loop3A_187 = arith.constant 80 : index
        %parallel_loop3A_188 = tpu.vector_load %arg10[%parallel_loop3A_186, %parallel_loop3A_187] {strides = array<i32>} : memref<128x128xf32, #tpu.memory_space<vmem>>, vector<1x16xf32>,
        %parallel_loop3A_189 = vector.shape_cast %parallel_loop3A_188 : vector<1x16xf32> to vector<16xf32>
        %parallel_loop3A_190 = arith.mulf %parallel_loop3A_189, %parallel_loop3A_135 : vector<16xf32>
        %parallel_loop3A_191 = arith.index_cast %parallel_loop3A_130 : i32 to index
        %parallel_loop3A_192 = arith.constant 80 : index
        %parallel_loop3A_193 = tpu.vector_load %arg10[%parallel_loop3A_191, %parallel_loop3A_192] {strides = array<i32>} : memref<128x128xf32, #tpu.memory_space<vmem>>, vector<1x16xf32>,
        %parallel_loop3A_194 = vector.shape_cast %parallel_loop3A_193 : vector<1x16xf32> to vector<16xf32>
        %parallel_loop3A_195 = vector.shape_cast %parallel_loop3A_190 : vector<16xf32> to vector<1x16xf32>
        tpu.vector_store %arg10[%parallel_loop3A_191, %parallel_loop3A_192], %parallel_loop3A_195 {strides = array<i32>} : memref<128x128xf32, #tpu.memory_space<vmem>>, vector<1x16xf32>,
        %parallel_loop3A_196 = arith.index_cast %parallel_loop3A_130 : i32 to index
        %parallel_loop3A_197 = arith.constant 96 : index
        %parallel_loop3A_198 = tpu.vector_load %arg10[%parallel_loop3A_196, %parallel_loop3A_197] {strides = array<i32>} : memref<128x128xf32, #tpu.memory_space<vmem>>, vector<1x16xf32>,
        %parallel_loop3A_199 = vector.shape_cast %parallel_loop3A_198 : vector<1x16xf32> to vector<16xf32>
        %parallel_loop3A_200 = arith.mulf %parallel_loop3A_199, %parallel_loop3A_135 : vector<16xf32>
        %parallel_loop3A_201 = arith.index_cast %parallel_loop3A_130 : i32 to index
        %parallel_loop3A_202 = arith.constant 96 : index
        %parallel_loop3A_203 = tpu.vector_load %arg10[%parallel_loop3A_201, %parallel_loop3A_202] {strides = array<i32>} : memref<128x128xf32, #tpu.memory_space<vmem>>, vector<1x16xf32>,
        %parallel_loop3A_204 = vector.shape_cast %parallel_loop3A_203 : vector<1x16xf32> to vector<16xf32>
        %parallel_loop3A_205 = vector.shape_cast %parallel_loop3A_200 : vector<16xf32> to vector<1x16xf32>
        tpu.vector_store %arg10[%parallel_loop3A_201, %parallel_loop3A_202], %parallel_loop3A_205 {strides = array<i32>} : memref<128x128xf32, #tpu.memory_space<vmem>>, vector<1x16xf32>,
        %parallel_loop3A_206 = arith.index_cast %parallel_loop3A_130 : i32 to index
        %parallel_loop3A_207 = arith.constant 112 : index
        %parallel_loop3A_208 = tpu.vector_load %arg10[%parallel_loop3A_206, %parallel_loop3A_207] {strides = array<i32>} : memref<128x128xf32, #tpu.memory_space<vmem>>, vector<1x16xf32>,
        %parallel_loop3A_209 = vector.shape_cast %parallel_loop3A_208 : vector<1x16xf32> to vector<16xf32>
        %parallel_loop3A_210 = arith.mulf %parallel_loop3A_209, %parallel_loop3A_135 : vector<16xf32>
        %parallel_loop3A_211 = arith.index_cast %parallel_loop3A_130 : i32 to index
        %parallel_loop3A_212 = arith.constant 112 : index
        %parallel_loop3A_213 = tpu.vector_load %arg10[%parallel_loop3A_211, %parallel_loop3A_212] {strides = array<i32>} : memref<128x128xf32, #tpu.memory_space<vmem>>, vector<1x16xf32>,
        %parallel_loop3A_214 = vector.shape_cast %parallel_loop3A_213 : vector<1x16xf32> to vector<16xf32>
        %parallel_loop3A_215 = vector.shape_cast %parallel_loop3A_210 : vector<16xf32> to vector<1x16xf32>
        tpu.vector_store %arg10[%parallel_loop3A_211, %parallel_loop3A_212], %parallel_loop3A_215 {strides = array<i32>} : memref<128x128xf32, #tpu.memory_space<vmem>>, vector<1x16xf32>,
      } {sc.loop_unroll_factor = 4 : i64, sc.parallel_access}
      %run_scoped3A = arith.constant 1 : i32
      "tpu.region"() ({
        %run_scoped3A_130 = tpu.sem_alloc : memref<!tpu.dma_semaphore, #tpu.memory_space<semaphore_mem>>
        %dma_start3A_131 = arith.constant 0 : i32
        %dma_start3A_132 = tpu.memref_slice %arg6[%run_scoped3A, %dma_start3A_131] : memref<2x128xi32, #tpu.memory_space<vmem>> -> memref<1x128xi32, #tpu.memory_space<vmem>>
        %dma_start3A_133 = tpu.memref_squeeze %dma_start3A_132 : memref<1x128xi32, #tpu.memory_space<vmem>> -> memref<128xi32, #tpu.memory_space<vmem>>
        %dma_start3A_134 = arith.constant 0 : i32
        %dma_start3A_135 = arith.constant 0 : i32
        %dma_start3A_136 = tpu.memref_slice %arg12[%dma_start3A_134, %dma_start3A_135] : memref<10240x128xf32, #tpu.memory_space<vmem_shared>> -> memref<10240x128xf32, #tpu.memory_space<vmem_shared>>
        tpu.enqueue_indirect_dma source(%arg10 : memref<128x128xf32, #tpu.memory_space<vmem>>) target(%dma_start3A_136 : memref<10240x128xf32, #tpu.memory_space<vmem_shared>>) offsets(%dma_start3A_133 : memref<128xi32, #tpu.memory_space<vmem>>) semaphore(%run_scoped3A_130 : memref<!tpu.dma_semaphore, #tpu.memory_space<semaphore_mem>>) {add = true}
        %dma_wait3A_137 = arith.constant 0 : i32
        %dma_wait3A_138 = tpu.memref_slice %arg6[%run_scoped3A, %dma_wait3A_137] : memref<2x128xi32, #tpu.memory_space<vmem>> -> memref<1x128xi32, #tpu.memory_space<vmem>>
        %dma_wait3A_139 = tpu.memref_squeeze %dma_wait3A_138 : memref<1x128xi32, #tpu.memory_space<vmem>> -> memref<128xi32, #tpu.memory_space<vmem>>
        %dma_wait3A_140 = arith.constant 0 : i32
        %dma_wait3A_141 = arith.constant 0 : i32
        %dma_wait3A_142 = tpu.memref_slice %arg12[%dma_wait3A_140, %dma_wait3A_141] : memref<10240x128xf32, #tpu.memory_space<vmem_shared>> -> memref<10240x128xf32, #tpu.memory_space<vmem_shared>>
        tpu.wait_indirect_dma semaphore(%run_scoped3A_130 : memref<!tpu.dma_semaphore, #tpu.memory_space<semaphore_mem>>) src(%arg10 : memref<128x128xf32, #tpu.memory_space<vmem>>) dst(%dma_wait3A_142 : memref<10240x128xf32, #tpu.memory_space<vmem_shared>>)
        tpu.yield
      }) : () -> ()
      %lt3A_100 = arith.constant 78 : i32
      %lt3A_101 = arith.cmpi slt, %add3A_89, %lt3A_100 : i32
      %convert_element_type3A_102 = arith.extui %lt3A_101 : i1 to i32
      %cond3A_103 = arith.constant 0 : i32
      %cond3A_104 = arith.cmpi ne, %convert_element_type3A_102, %cond3A_103 : i32
      scf.if %cond3A_104 {
        %add3A_130 = arith.constant 2 : i32
        %add3A_131 = arith.addi %add3A_89, %add3A_130 : i32
        %mul3A_132 = arith.constant 80 : i32
        %mul3A_133 = arith.muli %add3A, %mul3A_132 : i32
        %add3A_134 = arith.addi %mul3A_133, %add3A_131 : i32
        %dma_start3A_135 = arith.constant 0 : i32
        %dma_start3A_136 = arith.constant 0 : i32
        %dma_start3A_137 = tpu.memref_slice %arg3[%add3A_134, %dma_start3A_135, %dma_start3A_136] : memref<2560x2x128xi32, #tpu.memory_space<hbm>> -> memref<1x2x128xi32, #tpu.memory_space<hbm>>
        %dma_start3A_138 = tpu.memref_squeeze %dma_start3A_137 : memref<1x2x128xi32, #tpu.memory_space<hbm>> -> memref<2x128xi32, #tpu.memory_space<hbm>>
        %dma_start3A_139 = arith.constant 0 : i32
        %dma_start3A_140 = arith.constant 0 : i32
        %dma_start3A_141 = tpu.memref_slice %arg3[%add3A_134, %dma_start3A_139, %dma_start3A_140] : memref<2560x2x128xi32, #tpu.memory_space<hbm>> -> memref<1x2x128xi32, #tpu.memory_space<hbm>>
        %dma_start3A_142 = tpu.memref_squeeze %dma_start3A_141 : memref<1x2x128xi32, #tpu.memory_space<hbm>> -> memref<2x128xi32, #tpu.memory_space<hbm>>
        tpu.enqueue_dma source(%dma_start3A_142 : memref<2x128xi32, #tpu.memory_space<hbm>>) target(%arg6 : memref<2x128xi32, #tpu.memory_space<vmem>>) target_semaphore(%arg15 : memref<!tpu.dma_semaphore, #tpu.memory_space<semaphore_mem>>)
        %mul3A_143 = arith.constant 128 : i32
        %mul3A_144 = arith.muli %add3A_134, %mul3A_143 : i32
        %mul3A_145 = arith.constant 16 : i32
        %mul3A_146 = arith.muli %mul3A_144, %mul3A_145 : i32
        %dma_start3A_147 = tpu.memref_slice %arg4[%mul3A_146] : memref<5242880xf32, #tpu.memory_space<hbm>> -> memref<2048xf32, #tpu.memory_space<hbm>>
        %dma_start3A_148 = tpu.memref_slice %arg4[%mul3A_146] : memref<5242880xf32, #tpu.memory_space<hbm>> -> memref<2048xf32, #tpu.memory_space<hbm>>
        tpu.enqueue_dma source(%dma_start3A_148 : memref<2048xf32, #tpu.memory_space<hbm>>) target(%arg8 : memref<2048xf32, #tpu.memory_space<vmem>>) target_semaphore(%arg15 : memref<!tpu.dma_semaphore, #tpu.memory_space<semaphore_mem>>)
      } else {
      }
      %mul3A_105 = arith.constant 2 : i32
      %mul3A_106 = arith.muli %add3A_85, %mul3A_105 : i32
      %add3A_107 = arith.constant 1 : i32
      %add3A_108 = arith.addi %mul3A_106, %add3A_107 : i32
      %dma_wait3A_109 = arith.constant 0 : i32
      %dma_wait3A_110 = arith.constant 0 : i32
      %dma_wait3A_111 = tpu.memref_slice %arg7[%dma_wait3A_109, %dma_wait3A_110] : memref<2x128xi32, #tpu.memory_space<vmem>> -> memref<1x128xi32, #tpu.memory_space<vmem>>
      %dma_wait3A_112 = tpu.memref_squeeze %dma_wait3A_111 : memref<1x128xi32, #tpu.memory_space<vmem>> -> memref<128xi32, #tpu.memory_space<vmem>>
      %dma_wait3A_113 = arith.constant 0 : i32
      %dma_wait3A_114 = arith.constant 0 : i32
      %dma_wait3A_115 = tpu.memref_slice %arg2[%dma_wait3A_113, %dma_wait3A_114] : memref<10000x128xf32, #tpu.memory_space<hbm>> -> memref<10000x128xf32, #tpu.memory_space<hbm>>
      tpu.wait_indirect_dma semaphore(%arg14 : memref<!tpu.dma_semaphore, #tpu.memory_space<semaphore_mem>>) src(%dma_wait3A_115 : memref<10000x128xf32, #tpu.memory_space<hbm>>) dst(%arg11 : memref<128x128xf32, #tpu.memory_space<vmem>>)
      %lt3A_116 = arith.constant 79 : i32
      %lt3A_117 = arith.cmpi slt, %add3A_108, %lt3A_116 : i32
      %convert_element_type3A_118 = arith.extui %lt3A_117 : i1 to i32
      %cond3A_119 = arith.constant 0 : i32
      %cond3A_120 = arith.cmpi ne, %convert_element_type3A_118, %cond3A_119 : i32
      scf.if %cond3A_120 {
        %add3A_130 = arith.constant 1 : i32
        %add3A_131 = arith.addi %add3A_108, %add3A_130 : i32
        %mul3A_132 = arith.constant 80 : i32
        %mul3A_133 = arith.muli %add3A, %mul3A_132 : i32
        %add3A_134 = arith.addi %mul3A_133, %add3A_131 : i32
        %dma_wait3A_135 = arith.constant 0 : i32
        %dma_wait3A_136 = arith.constant 0 : i32
        %dma_wait3A_137 = tpu.memref_slice %arg3[%add3A_134, %dma_wait3A_135, %dma_wait3A_136] : memref<2560x2x128xi32, #tpu.memory_space<hbm>> -> memref<1x2x128xi32, #tpu.memory_space<hbm>>
        %dma_wait3A_138 = tpu.memref_squeeze %dma_wait3A_137 : memref<1x2x128xi32, #tpu.memory_space<hbm>> -> memref<2x128xi32, #tpu.memory_space<hbm>>
        %dma_wait3A_139 = arith.constant 0 : i32
        %dma_wait3A_140 = arith.constant 0 : i32
        %dma_wait3A_141 = tpu.memref_slice %arg3[%add3A_134, %dma_wait3A_139, %dma_wait3A_140] : memref<2560x2x128xi32, #tpu.memory_space<hbm>> -> memref<1x2x128xi32, #tpu.memory_space<hbm>>
        %dma_wait3A_142 = tpu.memref_squeeze %dma_wait3A_141 : memref<1x2x128xi32, #tpu.memory_space<hbm>> -> memref<2x128xi32, #tpu.memory_space<hbm>>
        tpu.wait_dma2 semaphore(%arg15 : memref<!tpu.dma_semaphore, #tpu.memory_space<semaphore_mem>>) src(%dma_wait3A_142 : memref<2x128xi32, #tpu.memory_space<hbm>>) dst(%arg6 : memref<2x128xi32, #tpu.memory_space<vmem>>)
        %mul3A_143 = arith.constant 128 : i32
        %mul3A_144 = arith.muli %add3A_134, %mul3A_143 : i32
        %mul3A_145 = arith.constant 16 : i32
        %mul3A_146 = arith.muli %mul3A_144, %mul3A_145 : i32
        %dma_wait3A_147 = tpu.memref_slice %arg4[%mul3A_146] : memref<5242880xf32, #tpu.memory_space<hbm>> -> memref<2048xf32, #tpu.memory_space<hbm>>
        %dma_wait3A_148 = tpu.memref_slice %arg4[%mul3A_146] : memref<5242880xf32, #tpu.memory_space<hbm>> -> memref<2048xf32, #tpu.memory_space<hbm>>
        tpu.wait_dma2 semaphore(%arg15 : memref<!tpu.dma_semaphore, #tpu.memory_space<semaphore_mem>>) src(%dma_wait3A_148 : memref<2048xf32, #tpu.memory_space<hbm>>) dst(%arg8 : memref<2048xf32, #tpu.memory_space<vmem>>)
        %dma_start3A_149 = arith.constant 0 : i32
        %dma_start3A_150 = arith.constant 0 : i32
        %dma_start3A_151 = tpu.memref_slice %arg6[%dma_start3A_149, %dma_start3A_150] : memref<2x128xi32, #tpu.memory_space<vmem>> -> memref<1x128xi32, #tpu.memory_space<vmem>>
        %dma_start3A_152 = tpu.memref_squeeze %dma_start3A_151 : memref<1x128xi32, #tpu.memory_space<vmem>> -> memref<128xi32, #tpu.memory_space<vmem>>
        %dma_start3A_153 = arith.constant 0 : i32
        %dma_start3A_154 = arith.constant 0 : i32
        %dma_start3A_155 = tpu.memref_slice %arg2[%dma_start3A_153, %dma_start3A_154] : memref<10000x128xf32, #tpu.memory_space<hbm>> -> memref<10000x128xf32, #tpu.memory_space<hbm>>
        tpu.enqueue_indirect_dma source(%dma_start3A_155 : memref<10000x128xf32, #tpu.memory_space<hbm>>) target(%arg10 : memref<128x128xf32, #tpu.memory_space<vmem>>) offsets(%dma_start3A_152 : memref<128xi32, #tpu.memory_space<vmem>>) semaphore(%arg13 : memref<!tpu.dma_semaphore, #tpu.memory_space<semaphore_mem>>)
      } else {
      }
      %parallel_loop3A_121 = arith.constant 0 : i32
      %parallel_loop3A_122 = arith.constant 128 : i32
      %parallel_loop3A_123 = arith.constant 1 : i32
      scf.for %parallel_loop3A_130 = %parallel_loop3A_121 to %parallel_loop3A_122 step %parallel_loop3A_123  : i32 {
        %parallel_loop3A_131 = arith.constant 16 : i32
        %parallel_loop3A_132 = arith.muli %parallel_loop3A_130, %parallel_loop3A_131 : i32
        %parallel_loop3A_133 = arith.index_cast %parallel_loop3A_132 : i32 to index
        %parallel_loop3A_134 = tpu.vector_load %arg9[%parallel_loop3A_133] {strides = array<i32>} : memref<2048xf32, #tpu.memory_space<vmem>>, vector<16xf32>,
        %parallel_loop3A_135 = vector.shape_cast %parallel_loop3A_134 : vector<16xf32> to vector<16xf32>
        %parallel_loop3A_136 = arith.index_cast %parallel_loop3A_130 : i32 to index
        %parallel_loop3A_137 = arith.constant 0 : index
        %parallel_loop3A_138 = tpu.vector_load %arg11[%parallel_loop3A_136, %parallel_loop3A_137] {strides = array<i32>} : memref<128x128xf32, #tpu.memory_space<vmem>>, vector<1x16xf32>,
        %parallel_loop3A_139 = vector.shape_cast %parallel_loop3A_138 : vector<1x16xf32> to vector<16xf32>
        %parallel_loop3A_140 = arith.mulf %parallel_loop3A_139, %parallel_loop3A_135 : vector<16xf32>
        %parallel_loop3A_141 = arith.index_cast %parallel_loop3A_130 : i32 to index
        %parallel_loop3A_142 = arith.constant 0 : index
        %parallel_loop3A_143 = tpu.vector_load %arg11[%parallel_loop3A_141, %parallel_loop3A_142] {strides = array<i32>} : memref<128x128xf32, #tpu.memory_space<vmem>>, vector<1x16xf32>,
        %parallel_loop3A_144 = vector.shape_cast %parallel_loop3A_143 : vector<1x16xf32> to vector<16xf32>
        %parallel_loop3A_145 = vector.shape_cast %parallel_loop3A_140 : vector<16xf32> to vector<1x16xf32>
        tpu.vector_store %arg11[%parallel_loop3A_141, %parallel_loop3A_142], %parallel_loop3A_145 {strides = array<i32>} : memref<128x128xf32, #tpu.memory_space<vmem>>, vector<1x16xf32>,
        %parallel_loop3A_146 = arith.index_cast %parallel_loop3A_130 : i32 to index
        %parallel_loop3A_147 = arith.constant 16 : index
        %parallel_loop3A_148 = tpu.vector_load %arg11[%parallel_loop3A_146, %parallel_loop3A_147] {strides = array<i32>} : memref<128x128xf32, #tpu.memory_space<vmem>>, vector<1x16xf32>,
        %parallel_loop3A_149 = vector.shape_cast %parallel_loop3A_148 : vector<1x16xf32> to vector<16xf32>
        %parallel_loop3A_150 = arith.mulf %parallel_loop3A_149, %parallel_loop3A_135 : vector<16xf32>
        %parallel_loop3A_151 = arith.index_cast %parallel_loop3A_130 : i32 to index
        %parallel_loop3A_152 = arith.constant 16 : index
        %parallel_loop3A_153 = tpu.vector_load %arg11[%parallel_loop3A_151, %parallel_loop3A_152] {strides = array<i32>} : memref<128x128xf32, #tpu.memory_space<vmem>>, vector<1x16xf32>,
        %parallel_loop3A_154 = vector.shape_cast %parallel_loop3A_153 : vector<1x16xf32> to vector<16xf32>
        %parallel_loop3A_155 = vector.shape_cast %parallel_loop3A_150 : vector<16xf32> to vector<1x16xf32>
        tpu.vector_store %arg11[%parallel_loop3A_151, %parallel_loop3A_152], %parallel_loop3A_155 {strides = array<i32>} : memref<128x128xf32, #tpu.memory_space<vmem>>, vector<1x16xf32>,
        %parallel_loop3A_156 = arith.index_cast %parallel_loop3A_130 : i32 to index
        %parallel_loop3A_157 = arith.constant 32 : index
        %parallel_loop3A_158 = tpu.vector_load %arg11[%parallel_loop3A_156, %parallel_loop3A_157] {strides = array<i32>} : memref<128x128xf32, #tpu.memory_space<vmem>>, vector<1x16xf32>,
        %parallel_loop3A_159 = vector.shape_cast %parallel_loop3A_158 : vector<1x16xf32> to vector<16xf32>
        %parallel_loop3A_160 = arith.mulf %parallel_loop3A_159, %parallel_loop3A_135 : vector<16xf32>
        %parallel_loop3A_161 = arith.index_cast %parallel_loop3A_130 : i32 to index
        %parallel_loop3A_162 = arith.constant 32 : index
        %parallel_loop3A_163 = tpu.vector_load %arg11[%parallel_loop3A_161, %parallel_loop3A_162] {strides = array<i32>} : memref<128x128xf32, #tpu.memory_space<vmem>>, vector<1x16xf32>,
        %parallel_loop3A_164 = vector.shape_cast %parallel_loop3A_163 : vector<1x16xf32> to vector<16xf32>
        %parallel_loop3A_165 = vector.shape_cast %parallel_loop3A_160 : vector<16xf32> to vector<1x16xf32>
        tpu.vector_store %arg11[%parallel_loop3A_161, %parallel_loop3A_162], %parallel_loop3A_165 {strides = array<i32>} : memref<128x128xf32, #tpu.memory_space<vmem>>, vector<1x16xf32>,
        %parallel_loop3A_166 = arith.index_cast %parallel_loop3A_130 : i32 to index
        %parallel_loop3A_167 = arith.constant 48 : index
        %parallel_loop3A_168 = tpu.vector_load %arg11[%parallel_loop3A_166, %parallel_loop3A_167] {strides = array<i32>} : memref<128x128xf32, #tpu.memory_space<vmem>>, vector<1x16xf32>,
        %parallel_loop3A_169 = vector.shape_cast %parallel_loop3A_168 : vector<1x16xf32> to vector<16xf32>
        %parallel_loop3A_170 = arith.mulf %parallel_loop3A_169, %parallel_loop3A_135 : vector<16xf32>
        %parallel_loop3A_171 = arith.index_cast %parallel_loop3A_130 : i32 to index
        %parallel_loop3A_172 = arith.constant 48 : index
        %parallel_loop3A_173 = tpu.vector_load %arg11[%parallel_loop3A_171, %parallel_loop3A_172] {strides = array<i32>} : memref<128x128xf32, #tpu.memory_space<vmem>>, vector<1x16xf32>,
        %parallel_loop3A_174 = vector.shape_cast %parallel_loop3A_173 : vector<1x16xf32> to vector<16xf32>
        %parallel_loop3A_175 = vector.shape_cast %parallel_loop3A_170 : vector<16xf32> to vector<1x16xf32>
        tpu.vector_store %arg11[%parallel_loop3A_171, %parallel_loop3A_172], %parallel_loop3A_175 {strides = array<i32>} : memref<128x128xf32, #tpu.memory_space<vmem>>, vector<1x16xf32>,
        %parallel_loop3A_176 = arith.index_cast %parallel_loop3A_130 : i32 to index
        %parallel_loop3A_177 = arith.constant 64 : index
        %parallel_loop3A_178 = tpu.vector_load %arg11[%parallel_loop3A_176, %parallel_loop3A_177] {strides = array<i32>} : memref<128x128xf32, #tpu.memory_space<vmem>>, vector<1x16xf32>,
        %parallel_loop3A_179 = vector.shape_cast %parallel_loop3A_178 : vector<1x16xf32> to vector<16xf32>
        %parallel_loop3A_180 = arith.mulf %parallel_loop3A_179, %parallel_loop3A_135 : vector<16xf32>
        %parallel_loop3A_181 = arith.index_cast %parallel_loop3A_130 : i32 to index
        %parallel_loop3A_182 = arith.constant 64 : index
        %parallel_loop3A_183 = tpu.vector_load %arg11[%parallel_loop3A_181, %parallel_loop3A_182] {strides = array<i32>} : memref<128x128xf32, #tpu.memory_space<vmem>>, vector<1x16xf32>,
        %parallel_loop3A_184 = vector.shape_cast %parallel_loop3A_183 : vector<1x16xf32> to vector<16xf32>
        %parallel_loop3A_185 = vector.shape_cast %parallel_loop3A_180 : vector<16xf32> to vector<1x16xf32>
        tpu.vector_store %arg11[%parallel_loop3A_181, %parallel_loop3A_182], %parallel_loop3A_185 {strides = array<i32>} : memref<128x128xf32, #tpu.memory_space<vmem>>, vector<1x16xf32>,
        %parallel_loop3A_186 = arith.index_cast %parallel_loop3A_130 : i32 to index
        %parallel_loop3A_187 = arith.constant 80 : index
        %parallel_loop3A_188 = tpu.vector_load %arg11[%parallel_loop3A_186, %parallel_loop3A_187] {strides = array<i32>} : memref<128x128xf32, #tpu.memory_space<vmem>>, vector<1x16xf32>,
        %parallel_loop3A_189 = vector.shape_cast %parallel_loop3A_188 : vector<1x16xf32> to vector<16xf32>
        %parallel_loop3A_190 = arith.mulf %parallel_loop3A_189, %parallel_loop3A_135 : vector<16xf32>
        %parallel_loop3A_191 = arith.index_cast %parallel_loop3A_130 : i32 to index
        %parallel_loop3A_192 = arith.constant 80 : index
        %parallel_loop3A_193 = tpu.vector_load %arg11[%parallel_loop3A_191, %parallel_loop3A_192] {strides = array<i32>} : memref<128x128xf32, #tpu.memory_space<vmem>>, vector<1x16xf32>,
        %parallel_loop3A_194 = vector.shape_cast %parallel_loop3A_193 : vector<1x16xf32> to vector<16xf32>
        %parallel_loop3A_195 = vector.shape_cast %parallel_loop3A_190 : vector<16xf32> to vector<1x16xf32>
        tpu.vector_store %arg11[%parallel_loop3A_191, %parallel_loop3A_192], %parallel_loop3A_195 {strides = array<i32>} : memref<128x128xf32, #tpu.memory_space<vmem>>, vector<1x16xf32>,
        %parallel_loop3A_196 = arith.index_cast %parallel_loop3A_130 : i32 to index
        %parallel_loop3A_197 = arith.constant 96 : index
        %parallel_loop3A_198 = tpu.vector_load %arg11[%parallel_loop3A_196, %parallel_loop3A_197] {strides = array<i32>} : memref<128x128xf32, #tpu.memory_space<vmem>>, vector<1x16xf32>,
        %parallel_loop3A_199 = vector.shape_cast %parallel_loop3A_198 : vector<1x16xf32> to vector<16xf32>
        %parallel_loop3A_200 = arith.mulf %parallel_loop3A_199, %parallel_loop3A_135 : vector<16xf32>
        %parallel_loop3A_201 = arith.index_cast %parallel_loop3A_130 : i32 to index
        %parallel_loop3A_202 = arith.constant 96 : index
        %parallel_loop3A_203 = tpu.vector_load %arg11[%parallel_loop3A_201, %parallel_loop3A_202] {strides = array<i32>} : memref<128x128xf32, #tpu.memory_space<vmem>>, vector<1x16xf32>,
        %parallel_loop3A_204 = vector.shape_cast %parallel_loop3A_203 : vector<1x16xf32> to vector<16xf32>
        %parallel_loop3A_205 = vector.shape_cast %parallel_loop3A_200 : vector<16xf32> to vector<1x16xf32>
        tpu.vector_store %arg11[%parallel_loop3A_201, %parallel_loop3A_202], %parallel_loop3A_205 {strides = array<i32>} : memref<128x128xf32, #tpu.memory_space<vmem>>, vector<1x16xf32>,
        %parallel_loop3A_206 = arith.index_cast %parallel_loop3A_130 : i32 to index
        %parallel_loop3A_207 = arith.constant 112 : index
        %parallel_loop3A_208 = tpu.vector_load %arg11[%parallel_loop3A_206, %parallel_loop3A_207] {strides = array<i32>} : memref<128x128xf32, #tpu.memory_space<vmem>>, vector<1x16xf32>,
        %parallel_loop3A_209 = vector.shape_cast %parallel_loop3A_208 : vector<1x16xf32> to vector<16xf32>
        %parallel_loop3A_210 = arith.mulf %parallel_loop3A_209, %parallel_loop3A_135 : vector<16xf32>
        %parallel_loop3A_211 = arith.index_cast %parallel_loop3A_130 : i32 to index
        %parallel_loop3A_212 = arith.constant 112 : index
        %parallel_loop3A_213 = tpu.vector_load %arg11[%parallel_loop3A_211, %parallel_loop3A_212] {strides = array<i32>} : memref<128x128xf32, #tpu.memory_space<vmem>>, vector<1x16xf32>,
        %parallel_loop3A_214 = vector.shape_cast %parallel_loop3A_213 : vector<1x16xf32> to vector<16xf32>
        %parallel_loop3A_215 = vector.shape_cast %parallel_loop3A_210 : vector<16xf32> to vector<1x16xf32>
        tpu.vector_store %arg11[%parallel_loop3A_211, %parallel_loop3A_212], %parallel_loop3A_215 {strides = array<i32>} : memref<128x128xf32, #tpu.memory_space<vmem>>, vector<1x16xf32>,
      } {sc.loop_unroll_factor = 4 : i64, sc.parallel_access}
      %run_scoped3A_124 = arith.constant 1 : i32
      "tpu.region"() ({
        %run_scoped3A_130 = tpu.sem_alloc : memref<!tpu.dma_semaphore, #tpu.memory_space<semaphore_mem>>
        %dma_start3A_131 = arith.constant 0 : i32
        %dma_start3A_132 = tpu.memref_slice %arg7[%run_scoped3A_124, %dma_start3A_131] : memref<2x128xi32, #tpu.memory_space<vmem>> -> memref<1x128xi32, #tpu.memory_space<vmem>>
        %dma_start3A_133 = tpu.memref_squeeze %dma_start3A_132 : memref<1x128xi32, #tpu.memory_space<vmem>> -> memref<128xi32, #tpu.memory_space<vmem>>
        %dma_start3A_134 = arith.constant 0 : i32
        %dma_start3A_135 = arith.constant 0 : i32
        %dma_start3A_136 = tpu.memref_slice %arg12[%dma_start3A_134, %dma_start3A_135] : memref<10240x128xf32, #tpu.memory_space<vmem_shared>> -> memref<10240x128xf32, #tpu.memory_space<vmem_shared>>
        tpu.enqueue_indirect_dma source(%arg11 : memref<128x128xf32, #tpu.memory_space<vmem>>) target(%dma_start3A_136 : memref<10240x128xf32, #tpu.memory_space<vmem_shared>>) offsets(%dma_start3A_133 : memref<128xi32, #tpu.memory_space<vmem>>) semaphore(%run_scoped3A_130 : memref<!tpu.dma_semaphore, #tpu.memory_space<semaphore_mem>>) {add = true}
        %dma_wait3A_137 = arith.constant 0 : i32
        %dma_wait3A_138 = tpu.memref_slice %arg7[%run_scoped3A_124, %dma_wait3A_137] : memref<2x128xi32, #tpu.memory_space<vmem>> -> memref<1x128xi32, #tpu.memory_space<vmem>>
        %dma_wait3A_139 = tpu.memref_squeeze %dma_wait3A_138 : memref<1x128xi32, #tpu.memory_space<vmem>> -> memref<128xi32, #tpu.memory_space<vmem>>
        %dma_wait3A_140 = arith.constant 0 : i32
        %dma_wait3A_141 = arith.constant 0 : i32
        %dma_wait3A_142 = tpu.memref_slice %arg12[%dma_wait3A_140, %dma_wait3A_141] : memref<10240x128xf32, #tpu.memory_space<vmem_shared>> -> memref<10240x128xf32, #tpu.memory_space<vmem_shared>>
        tpu.wait_indirect_dma semaphore(%run_scoped3A_130 : memref<!tpu.dma_semaphore, #tpu.memory_space<semaphore_mem>>) src(%arg11 : memref<128x128xf32, #tpu.memory_space<vmem>>) dst(%dma_wait3A_142 : memref<10240x128xf32, #tpu.memory_space<vmem_shared>>)
        tpu.yield
      }) : () -> ()
      %lt3A_125 = arith.constant 78 : i32
      %lt3A_126 = arith.cmpi slt, %add3A_108, %lt3A_125 : i32
      %convert_element_type3A_127 = arith.extui %lt3A_126 : i1 to i32
      %cond3A_128 = arith.constant 0 : i32
      %cond3A_129 = arith.cmpi ne, %convert_element_type3A_127, %cond3A_128 : i32
      scf.if %cond3A_129 {
        %add3A_130 = arith.constant 2 : i32
        %add3A_131 = arith.addi %add3A_108, %add3A_130 : i32
        %mul3A_132 = arith.constant 80 : i32
        %mul3A_133 = arith.muli %add3A, %mul3A_132 : i32
        %add3A_134 = arith.addi %mul3A_133, %add3A_131 : i32
        %dma_start3A_135 = arith.constant 0 : i32
        %dma_start3A_136 = arith.constant 0 : i32
        %dma_start3A_137 = tpu.memref_slice %arg3[%add3A_134, %dma_start3A_135, %dma_start3A_136] : memref<2560x2x128xi32, #tpu.memory_space<hbm>> -> memref<1x2x128xi32, #tpu.memory_space<hbm>>
        %dma_start3A_138 = tpu.memref_squeeze %dma_start3A_137 : memref<1x2x128xi32, #tpu.memory_space<hbm>> -> memref<2x128xi32, #tpu.memory_space<hbm>>
        %dma_start3A_139 = arith.constant 0 : i32
        %dma_start3A_140 = arith.constant 0 : i32
        %dma_start3A_141 = tpu.memref_slice %arg3[%add3A_134, %dma_start3A_139, %dma_start3A_140] : memref<2560x2x128xi32, #tpu.memory_space<hbm>> -> memref<1x2x128xi32, #tpu.memory_space<hbm>>
        %dma_start3A_142 = tpu.memref_squeeze %dma_start3A_141 : memref<1x2x128xi32, #tpu.memory_space<hbm>> -> memref<2x128xi32, #tpu.memory_space<hbm>>
        tpu.enqueue_dma source(%dma_start3A_142 : memref<2x128xi32, #tpu.memory_space<hbm>>) target(%arg7 : memref<2x128xi32, #tpu.memory_space<vmem>>) target_semaphore(%arg15 : memref<!tpu.dma_semaphore, #tpu.memory_space<semaphore_mem>>)
        %mul3A_143 = arith.constant 128 : i32
        %mul3A_144 = arith.muli %add3A_134, %mul3A_143 : i32
        %mul3A_145 = arith.constant 16 : i32
        %mul3A_146 = arith.muli %mul3A_144, %mul3A_145 : i32
        %dma_start3A_147 = tpu.memref_slice %arg4[%mul3A_146] : memref<5242880xf32, #tpu.memory_space<hbm>> -> memref<2048xf32, #tpu.memory_space<hbm>>
        %dma_start3A_148 = tpu.memref_slice %arg4[%mul3A_146] : memref<5242880xf32, #tpu.memory_space<hbm>> -> memref<2048xf32, #tpu.memory_space<hbm>>
        tpu.enqueue_dma source(%dma_start3A_148 : memref<2048xf32, #tpu.memory_space<hbm>>) target(%arg9 : memref<2048xf32, #tpu.memory_space<vmem>>) target_semaphore(%arg15 : memref<!tpu.dma_semaphore, #tpu.memory_space<semaphore_mem>>)
      } else {
      }
    }
    %scan3A_59 = arith.constant 40 : i32
    %barrier3A_60 = arith.constant 0 : index
    tpu.barrier barrier_id(%barrier3A_60)
    %mul3A_61 = arith.constant 640 : i32
    %mul3A_62 = arith.muli %arg1, %mul3A_61 : i32
    %add3A_63 = arith.constant 0 : i32
    %add3A_64 = arith.addi %mul3A_62, %add3A_63 : i32
    "tpu.region"() ({
      %run_scoped3A = tpu.sem_alloc : memref<!tpu.dma_semaphore, #tpu.memory_space<semaphore_mem>>
      %dma_start3A_81 = arith.constant 0 : i32
      %dma_start3A_82 = arith.constant 0 : i32
      %dma_start3A_83 = tpu.memref_slice %arg5[%arg0, %dma_start3A_81, %dma_start3A_82] : memref<2x10240x128xf32, #tpu.memory_space<hbm>> -> memref<1x10240x128xf32, #tpu.memory_space<hbm>>
      %dma_start3A_84 = tpu.memref_squeeze %dma_start3A_83 : memref<1x10240x128xf32, #tpu.memory_space<hbm>> -> memref<10240x128xf32, #tpu.memory_space<hbm>>
      %dma_start3A_85 = arith.constant 0 : i32
      %dma_start3A_86 = tpu.memref_slice %dma_start3A_84[%add3A_64, %dma_start3A_85] : memref<10240x128xf32, #tpu.memory_space<hbm>> -> memref<128x128xf32, #tpu.memory_space<hbm>>
      %dma_start3A_87 = arith.constant 0 : i32
      %dma_start3A_88 = tpu.memref_slice %arg12[%add3A_64, %dma_start3A_87] : memref<10240x128xf32, #tpu.memory_space<vmem_shared>> -> memref<128x128xf32, #tpu.memory_space<vmem_shared>>
      tpu.enqueue_dma source(%dma_start3A_88 : memref<128x128xf32, #tpu.memory_space<vmem_shared>>) target(%dma_start3A_86 : memref<128x128xf32, #tpu.memory_space<hbm>>) target_semaphore(%run_scoped3A : memref<!tpu.dma_semaphore, #tpu.memory_space<semaphore_mem>>)
      %dma_wait3A = arith.constant 0 : i32
      %dma_wait3A_89 = arith.constant 0 : i32
      %dma_wait3A_90 = tpu.memref_slice %arg5[%arg0, %dma_wait3A, %dma_wait3A_89] : memref<2x10240x128xf32, #tpu.memory_space<hbm>> -> memref<1x10240x128xf32, #tpu.memory_space<hbm>>
      %dma_wait3A_91 = tpu.memref_squeeze %dma_wait3A_90 : memref<1x10240x128xf32, #tpu.memory_space<hbm>> -> memref<10240x128xf32, #tpu.memory_space<hbm>>
      %dma_wait3A_92 = arith.constant 0 : i32
      %dma_wait3A_93 = tpu.memref_slice %dma_wait3A_91[%add3A_64, %dma_wait3A_92] : memref<10240x128xf32, #tpu.memory_space<hbm>> -> memref<128x128xf32, #tpu.memory_space<hbm>>
      %dma_wait3A_94 = arith.constant 0 : i32
      %dma_wait3A_95 = tpu.memref_slice %arg12[%add3A_64, %dma_wait3A_94] : memref<10240x128xf32, #tpu.memory_space<vmem_shared>> -> memref<128x128xf32, #tpu.memory_space<vmem_shared>>
      tpu.wait_dma2 semaphore(%run_scoped3A : memref<!tpu.dma_semaphore, #tpu.memory_space<semaphore_mem>>) src(%dma_wait3A_95 : memref<128x128xf32, #tpu.memory_space<vmem_shared>>) dst(%dma_wait3A_93 : memref<128x128xf32, #tpu.memory_space<hbm>>)
      tpu.yield
    }) : () -> ()
    %mul3A_65 = arith.constant 640 : i32
    %mul3A_66 = arith.muli %arg1, %mul3A_65 : i32
    %add3A_67 = arith.constant 128 : i32
    %add3A_68 = arith.addi %mul3A_66, %add3A_67 : i32
    "tpu.region"() ({
      %run_scoped3A = tpu.sem_alloc : memref<!tpu.dma_semaphore, #tpu.memory_space<semaphore_mem>>
      %dma_start3A_81 = arith.constant 0 : i32
      %dma_start3A_82 = arith.constant 0 : i32
      %dma_start3A_83 = tpu.memref_slice %arg5[%arg0, %dma_start3A_81, %dma_start3A_82] : memref<2x10240x128xf32, #tpu.memory_space<hbm>> -> memref<1x10240x128xf32, #tpu.memory_space<hbm>>
      %dma_start3A_84 = tpu.memref_squeeze %dma_start3A_83 : memref<1x10240x128xf32, #tpu.memory_space<hbm>> -> memref<10240x128xf32, #tpu.memory_space<hbm>>
      %dma_start3A_85 = arith.constant 0 : i32
      %dma_start3A_86 = tpu.memref_slice %dma_start3A_84[%add3A_68, %dma_start3A_85] : memref<10240x128xf32, #tpu.memory_space<hbm>> -> memref<128x128xf32, #tpu.memory_space<hbm>>
      %dma_start3A_87 = arith.constant 0 : i32
      %dma_start3A_88 = tpu.memref_slice %arg12[%add3A_68, %dma_start3A_87] : memref<10240x128xf32, #tpu.memory_space<vmem_shared>> -> memref<128x128xf32, #tpu.memory_space<vmem_shared>>
      tpu.enqueue_dma source(%dma_start3A_88 : memref<128x128xf32, #tpu.memory_space<vmem_shared>>) target(%dma_start3A_86 : memref<128x128xf32, #tpu.memory_space<hbm>>) target_semaphore(%run_scoped3A : memref<!tpu.dma_semaphore, #tpu.memory_space<semaphore_mem>>)
      %dma_wait3A = arith.constant 0 : i32
      %dma_wait3A_89 = arith.constant 0 : i32
      %dma_wait3A_90 = tpu.memref_slice %arg5[%arg0, %dma_wait3A, %dma_wait3A_89] : memref<2x10240x128xf32, #tpu.memory_space<hbm>> -> memref<1x10240x128xf32, #tpu.memory_space<hbm>>
      %dma_wait3A_91 = tpu.memref_squeeze %dma_wait3A_90 : memref<1x10240x128xf32, #tpu.memory_space<hbm>> -> memref<10240x128xf32, #tpu.memory_space<hbm>>
      %dma_wait3A_92 = arith.constant 0 : i32
      %dma_wait3A_93 = tpu.memref_slice %dma_wait3A_91[%add3A_68, %dma_wait3A_92] : memref<10240x128xf32, #tpu.memory_space<hbm>> -> memref<128x128xf32, #tpu.memory_space<hbm>>
      %dma_wait3A_94 = arith.constant 0 : i32
      %dma_wait3A_95 = tpu.memref_slice %arg12[%add3A_68, %dma_wait3A_94] : memref<10240x128xf32, #tpu.memory_space<vmem_shared>> -> memref<128x128xf32, #tpu.memory_space<vmem_shared>>
      tpu.wait_dma2 semaphore(%run_scoped3A : memref<!tpu.dma_semaphore, #tpu.memory_space<semaphore_mem>>) src(%dma_wait3A_95 : memref<128x128xf32, #tpu.memory_space<vmem_shared>>) dst(%dma_wait3A_93 : memref<128x128xf32, #tpu.memory_space<hbm>>)
      tpu.yield
    }) : () -> ()
    %mul3A_69 = arith.constant 640 : i32
    %mul3A_70 = arith.muli %arg1, %mul3A_69 : i32
    %add3A_71 = arith.constant 256 : i32
    %add3A_72 = arith.addi %mul3A_70, %add3A_71 : i32
    "tpu.region"() ({
      %run_scoped3A = tpu.sem_alloc : memref<!tpu.dma_semaphore, #tpu.memory_space<semaphore_mem>>
      %dma_start3A_81 = arith.constant 0 : i32
      %dma_start3A_82 = arith.constant 0 : i32
      %dma_start3A_83 = tpu.memref_slice %arg5[%arg0, %dma_start3A_81, %dma_start3A_82] : memref<2x10240x128xf32, #tpu.memory_space<hbm>> -> memref<1x10240x128xf32, #tpu.memory_space<hbm>>
      %dma_start3A_84 = tpu.memref_squeeze %dma_start3A_83 : memref<1x10240x128xf32, #tpu.memory_space<hbm>> -> memref<10240x128xf32, #tpu.memory_space<hbm>>
      %dma_start3A_85 = arith.constant 0 : i32
      %dma_start3A_86 = tpu.memref_slice %dma_start3A_84[%add3A_72, %dma_start3A_85] : memref<10240x128xf32, #tpu.memory_space<hbm>> -> memref<128x128xf32, #tpu.memory_space<hbm>>
      %dma_start3A_87 = arith.constant 0 : i32
      %dma_start3A_88 = tpu.memref_slice %arg12[%add3A_72, %dma_start3A_87] : memref<10240x128xf32, #tpu.memory_space<vmem_shared>> -> memref<128x128xf32, #tpu.memory_space<vmem_shared>>
      tpu.enqueue_dma source(%dma_start3A_88 : memref<128x128xf32, #tpu.memory_space<vmem_shared>>) target(%dma_start3A_86 : memref<128x128xf32, #tpu.memory_space<hbm>>) target_semaphore(%run_scoped3A : memref<!tpu.dma_semaphore, #tpu.memory_space<semaphore_mem>>)
      %dma_wait3A = arith.constant 0 : i32
      %dma_wait3A_89 = arith.constant 0 : i32
      %dma_wait3A_90 = tpu.memref_slice %arg5[%arg0, %dma_wait3A, %dma_wait3A_89] : memref<2x10240x128xf32, #tpu.memory_space<hbm>> -> memref<1x10240x128xf32, #tpu.memory_space<hbm>>
      %dma_wait3A_91 = tpu.memref_squeeze %dma_wait3A_90 : memref<1x10240x128xf32, #tpu.memory_space<hbm>> -> memref<10240x128xf32, #tpu.memory_space<hbm>>
      %dma_wait3A_92 = arith.constant 0 : i32
      %dma_wait3A_93 = tpu.memref_slice %dma_wait3A_91[%add3A_72, %dma_wait3A_92] : memref<10240x128xf32, #tpu.memory_space<hbm>> -> memref<128x128xf32, #tpu.memory_space<hbm>>
      %dma_wait3A_94 = arith.constant 0 : i32
      %dma_wait3A_95 = tpu.memref_slice %arg12[%add3A_72, %dma_wait3A_94] : memref<10240x128xf32, #tpu.memory_space<vmem_shared>> -> memref<128x128xf32, #tpu.memory_space<vmem_shared>>
      tpu.wait_dma2 semaphore(%run_scoped3A : memref<!tpu.dma_semaphore, #tpu.memory_space<semaphore_mem>>) src(%dma_wait3A_95 : memref<128x128xf32, #tpu.memory_space<vmem_shared>>) dst(%dma_wait3A_93 : memref<128x128xf32, #tpu.memory_space<hbm>>)
      tpu.yield
    }) : () -> ()
    %mul3A_73 = arith.constant 640 : i32
    %mul3A_74 = arith.muli %arg1, %mul3A_73 : i32
    %add3A_75 = arith.constant 384 : i32
    %add3A_76 = arith.addi %mul3A_74, %add3A_75 : i32
    "tpu.region"() ({
      %run_scoped3A = tpu.sem_alloc : memref<!tpu.dma_semaphore, #tpu.memory_space<semaphore_mem>>
      %dma_start3A_81 = arith.constant 0 : i32
      %dma_start3A_82 = arith.constant 0 : i32
      %dma_start3A_83 = tpu.memref_slice %arg5[%arg0, %dma_start3A_81, %dma_start3A_82] : memref<2x10240x128xf32, #tpu.memory_space<hbm>> -> memref<1x10240x128xf32, #tpu.memory_space<hbm>>
      %dma_start3A_84 = tpu.memref_squeeze %dma_start3A_83 : memref<1x10240x128xf32, #tpu.memory_space<hbm>> -> memref<10240x128xf32, #tpu.memory_space<hbm>>
      %dma_start3A_85 = arith.constant 0 : i32
      %dma_start3A_86 = tpu.memref_slice %dma_start3A_84[%add3A_76, %dma_start3A_85] : memref<10240x128xf32, #tpu.memory_space<hbm>> -> memref<128x128xf32, #tpu.memory_space<hbm>>
      %dma_start3A_87 = arith.constant 0 : i32
      %dma_start3A_88 = tpu.memref_slice %arg12[%add3A_76, %dma_start3A_87] : memref<10240x128xf32, #tpu.memory_space<vmem_shared>> -> memref<128x128xf32, #tpu.memory_space<vmem_shared>>
      tpu.enqueue_dma source(%dma_start3A_88 : memref<128x128xf32, #tpu.memory_space<vmem_shared>>) target(%dma_start3A_86 : memref<128x128xf32, #tpu.memory_space<hbm>>) target_semaphore(%run_scoped3A : memref<!tpu.dma_semaphore, #tpu.memory_space<semaphore_mem>>)
      %dma_wait3A = arith.constant 0 : i32
      %dma_wait3A_89 = arith.constant 0 : i32
      %dma_wait3A_90 = tpu.memref_slice %arg5[%arg0, %dma_wait3A, %dma_wait3A_89] : memref<2x10240x128xf32, #tpu.memory_space<hbm>> -> memref<1x10240x128xf32, #tpu.memory_space<hbm>>
      %dma_wait3A_91 = tpu.memref_squeeze %dma_wait3A_90 : memref<1x10240x128xf32, #tpu.memory_space<hbm>> -> memref<10240x128xf32, #tpu.memory_space<hbm>>
      %dma_wait3A_92 = arith.constant 0 : i32
      %dma_wait3A_93 = tpu.memref_slice %dma_wait3A_91[%add3A_76, %dma_wait3A_92] : memref<10240x128xf32, #tpu.memory_space<hbm>> -> memref<128x128xf32, #tpu.memory_space<hbm>>
      %dma_wait3A_94 = arith.constant 0 : i32
      %dma_wait3A_95 = tpu.memref_slice %arg12[%add3A_76, %dma_wait3A_94] : memref<10240x128xf32, #tpu.memory_space<vmem_shared>> -> memref<128x128xf32, #tpu.memory_space<vmem_shared>>
      tpu.wait_dma2 semaphore(%run_scoped3A : memref<!tpu.dma_semaphore, #tpu.memory_space<semaphore_mem>>) src(%dma_wait3A_95 : memref<128x128xf32, #tpu.memory_space<vmem_shared>>) dst(%dma_wait3A_93 : memref<128x128xf32, #tpu.memory_space<hbm>>)
      tpu.yield
    }) : () -> ()
    %mul3A_77 = arith.constant 640 : i32
    %mul3A_78 = arith.muli %arg1, %mul3A_77 : i32
    %add3A_79 = arith.constant 512 : i32
    %add3A_80 = arith.addi %mul3A_78, %add3A_79 : i32
    "tpu.region"() ({
      %run_scoped3A = tpu.sem_alloc : memref<!tpu.dma_semaphore, #tpu.memory_space<semaphore_mem>>
      %dma_start3A_81 = arith.constant 0 : i32
      %dma_start3A_82 = arith.constant 0 : i32
      %dma_start3A_83 = tpu.memref_slice %arg5[%arg0, %dma_start3A_81, %dma_start3A_82] : memref<2x10240x128xf32, #tpu.memory_space<hbm>> -> memref<1x10240x128xf32, #tpu.memory_space<hbm>>
      %dma_start3A_84 = tpu.memref_squeeze %dma_start3A_83 : memref<1x10240x128xf32, #tpu.memory_space<hbm>> -> memref<10240x128xf32, #tpu.memory_space<hbm>>
      %dma_start3A_85 = arith.constant 0 : i32
      %dma_start3A_86 = tpu.memref_slice %dma_start3A_84[%add3A_80, %dma_start3A_85] : memref<10240x128xf32, #tpu.memory_space<hbm>> -> memref<128x128xf32, #tpu.memory_space<hbm>>
      %dma_start3A_87 = arith.constant 0 : i32
      %dma_start3A_88 = tpu.memref_slice %arg12[%add3A_80, %dma_start3A_87] : memref<10240x128xf32, #tpu.memory_space<vmem_shared>> -> memref<128x128xf32, #tpu.memory_space<vmem_shared>>
      tpu.enqueue_dma source(%dma_start3A_88 : memref<128x128xf32, #tpu.memory_space<vmem_shared>>) target(%dma_start3A_86 : memref<128x128xf32, #tpu.memory_space<hbm>>) target_semaphore(%run_scoped3A : memref<!tpu.dma_semaphore, #tpu.memory_space<semaphore_mem>>)
      %dma_wait3A = arith.constant 0 : i32
      %dma_wait3A_89 = arith.constant 0 : i32
      %dma_wait3A_90 = tpu.memref_slice %arg5[%arg0, %dma_wait3A, %dma_wait3A_89] : memref<2x10240x128xf32, #tpu.memory_space<hbm>> -> memref<1x10240x128xf32, #tpu.memory_space<hbm>>
      %dma_wait3A_91 = tpu.memref_squeeze %dma_wait3A_90 : memref<1x10240x128xf32, #tpu.memory_space<hbm>> -> memref<10240x128xf32, #tpu.memory_space<hbm>>
      %dma_wait3A_92 = arith.constant 0 : i32
      %dma_wait3A_93 = tpu.memref_slice %dma_wait3A_91[%add3A_80, %dma_wait3A_92] : memref<10240x128xf32, #tpu.memory_space<hbm>> -> memref<128x128xf32, #tpu.memory_space<hbm>>
      %dma_wait3A_94 = arith.constant 0 : i32
      %dma_wait3A_95 = tpu.memref_slice %arg12[%add3A_80, %dma_wait3A_94] : memref<10240x128xf32, #tpu.memory_space<vmem_shared>> -> memref<128x128xf32, #tpu.memory_space<vmem_shared>>
      tpu.wait_dma2 semaphore(%run_scoped3A : memref<!tpu.dma_semaphore, #tpu.memory_space<semaphore_mem>>) src(%dma_wait3A_95 : memref<128x128xf32, #tpu.memory_space<vmem_shared>>) dst(%dma_wait3A_93 : memref<128x128xf32, #tpu.memory_space<hbm>>)
      tpu.yield
    }) : () -> ()
    return
  }
}

#map = affine_map<(d0, d1) -> (0, 0)>
#map1 = affine_map<(d0, d1) -> (0, 0, 0)>
#map2 = affine_map<(d0, d1) -> (0)>
module attributes {stable_mosaic.version = 14 : i64} {
  func.func @layer_kernel(%arg0: i32, %arg1: i32, %arg2: memref<10000x128xf32, #tpu.memory_space<hbm>>, %arg3: memref<2560x2x128xi32, #tpu.memory_space<hbm>>, %arg4: memref<5242880xf32, #tpu.memory_space<hbm>>, %arg5: memref<2x10240x128xf32, #tpu.memory_space<hbm>>, %arg6: memref<2x128xi32, #tpu.memory_space<vmem>>, %arg7: memref<2x128xi32, #tpu.memory_space<vmem>>, %arg8: memref<2048xf32, #tpu.memory_space<vmem>>, %arg9: memref<2048xf32, #tpu.memory_space<vmem>>, %arg10: memref<128x128xf32, #tpu.memory_space<vmem>>, %arg11: memref<128x128xf32, #tpu.memory_space<vmem>>, %arg12: memref<10240x128xf32, #tpu.memory_space<vmem_shared>>, %arg13: memref<!tpu.dma_semaphore, #tpu.memory_space<semaphore_mem>>, %arg14: memref<!tpu.dma_semaphore, #tpu.memory_space<semaphore_mem>>, %arg15: memref<!tpu.dma_semaphore, #tpu.memory_space<semaphore_mem>>) attributes {dimension_semantics = [#tpu.dimension_semantics<core_parallel>, #tpu.dimension_semantics<subcore_parallel>], iteration_bounds = array<i64: 2, 16>, scalar_prefetch = 0 : i64, scratch_operands = 10 : i64, tpu.core_type = #tpu.core_type<sc_vector_subcore>, window_params = [{transform_indices = #map}, {transform_indices = #map1}, {transform_indices = #map2}, {transform_indices = #map1}]} {
    %mul3A = arith.constant 16 : i32
    %mul3A_0 = arith.muli %arg0, %mul3A : i32
    %add3A = arith.addi %mul3A_0, %arg1 : i32
    %scan3A = arith.constant 0 : i32
    %scan3A_1 = arith.constant 128 : i32
    %scan3A_2 = arith.addi %scan3A, %scan3A_1 : i32
    %scan3A_3 = arith.constant 1 : i32
    scf.for %scan3A_81 = %scan3A to %scan3A_2 step %scan3A_3  : i32 {
      %mul3A_82 = arith.constant 1 : i32
      %mul3A_83 = arith.muli %scan3A_81, %mul3A_82 : i32
      %add3A_84 = arith.constant 0 : i32
      %add3A_85 = arith.addi %add3A_84, %mul3A_83 : i32
      %broadcast_in_dim3A = arith.constant 0.000000e+00 : f32
      %broadcast_in_dim3A_86 = vector.broadcast %broadcast_in_dim3A : f32 to vector<16xf32>
      %swap3A = arith.index_cast %add3A_85 : i32 to index
      %swap3A_87 = arith.constant 0 : index
      %swap3A_88 = tpu.vector_load %arg10[%swap3A, %swap3A_87] {strides = array<i32>} : memref<128x128xf32, #tpu.memory_space<vmem>>, vector<1x16xf32>,
      %swap3A_89 = vector.shape_cast %swap3A_88 : vector<1x16xf32> to vector<16xf32>
      %swap3A_90 = vector.shape_cast %broadcast_in_dim3A_86 : vector<16xf32> to vector<1x16xf32>
      tpu.vector_store %arg10[%swap3A, %swap3A_87], %swap3A_90 {strides = array<i32>} : memref<128x128xf32, #tpu.memory_space<vmem>>, vector<1x16xf32>,
      %broadcast_in_dim3A_91 = arith.constant 0.000000e+00 : f32
      %broadcast_in_dim3A_92 = vector.broadcast %broadcast_in_dim3A_91 : f32 to vector<16xf32>
      %swap3A_93 = arith.index_cast %add3A_85 : i32 to index
      %swap3A_94 = arith.constant 16 : index
      %swap3A_95 = tpu.vector_load %arg10[%swap3A_93, %swap3A_94] {strides = array<i32>} : memref<128x128xf32, #tpu.memory_space<vmem>>, vector<1x16xf32>,
      %swap3A_96 = vector.shape_cast %swap3A_95 : vector<1x16xf32> to vector<16xf32>
      %swap3A_97 = vector.shape_cast %broadcast_in_dim3A_92 : vector<16xf32> to vector<1x16xf32>
      tpu.vector_store %arg10[%swap3A_93, %swap3A_94], %swap3A_97 {strides = array<i32>} : memref<128x128xf32, #tpu.memory_space<vmem>>, vector<1x16xf32>,
      %broadcast_in_dim3A_98 = arith.constant 0.000000e+00 : f32
      %broadcast_in_dim3A_99 = vector.broadcast %broadcast_in_dim3A_98 : f32 to vector<16xf32>
      %swap3A_100 = arith.index_cast %add3A_85 : i32 to index
      %swap3A_101 = arith.constant 32 : index
      %swap3A_102 = tpu.vector_load %arg10[%swap3A_100, %swap3A_101] {strides = array<i32>} : memref<128x128xf32, #tpu.memory_space<vmem>>, vector<1x16xf32>,
      %swap3A_103 = vector.shape_cast %swap3A_102 : vector<1x16xf32> to vector<16xf32>
      %swap3A_104 = vector.shape_cast %broadcast_in_dim3A_99 : vector<16xf32> to vector<1x16xf32>
      tpu.vector_store %arg10[%swap3A_100, %swap3A_101], %swap3A_104 {strides = array<i32>} : memref<128x128xf32, #tpu.memory_space<vmem>>, vector<1x16xf32>,
      %broadcast_in_dim3A_105 = arith.constant 0.000000e+00 : f32
      %broadcast_in_dim3A_106 = vector.broadcast %broadcast_in_dim3A_105 : f32 to vector<16xf32>
      %swap3A_107 = arith.index_cast %add3A_85 : i32 to index
      %swap3A_108 = arith.constant 48 : index
      %swap3A_109 = tpu.vector_load %arg10[%swap3A_107, %swap3A_108] {strides = array<i32>} : memref<128x128xf32, #tpu.memory_space<vmem>>, vector<1x16xf32>,
      %swap3A_110 = vector.shape_cast %swap3A_109 : vector<1x16xf32> to vector<16xf32>
      %swap3A_111 = vector.shape_cast %broadcast_in_dim3A_106 : vector<16xf32> to vector<1x16xf32>
      tpu.vector_store %arg10[%swap3A_107, %swap3A_108], %swap3A_111 {strides = array<i32>} : memref<128x128xf32, #tpu.memory_space<vmem>>, vector<1x16xf32>,
      %broadcast_in_dim3A_112 = arith.constant 0.000000e+00 : f32
      %broadcast_in_dim3A_113 = vector.broadcast %broadcast_in_dim3A_112 : f32 to vector<16xf32>
      %swap3A_114 = arith.index_cast %add3A_85 : i32 to index
      %swap3A_115 = arith.constant 64 : index
      %swap3A_116 = tpu.vector_load %arg10[%swap3A_114, %swap3A_115] {strides = array<i32>} : memref<128x128xf32, #tpu.memory_space<vmem>>, vector<1x16xf32>,
      %swap3A_117 = vector.shape_cast %swap3A_116 : vector<1x16xf32> to vector<16xf32>
      %swap3A_118 = vector.shape_cast %broadcast_in_dim3A_113 : vector<16xf32> to vector<1x16xf32>
      tpu.vector_store %arg10[%swap3A_114, %swap3A_115], %swap3A_118 {strides = array<i32>} : memref<128x128xf32, #tpu.memory_space<vmem>>, vector<1x16xf32>,
      %broadcast_in_dim3A_119 = arith.constant 0.000000e+00 : f32
      %broadcast_in_dim3A_120 = vector.broadcast %broadcast_in_dim3A_119 : f32 to vector<16xf32>
      %swap3A_121 = arith.index_cast %add3A_85 : i32 to index
      %swap3A_122 = arith.constant 80 : index
      %swap3A_123 = tpu.vector_load %arg10[%swap3A_121, %swap3A_122] {strides = array<i32>} : memref<128x128xf32, #tpu.memory_space<vmem>>, vector<1x16xf32>,
      %swap3A_124 = vector.shape_cast %swap3A_123 : vector<1x16xf32> to vector<16xf32>
      %swap3A_125 = vector.shape_cast %broadcast_in_dim3A_120 : vector<16xf32> to vector<1x16xf32>
      tpu.vector_store %arg10[%swap3A_121, %swap3A_122], %swap3A_125 {strides = array<i32>} : memref<128x128xf32, #tpu.memory_space<vmem>>, vector<1x16xf32>,
      %broadcast_in_dim3A_126 = arith.constant 0.000000e+00 : f32
      %broadcast_in_dim3A_127 = vector.broadcast %broadcast_in_dim3A_126 : f32 to vector<16xf32>
      %swap3A_128 = arith.index_cast %add3A_85 : i32 to index
      %swap3A_129 = arith.constant 96 : index
      %swap3A_130 = tpu.vector_load %arg10[%swap3A_128, %swap3A_129] {strides = array<i32>} : memref<128x128xf32, #tpu.memory_space<vmem>>, vector<1x16xf32>,
      %swap3A_131 = vector.shape_cast %swap3A_130 : vector<1x16xf32> to vector<16xf32>
      %swap3A_132 = vector.shape_cast %broadcast_in_dim3A_127 : vector<16xf32> to vector<1x16xf32>
      tpu.vector_store %arg10[%swap3A_128, %swap3A_129], %swap3A_132 {strides = array<i32>} : memref<128x128xf32, #tpu.memory_space<vmem>>, vector<1x16xf32>,
      %broadcast_in_dim3A_133 = arith.constant 0.000000e+00 : f32
      %broadcast_in_dim3A_134 = vector.broadcast %broadcast_in_dim3A_133 : f32 to vector<16xf32>
      %swap3A_135 = arith.index_cast %add3A_85 : i32 to index
      %swap3A_136 = arith.constant 112 : index
      %swap3A_137 = tpu.vector_load %arg10[%swap3A_135, %swap3A_136] {strides = array<i32>} : memref<128x128xf32, #tpu.memory_space<vmem>>, vector<1x16xf32>,
      %swap3A_138 = vector.shape_cast %swap3A_137 : vector<1x16xf32> to vector<16xf32>
      %swap3A_139 = vector.shape_cast %broadcast_in_dim3A_134 : vector<16xf32> to vector<1x16xf32>
      tpu.vector_store %arg10[%swap3A_135, %swap3A_136], %swap3A_139 {strides = array<i32>} : memref<128x128xf32, #tpu.memory_space<vmem>>, vector<1x16xf32>,
    }
    %scan3A_4 = arith.constant 128 : i32
    %mul3A_5 = arith.constant 640 : i32
    %mul3A_6 = arith.muli %arg1, %mul3A_5 : i32
    %add3A_7 = arith.constant 0 : i32
    %add3A_8 = arith.addi %mul3A_6, %add3A_7 : i32
    "tpu.region"() ({
      %run_scoped3A = tpu.sem_alloc : memref<!tpu.dma_semaphore, #tpu.memory_space<semaphore_mem>>
      %dma_start3A_81 = arith.constant 0 : i32
      %dma_start3A_82 = tpu.memref_slice %arg12[%add3A_8, %dma_start3A_81] : memref<10240x128xf32, #tpu.memory_space<vmem_shared>> -> memref<128x128xf32, #tpu.memory_space<vmem_shared>>
      %dma_start3A_83 = arith.constant 0 : i32
      %dma_start3A_84 = tpu.memref_slice %arg12[%add3A_8, %dma_start3A_83] : memref<10240x128xf32, #tpu.memory_space<vmem_shared>> -> memref<128x128xf32, #tpu.memory_space<vmem_shared>>
      tpu.enqueue_dma source(%arg10 : memref<128x128xf32, #tpu.memory_space<vmem>>) target(%dma_start3A_84 : memref<128x128xf32, #tpu.memory_space<vmem_shared>>) target_semaphore(%run_scoped3A : memref<!tpu.dma_semaphore, #tpu.memory_space<semaphore_mem>>)
      %dma_wait3A = arith.constant 0 : i32
      %dma_wait3A_85 = tpu.memref_slice %arg12[%add3A_8, %dma_wait3A] : memref<10240x128xf32, #tpu.memory_space<vmem_shared>> -> memref<128x128xf32, #tpu.memory_space<vmem_shared>>
      %dma_wait3A_86 = arith.constant 0 : i32
      %dma_wait3A_87 = tpu.memref_slice %arg12[%add3A_8, %dma_wait3A_86] : memref<10240x128xf32, #tpu.memory_space<vmem_shared>> -> memref<128x128xf32, #tpu.memory_space<vmem_shared>>
      tpu.wait_dma2 semaphore(%run_scoped3A : memref<!tpu.dma_semaphore, #tpu.memory_space<semaphore_mem>>) src(%arg10 : memref<128x128xf32, #tpu.memory_space<vmem>>) dst(%dma_wait3A_87 : memref<128x128xf32, #tpu.memory_space<vmem_shared>>)
      tpu.yield
    }) : () -> ()
    %mul3A_9 = arith.constant 640 : i32
    %mul3A_10 = arith.muli %arg1, %mul3A_9 : i32
    %add3A_11 = arith.constant 128 : i32
    %add3A_12 = arith.addi %mul3A_10, %add3A_11 : i32
    "tpu.region"() ({
      %run_scoped3A = tpu.sem_alloc : memref<!tpu.dma_semaphore, #tpu.memory_space<semaphore_mem>>
      %dma_start3A_81 = arith.constant 0 : i32
      %dma_start3A_82 = tpu.memref_slice %arg12[%add3A_12, %dma_start3A_81] : memref<10240x128xf32, #tpu.memory_space<vmem_shared>> -> memref<128x128xf32, #tpu.memory_space<vmem_shared>>
      %dma_start3A_83 = arith.constant 0 : i32
      %dma_start3A_84 = tpu.memref_slice %arg12[%add3A_12, %dma_start3A_83] : memref<10240x128xf32, #tpu.memory_space<vmem_shared>> -> memref<128x128xf32, #tpu.memory_space<vmem_shared>>
      tpu.enqueue_dma source(%arg10 : memref<128x128xf32, #tpu.memory_space<vmem>>) target(%dma_start3A_84 : memref<128x128xf32, #tpu.memory_space<vmem_shared>>) target_semaphore(%run_scoped3A : memref<!tpu.dma_semaphore, #tpu.memory_space<semaphore_mem>>)
      %dma_wait3A = arith.constant 0 : i32
      %dma_wait3A_85 = tpu.memref_slice %arg12[%add3A_12, %dma_wait3A] : memref<10240x128xf32, #tpu.memory_space<vmem_shared>> -> memref<128x128xf32, #tpu.memory_space<vmem_shared>>
      %dma_wait3A_86 = arith.constant 0 : i32
      %dma_wait3A_87 = tpu.memref_slice %arg12[%add3A_12, %dma_wait3A_86] : memref<10240x128xf32, #tpu.memory_space<vmem_shared>> -> memref<128x128xf32, #tpu.memory_space<vmem_shared>>
      tpu.wait_dma2 semaphore(%run_scoped3A : memref<!tpu.dma_semaphore, #tpu.memory_space<semaphore_mem>>) src(%arg10 : memref<128x128xf32, #tpu.memory_space<vmem>>) dst(%dma_wait3A_87 : memref<128x128xf32, #tpu.memory_space<vmem_shared>>)
      tpu.yield
    }) : () -> ()
    %mul3A_13 = arith.constant 640 : i32
    %mul3A_14 = arith.muli %arg1, %mul3A_13 : i32
    %add3A_15 = arith.constant 256 : i32
    %add3A_16 = arith.addi %mul3A_14, %add3A_15 : i32
    "tpu.region"() ({
      %run_scoped3A = tpu.sem_alloc : memref<!tpu.dma_semaphore, #tpu.memory_space<semaphore_mem>>
      %dma_start3A_81 = arith.constant 0 : i32
      %dma_start3A_82 = tpu.memref_slice %arg12[%add3A_16, %dma_start3A_81] : memref<10240x128xf32, #tpu.memory_space<vmem_shared>> -> memref<128x128xf32, #tpu.memory_space<vmem_shared>>
      %dma_start3A_83 = arith.constant 0 : i32
      %dma_start3A_84 = tpu.memref_slice %arg12[%add3A_16, %dma_start3A_83] : memref<10240x128xf32, #tpu.memory_space<vmem_shared>> -> memref<128x128xf32, #tpu.memory_space<vmem_shared>>
      tpu.enqueue_dma source(%arg10 : memref<128x128xf32, #tpu.memory_space<vmem>>) target(%dma_start3A_84 : memref<128x128xf32, #tpu.memory_space<vmem_shared>>) target_semaphore(%run_scoped3A : memref<!tpu.dma_semaphore, #tpu.memory_space<semaphore_mem>>)
      %dma_wait3A = arith.constant 0 : i32
      %dma_wait3A_85 = tpu.memref_slice %arg12[%add3A_16, %dma_wait3A] : memref<10240x128xf32, #tpu.memory_space<vmem_shared>> -> memref<128x128xf32, #tpu.memory_space<vmem_shared>>
      %dma_wait3A_86 = arith.constant 0 : i32
      %dma_wait3A_87 = tpu.memref_slice %arg12[%add3A_16, %dma_wait3A_86] : memref<10240x128xf32, #tpu.memory_space<vmem_shared>> -> memref<128x128xf32, #tpu.memory_space<vmem_shared>>
      tpu.wait_dma2 semaphore(%run_scoped3A : memref<!tpu.dma_semaphore, #tpu.memory_space<semaphore_mem>>) src(%arg10 : memref<128x128xf32, #tpu.memory_space<vmem>>) dst(%dma_wait3A_87 : memref<128x128xf32, #tpu.memory_space<vmem_shared>>)
      tpu.yield
    }) : () -> ()
    %mul3A_17 = arith.constant 640 : i32
    %mul3A_18 = arith.muli %arg1, %mul3A_17 : i32
    %add3A_19 = arith.constant 384 : i32
    %add3A_20 = arith.addi %mul3A_18, %add3A_19 : i32
    "tpu.region"() ({
      %run_scoped3A = tpu.sem_alloc : memref<!tpu.dma_semaphore, #tpu.memory_space<semaphore_mem>>
      %dma_start3A_81 = arith.constant 0 : i32
      %dma_start3A_82 = tpu.memref_slice %arg12[%add3A_20, %dma_start3A_81] : memref<10240x128xf32, #tpu.memory_space<vmem_shared>> -> memref<128x128xf32, #tpu.memory_space<vmem_shared>>
      %dma_start3A_83 = arith.constant 0 : i32
      %dma_start3A_84 = tpu.memref_slice %arg12[%add3A_20, %dma_start3A_83] : memref<10240x128xf32, #tpu.memory_space<vmem_shared>> -> memref<128x128xf32, #tpu.memory_space<vmem_shared>>
      tpu.enqueue_dma source(%arg10 : memref<128x128xf32, #tpu.memory_space<vmem>>) target(%dma_start3A_84 : memref<128x128xf32, #tpu.memory_space<vmem_shared>>) target_semaphore(%run_scoped3A : memref<!tpu.dma_semaphore, #tpu.memory_space<semaphore_mem>>)
      %dma_wait3A = arith.constant 0 : i32
      %dma_wait3A_85 = tpu.memref_slice %arg12[%add3A_20, %dma_wait3A] : memref<10240x128xf32, #tpu.memory_space<vmem_shared>> -> memref<128x128xf32, #tpu.memory_space<vmem_shared>>
      %dma_wait3A_86 = arith.constant 0 : i32
      %dma_wait3A_87 = tpu.memref_slice %arg12[%add3A_20, %dma_wait3A_86] : memref<10240x128xf32, #tpu.memory_space<vmem_shared>> -> memref<128x128xf32, #tpu.memory_space<vmem_shared>>
      tpu.wait_dma2 semaphore(%run_scoped3A : memref<!tpu.dma_semaphore, #tpu.memory_space<semaphore_mem>>) src(%arg10 : memref<128x128xf32, #tpu.memory_space<vmem>>) dst(%dma_wait3A_87 : memref<128x128xf32, #tpu.memory_space<vmem_shared>>)
      tpu.yield
    }) : () -> ()
    %mul3A_21 = arith.constant 640 : i32
    %mul3A_22 = arith.muli %arg1, %mul3A_21 : i32
    %add3A_23 = arith.constant 512 : i32
    %add3A_24 = arith.addi %mul3A_22, %add3A_23 : i32
    "tpu.region"() ({
      %run_scoped3A = tpu.sem_alloc : memref<!tpu.dma_semaphore, #tpu.memory_space<semaphore_mem>>
      %dma_start3A_81 = arith.constant 0 : i32
      %dma_start3A_82 = tpu.memref_slice %arg12[%add3A_24, %dma_start3A_81] : memref<10240x128xf32, #tpu.memory_space<vmem_shared>> -> memref<128x128xf32, #tpu.memory_space<vmem_shared>>
      %dma_start3A_83 = arith.constant 0 : i32
      %dma_start3A_84 = tpu.memref_slice %arg12[%add3A_24, %dma_start3A_83] : memref<10240x128xf32, #tpu.memory_space<vmem_shared>> -> memref<128x128xf32, #tpu.memory_space<vmem_shared>>
      tpu.enqueue_dma source(%arg10 : memref<128x128xf32, #tpu.memory_space<vmem>>) target(%dma_start3A_84 : memref<128x128xf32, #tpu.memory_space<vmem_shared>>) target_semaphore(%run_scoped3A : memref<!tpu.dma_semaphore, #tpu.memory_space<semaphore_mem>>)
      %dma_wait3A = arith.constant 0 : i32
      %dma_wait3A_85 = tpu.memref_slice %arg12[%add3A_24, %dma_wait3A] : memref<10240x128xf32, #tpu.memory_space<vmem_shared>> -> memref<128x128xf32, #tpu.memory_space<vmem_shared>>
      %dma_wait3A_86 = arith.constant 0 : i32
      %dma_wait3A_87 = tpu.memref_slice %arg12[%add3A_24, %dma_wait3A_86] : memref<10240x128xf32, #tpu.memory_space<vmem_shared>> -> memref<128x128xf32, #tpu.memory_space<vmem_shared>>
      tpu.wait_dma2 semaphore(%run_scoped3A : memref<!tpu.dma_semaphore, #tpu.memory_space<semaphore_mem>>) src(%arg10 : memref<128x128xf32, #tpu.memory_space<vmem>>) dst(%dma_wait3A_87 : memref<128x128xf32, #tpu.memory_space<vmem_shared>>)
      tpu.yield
    }) : () -> ()
    %barrier3A = arith.constant 0 : index
    tpu.barrier barrier_id(%barrier3A)
    %mul3A_25 = arith.constant 80 : i32
    %mul3A_26 = arith.muli %add3A, %mul3A_25 : i32
    "tpu.region"() ({
      %run_scoped3A = tpu.sem_alloc : memref<!tpu.dma_semaphore, #tpu.memory_space<semaphore_mem>>
      %dma_start3A_81 = arith.constant 0 : i32
      %dma_start3A_82 = arith.constant 0 : i32
      %dma_start3A_83 = tpu.memref_slice %arg3[%mul3A_26, %dma_start3A_81, %dma_start3A_82] : memref<2560x2x128xi32, #tpu.memory_space<hbm>> -> memref<1x2x128xi32, #tpu.memory_space<hbm>>
      %dma_start3A_84 = tpu.memref_squeeze %dma_start3A_83 : memref<1x2x128xi32, #tpu.memory_space<hbm>> -> memref<2x128xi32, #tpu.memory_space<hbm>>
      %dma_start3A_85 = arith.constant 0 : i32
      %dma_start3A_86 = arith.constant 0 : i32
      %dma_start3A_87 = tpu.memref_slice %arg3[%mul3A_26, %dma_start3A_85, %dma_start3A_86] : memref<2560x2x128xi32, #tpu.memory_space<hbm>> -> memref<1x2x128xi32, #tpu.memory_space<hbm>>
      %dma_start3A_88 = tpu.memref_squeeze %dma_start3A_87 : memref<1x2x128xi32, #tpu.memory_space<hbm>> -> memref<2x128xi32, #tpu.memory_space<hbm>>
      tpu.enqueue_dma source(%dma_start3A_88 : memref<2x128xi32, #tpu.memory_space<hbm>>) target(%arg6 : memref<2x128xi32, #tpu.memory_space<vmem>>) target_semaphore(%run_scoped3A : memref<!tpu.dma_semaphore, #tpu.memory_space<semaphore_mem>>)
      %dma_wait3A = arith.constant 0 : i32
      %dma_wait3A_89 = arith.constant 0 : i32
      %dma_wait3A_90 = tpu.memref_slice %arg3[%mul3A_26, %dma_wait3A, %dma_wait3A_89] : memref<2560x2x128xi32, #tpu.memory_space<hbm>> -> memref<1x2x128xi32, #tpu.memory_space<hbm>>
      %dma_wait3A_91 = tpu.memref_squeeze %dma_wait3A_90 : memref<1x2x128xi32, #tpu.memory_space<hbm>> -> memref<2x128xi32, #tpu.memory_space<hbm>>
      %dma_wait3A_92 = arith.constant 0 : i32
      %dma_wait3A_93 = arith.constant 0 : i32
      %dma_wait3A_94 = tpu.memref_slice %arg3[%mul3A_26, %dma_wait3A_92, %dma_wait3A_93] : memref<2560x2x128xi32, #tpu.memory_space<hbm>> -> memref<1x2x128xi32, #tpu.memory_space<hbm>>
      %dma_wait3A_95 = tpu.memref_squeeze %dma_wait3A_94 : memref<1x2x128xi32, #tpu.memory_space<hbm>> -> memref<2x128xi32, #tpu.memory_space<hbm>>
      tpu.wait_dma2 semaphore(%run_scoped3A : memref<!tpu.dma_semaphore, #tpu.memory_space<semaphore_mem>>) src(%dma_wait3A_95 : memref<2x128xi32, #tpu.memory_space<hbm>>) dst(%arg6 : memref<2x128xi32, #tpu.memory_space<vmem>>)
      tpu.yield
    }) : () -> ()
    %mul3A_27 = arith.constant 128 : i32
    %mul3A_28 = arith.muli %mul3A_26, %mul3A_27 : i32
    %mul3A_29 = arith.constant 16 : i32
    %mul3A_30 = arith.muli %mul3A_28, %mul3A_29 : i32
    "tpu.region"() ({
      %run_scoped3A = tpu.sem_alloc : memref<!tpu.dma_semaphore, #tpu.memory_space<semaphore_mem>>
      %dma_start3A_81 = tpu.memref_slice %arg4[%mul3A_30] : memref<5242880xf32, #tpu.memory_space<hbm>> -> memref<2048xf32, #tpu.memory_space<hbm>>
      %dma_start3A_82 = tpu.memref_slice %arg4[%mul3A_30] : memref<5242880xf32, #tpu.memory_space<hbm>> -> memref<2048xf32, #tpu.memory_space<hbm>>
      tpu.enqueue_dma source(%dma_start3A_82 : memref<2048xf32, #tpu.memory_space<hbm>>) target(%arg8 : memref<2048xf32, #tpu.memory_space<vmem>>) target_semaphore(%run_scoped3A : memref<!tpu.dma_semaphore, #tpu.memory_space<semaphore_mem>>)
      %dma_wait3A = tpu.memref_slice %arg4[%mul3A_30] : memref<5242880xf32, #tpu.memory_space<hbm>> -> memref<2048xf32, #tpu.memory_space<hbm>>
      %dma_wait3A_83 = tpu.memref_slice %arg4[%mul3A_30] : memref<5242880xf32, #tpu.memory_space<hbm>> -> memref<2048xf32, #tpu.memory_space<hbm>>
      tpu.wait_dma2 semaphore(%run_scoped3A : memref<!tpu.dma_semaphore, #tpu.memory_space<semaphore_mem>>) src(%dma_wait3A_83 : memref<2048xf32, #tpu.memory_space<hbm>>) dst(%arg8 : memref<2048xf32, #tpu.memory_space<vmem>>)
      tpu.yield
    }) : () -> ()
    %dma_start3A = arith.constant 0 : i32
    %dma_start3A_31 = arith.constant 0 : i32
    %dma_start3A_32 = tpu.memref_slice %arg6[%dma_start3A, %dma_start3A_31] : memref<2x128xi32, #tpu.memory_space<vmem>> -> memref<1x128xi32, #tpu.memory_space<vmem>>
    %dma_start3A_33 = tpu.memref_squeeze %dma_start3A_32 : memref<1x128xi32, #tpu.memory_space<vmem>> -> memref<128xi32, #tpu.memory_space<vmem>>
    %dma_start3A_34 = arith.constant 0 : i32
    %dma_start3A_35 = arith.constant 0 : i32
    %dma_start3A_36 = tpu.memref_slice %arg2[%dma_start3A_34, %dma_start3A_35] : memref<10000x128xf32, #tpu.memory_space<hbm>> -> memref<10000x128xf32, #tpu.memory_space<hbm>>
    tpu.enqueue_indirect_dma source(%dma_start3A_36 : memref<10000x128xf32, #tpu.memory_space<hbm>>) target(%arg10 : memref<128x128xf32, #tpu.memory_space<vmem>>) offsets(%dma_start3A_33 : memref<128xi32, #tpu.memory_space<vmem>>) semaphore(%arg13 : memref<!tpu.dma_semaphore, #tpu.memory_space<semaphore_mem>>)
    %mul3A_37 = arith.constant 80 : i32
    %mul3A_38 = arith.muli %add3A, %mul3A_37 : i32
    %add3A_39 = arith.constant 1 : i32
    %add3A_40 = arith.addi %mul3A_38, %add3A_39 : i32
    %dma_start3A_41 = arith.constant 0 : i32
    %dma_start3A_42 = arith.constant 0 : i32
    %dma_start3A_43 = tpu.memref_slice %arg3[%add3A_40, %dma_start3A_41, %dma_start3A_42] : memref<2560x2x128xi32, #tpu.memory_space<hbm>> -> memref<1x2x128xi32, #tpu.memory_space<hbm>>
    %dma_start3A_44 = tpu.memref_squeeze %dma_start3A_43 : memref<1x2x128xi32, #tpu.memory_space<hbm>> -> memref<2x128xi32, #tpu.memory_space<hbm>>
    %dma_start3A_45 = arith.constant 0 : i32
    %dma_start3A_46 = arith.constant 0 : i32
    %dma_start3A_47 = tpu.memref_slice %arg3[%add3A_40, %dma_start3A_45, %dma_start3A_46] : memref<2560x2x128xi32, #tpu.memory_space<hbm>> -> memref<1x2x128xi32, #tpu.memory_space<hbm>>
    %dma_start3A_48 = tpu.memref_squeeze %dma_start3A_47 : memref<1x2x128xi32, #tpu.memory_space<hbm>> -> memref<2x128xi32, #tpu.memory_space<hbm>>
    tpu.enqueue_dma source(%dma_start3A_48 : memref<2x128xi32, #tpu.memory_space<hbm>>) target(%arg7 : memref<2x128xi32, #tpu.memory_space<vmem>>) target_semaphore(%arg15 : memref<!tpu.dma_semaphore, #tpu.memory_space<semaphore_mem>>)
    %mul3A_49 = arith.constant 128 : i32
    %mul3A_50 = arith.muli %add3A_40, %mul3A_49 : i32
    %mul3A_51 = arith.constant 16 : i32
    %mul3A_52 = arith.muli %mul3A_50, %mul3A_51 : i32
    %dma_start3A_53 = tpu.memref_slice %arg4[%mul3A_52] : memref<5242880xf32, #tpu.memory_space<hbm>> -> memref<2048xf32, #tpu.memory_space<hbm>>
    %dma_start3A_54 = tpu.memref_slice %arg4[%mul3A_52] : memref<5242880xf32, #tpu.memory_space<hbm>> -> memref<2048xf32, #tpu.memory_space<hbm>>
    tpu.enqueue_dma source(%dma_start3A_54 : memref<2048xf32, #tpu.memory_space<hbm>>) target(%arg9 : memref<2048xf32, #tpu.memory_space<vmem>>) target_semaphore(%arg15 : memref<!tpu.dma_semaphore, #tpu.memory_space<semaphore_mem>>)
    %scan3A_55 = arith.constant 0 : i32
    %scan3A_56 = arith.constant 40 : i32
    %scan3A_57 = arith.addi %scan3A_55, %scan3A_56 : i32
    %scan3A_58 = arith.constant 1 : i32
    scf.for %scan3A_81 = %scan3A_55 to %scan3A_57 step %scan3A_58  : i32 {
      %mul3A_82 = arith.constant 1 : i32
      %mul3A_83 = arith.muli %scan3A_81, %mul3A_82 : i32
      %add3A_84 = arith.constant 0 : i32
      %add3A_85 = arith.addi %add3A_84, %mul3A_83 : i32
      %mul3A_86 = arith.constant 2 : i32
      %mul3A_87 = arith.muli %add3A_85, %mul3A_86 : i32
      %add3A_88 = arith.constant 0 : i32
      %add3A_89 = arith.addi %mul3A_87, %add3A_88 : i32
      %dma_wait3A = arith.constant 0 : i32
      %dma_wait3A_90 = arith.constant 0 : i32
      %dma_wait3A_91 = tpu.memref_slice %arg6[%dma_wait3A, %dma_wait3A_90] : memref<2x128xi32, #tpu.memory_space<vmem>> -> memref<1x128xi32, #tpu.memory_space<vmem>>
      %dma_wait3A_92 = tpu.memref_squeeze %dma_wait3A_91 : memref<1x128xi32, #tpu.memory_space<vmem>> -> memref<128xi32, #tpu.memory_space<vmem>>
      %dma_wait3A_93 = arith.constant 0 : i32
      %dma_wait3A_94 = arith.constant 0 : i32
      %dma_wait3A_95 = tpu.memref_slice %arg2[%dma_wait3A_93, %dma_wait3A_94] : memref<10000x128xf32, #tpu.memory_space<hbm>> -> memref<10000x128xf32, #tpu.memory_space<hbm>>
      tpu.wait_indirect_dma semaphore(%arg13 : memref<!tpu.dma_semaphore, #tpu.memory_space<semaphore_mem>>) src(%dma_wait3A_95 : memref<10000x128xf32, #tpu.memory_space<hbm>>) dst(%arg10 : memref<128x128xf32, #tpu.memory_space<vmem>>)
      %lt3A = arith.constant 79 : i32
      %lt3A_96 = arith.cmpi slt, %add3A_89, %lt3A : i32
      %convert_element_type3A = arith.extui %lt3A_96 : i1 to i32
      %cond3A = arith.constant 0 : i32
      %cond3A_97 = arith.cmpi ne, %convert_element_type3A, %cond3A : i32
      scf.if %cond3A_97 {
        %add3A_130 = arith.constant 1 : i32
        %add3A_131 = arith.addi %add3A_89, %add3A_130 : i32
        %mul3A_132 = arith.constant 80 : i32
        %mul3A_133 = arith.muli %add3A, %mul3A_132 : i32
        %add3A_134 = arith.addi %mul3A_133, %add3A_131 : i32
        %dma_wait3A_135 = arith.constant 0 : i32
        %dma_wait3A_136 = arith.constant 0 : i32
        %dma_wait3A_137 = tpu.memref_slice %arg3[%add3A_134, %dma_wait3A_135, %dma_wait3A_136] : memref<2560x2x128xi32, #tpu.memory_space<hbm>> -> memref<1x2x128xi32, #tpu.memory_space<hbm>>
        %dma_wait3A_138 = tpu.memref_squeeze %dma_wait3A_137 : memref<1x2x128xi32, #tpu.memory_space<hbm>> -> memref<2x128xi32, #tpu.memory_space<hbm>>
        %dma_wait3A_139 = arith.constant 0 : i32
        %dma_wait3A_140 = arith.constant 0 : i32
        %dma_wait3A_141 = tpu.memref_slice %arg3[%add3A_134, %dma_wait3A_139, %dma_wait3A_140] : memref<2560x2x128xi32, #tpu.memory_space<hbm>> -> memref<1x2x128xi32, #tpu.memory_space<hbm>>
        %dma_wait3A_142 = tpu.memref_squeeze %dma_wait3A_141 : memref<1x2x128xi32, #tpu.memory_space<hbm>> -> memref<2x128xi32, #tpu.memory_space<hbm>>
        tpu.wait_dma2 semaphore(%arg15 : memref<!tpu.dma_semaphore, #tpu.memory_space<semaphore_mem>>) src(%dma_wait3A_142 : memref<2x128xi32, #tpu.memory_space<hbm>>) dst(%arg7 : memref<2x128xi32, #tpu.memory_space<vmem>>)
        %mul3A_143 = arith.constant 128 : i32
        %mul3A_144 = arith.muli %add3A_134, %mul3A_143 : i32
        %mul3A_145 = arith.constant 16 : i32
        %mul3A_146 = arith.muli %mul3A_144, %mul3A_145 : i32
        %dma_wait3A_147 = tpu.memref_slice %arg4[%mul3A_146] : memref<5242880xf32, #tpu.memory_space<hbm>> -> memref<2048xf32, #tpu.memory_space<hbm>>
        %dma_wait3A_148 = tpu.memref_slice %arg4[%mul3A_146] : memref<5242880xf32, #tpu.memory_space<hbm>> -> memref<2048xf32, #tpu.memory_space<hbm>>
        tpu.wait_dma2 semaphore(%arg15 : memref<!tpu.dma_semaphore, #tpu.memory_space<semaphore_mem>>) src(%dma_wait3A_148 : memref<2048xf32, #tpu.memory_space<hbm>>) dst(%arg9 : memref<2048xf32, #tpu.memory_space<vmem>>)
        %dma_start3A_149 = arith.constant 0 : i32
        %dma_start3A_150 = arith.constant 0 : i32
        %dma_start3A_151 = tpu.memref_slice %arg7[%dma_start3A_149, %dma_start3A_150] : memref<2x128xi32, #tpu.memory_space<vmem>> -> memref<1x128xi32, #tpu.memory_space<vmem>>
        %dma_start3A_152 = tpu.memref_squeeze %dma_start3A_151 : memref<1x128xi32, #tpu.memory_space<vmem>> -> memref<128xi32, #tpu.memory_space<vmem>>
        %dma_start3A_153 = arith.constant 0 : i32
        %dma_start3A_154 = arith.constant 0 : i32
        %dma_start3A_155 = tpu.memref_slice %arg2[%dma_start3A_153, %dma_start3A_154] : memref<10000x128xf32, #tpu.memory_space<hbm>> -> memref<10000x128xf32, #tpu.memory_space<hbm>>
        tpu.enqueue_indirect_dma source(%dma_start3A_155 : memref<10000x128xf32, #tpu.memory_space<hbm>>) target(%arg11 : memref<128x128xf32, #tpu.memory_space<vmem>>) offsets(%dma_start3A_152 : memref<128xi32, #tpu.memory_space<vmem>>) semaphore(%arg14 : memref<!tpu.dma_semaphore, #tpu.memory_space<semaphore_mem>>)
      } else {
      }
      %parallel_loop3A = arith.constant 0 : i32
      %parallel_loop3A_98 = arith.constant 128 : i32
      %parallel_loop3A_99 = arith.constant 1 : i32
      scf.for %parallel_loop3A_130 = %parallel_loop3A to %parallel_loop3A_98 step %parallel_loop3A_99  : i32 {
        %parallel_loop3A_131 = arith.constant 16 : i32
        %parallel_loop3A_132 = arith.muli %parallel_loop3A_130, %parallel_loop3A_131 : i32
        %parallel_loop3A_133 = arith.index_cast %parallel_loop3A_132 : i32 to index
        %parallel_loop3A_134 = tpu.vector_load %arg8[%parallel_loop3A_133] {strides = array<i32>} : memref<2048xf32, #tpu.memory_space<vmem>>, vector<16xf32>,
        %parallel_loop3A_135 = vector.shape_cast %parallel_loop3A_134 : vector<16xf32> to vector<16xf32>
        %parallel_loop3A_136 = arith.index_cast %parallel_loop3A_130 : i32 to index
        %parallel_loop3A_137 = arith.constant 0 : index
        %parallel_loop3A_138 = tpu.vector_load %arg10[%parallel_loop3A_136, %parallel_loop3A_137] {strides = array<i32>} : memref<128x128xf32, #tpu.memory_space<vmem>>, vector<1x16xf32>,
        %parallel_loop3A_139 = vector.shape_cast %parallel_loop3A_138 : vector<1x16xf32> to vector<16xf32>
        %parallel_loop3A_140 = arith.mulf %parallel_loop3A_139, %parallel_loop3A_135 : vector<16xf32>
        %parallel_loop3A_141 = arith.index_cast %parallel_loop3A_130 : i32 to index
        %parallel_loop3A_142 = arith.constant 0 : index
        %parallel_loop3A_143 = tpu.vector_load %arg10[%parallel_loop3A_141, %parallel_loop3A_142] {strides = array<i32>} : memref<128x128xf32, #tpu.memory_space<vmem>>, vector<1x16xf32>,
        %parallel_loop3A_144 = vector.shape_cast %parallel_loop3A_143 : vector<1x16xf32> to vector<16xf32>
        %parallel_loop3A_145 = vector.shape_cast %parallel_loop3A_140 : vector<16xf32> to vector<1x16xf32>
        tpu.vector_store %arg10[%parallel_loop3A_141, %parallel_loop3A_142], %parallel_loop3A_145 {strides = array<i32>} : memref<128x128xf32, #tpu.memory_space<vmem>>, vector<1x16xf32>,
        %parallel_loop3A_146 = arith.index_cast %parallel_loop3A_130 : i32 to index
        %parallel_loop3A_147 = arith.constant 16 : index
        %parallel_loop3A_148 = tpu.vector_load %arg10[%parallel_loop3A_146, %parallel_loop3A_147] {strides = array<i32>} : memref<128x128xf32, #tpu.memory_space<vmem>>, vector<1x16xf32>,
        %parallel_loop3A_149 = vector.shape_cast %parallel_loop3A_148 : vector<1x16xf32> to vector<16xf32>
        %parallel_loop3A_150 = arith.mulf %parallel_loop3A_149, %parallel_loop3A_135 : vector<16xf32>
        %parallel_loop3A_151 = arith.index_cast %parallel_loop3A_130 : i32 to index
        %parallel_loop3A_152 = arith.constant 16 : index
        %parallel_loop3A_153 = tpu.vector_load %arg10[%parallel_loop3A_151, %parallel_loop3A_152] {strides = array<i32>} : memref<128x128xf32, #tpu.memory_space<vmem>>, vector<1x16xf32>,
        %parallel_loop3A_154 = vector.shape_cast %parallel_loop3A_153 : vector<1x16xf32> to vector<16xf32>
        %parallel_loop3A_155 = vector.shape_cast %parallel_loop3A_150 : vector<16xf32> to vector<1x16xf32>
        tpu.vector_store %arg10[%parallel_loop3A_151, %parallel_loop3A_152], %parallel_loop3A_155 {strides = array<i32>} : memref<128x128xf32, #tpu.memory_space<vmem>>, vector<1x16xf32>,
        %parallel_loop3A_156 = arith.index_cast %parallel_loop3A_130 : i32 to index
        %parallel_loop3A_157 = arith.constant 32 : index
        %parallel_loop3A_158 = tpu.vector_load %arg10[%parallel_loop3A_156, %parallel_loop3A_157] {strides = array<i32>} : memref<128x128xf32, #tpu.memory_space<vmem>>, vector<1x16xf32>,
        %parallel_loop3A_159 = vector.shape_cast %parallel_loop3A_158 : vector<1x16xf32> to vector<16xf32>
        %parallel_loop3A_160 = arith.mulf %parallel_loop3A_159, %parallel_loop3A_135 : vector<16xf32>
        %parallel_loop3A_161 = arith.index_cast %parallel_loop3A_130 : i32 to index
        %parallel_loop3A_162 = arith.constant 32 : index
        %parallel_loop3A_163 = tpu.vector_load %arg10[%parallel_loop3A_161, %parallel_loop3A_162] {strides = array<i32>} : memref<128x128xf32, #tpu.memory_space<vmem>>, vector<1x16xf32>,
        %parallel_loop3A_164 = vector.shape_cast %parallel_loop3A_163 : vector<1x16xf32> to vector<16xf32>
        %parallel_loop3A_165 = vector.shape_cast %parallel_loop3A_160 : vector<16xf32> to vector<1x16xf32>
        tpu.vector_store %arg10[%parallel_loop3A_161, %parallel_loop3A_162], %parallel_loop3A_165 {strides = array<i32>} : memref<128x128xf32, #tpu.memory_space<vmem>>, vector<1x16xf32>,
        %parallel_loop3A_166 = arith.index_cast %parallel_loop3A_130 : i32 to index
        %parallel_loop3A_167 = arith.constant 48 : index
        %parallel_loop3A_168 = tpu.vector_load %arg10[%parallel_loop3A_166, %parallel_loop3A_167] {strides = array<i32>} : memref<128x128xf32, #tpu.memory_space<vmem>>, vector<1x16xf32>,
        %parallel_loop3A_169 = vector.shape_cast %parallel_loop3A_168 : vector<1x16xf32> to vector<16xf32>
        %parallel_loop3A_170 = arith.mulf %parallel_loop3A_169, %parallel_loop3A_135 : vector<16xf32>
        %parallel_loop3A_171 = arith.index_cast %parallel_loop3A_130 : i32 to index
        %parallel_loop3A_172 = arith.constant 48 : index
        %parallel_loop3A_173 = tpu.vector_load %arg10[%parallel_loop3A_171, %parallel_loop3A_172] {strides = array<i32>} : memref<128x128xf32, #tpu.memory_space<vmem>>, vector<1x16xf32>,
        %parallel_loop3A_174 = vector.shape_cast %parallel_loop3A_173 : vector<1x16xf32> to vector<16xf32>
        %parallel_loop3A_175 = vector.shape_cast %parallel_loop3A_170 : vector<16xf32> to vector<1x16xf32>
        tpu.vector_store %arg10[%parallel_loop3A_171, %parallel_loop3A_172], %parallel_loop3A_175 {strides = array<i32>} : memref<128x128xf32, #tpu.memory_space<vmem>>, vector<1x16xf32>,
        %parallel_loop3A_176 = arith.index_cast %parallel_loop3A_130 : i32 to index
        %parallel_loop3A_177 = arith.constant 64 : index
        %parallel_loop3A_178 = tpu.vector_load %arg10[%parallel_loop3A_176, %parallel_loop3A_177] {strides = array<i32>} : memref<128x128xf32, #tpu.memory_space<vmem>>, vector<1x16xf32>,
        %parallel_loop3A_179 = vector.shape_cast %parallel_loop3A_178 : vector<1x16xf32> to vector<16xf32>
        %parallel_loop3A_180 = arith.mulf %parallel_loop3A_179, %parallel_loop3A_135 : vector<16xf32>
        %parallel_loop3A_181 = arith.index_cast %parallel_loop3A_130 : i32 to index
        %parallel_loop3A_182 = arith.constant 64 : index
        %parallel_loop3A_183 = tpu.vector_load %arg10[%parallel_loop3A_181, %parallel_loop3A_182] {strides = array<i32>} : memref<128x128xf32, #tpu.memory_space<vmem>>, vector<1x16xf32>,
        %parallel_loop3A_184 = vector.shape_cast %parallel_loop3A_183 : vector<1x16xf32> to vector<16xf32>
        %parallel_loop3A_185 = vector.shape_cast %parallel_loop3A_180 : vector<16xf32> to vector<1x16xf32>
        tpu.vector_store %arg10[%parallel_loop3A_181, %parallel_loop3A_182], %parallel_loop3A_185 {strides = array<i32>} : memref<128x128xf32, #tpu.memory_space<vmem>>, vector<1x16xf32>,
        %parallel_loop3A_186 = arith.index_cast %parallel_loop3A_130 : i32 to index
        %parallel_loop3A_187 = arith.constant 80 : index
        %parallel_loop3A_188 = tpu.vector_load %arg10[%parallel_loop3A_186, %parallel_loop3A_187] {strides = array<i32>} : memref<128x128xf32, #tpu.memory_space<vmem>>, vector<1x16xf32>,
        %parallel_loop3A_189 = vector.shape_cast %parallel_loop3A_188 : vector<1x16xf32> to vector<16xf32>
        %parallel_loop3A_190 = arith.mulf %parallel_loop3A_189, %parallel_loop3A_135 : vector<16xf32>
        %parallel_loop3A_191 = arith.index_cast %parallel_loop3A_130 : i32 to index
        %parallel_loop3A_192 = arith.constant 80 : index
        %parallel_loop3A_193 = tpu.vector_load %arg10[%parallel_loop3A_191, %parallel_loop3A_192] {strides = array<i32>} : memref<128x128xf32, #tpu.memory_space<vmem>>, vector<1x16xf32>,
        %parallel_loop3A_194 = vector.shape_cast %parallel_loop3A_193 : vector<1x16xf32> to vector<16xf32>
        %parallel_loop3A_195 = vector.shape_cast %parallel_loop3A_190 : vector<16xf32> to vector<1x16xf32>
        tpu.vector_store %arg10[%parallel_loop3A_191, %parallel_loop3A_192], %parallel_loop3A_195 {strides = array<i32>} : memref<128x128xf32, #tpu.memory_space<vmem>>, vector<1x16xf32>,
        %parallel_loop3A_196 = arith.index_cast %parallel_loop3A_130 : i32 to index
        %parallel_loop3A_197 = arith.constant 96 : index
        %parallel_loop3A_198 = tpu.vector_load %arg10[%parallel_loop3A_196, %parallel_loop3A_197] {strides = array<i32>} : memref<128x128xf32, #tpu.memory_space<vmem>>, vector<1x16xf32>,
        %parallel_loop3A_199 = vector.shape_cast %parallel_loop3A_198 : vector<1x16xf32> to vector<16xf32>
        %parallel_loop3A_200 = arith.mulf %parallel_loop3A_199, %parallel_loop3A_135 : vector<16xf32>
        %parallel_loop3A_201 = arith.index_cast %parallel_loop3A_130 : i32 to index
        %parallel_loop3A_202 = arith.constant 96 : index
        %parallel_loop3A_203 = tpu.vector_load %arg10[%parallel_loop3A_201, %parallel_loop3A_202] {strides = array<i32>} : memref<128x128xf32, #tpu.memory_space<vmem>>, vector<1x16xf32>,
        %parallel_loop3A_204 = vector.shape_cast %parallel_loop3A_203 : vector<1x16xf32> to vector<16xf32>
        %parallel_loop3A_205 = vector.shape_cast %parallel_loop3A_200 : vector<16xf32> to vector<1x16xf32>
        tpu.vector_store %arg10[%parallel_loop3A_201, %parallel_loop3A_202], %parallel_loop3A_205 {strides = array<i32>} : memref<128x128xf32, #tpu.memory_space<vmem>>, vector<1x16xf32>,
        %parallel_loop3A_206 = arith.index_cast %parallel_loop3A_130 : i32 to index
        %parallel_loop3A_207 = arith.constant 112 : index
        %parallel_loop3A_208 = tpu.vector_load %arg10[%parallel_loop3A_206, %parallel_loop3A_207] {strides = array<i32>} : memref<128x128xf32, #tpu.memory_space<vmem>>, vector<1x16xf32>,
        %parallel_loop3A_209 = vector.shape_cast %parallel_loop3A_208 : vector<1x16xf32> to vector<16xf32>
        %parallel_loop3A_210 = arith.mulf %parallel_loop3A_209, %parallel_loop3A_135 : vector<16xf32>
        %parallel_loop3A_211 = arith.index_cast %parallel_loop3A_130 : i32 to index
        %parallel_loop3A_212 = arith.constant 112 : index
        %parallel_loop3A_213 = tpu.vector_load %arg10[%parallel_loop3A_211, %parallel_loop3A_212] {strides = array<i32>} : memref<128x128xf32, #tpu.memory_space<vmem>>, vector<1x16xf32>,
        %parallel_loop3A_214 = vector.shape_cast %parallel_loop3A_213 : vector<1x16xf32> to vector<16xf32>
        %parallel_loop3A_215 = vector.shape_cast %parallel_loop3A_210 : vector<16xf32> to vector<1x16xf32>
        tpu.vector_store %arg10[%parallel_loop3A_211, %parallel_loop3A_212], %parallel_loop3A_215 {strides = array<i32>} : memref<128x128xf32, #tpu.memory_space<vmem>>, vector<1x16xf32>,
      } {sc.loop_unroll_factor = 4 : i64, sc.parallel_access}
      %run_scoped3A = arith.constant 1 : i32
      "tpu.region"() ({
        %run_scoped3A_130 = tpu.sem_alloc : memref<!tpu.dma_semaphore, #tpu.memory_space<semaphore_mem>>
        %dma_start3A_131 = arith.constant 0 : i32
        %dma_start3A_132 = tpu.memref_slice %arg6[%run_scoped3A, %dma_start3A_131] : memref<2x128xi32, #tpu.memory_space<vmem>> -> memref<1x128xi32, #tpu.memory_space<vmem>>
        %dma_start3A_133 = tpu.memref_squeeze %dma_start3A_132 : memref<1x128xi32, #tpu.memory_space<vmem>> -> memref<128xi32, #tpu.memory_space<vmem>>
        %dma_start3A_134 = arith.constant 0 : i32
        %dma_start3A_135 = arith.constant 0 : i32
        %dma_start3A_136 = tpu.memref_slice %arg12[%dma_start3A_134, %dma_start3A_135] : memref<10240x128xf32, #tpu.memory_space<vmem_shared>> -> memref<10240x128xf32, #tpu.memory_space<vmem_shared>>
        tpu.enqueue_indirect_dma source(%arg10 : memref<128x128xf32, #tpu.memory_space<vmem>>) target(%dma_start3A_136 : memref<10240x128xf32, #tpu.memory_space<vmem_shared>>) offsets(%dma_start3A_133 : memref<128xi32, #tpu.memory_space<vmem>>) semaphore(%run_scoped3A_130 : memref<!tpu.dma_semaphore, #tpu.memory_space<semaphore_mem>>) {add = true}
        %dma_wait3A_137 = arith.constant 0 : i32
        %dma_wait3A_138 = tpu.memref_slice %arg6[%run_scoped3A, %dma_wait3A_137] : memref<2x128xi32, #tpu.memory_space<vmem>> -> memref<1x128xi32, #tpu.memory_space<vmem>>
        %dma_wait3A_139 = tpu.memref_squeeze %dma_wait3A_138 : memref<1x128xi32, #tpu.memory_space<vmem>> -> memref<128xi32, #tpu.memory_space<vmem>>
        %dma_wait3A_140 = arith.constant 0 : i32
        %dma_wait3A_141 = arith.constant 0 : i32
        %dma_wait3A_142 = tpu.memref_slice %arg12[%dma_wait3A_140, %dma_wait3A_141] : memref<10240x128xf32, #tpu.memory_space<vmem_shared>> -> memref<10240x128xf32, #tpu.memory_space<vmem_shared>>
        tpu.wait_indirect_dma semaphore(%run_scoped3A_130 : memref<!tpu.dma_semaphore, #tpu.memory_space<semaphore_mem>>) src(%arg10 : memref<128x128xf32, #tpu.memory_space<vmem>>) dst(%dma_wait3A_142 : memref<10240x128xf32, #tpu.memory_space<vmem_shared>>)
        tpu.yield
      }) : () -> ()
      %lt3A_100 = arith.constant 78 : i32
      %lt3A_101 = arith.cmpi slt, %add3A_89, %lt3A_100 : i32
      %convert_element_type3A_102 = arith.extui %lt3A_101 : i1 to i32
      %cond3A_103 = arith.constant 0 : i32
      %cond3A_104 = arith.cmpi ne, %convert_element_type3A_102, %cond3A_103 : i32
      scf.if %cond3A_104 {
        %add3A_130 = arith.constant 2 : i32
        %add3A_131 = arith.addi %add3A_89, %add3A_130 : i32
        %mul3A_132 = arith.constant 80 : i32
        %mul3A_133 = arith.muli %add3A, %mul3A_132 : i32
        %add3A_134 = arith.addi %mul3A_133, %add3A_131 : i32
        %dma_start3A_135 = arith.constant 0 : i32
        %dma_start3A_136 = arith.constant 0 : i32
        %dma_start3A_137 = tpu.memref_slice %arg3[%add3A_134, %dma_start3A_135, %dma_start3A_136] : memref<2560x2x128xi32, #tpu.memory_space<hbm>> -> memref<1x2x128xi32, #tpu.memory_space<hbm>>
        %dma_start3A_138 = tpu.memref_squeeze %dma_start3A_137 : memref<1x2x128xi32, #tpu.memory_space<hbm>> -> memref<2x128xi32, #tpu.memory_space<hbm>>
        %dma_start3A_139 = arith.constant 0 : i32
        %dma_start3A_140 = arith.constant 0 : i32
        %dma_start3A_141 = tpu.memref_slice %arg3[%add3A_134, %dma_start3A_139, %dma_start3A_140] : memref<2560x2x128xi32, #tpu.memory_space<hbm>> -> memref<1x2x128xi32, #tpu.memory_space<hbm>>
        %dma_start3A_142 = tpu.memref_squeeze %dma_start3A_141 : memref<1x2x128xi32, #tpu.memory_space<hbm>> -> memref<2x128xi32, #tpu.memory_space<hbm>>
        tpu.enqueue_dma source(%dma_start3A_142 : memref<2x128xi32, #tpu.memory_space<hbm>>) target(%arg6 : memref<2x128xi32, #tpu.memory_space<vmem>>) target_semaphore(%arg15 : memref<!tpu.dma_semaphore, #tpu.memory_space<semaphore_mem>>)
        %mul3A_143 = arith.constant 128 : i32
        %mul3A_144 = arith.muli %add3A_134, %mul3A_143 : i32
        %mul3A_145 = arith.constant 16 : i32
        %mul3A_146 = arith.muli %mul3A_144, %mul3A_145 : i32
        %dma_start3A_147 = tpu.memref_slice %arg4[%mul3A_146] : memref<5242880xf32, #tpu.memory_space<hbm>> -> memref<2048xf32, #tpu.memory_space<hbm>>
        %dma_start3A_148 = tpu.memref_slice %arg4[%mul3A_146] : memref<5242880xf32, #tpu.memory_space<hbm>> -> memref<2048xf32, #tpu.memory_space<hbm>>
        tpu.enqueue_dma source(%dma_start3A_148 : memref<2048xf32, #tpu.memory_space<hbm>>) target(%arg8 : memref<2048xf32, #tpu.memory_space<vmem>>) target_semaphore(%arg15 : memref<!tpu.dma_semaphore, #tpu.memory_space<semaphore_mem>>)
      } else {
      }
      %mul3A_105 = arith.constant 2 : i32
      %mul3A_106 = arith.muli %add3A_85, %mul3A_105 : i32
      %add3A_107 = arith.constant 1 : i32
      %add3A_108 = arith.addi %mul3A_106, %add3A_107 : i32
      %dma_wait3A_109 = arith.constant 0 : i32
      %dma_wait3A_110 = arith.constant 0 : i32
      %dma_wait3A_111 = tpu.memref_slice %arg7[%dma_wait3A_109, %dma_wait3A_110] : memref<2x128xi32, #tpu.memory_space<vmem>> -> memref<1x128xi32, #tpu.memory_space<vmem>>
      %dma_wait3A_112 = tpu.memref_squeeze %dma_wait3A_111 : memref<1x128xi32, #tpu.memory_space<vmem>> -> memref<128xi32, #tpu.memory_space<vmem>>
      %dma_wait3A_113 = arith.constant 0 : i32
      %dma_wait3A_114 = arith.constant 0 : i32
      %dma_wait3A_115 = tpu.memref_slice %arg2[%dma_wait3A_113, %dma_wait3A_114] : memref<10000x128xf32, #tpu.memory_space<hbm>> -> memref<10000x128xf32, #tpu.memory_space<hbm>>
      tpu.wait_indirect_dma semaphore(%arg14 : memref<!tpu.dma_semaphore, #tpu.memory_space<semaphore_mem>>) src(%dma_wait3A_115 : memref<10000x128xf32, #tpu.memory_space<hbm>>) dst(%arg11 : memref<128x128xf32, #tpu.memory_space<vmem>>)
      %lt3A_116 = arith.constant 79 : i32
      %lt3A_117 = arith.cmpi slt, %add3A_108, %lt3A_116 : i32
      %convert_element_type3A_118 = arith.extui %lt3A_117 : i1 to i32
      %cond3A_119 = arith.constant 0 : i32
      %cond3A_120 = arith.cmpi ne, %convert_element_type3A_118, %cond3A_119 : i32
      scf.if %cond3A_120 {
        %add3A_130 = arith.constant 1 : i32
        %add3A_131 = arith.addi %add3A_108, %add3A_130 : i32
        %mul3A_132 = arith.constant 80 : i32
        %mul3A_133 = arith.muli %add3A, %mul3A_132 : i32
        %add3A_134 = arith.addi %mul3A_133, %add3A_131 : i32
        %dma_wait3A_135 = arith.constant 0 : i32
        %dma_wait3A_136 = arith.constant 0 : i32
        %dma_wait3A_137 = tpu.memref_slice %arg3[%add3A_134, %dma_wait3A_135, %dma_wait3A_136] : memref<2560x2x128xi32, #tpu.memory_space<hbm>> -> memref<1x2x128xi32, #tpu.memory_space<hbm>>
        %dma_wait3A_138 = tpu.memref_squeeze %dma_wait3A_137 : memref<1x2x128xi32, #tpu.memory_space<hbm>> -> memref<2x128xi32, #tpu.memory_space<hbm>>
        %dma_wait3A_139 = arith.constant 0 : i32
        %dma_wait3A_140 = arith.constant 0 : i32
        %dma_wait3A_141 = tpu.memref_slice %arg3[%add3A_134, %dma_wait3A_139, %dma_wait3A_140] : memref<2560x2x128xi32, #tpu.memory_space<hbm>> -> memref<1x2x128xi32, #tpu.memory_space<hbm>>
        %dma_wait3A_142 = tpu.memref_squeeze %dma_wait3A_141 : memref<1x2x128xi32, #tpu.memory_space<hbm>> -> memref<2x128xi32, #tpu.memory_space<hbm>>
        tpu.wait_dma2 semaphore(%arg15 : memref<!tpu.dma_semaphore, #tpu.memory_space<semaphore_mem>>) src(%dma_wait3A_142 : memref<2x128xi32, #tpu.memory_space<hbm>>) dst(%arg6 : memref<2x128xi32, #tpu.memory_space<vmem>>)
        %mul3A_143 = arith.constant 128 : i32
        %mul3A_144 = arith.muli %add3A_134, %mul3A_143 : i32
        %mul3A_145 = arith.constant 16 : i32
        %mul3A_146 = arith.muli %mul3A_144, %mul3A_145 : i32
        %dma_wait3A_147 = tpu.memref_slice %arg4[%mul3A_146] : memref<5242880xf32, #tpu.memory_space<hbm>> -> memref<2048xf32, #tpu.memory_space<hbm>>
        %dma_wait3A_148 = tpu.memref_slice %arg4[%mul3A_146] : memref<5242880xf32, #tpu.memory_space<hbm>> -> memref<2048xf32, #tpu.memory_space<hbm>>
        tpu.wait_dma2 semaphore(%arg15 : memref<!tpu.dma_semaphore, #tpu.memory_space<semaphore_mem>>) src(%dma_wait3A_148 : memref<2048xf32, #tpu.memory_space<hbm>>) dst(%arg8 : memref<2048xf32, #tpu.memory_space<vmem>>)
        %dma_start3A_149 = arith.constant 0 : i32
        %dma_start3A_150 = arith.constant 0 : i32
        %dma_start3A_151 = tpu.memref_slice %arg6[%dma_start3A_149, %dma_start3A_150] : memref<2x128xi32, #tpu.memory_space<vmem>> -> memref<1x128xi32, #tpu.memory_space<vmem>>
        %dma_start3A_152 = tpu.memref_squeeze %dma_start3A_151 : memref<1x128xi32, #tpu.memory_space<vmem>> -> memref<128xi32, #tpu.memory_space<vmem>>
        %dma_start3A_153 = arith.constant 0 : i32
        %dma_start3A_154 = arith.constant 0 : i32
        %dma_start3A_155 = tpu.memref_slice %arg2[%dma_start3A_153, %dma_start3A_154] : memref<10000x128xf32, #tpu.memory_space<hbm>> -> memref<10000x128xf32, #tpu.memory_space<hbm>>
        tpu.enqueue_indirect_dma source(%dma_start3A_155 : memref<10000x128xf32, #tpu.memory_space<hbm>>) target(%arg10 : memref<128x128xf32, #tpu.memory_space<vmem>>) offsets(%dma_start3A_152 : memref<128xi32, #tpu.memory_space<vmem>>) semaphore(%arg13 : memref<!tpu.dma_semaphore, #tpu.memory_space<semaphore_mem>>)
      } else {
      }
      %parallel_loop3A_121 = arith.constant 0 : i32
      %parallel_loop3A_122 = arith.constant 128 : i32
      %parallel_loop3A_123 = arith.constant 1 : i32
      scf.for %parallel_loop3A_130 = %parallel_loop3A_121 to %parallel_loop3A_122 step %parallel_loop3A_123  : i32 {
        %parallel_loop3A_131 = arith.constant 16 : i32
        %parallel_loop3A_132 = arith.muli %parallel_loop3A_130, %parallel_loop3A_131 : i32
        %parallel_loop3A_133 = arith.index_cast %parallel_loop3A_132 : i32 to index
        %parallel_loop3A_134 = tpu.vector_load %arg9[%parallel_loop3A_133] {strides = array<i32>} : memref<2048xf32, #tpu.memory_space<vmem>>, vector<16xf32>,
        %parallel_loop3A_135 = vector.shape_cast %parallel_loop3A_134 : vector<16xf32> to vector<16xf32>
        %parallel_loop3A_136 = arith.index_cast %parallel_loop3A_130 : i32 to index
        %parallel_loop3A_137 = arith.constant 0 : index
        %parallel_loop3A_138 = tpu.vector_load %arg11[%parallel_loop3A_136, %parallel_loop3A_137] {strides = array<i32>} : memref<128x128xf32, #tpu.memory_space<vmem>>, vector<1x16xf32>,
        %parallel_loop3A_139 = vector.shape_cast %parallel_loop3A_138 : vector<1x16xf32> to vector<16xf32>
        %parallel_loop3A_140 = arith.mulf %parallel_loop3A_139, %parallel_loop3A_135 : vector<16xf32>
        %parallel_loop3A_141 = arith.index_cast %parallel_loop3A_130 : i32 to index
        %parallel_loop3A_142 = arith.constant 0 : index
        %parallel_loop3A_143 = tpu.vector_load %arg11[%parallel_loop3A_141, %parallel_loop3A_142] {strides = array<i32>} : memref<128x128xf32, #tpu.memory_space<vmem>>, vector<1x16xf32>,
        %parallel_loop3A_144 = vector.shape_cast %parallel_loop3A_143 : vector<1x16xf32> to vector<16xf32>
        %parallel_loop3A_145 = vector.shape_cast %parallel_loop3A_140 : vector<16xf32> to vector<1x16xf32>
        tpu.vector_store %arg11[%parallel_loop3A_141, %parallel_loop3A_142], %parallel_loop3A_145 {strides = array<i32>} : memref<128x128xf32, #tpu.memory_space<vmem>>, vector<1x16xf32>,
        %parallel_loop3A_146 = arith.index_cast %parallel_loop3A_130 : i32 to index
        %parallel_loop3A_147 = arith.constant 16 : index
        %parallel_loop3A_148 = tpu.vector_load %arg11[%parallel_loop3A_146, %parallel_loop3A_147] {strides = array<i32>} : memref<128x128xf32, #tpu.memory_space<vmem>>, vector<1x16xf32>,
        %parallel_loop3A_149 = vector.shape_cast %parallel_loop3A_148 : vector<1x16xf32> to vector<16xf32>
        %parallel_loop3A_150 = arith.mulf %parallel_loop3A_149, %parallel_loop3A_135 : vector<16xf32>
        %parallel_loop3A_151 = arith.index_cast %parallel_loop3A_130 : i32 to index
        %parallel_loop3A_152 = arith.constant 16 : index
        %parallel_loop3A_153 = tpu.vector_load %arg11[%parallel_loop3A_151, %parallel_loop3A_152] {strides = array<i32>} : memref<128x128xf32, #tpu.memory_space<vmem>>, vector<1x16xf32>,
        %parallel_loop3A_154 = vector.shape_cast %parallel_loop3A_153 : vector<1x16xf32> to vector<16xf32>
        %parallel_loop3A_155 = vector.shape_cast %parallel_loop3A_150 : vector<16xf32> to vector<1x16xf32>
        tpu.vector_store %arg11[%parallel_loop3A_151, %parallel_loop3A_152], %parallel_loop3A_155 {strides = array<i32>} : memref<128x128xf32, #tpu.memory_space<vmem>>, vector<1x16xf32>,
        %parallel_loop3A_156 = arith.index_cast %parallel_loop3A_130 : i32 to index
        %parallel_loop3A_157 = arith.constant 32 : index
        %parallel_loop3A_158 = tpu.vector_load %arg11[%parallel_loop3A_156, %parallel_loop3A_157] {strides = array<i32>} : memref<128x128xf32, #tpu.memory_space<vmem>>, vector<1x16xf32>,
        %parallel_loop3A_159 = vector.shape_cast %parallel_loop3A_158 : vector<1x16xf32> to vector<16xf32>
        %parallel_loop3A_160 = arith.mulf %parallel_loop3A_159, %parallel_loop3A_135 : vector<16xf32>
        %parallel_loop3A_161 = arith.index_cast %parallel_loop3A_130 : i32 to index
        %parallel_loop3A_162 = arith.constant 32 : index
        %parallel_loop3A_163 = tpu.vector_load %arg11[%parallel_loop3A_161, %parallel_loop3A_162] {strides = array<i32>} : memref<128x128xf32, #tpu.memory_space<vmem>>, vector<1x16xf32>,
        %parallel_loop3A_164 = vector.shape_cast %parallel_loop3A_163 : vector<1x16xf32> to vector<16xf32>
        %parallel_loop3A_165 = vector.shape_cast %parallel_loop3A_160 : vector<16xf32> to vector<1x16xf32>
        tpu.vector_store %arg11[%parallel_loop3A_161, %parallel_loop3A_162], %parallel_loop3A_165 {strides = array<i32>} : memref<128x128xf32, #tpu.memory_space<vmem>>, vector<1x16xf32>,
        %parallel_loop3A_166 = arith.index_cast %parallel_loop3A_130 : i32 to index
        %parallel_loop3A_167 = arith.constant 48 : index
        %parallel_loop3A_168 = tpu.vector_load %arg11[%parallel_loop3A_166, %parallel_loop3A_167] {strides = array<i32>} : memref<128x128xf32, #tpu.memory_space<vmem>>, vector<1x16xf32>,
        %parallel_loop3A_169 = vector.shape_cast %parallel_loop3A_168 : vector<1x16xf32> to vector<16xf32>
        %parallel_loop3A_170 = arith.mulf %parallel_loop3A_169, %parallel_loop3A_135 : vector<16xf32>
        %parallel_loop3A_171 = arith.index_cast %parallel_loop3A_130 : i32 to index
        %parallel_loop3A_172 = arith.constant 48 : index
        %parallel_loop3A_173 = tpu.vector_load %arg11[%parallel_loop3A_171, %parallel_loop3A_172] {strides = array<i32>} : memref<128x128xf32, #tpu.memory_space<vmem>>, vector<1x16xf32>,
        %parallel_loop3A_174 = vector.shape_cast %parallel_loop3A_173 : vector<1x16xf32> to vector<16xf32>
        %parallel_loop3A_175 = vector.shape_cast %parallel_loop3A_170 : vector<16xf32> to vector<1x16xf32>
        tpu.vector_store %arg11[%parallel_loop3A_171, %parallel_loop3A_172], %parallel_loop3A_175 {strides = array<i32>} : memref<128x128xf32, #tpu.memory_space<vmem>>, vector<1x16xf32>,
        %parallel_loop3A_176 = arith.index_cast %parallel_loop3A_130 : i32 to index
        %parallel_loop3A_177 = arith.constant 64 : index
        %parallel_loop3A_178 = tpu.vector_load %arg11[%parallel_loop3A_176, %parallel_loop3A_177] {strides = array<i32>} : memref<128x128xf32, #tpu.memory_space<vmem>>, vector<1x16xf32>,
        %parallel_loop3A_179 = vector.shape_cast %parallel_loop3A_178 : vector<1x16xf32> to vector<16xf32>
        %parallel_loop3A_180 = arith.mulf %parallel_loop3A_179, %parallel_loop3A_135 : vector<16xf32>
        %parallel_loop3A_181 = arith.index_cast %parallel_loop3A_130 : i32 to index
        %parallel_loop3A_182 = arith.constant 64 : index
        %parallel_loop3A_183 = tpu.vector_load %arg11[%parallel_loop3A_181, %parallel_loop3A_182] {strides = array<i32>} : memref<128x128xf32, #tpu.memory_space<vmem>>, vector<1x16xf32>,
        %parallel_loop3A_184 = vector.shape_cast %parallel_loop3A_183 : vector<1x16xf32> to vector<16xf32>
        %parallel_loop3A_185 = vector.shape_cast %parallel_loop3A_180 : vector<16xf32> to vector<1x16xf32>
        tpu.vector_store %arg11[%parallel_loop3A_181, %parallel_loop3A_182], %parallel_loop3A_185 {strides = array<i32>} : memref<128x128xf32, #tpu.memory_space<vmem>>, vector<1x16xf32>,
        %parallel_loop3A_186 = arith.index_cast %parallel_loop3A_130 : i32 to index
        %parallel_loop3A_187 = arith.constant 80 : index
        %parallel_loop3A_188 = tpu.vector_load %arg11[%parallel_loop3A_186, %parallel_loop3A_187] {strides = array<i32>} : memref<128x128xf32, #tpu.memory_space<vmem>>, vector<1x16xf32>,
        %parallel_loop3A_189 = vector.shape_cast %parallel_loop3A_188 : vector<1x16xf32> to vector<16xf32>
        %parallel_loop3A_190 = arith.mulf %parallel_loop3A_189, %parallel_loop3A_135 : vector<16xf32>
        %parallel_loop3A_191 = arith.index_cast %parallel_loop3A_130 : i32 to index
        %parallel_loop3A_192 = arith.constant 80 : index
        %parallel_loop3A_193 = tpu.vector_load %arg11[%parallel_loop3A_191, %parallel_loop3A_192] {strides = array<i32>} : memref<128x128xf32, #tpu.memory_space<vmem>>, vector<1x16xf32>,
        %parallel_loop3A_194 = vector.shape_cast %parallel_loop3A_193 : vector<1x16xf32> to vector<16xf32>
        %parallel_loop3A_195 = vector.shape_cast %parallel_loop3A_190 : vector<16xf32> to vector<1x16xf32>
        tpu.vector_store %arg11[%parallel_loop3A_191, %parallel_loop3A_192], %parallel_loop3A_195 {strides = array<i32>} : memref<128x128xf32, #tpu.memory_space<vmem>>, vector<1x16xf32>,
        %parallel_loop3A_196 = arith.index_cast %parallel_loop3A_130 : i32 to index
        %parallel_loop3A_197 = arith.constant 96 : index
        %parallel_loop3A_198 = tpu.vector_load %arg11[%parallel_loop3A_196, %parallel_loop3A_197] {strides = array<i32>} : memref<128x128xf32, #tpu.memory_space<vmem>>, vector<1x16xf32>,
        %parallel_loop3A_199 = vector.shape_cast %parallel_loop3A_198 : vector<1x16xf32> to vector<16xf32>
        %parallel_loop3A_200 = arith.mulf %parallel_loop3A_199, %parallel_loop3A_135 : vector<16xf32>
        %parallel_loop3A_201 = arith.index_cast %parallel_loop3A_130 : i32 to index
        %parallel_loop3A_202 = arith.constant 96 : index
        %parallel_loop3A_203 = tpu.vector_load %arg11[%parallel_loop3A_201, %parallel_loop3A_202] {strides = array<i32>} : memref<128x128xf32, #tpu.memory_space<vmem>>, vector<1x16xf32>,
        %parallel_loop3A_204 = vector.shape_cast %parallel_loop3A_203 : vector<1x16xf32> to vector<16xf32>
        %parallel_loop3A_205 = vector.shape_cast %parallel_loop3A_200 : vector<16xf32> to vector<1x16xf32>
        tpu.vector_store %arg11[%parallel_loop3A_201, %parallel_loop3A_202], %parallel_loop3A_205 {strides = array<i32>} : memref<128x128xf32, #tpu.memory_space<vmem>>, vector<1x16xf32>,
        %parallel_loop3A_206 = arith.index_cast %parallel_loop3A_130 : i32 to index
        %parallel_loop3A_207 = arith.constant 112 : index
        %parallel_loop3A_208 = tpu.vector_load %arg11[%parallel_loop3A_206, %parallel_loop3A_207] {strides = array<i32>} : memref<128x128xf32, #tpu.memory_space<vmem>>, vector<1x16xf32>,
        %parallel_loop3A_209 = vector.shape_cast %parallel_loop3A_208 : vector<1x16xf32> to vector<16xf32>
        %parallel_loop3A_210 = arith.mulf %parallel_loop3A_209, %parallel_loop3A_135 : vector<16xf32>
        %parallel_loop3A_211 = arith.index_cast %parallel_loop3A_130 : i32 to index
        %parallel_loop3A_212 = arith.constant 112 : index
        %parallel_loop3A_213 = tpu.vector_load %arg11[%parallel_loop3A_211, %parallel_loop3A_212] {strides = array<i32>} : memref<128x128xf32, #tpu.memory_space<vmem>>, vector<1x16xf32>,
        %parallel_loop3A_214 = vector.shape_cast %parallel_loop3A_213 : vector<1x16xf32> to vector<16xf32>
        %parallel_loop3A_215 = vector.shape_cast %parallel_loop3A_210 : vector<16xf32> to vector<1x16xf32>
        tpu.vector_store %arg11[%parallel_loop3A_211, %parallel_loop3A_212], %parallel_loop3A_215 {strides = array<i32>} : memref<128x128xf32, #tpu.memory_space<vmem>>, vector<1x16xf32>,
      } {sc.loop_unroll_factor = 4 : i64, sc.parallel_access}
      %run_scoped3A_124 = arith.constant 1 : i32
      "tpu.region"() ({
        %run_scoped3A_130 = tpu.sem_alloc : memref<!tpu.dma_semaphore, #tpu.memory_space<semaphore_mem>>
        %dma_start3A_131 = arith.constant 0 : i32
        %dma_start3A_132 = tpu.memref_slice %arg7[%run_scoped3A_124, %dma_start3A_131] : memref<2x128xi32, #tpu.memory_space<vmem>> -> memref<1x128xi32, #tpu.memory_space<vmem>>
        %dma_start3A_133 = tpu.memref_squeeze %dma_start3A_132 : memref<1x128xi32, #tpu.memory_space<vmem>> -> memref<128xi32, #tpu.memory_space<vmem>>
        %dma_start3A_134 = arith.constant 0 : i32
        %dma_start3A_135 = arith.constant 0 : i32
        %dma_start3A_136 = tpu.memref_slice %arg12[%dma_start3A_134, %dma_start3A_135] : memref<10240x128xf32, #tpu.memory_space<vmem_shared>> -> memref<10240x128xf32, #tpu.memory_space<vmem_shared>>
        tpu.enqueue_indirect_dma source(%arg11 : memref<128x128xf32, #tpu.memory_space<vmem>>) target(%dma_start3A_136 : memref<10240x128xf32, #tpu.memory_space<vmem_shared>>) offsets(%dma_start3A_133 : memref<128xi32, #tpu.memory_space<vmem>>) semaphore(%run_scoped3A_130 : memref<!tpu.dma_semaphore, #tpu.memory_space<semaphore_mem>>) {add = true}
        %dma_wait3A_137 = arith.constant 0 : i32
        %dma_wait3A_138 = tpu.memref_slice %arg7[%run_scoped3A_124, %dma_wait3A_137] : memref<2x128xi32, #tpu.memory_space<vmem>> -> memref<1x128xi32, #tpu.memory_space<vmem>>
        %dma_wait3A_139 = tpu.memref_squeeze %dma_wait3A_138 : memref<1x128xi32, #tpu.memory_space<vmem>> -> memref<128xi32, #tpu.memory_space<vmem>>
        %dma_wait3A_140 = arith.constant 0 : i32
        %dma_wait3A_141 = arith.constant 0 : i32
        %dma_wait3A_142 = tpu.memref_slice %arg12[%dma_wait3A_140, %dma_wait3A_141] : memref<10240x128xf32, #tpu.memory_space<vmem_shared>> -> memref<10240x128xf32, #tpu.memory_space<vmem_shared>>
        tpu.wait_indirect_dma semaphore(%run_scoped3A_130 : memref<!tpu.dma_semaphore, #tpu.memory_space<semaphore_mem>>) src(%arg11 : memref<128x128xf32, #tpu.memory_space<vmem>>) dst(%dma_wait3A_142 : memref<10240x128xf32, #tpu.memory_space<vmem_shared>>)
        tpu.yield
      }) : () -> ()
      %lt3A_125 = arith.constant 78 : i32
      %lt3A_126 = arith.cmpi slt, %add3A_108, %lt3A_125 : i32
      %convert_element_type3A_127 = arith.extui %lt3A_126 : i1 to i32
      %cond3A_128 = arith.constant 0 : i32
      %cond3A_129 = arith.cmpi ne, %convert_element_type3A_127, %cond3A_128 : i32
      scf.if %cond3A_129 {
        %add3A_130 = arith.constant 2 : i32
        %add3A_131 = arith.addi %add3A_108, %add3A_130 : i32
        %mul3A_132 = arith.constant 80 : i32
        %mul3A_133 = arith.muli %add3A, %mul3A_132 : i32
        %add3A_134 = arith.addi %mul3A_133, %add3A_131 : i32
        %dma_start3A_135 = arith.constant 0 : i32
        %dma_start3A_136 = arith.constant 0 : i32
        %dma_start3A_137 = tpu.memref_slice %arg3[%add3A_134, %dma_start3A_135, %dma_start3A_136] : memref<2560x2x128xi32, #tpu.memory_space<hbm>> -> memref<1x2x128xi32, #tpu.memory_space<hbm>>
        %dma_start3A_138 = tpu.memref_squeeze %dma_start3A_137 : memref<1x2x128xi32, #tpu.memory_space<hbm>> -> memref<2x128xi32, #tpu.memory_space<hbm>>
        %dma_start3A_139 = arith.constant 0 : i32
        %dma_start3A_140 = arith.constant 0 : i32
        %dma_start3A_141 = tpu.memref_slice %arg3[%add3A_134, %dma_start3A_139, %dma_start3A_140] : memref<2560x2x128xi32, #tpu.memory_space<hbm>> -> memref<1x2x128xi32, #tpu.memory_space<hbm>>
        %dma_start3A_142 = tpu.memref_squeeze %dma_start3A_141 : memref<1x2x128xi32, #tpu.memory_space<hbm>> -> memref<2x128xi32, #tpu.memory_space<hbm>>
        tpu.enqueue_dma source(%dma_start3A_142 : memref<2x128xi32, #tpu.memory_space<hbm>>) target(%arg7 : memref<2x128xi32, #tpu.memory_space<vmem>>) target_semaphore(%arg15 : memref<!tpu.dma_semaphore, #tpu.memory_space<semaphore_mem>>)
        %mul3A_143 = arith.constant 128 : i32
        %mul3A_144 = arith.muli %add3A_134, %mul3A_143 : i32
        %mul3A_145 = arith.constant 16 : i32
        %mul3A_146 = arith.muli %mul3A_144, %mul3A_145 : i32
        %dma_start3A_147 = tpu.memref_slice %arg4[%mul3A_146] : memref<5242880xf32, #tpu.memory_space<hbm>> -> memref<2048xf32, #tpu.memory_space<hbm>>
        %dma_start3A_148 = tpu.memref_slice %arg4[%mul3A_146] : memref<5242880xf32, #tpu.memory_space<hbm>> -> memref<2048xf32, #tpu.memory_space<hbm>>
        tpu.enqueue_dma source(%dma_start3A_148 : memref<2048xf32, #tpu.memory_space<hbm>>) target(%arg9 : memref<2048xf32, #tpu.memory_space<vmem>>) target_semaphore(%arg15 : memref<!tpu.dma_semaphore, #tpu.memory_space<semaphore_mem>>)
      } else {
      }
    }
    %scan3A_59 = arith.constant 40 : i32
    %barrier3A_60 = arith.constant 0 : index
    tpu.barrier barrier_id(%barrier3A_60)
    %mul3A_61 = arith.constant 640 : i32
    %mul3A_62 = arith.muli %arg1, %mul3A_61 : i32
    %add3A_63 = arith.constant 0 : i32
    %add3A_64 = arith.addi %mul3A_62, %add3A_63 : i32
    "tpu.region"() ({
      %run_scoped3A = tpu.sem_alloc : memref<!tpu.dma_semaphore, #tpu.memory_space<semaphore_mem>>
      %dma_start3A_81 = arith.constant 0 : i32
      %dma_start3A_82 = arith.constant 0 : i32
      %dma_start3A_83 = tpu.memref_slice %arg5[%arg0, %dma_start3A_81, %dma_start3A_82] : memref<2x10240x128xf32, #tpu.memory_space<hbm>> -> memref<1x10240x128xf32, #tpu.memory_space<hbm>>
      %dma_start3A_84 = tpu.memref_squeeze %dma_start3A_83 : memref<1x10240x128xf32, #tpu.memory_space<hbm>> -> memref<10240x128xf32, #tpu.memory_space<hbm>>
      %dma_start3A_85 = arith.constant 0 : i32
      %dma_start3A_86 = tpu.memref_slice %dma_start3A_84[%add3A_64, %dma_start3A_85] : memref<10240x128xf32, #tpu.memory_space<hbm>> -> memref<128x128xf32, #tpu.memory_space<hbm>>
      %dma_start3A_87 = arith.constant 0 : i32
      %dma_start3A_88 = tpu.memref_slice %arg12[%add3A_64, %dma_start3A_87] : memref<10240x128xf32, #tpu.memory_space<vmem_shared>> -> memref<128x128xf32, #tpu.memory_space<vmem_shared>>
      tpu.enqueue_dma source(%dma_start3A_88 : memref<128x128xf32, #tpu.memory_space<vmem_shared>>) target(%dma_start3A_86 : memref<128x128xf32, #tpu.memory_space<hbm>>) target_semaphore(%run_scoped3A : memref<!tpu.dma_semaphore, #tpu.memory_space<semaphore_mem>>)
      %dma_wait3A = arith.constant 0 : i32
      %dma_wait3A_89 = arith.constant 0 : i32
      %dma_wait3A_90 = tpu.memref_slice %arg5[%arg0, %dma_wait3A, %dma_wait3A_89] : memref<2x10240x128xf32, #tpu.memory_space<hbm>> -> memref<1x10240x128xf32, #tpu.memory_space<hbm>>
      %dma_wait3A_91 = tpu.memref_squeeze %dma_wait3A_90 : memref<1x10240x128xf32, #tpu.memory_space<hbm>> -> memref<10240x128xf32, #tpu.memory_space<hbm>>
      %dma_wait3A_92 = arith.constant 0 : i32
      %dma_wait3A_93 = tpu.memref_slice %dma_wait3A_91[%add3A_64, %dma_wait3A_92] : memref<10240x128xf32, #tpu.memory_space<hbm>> -> memref<128x128xf32, #tpu.memory_space<hbm>>
      %dma_wait3A_94 = arith.constant 0 : i32
      %dma_wait3A_95 = tpu.memref_slice %arg12[%add3A_64, %dma_wait3A_94] : memref<10240x128xf32, #tpu.memory_space<vmem_shared>> -> memref<128x128xf32, #tpu.memory_space<vmem_shared>>
      tpu.wait_dma2 semaphore(%run_scoped3A : memref<!tpu.dma_semaphore, #tpu.memory_space<semaphore_mem>>) src(%dma_wait3A_95 : memref<128x128xf32, #tpu.memory_space<vmem_shared>>) dst(%dma_wait3A_93 : memref<128x128xf32, #tpu.memory_space<hbm>>)
      tpu.yield
    }) : () -> ()
    %mul3A_65 = arith.constant 640 : i32
    %mul3A_66 = arith.muli %arg1, %mul3A_65 : i32
    %add3A_67 = arith.constant 128 : i32
    %add3A_68 = arith.addi %mul3A_66, %add3A_67 : i32
    "tpu.region"() ({
      %run_scoped3A = tpu.sem_alloc : memref<!tpu.dma_semaphore, #tpu.memory_space<semaphore_mem>>
      %dma_start3A_81 = arith.constant 0 : i32
      %dma_start3A_82 = arith.constant 0 : i32
      %dma_start3A_83 = tpu.memref_slice %arg5[%arg0, %dma_start3A_81, %dma_start3A_82] : memref<2x10240x128xf32, #tpu.memory_space<hbm>> -> memref<1x10240x128xf32, #tpu.memory_space<hbm>>
      %dma_start3A_84 = tpu.memref_squeeze %dma_start3A_83 : memref<1x10240x128xf32, #tpu.memory_space<hbm>> -> memref<10240x128xf32, #tpu.memory_space<hbm>>
      %dma_start3A_85 = arith.constant 0 : i32
      %dma_start3A_86 = tpu.memref_slice %dma_start3A_84[%add3A_68, %dma_start3A_85] : memref<10240x128xf32, #tpu.memory_space<hbm>> -> memref<128x128xf32, #tpu.memory_space<hbm>>
      %dma_start3A_87 = arith.constant 0 : i32
      %dma_start3A_88 = tpu.memref_slice %arg12[%add3A_68, %dma_start3A_87] : memref<10240x128xf32, #tpu.memory_space<vmem_shared>> -> memref<128x128xf32, #tpu.memory_space<vmem_shared>>
      tpu.enqueue_dma source(%dma_start3A_88 : memref<128x128xf32, #tpu.memory_space<vmem_shared>>) target(%dma_start3A_86 : memref<128x128xf32, #tpu.memory_space<hbm>>) target_semaphore(%run_scoped3A : memref<!tpu.dma_semaphore, #tpu.memory_space<semaphore_mem>>)
      %dma_wait3A = arith.constant 0 : i32
      %dma_wait3A_89 = arith.constant 0 : i32
      %dma_wait3A_90 = tpu.memref_slice %arg5[%arg0, %dma_wait3A, %dma_wait3A_89] : memref<2x10240x128xf32, #tpu.memory_space<hbm>> -> memref<1x10240x128xf32, #tpu.memory_space<hbm>>
      %dma_wait3A_91 = tpu.memref_squeeze %dma_wait3A_90 : memref<1x10240x128xf32, #tpu.memory_space<hbm>> -> memref<10240x128xf32, #tpu.memory_space<hbm>>
      %dma_wait3A_92 = arith.constant 0 : i32
      %dma_wait3A_93 = tpu.memref_slice %dma_wait3A_91[%add3A_68, %dma_wait3A_92] : memref<10240x128xf32, #tpu.memory_space<hbm>> -> memref<128x128xf32, #tpu.memory_space<hbm>>
      %dma_wait3A_94 = arith.constant 0 : i32
      %dma_wait3A_95 = tpu.memref_slice %arg12[%add3A_68, %dma_wait3A_94] : memref<10240x128xf32, #tpu.memory_space<vmem_shared>> -> memref<128x128xf32, #tpu.memory_space<vmem_shared>>
      tpu.wait_dma2 semaphore(%run_scoped3A : memref<!tpu.dma_semaphore, #tpu.memory_space<semaphore_mem>>) src(%dma_wait3A_95 : memref<128x128xf32, #tpu.memory_space<vmem_shared>>) dst(%dma_wait3A_93 : memref<128x128xf32, #tpu.memory_space<hbm>>)
      tpu.yield
    }) : () -> ()
    %mul3A_69 = arith.constant 640 : i32
    %mul3A_70 = arith.muli %arg1, %mul3A_69 : i32
    %add3A_71 = arith.constant 256 : i32
    %add3A_72 = arith.addi %mul3A_70, %add3A_71 : i32
    "tpu.region"() ({
      %run_scoped3A = tpu.sem_alloc : memref<!tpu.dma_semaphore, #tpu.memory_space<semaphore_mem>>
      %dma_start3A_81 = arith.constant 0 : i32
      %dma_start3A_82 = arith.constant 0 : i32
      %dma_start3A_83 = tpu.memref_slice %arg5[%arg0, %dma_start3A_81, %dma_start3A_82] : memref<2x10240x128xf32, #tpu.memory_space<hbm>> -> memref<1x10240x128xf32, #tpu.memory_space<hbm>>
      %dma_start3A_84 = tpu.memref_squeeze %dma_start3A_83 : memref<1x10240x128xf32, #tpu.memory_space<hbm>> -> memref<10240x128xf32, #tpu.memory_space<hbm>>
      %dma_start3A_85 = arith.constant 0 : i32
      %dma_start3A_86 = tpu.memref_slice %dma_start3A_84[%add3A_72, %dma_start3A_85] : memref<10240x128xf32, #tpu.memory_space<hbm>> -> memref<128x128xf32, #tpu.memory_space<hbm>>
      %dma_start3A_87 = arith.constant 0 : i32
      %dma_start3A_88 = tpu.memref_slice %arg12[%add3A_72, %dma_start3A_87] : memref<10240x128xf32, #tpu.memory_space<vmem_shared>> -> memref<128x128xf32, #tpu.memory_space<vmem_shared>>
      tpu.enqueue_dma source(%dma_start3A_88 : memref<128x128xf32, #tpu.memory_space<vmem_shared>>) target(%dma_start3A_86 : memref<128x128xf32, #tpu.memory_space<hbm>>) target_semaphore(%run_scoped3A : memref<!tpu.dma_semaphore, #tpu.memory_space<semaphore_mem>>)
      %dma_wait3A = arith.constant 0 : i32
      %dma_wait3A_89 = arith.constant 0 : i32
      %dma_wait3A_90 = tpu.memref_slice %arg5[%arg0, %dma_wait3A, %dma_wait3A_89] : memref<2x10240x128xf32, #tpu.memory_space<hbm>> -> memref<1x10240x128xf32, #tpu.memory_space<hbm>>
      %dma_wait3A_91 = tpu.memref_squeeze %dma_wait3A_90 : memref<1x10240x128xf32, #tpu.memory_space<hbm>> -> memref<10240x128xf32, #tpu.memory_space<hbm>>
      %dma_wait3A_92 = arith.constant 0 : i32
      %dma_wait3A_93 = tpu.memref_slice %dma_wait3A_91[%add3A_72, %dma_wait3A_92] : memref<10240x128xf32, #tpu.memory_space<hbm>> -> memref<128x128xf32, #tpu.memory_space<hbm>>
      %dma_wait3A_94 = arith.constant 0 : i32
      %dma_wait3A_95 = tpu.memref_slice %arg12[%add3A_72, %dma_wait3A_94] : memref<10240x128xf32, #tpu.memory_space<vmem_shared>> -> memref<128x128xf32, #tpu.memory_space<vmem_shared>>
      tpu.wait_dma2 semaphore(%run_scoped3A : memref<!tpu.dma_semaphore, #tpu.memory_space<semaphore_mem>>) src(%dma_wait3A_95 : memref<128x128xf32, #tpu.memory_space<vmem_shared>>) dst(%dma_wait3A_93 : memref<128x128xf32, #tpu.memory_space<hbm>>)
      tpu.yield
    }) : () -> ()
    %mul3A_73 = arith.constant 640 : i32
    %mul3A_74 = arith.muli %arg1, %mul3A_73 : i32
    %add3A_75 = arith.constant 384 : i32
    %add3A_76 = arith.addi %mul3A_74, %add3A_75 : i32
    "tpu.region"() ({
      %run_scoped3A = tpu.sem_alloc : memref<!tpu.dma_semaphore, #tpu.memory_space<semaphore_mem>>
      %dma_start3A_81 = arith.constant 0 : i32
      %dma_start3A_82 = arith.constant 0 : i32
      %dma_start3A_83 = tpu.memref_slice %arg5[%arg0, %dma_start3A_81, %dma_start3A_82] : memref<2x10240x128xf32, #tpu.memory_space<hbm>> -> memref<1x10240x128xf32, #tpu.memory_space<hbm>>
      %dma_start3A_84 = tpu.memref_squeeze %dma_start3A_83 : memref<1x10240x128xf32, #tpu.memory_space<hbm>> -> memref<10240x128xf32, #tpu.memory_space<hbm>>
      %dma_start3A_85 = arith.constant 0 : i32
      %dma_start3A_86 = tpu.memref_slice %dma_start3A_84[%add3A_76, %dma_start3A_85] : memref<10240x128xf32, #tpu.memory_space<hbm>> -> memref<128x128xf32, #tpu.memory_space<hbm>>
      %dma_start3A_87 = arith.constant 0 : i32
      %dma_start3A_88 = tpu.memref_slice %arg12[%add3A_76, %dma_start3A_87] : memref<10240x128xf32, #tpu.memory_space<vmem_shared>> -> memref<128x128xf32, #tpu.memory_space<vmem_shared>>
      tpu.enqueue_dma source(%dma_start3A_88 : memref<128x128xf32, #tpu.memory_space<vmem_shared>>) target(%dma_start3A_86 : memref<128x128xf32, #tpu.memory_space<hbm>>) target_semaphore(%run_scoped3A : memref<!tpu.dma_semaphore, #tpu.memory_space<semaphore_mem>>)
      %dma_wait3A = arith.constant 0 : i32
      %dma_wait3A_89 = arith.constant 0 : i32
      %dma_wait3A_90 = tpu.memref_slice %arg5[%arg0, %dma_wait3A, %dma_wait3A_89] : memref<2x10240x128xf32, #tpu.memory_space<hbm>> -> memref<1x10240x128xf32, #tpu.memory_space<hbm>>
      %dma_wait3A_91 = tpu.memref_squeeze %dma_wait3A_90 : memref<1x10240x128xf32, #tpu.memory_space<hbm>> -> memref<10240x128xf32, #tpu.memory_space<hbm>>
      %dma_wait3A_92 = arith.constant 0 : i32
      %dma_wait3A_93 = tpu.memref_slice %dma_wait3A_91[%add3A_76, %dma_wait3A_92] : memref<10240x128xf32, #tpu.memory_space<hbm>> -> memref<128x128xf32, #tpu.memory_space<hbm>>
      %dma_wait3A_94 = arith.constant 0 : i32
      %dma_wait3A_95 = tpu.memref_slice %arg12[%add3A_76, %dma_wait3A_94] : memref<10240x128xf32, #tpu.memory_space<vmem_shared>> -> memref<128x128xf32, #tpu.memory_space<vmem_shared>>
      tpu.wait_dma2 semaphore(%run_scoped3A : memref<!tpu.dma_semaphore, #tpu.memory_space<semaphore_mem>>) src(%dma_wait3A_95 : memref<128x128xf32, #tpu.memory_space<vmem_shared>>) dst(%dma_wait3A_93 : memref<128x128xf32, #tpu.memory_space<hbm>>)
      tpu.yield
    }) : () -> ()
    %mul3A_77 = arith.constant 640 : i32
    %mul3A_78 = arith.muli %arg1, %mul3A_77 : i32
    %add3A_79 = arith.constant 512 : i32
    %add3A_80 = arith.addi %mul3A_78, %add3A_79 : i32
    "tpu.region"() ({
      %run_scoped3A = tpu.sem_alloc : memref<!tpu.dma_semaphore, #tpu.memory_space<semaphore_mem>>
      %dma_start3A_81 = arith.constant 0 : i32
      %dma_start3A_82 = arith.constant 0 : i32
      %dma_start3A_83 = tpu.memref_slice %arg5[%arg0, %dma_start3A_81, %dma_start3A_82] : memref<2x10240x128xf32, #tpu.memory_space<hbm>> -> memref<1x10240x128xf32, #tpu.memory_space<hbm>>
      %dma_start3A_84 = tpu.memref_squeeze %dma_start3A_83 : memref<1x10240x128xf32, #tpu.memory_space<hbm>> -> memref<10240x128xf32, #tpu.memory_space<hbm>>
      %dma_start3A_85 = arith.constant 0 : i32
      %dma_start3A_86 = tpu.memref_slice %dma_start3A_84[%add3A_80, %dma_start3A_85] : memref<10240x128xf32, #tpu.memory_space<hbm>> -> memref<128x128xf32, #tpu.memory_space<hbm>>
      %dma_start3A_87 = arith.constant 0 : i32
      %dma_start3A_88 = tpu.memref_slice %arg12[%add3A_80, %dma_start3A_87] : memref<10240x128xf32, #tpu.memory_space<vmem_shared>> -> memref<128x128xf32, #tpu.memory_space<vmem_shared>>
      tpu.enqueue_dma source(%dma_start3A_88 : memref<128x128xf32, #tpu.memory_space<vmem_shared>>) target(%dma_start3A_86 : memref<128x128xf32, #tpu.memory_space<hbm>>) target_semaphore(%run_scoped3A : memref<!tpu.dma_semaphore, #tpu.memory_space<semaphore_mem>>)
      %dma_wait3A = arith.constant 0 : i32
      %dma_wait3A_89 = arith.constant 0 : i32
      %dma_wait3A_90 = tpu.memref_slice %arg5[%arg0, %dma_wait3A, %dma_wait3A_89] : memref<2x10240x128xf32, #tpu.memory_space<hbm>> -> memref<1x10240x128xf32, #tpu.memory_space<hbm>>
      %dma_wait3A_91 = tpu.memref_squeeze %dma_wait3A_90 : memref<1x10240x128xf32, #tpu.memory_space<hbm>> -> memref<10240x128xf32, #tpu.memory_space<hbm>>
      %dma_wait3A_92 = arith.constant 0 : i32
      %dma_wait3A_93 = tpu.memref_slice %dma_wait3A_91[%add3A_80, %dma_wait3A_92] : memref<10240x128xf32, #tpu.memory_space<hbm>> -> memref<128x128xf32, #tpu.memory_space<hbm>>
      %dma_wait3A_94 = arith.constant 0 : i32
      %dma_wait3A_95 = tpu.memref_slice %arg12[%add3A_80, %dma_wait3A_94] : memref<10240x128xf32, #tpu.memory_space<vmem_shared>> -> memref<128x128xf32, #tpu.memory_space<vmem_shared>>
      tpu.wait_dma2 semaphore(%run_scoped3A : memref<!tpu.dma_semaphore, #tpu.memory_space<semaphore_mem>>) src(%dma_wait3A_95 : memref<128x128xf32, #tpu.memory_space<vmem_shared>>) dst(%dma_wait3A_93 : memref<128x128xf32, #tpu.memory_space<hbm>>)
      tpu.yield
    }) : () -> ()
    return
  }
}

module attributes {stable_mosaic.version = 14 : i64} {
  func.func @body(%arg0: i32, %arg1: memref<2000x128xf32, #tpu.memory_space<vmem>>, %arg2: memref<128x128xf32, #tpu.memory_space<vmem>>, %arg3: memref<1x128xf32, #tpu.memory_space<vmem>>, %arg4: memref<128x128xf32, #tpu.memory_space<vmem>>, %arg5: memref<2000x128xf32, #tpu.memory_space<vmem>>) attributes {dimension_semantics = [#tpu.dimension_semantics<arbitrary>], iteration_bounds = array<i64: 5>, scalar_prefetch = 0 : i64, scratch_operands = 0 : i64, tpu.core_type = #tpu.core_type<tc>, window_params = [{transform_indices = @transform_0, window_bounds = array<i64: 2000, 128>}, {pipeline_mode = #tpu.pipeline_mode<synchronous>, transform_indices = @transform_1, window_bounds = array<i64: 128, 128>}, {pipeline_mode = #tpu.pipeline_mode<synchronous>, transform_indices = @transform_2, window_bounds = array<i64: 1, 128>}, {pipeline_mode = #tpu.pipeline_mode<synchronous>, transform_indices = @transform_3, window_bounds = array<i64: 128, 128>}, {transform_indices = @transform_4, window_bounds = array<i64: 2000, 128>}]} {
    %get3A = arith.constant 0 : index
    %get3A_0 = arith.constant 0 : index
    %get3A_1 = vector.load %arg1[%get3A, %get3A_0] : memref<2000x128xf32, #tpu.memory_space<vmem>>, vector<2000x128xf32>
    %get3A_2 = arith.constant 0 : index
    %get3A_3 = arith.constant 0 : index
    %get3A_4 = vector.load %arg2[%get3A_2, %get3A_3] : memref<128x128xf32, #tpu.memory_space<vmem>>, vector<128x128xf32>
    %dot_general3A = arith.constant dense<0.000000e+00> : vector<2000x128xf32>
    %dot_general3A_5 = tpu.matmul %get3A_1, %get3A_4, %dot_general3A {dimension_numbers = #tpu.dot_dimension_numbers<[1], [0], [0], [1], [0, 0, 1, 1], [], []>, precision = #tpu.contract_precision<fp32>, transpose_lhs_hint = false} : vector<2000x128xf32>, vector<128x128xf32>, vector<2000x128xf32> -> vector<2000x128xf32>
    %get3A_6 = arith.constant 0 : index
    %get3A_7 = arith.constant 0 : index
    %get3A_8 = vector.load %arg3[%get3A_6, %get3A_7] : memref<1x128xf32, #tpu.memory_space<vmem>>, vector<1x128xf32>
    %add3A = vector.broadcast %get3A_8 : vector<1x128xf32> to vector<2000x128xf32>
    %add3A_9 = arith.addf %dot_general3A_5, %add3A : vector<2000x128xf32>
    %max3A = arith.constant 0.000000e+00 : f32
    %max3A_10 = vector.broadcast %max3A : f32 to vector<2000x128xf32>
    %max3A_11 = arith.maximumf %add3A_9, %max3A_10 : vector<2000x128xf32>
    %get3A_12 = arith.constant 0 : index
    %get3A_13 = arith.constant 0 : index
    %get3A_14 = vector.load %arg4[%get3A_12, %get3A_13] : memref<128x128xf32, #tpu.memory_space<vmem>>, vector<128x128xf32>
    %dot_general3A_15 = arith.constant dense<0.000000e+00> : vector<2000x128xf32>
    %dot_general3A_16 = tpu.matmul %max3A_11, %get3A_14, %dot_general3A_15 {dimension_numbers = #tpu.dot_dimension_numbers<[1], [0], [0], [1], [0, 0, 1, 1], [], []>, precision = #tpu.contract_precision<fp32>, transpose_lhs_hint = false} : vector<2000x128xf32>, vector<128x128xf32>, vector<2000x128xf32> -> vector<2000x128xf32>
    %swap3A = arith.constant 0 : index
    %swap3A_17 = arith.constant 0 : index
    %swap3A_18 = vector.load %arg5[%swap3A, %swap3A_17] : memref<2000x128xf32, #tpu.memory_space<vmem>>, vector<2000x128xf32>
    tpu.vector_store %arg5[%swap3A, %swap3A_17], %dot_general3A_16 {strides = array<i32>} : memref<2000x128xf32, #tpu.memory_space<vmem>>, vector<2000x128xf32>,
    return
  }
  func.func @transform_0(%arg0: i32) -> (i32, i32) {
    %c0_i32 = arith.constant 0 : i32
    %c0_i32_0 = arith.constant 0 : i32
    return %arg0, %c0_i32 : i32, i32
  }
  func.func @transform_1(%arg0: i32) -> (i32, i32) {
    %c0_i32 = arith.constant 0 : i32
    %c0_i32_0 = arith.constant 0 : i32
    %c0_i32_1 = arith.constant 0 : i32
    return %c0_i32, %c0_i32_0 : i32, i32
  }
  func.func @transform_2(%arg0: i32) -> (i32, i32) {
    %c0_i32 = arith.constant 0 : i32
    %c0_i32_0 = arith.constant 0 : i32
    %c0_i32_1 = arith.constant 0 : i32
    return %c0_i32, %c0_i32_0 : i32, i32
  }
  func.func @transform_3(%arg0: i32) -> (i32, i32) {
    %c0_i32 = arith.constant 0 : i32
    %c0_i32_0 = arith.constant 0 : i32
    %c0_i32_1 = arith.constant 0 : i32
    return %c0_i32, %c0_i32_0 : i32, i32
  }
  func.func @transform_4(%arg0: i32) -> (i32, i32) {
    %c0_i32 = arith.constant 0 : i32
    %c0_i32_0 = arith.constant 0 : i32
    return %arg0, %c0_i32 : i32, i32
  }
}

module attributes {stable_mosaic.version = 14 : i64} {
  func.func @body(%arg0: i32, %arg1: memref<2000x2xf32, #tpu.memory_space<vmem>>, %arg2: memref<2000x128xf32, #tpu.memory_space<vmem>>, %arg3: memref<2000x128xf32, #tpu.memory_space<vmem>>) attributes {dimension_semantics = [#tpu.dimension_semantics<arbitrary>], iteration_bounds = array<i64: 5>, scalar_prefetch = 0 : i64, scratch_operands = 0 : i64, tpu.core_type = #tpu.core_type<tc>, window_params = [{transform_indices = @transform_0, window_bounds = array<i64: 2000, 2>}, {transform_indices = @transform_1, window_bounds = array<i64: 2000, 128>}, {transform_indices = @transform_2, window_bounds = array<i64: 2000, 128>}]} {
    %get3A = arith.constant 0 : index
    %get3A_0 = arith.constant 0 : index
    %get3A_1 = vector.load %arg1[%get3A, %get3A_0] : memref<2000x2xf32, #tpu.memory_space<vmem>>, vector<2000x2xf32>
    %slice3A = vector.extract_strided_slice %get3A_1 {offsets = [0, 0], sizes = [2000, 1], strides = [1, 1]} : vector<2000x2xf32> to vector<2000x1xf32>
    %squeeze3A = vector.shape_cast %slice3A : vector<2000x1xf32> to vector<2000xf32>
    %add3A = arith.constant 1.000000e+00 : f32
    %add3A_2 = vector.broadcast %add3A : f32 to vector<2000xf32>
    %add3A_3 = arith.addf %add3A_2, %squeeze3A : vector<2000xf32>
    %slice3A_4 = vector.extract_strided_slice %get3A_1 {offsets = [0, 1], sizes = [2000, 1], strides = [1, 1]} : vector<2000x2xf32> to vector<2000x1xf32>
    %squeeze3A_5 = vector.shape_cast %slice3A_4 : vector<2000x1xf32> to vector<2000xf32>
    %add3A_6 = arith.addf %add3A_3, %squeeze3A_5 : vector<2000xf32>
    %gt3A = arith.constant 0.000000e+00 : f32
    %gt3A_7 = vector.broadcast %gt3A : f32 to vector<2000xf32>
    %gt3A_8 = arith.cmpf ogt, %add3A_6, %gt3A_7 : vector<2000xf32>
    %rsqrt3A = math.rsqrt %add3A_6 : vector<2000xf32>
    %jit3A = arith.constant 0.000000e+00 : f32
    %broadcast_in_dim3A = vector.broadcast %jit3A : f32 to vector<2000xf32>
    %select_n3A = arith.select %gt3A_8, %rsqrt3A, %broadcast_in_dim3A : vector<2000xi1>, vector<2000xf32>
    %broadcast_in_dim3A_9 = vector.shape_cast %select_n3A : vector<2000xf32> to vector<2000x1xf32>
    %get3A_10 = arith.constant 0 : index
    %get3A_11 = arith.constant 0 : index
    %get3A_12 = vector.load %arg2[%get3A_10, %get3A_11] : memref<2000x128xf32, #tpu.memory_space<vmem>>, vector<2000x128xf32>
    %mul3A = vector.broadcast %broadcast_in_dim3A_9 : vector<2000x1xf32> to vector<2000x128xf32>
    %mul3A_13 = arith.mulf %mul3A, %get3A_12 : vector<2000x128xf32>
    %swap3A = arith.constant 0 : index
    %swap3A_14 = arith.constant 0 : index
    %swap3A_15 = vector.load %arg3[%swap3A, %swap3A_14] : memref<2000x128xf32, #tpu.memory_space<vmem>>, vector<2000x128xf32>
    tpu.vector_store %arg3[%swap3A, %swap3A_14], %mul3A_13 {strides = array<i32>} : memref<2000x128xf32, #tpu.memory_space<vmem>>, vector<2000x128xf32>,
    return
  }
  func.func @transform_0(%arg0: i32) -> (i32, i32) {
    %c0_i32 = arith.constant 0 : i32
    %c0_i32_0 = arith.constant 0 : i32
    return %arg0, %c0_i32 : i32, i32
  }
  func.func @transform_1(%arg0: i32) -> (i32, i32) {
    %c0_i32 = arith.constant 0 : i32
    %c0_i32_0 = arith.constant 0 : i32
    return %arg0, %c0_i32 : i32, i32
  }
  func.func @transform_2(%arg0: i32) -> (i32, i32) {
    %c0_i32 = arith.constant 0 : i32
    %c0_i32_0 = arith.constant 0 : i32
    return %arg0, %c0_i32 : i32, i32
  }
}

module attributes {stable_mosaic.version = 14 : i64} {
  func.func @body(%arg0: i32, %arg1: memref<2x2000x128xf32, #tpu.memory_space<vmem>>, %arg2: memref<2000x2xf32, #tpu.memory_space<vmem>>, %arg3: memref<2000x128xf32, #tpu.memory_space<vmem>>, %arg4: memref<1x128xf32, #tpu.memory_space<vmem>>, %arg5: memref<128x128xf32, #tpu.memory_space<vmem>>, %arg6: memref<2000x128xf32, #tpu.memory_space<vmem>>, %arg7: memref<2000x128xf32, #tpu.memory_space<vmem>>) attributes {dimension_semantics = [#tpu.dimension_semantics<arbitrary>], iteration_bounds = array<i64: 5>, scalar_prefetch = 0 : i64, scratch_operands = 0 : i64, tpu.core_type = #tpu.core_type<tc>, window_params = [{transform_indices = @transform_0, window_bounds = array<i64: 2, 2000, 128>}, {transform_indices = @transform_1, window_bounds = array<i64: 2000, 2>}, {transform_indices = @transform_2, window_bounds = array<i64: 2000, 128>}, {pipeline_mode = #tpu.pipeline_mode<synchronous>, transform_indices = @transform_3, window_bounds = array<i64: 1, 128>}, {pipeline_mode = #tpu.pipeline_mode<synchronous>, transform_indices = @transform_4, window_bounds = array<i64: 128, 128>}, {transform_indices = @transform_5, window_bounds = array<i64: 2000, 128>}, {transform_indices = @transform_6, window_bounds = array<i64: 2000, 128>}]} {
    %get3A = arith.constant 0 : index
    %get3A_0 = arith.constant 0 : index
    %get3A_1 = vector.load %arg2[%get3A, %get3A_0] : memref<2000x2xf32, #tpu.memory_space<vmem>>, vector<2000x2xf32>
    %slice3A = vector.extract_strided_slice %get3A_1 {offsets = [0, 0], sizes = [2000, 1], strides = [1, 1]} : vector<2000x2xf32> to vector<2000x1xf32>
    %squeeze3A = vector.shape_cast %slice3A : vector<2000x1xf32> to vector<2000xf32>
    %add3A = arith.constant 1.000000e+00 : f32
    %add3A_2 = vector.broadcast %add3A : f32 to vector<2000xf32>
    %add3A_3 = arith.addf %add3A_2, %squeeze3A : vector<2000xf32>
    %slice3A_4 = vector.extract_strided_slice %get3A_1 {offsets = [0, 1], sizes = [2000, 1], strides = [1, 1]} : vector<2000x2xf32> to vector<2000x1xf32>
    %squeeze3A_5 = vector.shape_cast %slice3A_4 : vector<2000x1xf32> to vector<2000xf32>
    %add3A_6 = arith.addf %add3A_3, %squeeze3A_5 : vector<2000xf32>
    %gt3A = arith.constant 0.000000e+00 : f32
    %gt3A_7 = vector.broadcast %gt3A : f32 to vector<2000xf32>
    %gt3A_8 = arith.cmpf ogt, %add3A_6, %gt3A_7 : vector<2000xf32>
    %rsqrt3A = math.rsqrt %add3A_6 : vector<2000xf32>
    %jit3A = arith.constant 0.000000e+00 : f32
    %broadcast_in_dim3A = vector.broadcast %jit3A : f32 to vector<2000xf32>
    %select_n3A = arith.select %gt3A_8, %rsqrt3A, %broadcast_in_dim3A : vector<2000xi1>, vector<2000xf32>
    %get3A_9 = arith.constant 0 : index
    %get3A_10 = arith.constant 0 : index
    %get3A_11 = arith.constant 0 : index
    %get3A_12 = vector.load %arg1[%get3A_9, %get3A_10, %get3A_11] : memref<2x2000x128xf32, #tpu.memory_space<vmem>>, vector<1x2000x128xf32>
    %get3A_13 = vector.shape_cast %get3A_12 : vector<1x2000x128xf32> to vector<2000x128xf32>
    %get3A_14 = arith.constant 1 : index
    %get3A_15 = arith.constant 0 : index
    %get3A_16 = arith.constant 0 : index
    %get3A_17 = vector.load %arg1[%get3A_14, %get3A_15, %get3A_16] : memref<2x2000x128xf32, #tpu.memory_space<vmem>>, vector<1x2000x128xf32>
    %get3A_18 = vector.shape_cast %get3A_17 : vector<1x2000x128xf32> to vector<2000x128xf32>
    %add3A_19 = arith.addf %get3A_13, %get3A_18 : vector<2000x128xf32>
    %broadcast_in_dim3A_20 = vector.shape_cast %select_n3A : vector<2000xf32> to vector<2000x1xf32>
    %mul3A = vector.broadcast %broadcast_in_dim3A_20 : vector<2000x1xf32> to vector<2000x128xf32>
    %mul3A_21 = arith.mulf %mul3A, %add3A_19 : vector<2000x128xf32>
    %mul3A_22 = arith.mulf %select_n3A, %select_n3A : vector<2000xf32>
    %broadcast_in_dim3A_23 = vector.shape_cast %mul3A_22 : vector<2000xf32> to vector<2000x1xf32>
    %get3A_24 = arith.constant 0 : index
    %get3A_25 = arith.constant 0 : index
    %get3A_26 = vector.load %arg3[%get3A_24, %get3A_25] : memref<2000x128xf32, #tpu.memory_space<vmem>>, vector<2000x128xf32>
    %mul3A_27 = vector.broadcast %broadcast_in_dim3A_23 : vector<2000x1xf32> to vector<2000x128xf32>
    %mul3A_28 = arith.mulf %mul3A_27, %get3A_26 : vector<2000x128xf32>
    %add3A_29 = arith.addf %mul3A_21, %mul3A_28 : vector<2000x128xf32>
    %get3A_30 = arith.constant 0 : index
    %get3A_31 = arith.constant 0 : index
    %get3A_32 = vector.load %arg4[%get3A_30, %get3A_31] : memref<1x128xf32, #tpu.memory_space<vmem>>, vector<1x128xf32>
    %add3A_33 = vector.broadcast %get3A_32 : vector<1x128xf32> to vector<2000x128xf32>
    %add3A_34 = arith.addf %add3A_29, %add3A_33 : vector<2000x128xf32>
    %max3A = arith.constant 0.000000e+00 : f32
    %max3A_35 = vector.broadcast %max3A : f32 to vector<2000x128xf32>
    %max3A_36 = arith.maximumf %add3A_34, %max3A_35 : vector<2000x128xf32>
    %get3A_37 = arith.constant 0 : index
    %get3A_38 = arith.constant 0 : index
    %get3A_39 = vector.load %arg5[%get3A_37, %get3A_38] : memref<128x128xf32, #tpu.memory_space<vmem>>, vector<128x128xf32>
    %dot_general3A = arith.constant dense<0.000000e+00> : vector<2000x128xf32>
    %dot_general3A_40 = tpu.matmul %max3A_36, %get3A_39, %dot_general3A {dimension_numbers = #tpu.dot_dimension_numbers<[1], [0], [0], [1], [0, 0, 1, 1], [], []>, precision = #tpu.contract_precision<fp32>, transpose_lhs_hint = false} : vector<2000x128xf32>, vector<128x128xf32>, vector<2000x128xf32> -> vector<2000x128xf32>
    %swap3A = arith.constant 0 : index
    %swap3A_41 = arith.constant 0 : index
    %swap3A_42 = vector.load %arg6[%swap3A, %swap3A_41] : memref<2000x128xf32, #tpu.memory_space<vmem>>, vector<2000x128xf32>
    tpu.vector_store %arg6[%swap3A, %swap3A_41], %dot_general3A_40 {strides = array<i32>} : memref<2000x128xf32, #tpu.memory_space<vmem>>, vector<2000x128xf32>,
    %broadcast_in_dim3A_43 = vector.shape_cast %select_n3A : vector<2000xf32> to vector<2000x1xf32>
    %mul3A_44 = vector.broadcast %broadcast_in_dim3A_43 : vector<2000x1xf32> to vector<2000x128xf32>
    %mul3A_45 = arith.mulf %mul3A_44, %dot_general3A_40 : vector<2000x128xf32>
    %swap3A_46 = arith.constant 0 : index
    %swap3A_47 = arith.constant 0 : index
    %swap3A_48 = vector.load %arg7[%swap3A_46, %swap3A_47] : memref<2000x128xf32, #tpu.memory_space<vmem>>, vector<2000x128xf32>
    tpu.vector_store %arg7[%swap3A_46, %swap3A_47], %mul3A_45 {strides = array<i32>} : memref<2000x128xf32, #tpu.memory_space<vmem>>, vector<2000x128xf32>,
    return
  }
  func.func @transform_0(%arg0: i32) -> (i32, i32, i32) {
    %c0_i32 = arith.constant 0 : i32
    %c0_i32_0 = arith.constant 0 : i32
    %c0_i32_1 = arith.constant 0 : i32
    return %c0_i32, %arg0, %c0_i32_0 : i32, i32, i32
  }
  func.func @transform_1(%arg0: i32) -> (i32, i32) {
    %c0_i32 = arith.constant 0 : i32
    %c0_i32_0 = arith.constant 0 : i32
    return %arg0, %c0_i32 : i32, i32
  }
  func.func @transform_2(%arg0: i32) -> (i32, i32) {
    %c0_i32 = arith.constant 0 : i32
    %c0_i32_0 = arith.constant 0 : i32
    return %arg0, %c0_i32 : i32, i32
  }
  func.func @transform_3(%arg0: i32) -> (i32, i32) {
    %c0_i32 = arith.constant 0 : i32
    %c0_i32_0 = arith.constant 0 : i32
    %c0_i32_1 = arith.constant 0 : i32
    return %c0_i32, %c0_i32_0 : i32, i32
  }
  func.func @transform_4(%arg0: i32) -> (i32, i32) {
    %c0_i32 = arith.constant 0 : i32
    %c0_i32_0 = arith.constant 0 : i32
    %c0_i32_1 = arith.constant 0 : i32
    return %c0_i32, %c0_i32_0 : i32, i32
  }
  func.func @transform_5(%arg0: i32) -> (i32, i32) {
    %c0_i32 = arith.constant 0 : i32
    %c0_i32_0 = arith.constant 0 : i32
    return %arg0, %c0_i32 : i32, i32
  }
  func.func @transform_6(%arg0: i32) -> (i32, i32) {
    %c0_i32 = arith.constant 0 : i32
    %c0_i32_0 = arith.constant 0 : i32
    return %arg0, %c0_i32 : i32, i32
  }
}

module attributes {stable_mosaic.version = 14 : i64} {
  func.func @body(%arg0: i32, %arg1: memref<2x2000x128xf32, #tpu.memory_space<vmem>>, %arg2: memref<2000x2xf32, #tpu.memory_space<vmem>>, %arg3: memref<2000x128xf32, #tpu.memory_space<vmem>>, %arg4: memref<1x128xf32, #tpu.memory_space<vmem>>, %arg5: memref<128x40xf32, #tpu.memory_space<vmem>>, %arg6: memref<1x40xf32, #tpu.memory_space<vmem>>, %arg7: memref<2000x40xf32, #tpu.memory_space<vmem>>) attributes {dimension_semantics = [#tpu.dimension_semantics<arbitrary>], iteration_bounds = array<i64: 5>, scalar_prefetch = 0 : i64, scratch_operands = 0 : i64, tpu.core_type = #tpu.core_type<tc>, window_params = [{transform_indices = @transform_0, window_bounds = array<i64: 2, 2000, 128>}, {transform_indices = @transform_1, window_bounds = array<i64: 2000, 2>}, {transform_indices = @transform_2, window_bounds = array<i64: 2000, 128>}, {pipeline_mode = #tpu.pipeline_mode<synchronous>, transform_indices = @transform_3, window_bounds = array<i64: 1, 128>}, {pipeline_mode = #tpu.pipeline_mode<synchronous>, transform_indices = @transform_4, window_bounds = array<i64: 128, 40>}, {pipeline_mode = #tpu.pipeline_mode<synchronous>, transform_indices = @transform_5, window_bounds = array<i64: 1, 40>}, {transform_indices = @transform_6, window_bounds = array<i64: 2000, 40>}]} {
    %get3A = arith.constant 0 : index
    %get3A_0 = arith.constant 0 : index
    %get3A_1 = vector.load %arg2[%get3A, %get3A_0] : memref<2000x2xf32, #tpu.memory_space<vmem>>, vector<2000x2xf32>
    %slice3A = vector.extract_strided_slice %get3A_1 {offsets = [0, 0], sizes = [2000, 1], strides = [1, 1]} : vector<2000x2xf32> to vector<2000x1xf32>
    %squeeze3A = vector.shape_cast %slice3A : vector<2000x1xf32> to vector<2000xf32>
    %add3A = arith.constant 1.000000e+00 : f32
    %add3A_2 = vector.broadcast %add3A : f32 to vector<2000xf32>
    %add3A_3 = arith.addf %add3A_2, %squeeze3A : vector<2000xf32>
    %slice3A_4 = vector.extract_strided_slice %get3A_1 {offsets = [0, 1], sizes = [2000, 1], strides = [1, 1]} : vector<2000x2xf32> to vector<2000x1xf32>
    %squeeze3A_5 = vector.shape_cast %slice3A_4 : vector<2000x1xf32> to vector<2000xf32>
    %add3A_6 = arith.addf %add3A_3, %squeeze3A_5 : vector<2000xf32>
    %gt3A = arith.constant 0.000000e+00 : f32
    %gt3A_7 = vector.broadcast %gt3A : f32 to vector<2000xf32>
    %gt3A_8 = arith.cmpf ogt, %add3A_6, %gt3A_7 : vector<2000xf32>
    %rsqrt3A = math.rsqrt %add3A_6 : vector<2000xf32>
    %jit3A = arith.constant 0.000000e+00 : f32
    %broadcast_in_dim3A = vector.broadcast %jit3A : f32 to vector<2000xf32>
    %select_n3A = arith.select %gt3A_8, %rsqrt3A, %broadcast_in_dim3A : vector<2000xi1>, vector<2000xf32>
    %get3A_9 = arith.constant 0 : index
    %get3A_10 = arith.constant 0 : index
    %get3A_11 = arith.constant 0 : index
    %get3A_12 = vector.load %arg1[%get3A_9, %get3A_10, %get3A_11] : memref<2x2000x128xf32, #tpu.memory_space<vmem>>, vector<1x2000x128xf32>
    %get3A_13 = vector.shape_cast %get3A_12 : vector<1x2000x128xf32> to vector<2000x128xf32>
    %get3A_14 = arith.constant 1 : index
    %get3A_15 = arith.constant 0 : index
    %get3A_16 = arith.constant 0 : index
    %get3A_17 = vector.load %arg1[%get3A_14, %get3A_15, %get3A_16] : memref<2x2000x128xf32, #tpu.memory_space<vmem>>, vector<1x2000x128xf32>
    %get3A_18 = vector.shape_cast %get3A_17 : vector<1x2000x128xf32> to vector<2000x128xf32>
    %add3A_19 = arith.addf %get3A_13, %get3A_18 : vector<2000x128xf32>
    %broadcast_in_dim3A_20 = vector.shape_cast %select_n3A : vector<2000xf32> to vector<2000x1xf32>
    %mul3A = vector.broadcast %broadcast_in_dim3A_20 : vector<2000x1xf32> to vector<2000x128xf32>
    %mul3A_21 = arith.mulf %mul3A, %add3A_19 : vector<2000x128xf32>
    %mul3A_22 = arith.mulf %select_n3A, %select_n3A : vector<2000xf32>
    %broadcast_in_dim3A_23 = vector.shape_cast %mul3A_22 : vector<2000xf32> to vector<2000x1xf32>
    %get3A_24 = arith.constant 0 : index
    %get3A_25 = arith.constant 0 : index
    %get3A_26 = vector.load %arg3[%get3A_24, %get3A_25] : memref<2000x128xf32, #tpu.memory_space<vmem>>, vector<2000x128xf32>
    %mul3A_27 = vector.broadcast %broadcast_in_dim3A_23 : vector<2000x1xf32> to vector<2000x128xf32>
    %mul3A_28 = arith.mulf %mul3A_27, %get3A_26 : vector<2000x128xf32>
    %add3A_29 = arith.addf %mul3A_21, %mul3A_28 : vector<2000x128xf32>
    %get3A_30 = arith.constant 0 : index
    %get3A_31 = arith.constant 0 : index
    %get3A_32 = vector.load %arg4[%get3A_30, %get3A_31] : memref<1x128xf32, #tpu.memory_space<vmem>>, vector<1x128xf32>
    %add3A_33 = vector.broadcast %get3A_32 : vector<1x128xf32> to vector<2000x128xf32>
    %add3A_34 = arith.addf %add3A_29, %add3A_33 : vector<2000x128xf32>
    %max3A = arith.constant 0.000000e+00 : f32
    %max3A_35 = vector.broadcast %max3A : f32 to vector<2000x128xf32>
    %max3A_36 = arith.maximumf %add3A_34, %max3A_35 : vector<2000x128xf32>
    %get3A_37 = arith.constant 0 : index
    %get3A_38 = arith.constant 0 : index
    %get3A_39 = vector.load %arg5[%get3A_37, %get3A_38] : memref<128x40xf32, #tpu.memory_space<vmem>>, vector<128x40xf32>
    %dot_general3A = arith.constant dense<0.000000e+00> : vector<2000x40xf32>
    %dot_general3A_40 = tpu.matmul %max3A_36, %get3A_39, %dot_general3A {dimension_numbers = #tpu.dot_dimension_numbers<[1], [0], [0], [1], [0, 0, 1, 1], [], []>, precision = #tpu.contract_precision<fp32>, transpose_lhs_hint = false} : vector<2000x128xf32>, vector<128x40xf32>, vector<2000x40xf32> -> vector<2000x40xf32>
    %get3A_41 = arith.constant 0 : index
    %get3A_42 = arith.constant 0 : index
    %get3A_43 = vector.load %arg6[%get3A_41, %get3A_42] : memref<1x40xf32, #tpu.memory_space<vmem>>, vector<1x40xf32>
    %add3A_44 = vector.broadcast %get3A_43 : vector<1x40xf32> to vector<2000x40xf32>
    %add3A_45 = arith.addf %dot_general3A_40, %add3A_44 : vector<2000x40xf32>
    %swap3A = arith.constant 0 : index
    %swap3A_46 = arith.constant 0 : index
    %swap3A_47 = vector.load %arg7[%swap3A, %swap3A_46] : memref<2000x40xf32, #tpu.memory_space<vmem>>, vector<2000x40xf32>
    tpu.vector_store %arg7[%swap3A, %swap3A_46], %add3A_45 {strides = array<i32>} : memref<2000x40xf32, #tpu.memory_space<vmem>>, vector<2000x40xf32>,
    return
  }
  func.func @transform_0(%arg0: i32) -> (i32, i32, i32) {
    %c0_i32 = arith.constant 0 : i32
    %c0_i32_0 = arith.constant 0 : i32
    %c0_i32_1 = arith.constant 0 : i32
    return %c0_i32, %arg0, %c0_i32_0 : i32, i32, i32
  }
  func.func @transform_1(%arg0: i32) -> (i32, i32) {
    %c0_i32 = arith.constant 0 : i32
    %c0_i32_0 = arith.constant 0 : i32
    return %arg0, %c0_i32 : i32, i32
  }
  func.func @transform_2(%arg0: i32) -> (i32, i32) {
    %c0_i32 = arith.constant 0 : i32
    %c0_i32_0 = arith.constant 0 : i32
    return %arg0, %c0_i32 : i32, i32
  }
  func.func @transform_3(%arg0: i32) -> (i32, i32) {
    %c0_i32 = arith.constant 0 : i32
    %c0_i32_0 = arith.constant 0 : i32
    %c0_i32_1 = arith.constant 0 : i32
    return %c0_i32, %c0_i32_0 : i32, i32
  }
  func.func @transform_4(%arg0: i32) -> (i32, i32) {
    %c0_i32 = arith.constant 0 : i32
    %c0_i32_0 = arith.constant 0 : i32
    %c0_i32_1 = arith.constant 0 : i32
    return %c0_i32, %c0_i32_0 : i32, i32
  }
  func.func @transform_5(%arg0: i32) -> (i32, i32) {
    %c0_i32 = arith.constant 0 : i32
    %c0_i32_0 = arith.constant 0 : i32
    %c0_i32_1 = arith.constant 0 : i32
    return %c0_i32, %c0_i32_0 : i32, i32
  }
  func.func @transform_6(%arg0: i32) -> (i32, i32) {
    %c0_i32 = arith.constant 0 : i32
    %c0_i32_0 = arith.constant 0 : i32
    return %arg0, %c0_i32 : i32, i32
  }
}

</mosaic_0001>

<sc_bundles>
// kernel: kernel.12.cloned.1.call-start
scs
__scs_entry_jumppad:
0x0: {  	(pc) =	sbr.rel $0x88, $3  }
0x1: {  	(tag) =	ssettag $0x0;
	lr =	simm.s32 $0x1  }
0x2: {  	[smem:$0x3F96] =	sst lr;
	_ =	strace $0xD0000000  }
0x3: {  	_ = 	snop  }
0x4: {  	_ = 	snop  }
0x5: {  	_ = 	snop  }
0x6: {  	_ = 	snop  }
0x7: {  	_ = 	snop  }
__scs_overlays_trampoline_lowered:
0x8: {  	[smem:$0x3FA5] =	sst s0  }
0x9: {  	[smem:$0x3FA6] =	sst s1  }
0xa: {  	[smem:$0x3FA7] =	sst s2  }
0xb: {  	[smem:$0x3FA8] =	sst s3  }
0xc: {  	[smem:$0x3FA9] =	sst s4  }
0xd: {  	[smem:$0x3FAA] =	sst s5  }
0xe: {  	[smem:$0x3FAB] =	sst s6  }
0xf: {  	[smem:$0x3FAC] =	sst s7  }
0x10: {  	[smem:$0x3FAD] =	sst s8  }
0x11: {  	[smem:$0x3FAE] =	sst s9;
	s0 =	simm.s32 @!p0 $0x0  }
0x12: {  	s1 =	sld [smem:$0x3F94];
	s0 =	simm.s32 @p0 $0x1  }
0x13: {  	[smem:$0x3FAF] =	sst s0;
	s0 =	simm.s32 @!p1 $0x0  }
0x14: {  	s2 =	sld [smem:$0x3F93];
	s0 =	simm.s32 @p1 $0x1  }
0x15: {  	[smem:$0x3FB0] =	sst s0;
	s0 =	simm.s32 @!p2 $0x0  }
0x16: {  	s3 =	sld [smem:$0x3FDB];
	s0 =	simm.s32 @p2 $0x1  }
0x17: {  	s4 =	simm.s32 $0x1BF5;
	[smem:$0x3FB2] =	sst s0  }
0x18: {  	s0 =	sld [smem:$0x3F95];
	_ =	swait.ge [sflag:s4], $0x0  }
0x19: {  	s7 =	sld [smem:$0x3F96]  }
0x1a: {  	s8 =	sadd.s32 $0xFFFFE003, lr  }
0x1b: {  	s9 =	sadd.s32 $0xFFFFFEF7, lr;
	s5 =	simm.s32 $0xFFFFFFFF;
	p2 =	slt.u32 s8, $0xFFFFF086  }
0x1c: {  	p1 =	slt.u32 s9, $0xF7A;
	s5 =	simm.s32 @!p2 $0x0  }
0x1d: {  	s5 =	simm.s32 @p1 $0x1;
	p0 =	seq.s32 s7, s2  }
0x1e: {  	s7 =	smul.u32 @!p0 $0xF7A, s2;
	p2 =	seq.s32 @!p0 s5, $0x0  }
0x1f: {  	s9 =	smul.u32 $0xF7A, s1;
	s8 =	simm.s32 @!p0 $0x1BF5;
	p2 =	por !p2, p0  }
0x20: {  	[sflag:s8] =	ssyncset.s32 @!p0 $0xFFFFF086;
	s6 =	sadd.s32 @!p0 s3, s7;
	s7 =	simm.s32 @!p0 $0x108  }
0x21: {  	s3 =	sadd.s32 s3, s9;
	s6 =	sadd.s32 @!p0 $0x88, s6;
	s7 =	simm.s32 @p2 $0x1082  }
0x22: {  	[simem:s7], [sflag:s8] =	dma.local @!p0 [hbm:s6], $0xF7A  }
0x23: {  	s9 =	sor.u32 $0xD0000000, s2;
	s6 =	simm.s32 $0x108;
	_ =	swait.ge @!p0 [sflag:s8], $0x0  }
0x24: {  	s3 =	sadd.s32 $0x88, s3;
	s6 =	simm.s32 @!p1 $0x1082;
	[sflag:s4] =	ssyncset.s32 $0xFFFFF086  }
0x25: {  	[simem:s6], [sflag:s4] =	dma.local [hbm:s3], $0xF7A  }
0x26: {  	[smem:$0x3F96] =	sst s1;
	(tag) =	ssettag s2;
	_ =	strace s9  }
0x27: {  	s1 =	sld [smem:$0x3FA6]  }
0x28: {  	s2 =	sld [smem:$0x3FA7]  }
0x29: {  	s4 =	sld [smem:$0x3FA9]  }
0x2a: {  	p0 =	seq.s32 s5, $0x0;
	s5 =	sld [smem:$0x3FAA]  }
0x2b: {  	s6 =	sld [smem:$0x3FAB]  }
0x2c: {  	s7 =	sld [smem:$0x3FAC]  }
0x2d: {  	s3 =	simm.s32 $0x108;
	s8 =	sld [smem:$0x3FAD]  }
0x2e: {  	s3 =	simm.s32 @!p0 $0x1082;
	s9 =	sld [smem:$0x3FAE]  }
0x2f: {  	lr =	sadd.s32 s0, s3;
	s0 =	sld [smem:$0x3FA5]  }
0x30: {  	s3 =	sld [smem:$0x3FA8]  }
0x31: {  	[smem:$0x3FB1] =	sst s10  }
0x32: {  	s10 =	sld [smem:$0x3FAF];
	_ =	sdelay $0x3  }
0x33: {  	p0 =	seq.s32 s10, $0x1;
	s10 =	sld [smem:$0x3FB1];
	_ =	sdelay $0x3  }
0x34: {  	[smem:$0x3FB1] =	sst s10  }
0x35: {  	s10 =	sld [smem:$0x3FB0];
	_ =	sdelay $0x3  }
0x36: {  	p1 =	seq.s32 s10, $0x1;
	s10 =	sld [smem:$0x3FB1];
	_ =	sdelay $0x3  }
0x37: {  	[smem:$0x3FB1] =	sst s10  }
0x38: {  	s10 =	sld [smem:$0x3FB2]  }
0x39: {  	_ = 	snop;
	(pc) =	sbr.ind lr, $3  }
0x3a: {  	_ = 	snop  }
0x3b: {  	_ = 	snop  }
0x3c: {  	p2 =	seq.s32 s10, $0x1;
	s10 =	sld [smem:$0x3FB1]  }
0x3d: {  	_ =	shalt  }
0x3e: {  	_ =	shalt  }
0x3f: {  	_ =	shalt  }
0x40: {  	_ =	shalt  }
0x41: {  	_ =	shalt  }
0x42: {  	_ =	shalt  }
0x43: {  	_ =	shalt  }
0x44: {  	_ =	shalt  }
0x45: {  	_ =	shalt  }
0x46: {  	_ =	shalt  }
0x47: {  	_ =	shalt  }
0x48: {  	_ =	shalt  }
0x49: {  	_ =	shalt  }
0x4a: {  	_ =	shalt  }
0x4b: {  	_ =	shalt  }
0x4c: {  	_ =	shalt  }
0x4d: {  	_ =	shalt  }
0x4e: {  	_ =	shalt  }
0x4f: {  	_ =	shalt  }
0x50: {  	_ =	shalt  }
0x51: {  	_ =	shalt  }
0x52: {  	_ =	shalt  }
0x53: {  	_ =	shalt  }
0x54: {  	_ =	shalt  }
0x55: {  	_ =	shalt  }
0x56: {  	_ =	shalt  }
0x57: {  	_ =	shalt  }
0x58: {  	_ =	shalt  }
0x59: {  	_ =	shalt  }
0x5a: {  	_ =	shalt  }
0x5b: {  	_ =	shalt  }
0x5c: {  	_ =	shalt  }
0x5d: {  	_ =	shalt  }
0x5e: {  	_ =	shalt  }
0x5f: {  	_ =	shalt  }
0x60: {  	_ =	shalt  }
0x61: {  	_ =	shalt  }
0x62: {  	_ =	shalt  }
0x63: {  	_ =	shalt  }
0x64: {  	_ =	shalt  }
0x65: {  	_ =	shalt  }
0x66: {  	_ =	shalt  }
0x67: {  	_ =	shalt  }
0x68: {  	_ =	shalt  }
0x69: {  	_ =	shalt  }
0x6a: {  	_ =	shalt  }
0x6b: {  	_ =	shalt  }
0x6c: {  	_ =	shalt  }
0x6d: {  	_ =	shalt  }
0x6e: {  	_ =	shalt  }
0x6f: {  	_ =	shalt  }
0x70: {  	_ =	shalt  }
0x71: {  	_ =	shalt  }
0x72: {  	_ =	shalt  }
0x73: {  	_ =	shalt  }
0x74: {  	_ =	shalt  }
0x75: {  	_ =	shalt  }
0x76: {  	_ =	shalt  }
0x77: {  	_ =	shalt  }
0x78: {  	_ =	shalt  }
0x79: {  	_ =	shalt  }
0x7a: {  	_ =	shalt  }
0x7b: {  	_ =	shalt  }
0x7c: {  	_ =	shalt  }
0x7d: {  	_ =	shalt  }
0x7e: {  	_ =	shalt  }
0x7f: {  	_ =	shalt  }
0x80: {  	_ =	shalt  }
0x81: {  	_ =	shalt  }
0x82: {  	_ =	shalt  }
0x83: {  	_ =	shalt  }
0x84: {  	_ =	shalt  }
0x85: {  	_ =	shalt  }
0x86: {  	_ =	shalt  }
0x87: {  	_ =	shalt  }
.Lfunc_end0:
.L_simem_size_0:
called_computation.1_lowered:
.L_overlay_start_0:
0x88: {  	s2 =	sld [smem:$0x3FD9]  }
0x89: {  	s3 =	sld [smem:$0x3FFE];
	_ =	sdelay $0x1  }
0x8a: {  	s1 =	srdreg.scid  }
0x8b: {  	s0 =	sand.u32 $0x1, s1  }
0x8c: {  	s16 =	sshll.u32 s0, $0xA;
	s2 =	sadd.s32 s3, s2  }
0x8d: {  	s2 =	sadd.s32 s2, s16  }
0x8e: {  	[smem:$0x3FBD] =	sst s2  }
0x8f: {  	_ = 	snop  }
0x90: {  	(tm) =	ssettm $0x1  }
0x91: {  	s17 =	sld [smem:$0x3FFB];
	_ =	sdelay $0x3  }
0x92: {  	_ =	strace s17  }
0x93: {  	s2 =	sld [smem:$0x3FFC];
	_ =	sdelay $0x3  }
0x94: {  	_ =	strace s2  }
0x95: {  	s2 =	sld [smem:$0x3FFD];
	_ =	sdelay $0x3  }
0x96: {  	_ =	strace s2  }
0x97: {  	_ =	strace $0x8FFFFFFF  }
0x98: {  	s18 =	sld [smem:$0x3FDB];
	_ =	sdelay $0x1  }
0x99: {  	s19 =	simm.s32 $_scs_section_size  }
0x9a: {  	s4 =	simm.s32 $_size__tile_overlayer_lowered;
	s5 =	simm.s32 $_tile_overlayer_lowered  }
0x9b: {  	s22 =	simm.s32 $0x1BFF;
	s21 =	sshll.u32 s5, $0x1;
	s2 =	sadd.s32 s19, s18  }
0x9c: {  	s6 =	simm.s32 $0x0;
	s20 =	sshll.u32 s4, $0x1;
	s4 =	sadd.s32 s21, s2  }
0x9d: {  	[timem:s6], [sflag:s22] =	dma.local [hbm:s4], s20  }
0x9e: {  	_ =	swait.ge [sflag:s22], s20  }
0x9f: {  	s3 =	ssub.s32 $0x0, s20;
	[sflag:s22] =	ssyncset.done $0x0  }
0xa0: {  	[sflag:s22] =	ssyncadd.s32 s3;
	_ =	sdelay $0x1  }
0xa1: {  	s23 =	simm.s32 $0x1B8B  }
0xa2: {  	_ =	swait.ge [sflag:s23], $0x1  }
0xa3: {  	[sflag:s23] =	ssyncset.done $0x0  }
0xa4: {  	s25 =	simm.s32 $0x1B8E;
	s24 =	sld [smem:$0x3FFE];
	[sflag:s23] =	ssyncadd.s32 $0xFFFFFFFF  }
0xa5: {  	s26 =	simm.s32 $execute0_lowered;
	[smem:$0x3FD2] =	sst s25  }
0xa6: {  	s4 =	sshll.u32 s26, $0x1;
	_ =	strace $0x80000049;
	[dreg:$0x1] =	wrdreg $0xFFFFFFFF  }
0xa7: {  	s28 =	simm.s32 $_size_execute0_lowered;
	s2 =	sadd.s32 s2, s4;
	[dreg:$0x0] =	wrdreg $0x0  }
0xa8: {  	s4 =	sshll.u32 s28, $0x1;
	[dreg:$0x2] =	wrdreg s2  }
0xa9: {  	[dreg:$0x3] =	wrdreg s4  }
0xaa: {  	[dreg:$0x4] =	wrdreg $0xC0  }
0xab: {  	_ =	task [dreg:s6], $0x5FFFF  }
0xac: {  	[dreg:$0x1] =	wrdreg $0xFFFFFFFF  }
0xad: {  	[dreg:$0x0] =	wrdreg $0x60  }
0xae: {  	[dreg:$0x2] =	wrdreg s24  }
0xaf: {  	[dreg:$0x3] =	wrdreg $0x92000  }
0xb0: {  	[dreg:$0x4] =	wrdreg $0x9  }
0xb1: {  	_ =	task.clear_ibuf [dreg:s6], $0x5FFFF;
	_ =	strace $0x90000049  }
0xb2: {  	s29 =	simm.s32 $0x9;
	_ =	strace $0x8000004B  }
0xb3: {  	_ =	swait.ge [sflag:s29], $0x1  }
0xb4: {  	[sflag:s29] =	ssyncadd.s32 $0xFFFFFFFF  }
0xb5: {  	_ =	strace $0x9000004B  }
0xb6: {  	_ =	sfence  }
0xb7: {  	s30 =	sld [smem:$0x0];
	_ =	sdelay $0x2  }
0xb8: {  	s31 =	sshll.u32 s1, $0xD;
	s1 =	sshrl.u32 s1, $0x2  }
0xb9: {  	s3 =	sand.u32 $0x4000, s31;
	s1 =	sadd.s32 s1, s30  }
0xba: {  	s0 =	sor.u32 s3, s0;
	s1 =	sshll.u32 s1, $0x11  }
0xbb: {  	s0 =	sor.u32 s1, s0  }
0xbc: {  	s0 =	sadd.s32 $0x8F2B, s0  }
0xbd: {  	[sflag:s0] =	ssyncadd.remote.s32 $0x1  }
0xbe: {  	_ =	sfence.sel $0xFFFF  }
0xbf: {  	[dreg:$0x0] =	wrdreg $0xFFFFFFFF;
	(pc) =	sbr.abs _section_cstart, $3  }
0xc0: {  	[dreg:$0x1] =	wrdreg $0xFFFFFFFF  }
0xc1: {  	_ =	task.clear_ibuf [dreg:s6], $0x2FFFF;
	_ =	strace $0x9FFFFFFF  }
0xc2: {  	(tm) =	ssettm $0x7FFFFFFF  }
0xc3: {  	_ =	shalt  }
tec
execute0_lowered:
.L_overlay_start_1:
0x0: {  	(tag) =	ssettag $0x1  }
0x1: {  	s0 =	rddreg [dreg:$0x0]  }
0x2: {  	s1 =	rddreg [dreg:$0x1];
	s2 =	simm.s32 $0x0  }
0x3: {  	s3 =	srdreg.scid;
	s20 =	stileid.u32;
	s28 =	simm.s32 $0x80  }
0x4: {  	s29 =	simm.s32 $0x100;
	s30 =	simm.s32 $0xA00;
	s31 =	simm.s32 $0x1  }
0x5: {  	[smem:$0x7FF] =	sst s2;
	s3 =	sand.u32 $0x1, s3;
	s11 =	smul.u32 $0x280, s20  }
0x6: {  	s4 =	sadd.s32 $0x21400, s0;
	s6 =	sadd.s32 $0x50D400, s0;
	s10 =	smul.u32 $0x50000, s20  }
0x7: {  	s5 =	sadd.s32 $0xD400, s0;
	s24 =	smul.u32 $0x2800, s20;
	_ =	strace $0x8000004A  }
0x8: {  	s7 =	smul.u32 $0x28000, s3;
	s8 =	ssub.s32 $0x2, s3;
	s3 =	sshll.u32 s3, $0x4  }
0x9: {  	s9 =	sshrl.u32 s8, $0x1;
	s3 =	sor.u32 s20, s3;
	s16 =	sshrl.u32 s10, $0x2  }
0xa: {  	s13 =	sadd.s32 $0x80, s11;
	s14 =	sadd.s32 $0x100, s11;
	s15 =	sadd.s32 $0x180, s11  }
0xb: {  	s0 =	sadd.s32 s7, s0;
	s12 =	ssub.s32 s8, s9;
	s7 =	sadd.s32 s16, s1  }
0xc: {  	s17 =	sshll.u32 s13, $0x7;
	s18 =	sshll.u32 s14, $0x7;
	s19 =	sshll.u32 s15, $0x7  }
0xd: {  	s16 =	smul.u32 $0xA00, s3;
	s13 =	sshll.u32 s13, $0x4;
	s14 =	sshll.u32 s14, $0x4  }
0xe: {  	s15 =	sshll.u32 s15, $0x4;
	s8 =	sadd.s32 s17, s1;
	s9 =	sadd.s32 s18, s1  }
0xf: {  	s17 =	smul.u32 $0x50, s3;
	s10 =	sadd.s32 s19, s1;
	s18 =	sadd.s32 $0x200, s11  }
0x10: {  	s3 =	smul.u32 $0x5000, s3;
	s0 =	sadd.s32 $0x48600, s0;
	s12 =	smax.u32 s12, $0x1  }
0x11: {  	s11 =	sshll.u32 s18, $0x7;
	s16 =	sadd.s32 s5, s16;
	s18 =	sshll.u32 s18, $0x4  }
0x12: {  	[dreg:$0x7] =	wrdreg s12;
	s25 =	sadd.s32 s13, s0;
	s26 =	sadd.s32 s14, s0  }
0x13: {  	s12 =	simm.s32 $0x180;
	s13 =	simm.s32 $0x0;
	s19 =	sor.u32 $0x1, s17  }
0x14: {  	s11 =	sadd.s32 s11, s1;
	[dreg:$0x3] =	wrdreg s16;
	s3 =	sadd.s32 s6, s3  }
0x15: {  	s16 =	sor.u32 $0x2, s17;
	s17 =	sor.u32 $0x3, s17;
	[dreg:$0x9] =	wrdreg s25  }
0x16: {  	[dreg:$0xa] =	wrdreg s26;
	s25 =	simm.s32 $0x4;
	s26 =	simm.s32 $0x5200  }
.Ltmp0:
0x17: {  	s21 =	sshll.u32 s19, $0x5;
	[dreg:$0x4] =	wrdreg s3;
	(pc) =	sbr.rel .LBB2_1-.Ltmp0, $4  }
0x18: {  	s23 =	sshll.u32 s19, $0x8;
	s19 =	simm.s32 $0x1200;
	s22 =	sadd.s32 s5, s21  }
0x19: {  	s3 =	sadd.s32 s6, s23;
	s23 =	sadd.s32 s15, s0;
	[dreg:$0x5] =	wrdreg s22  }
0x1a: {  	[dreg:$0x6] =	wrdreg s3;
	s3 =	sadd.s32 s24, s0;
	s24 =	sadd.s32 s18, s0  }
0x1b: {  	v0 =	vimm.f32 $0.0e+00;
	s0 =	simm.s32 $0x3;
	[dreg:$0x8] =	wrdreg s3;
	s3 =	simm.s32 $0x2  }
.LBB2_10:
0x1c: {  	s14 =	stileid.u32  }
0x1d: {  	[bflag:$0x0] =	sbarrier.arrive $0xFFFF;
	s14 =	sshll.u32 s14, $0x6  }
0x1e: {  	s15 =	sshrl.u32 s7, $0x3;
	s18 =	rddreg [dreg:$0x8];
	s14 =	sor.u32 $0x1C04, s14  }
0x1f: {  	[hbm:s18], [sflag:s14] =	dma.local [spmem:s15], $0x800  }
0x20: {  	_ =	swait.ge [sflag:s25], $0x800  }
0x21: {  	[sflag:s25] =	ssyncset.done $0x0  }
0x22: {  	s18 =	sshrl.u32 s8, $0x3;
	s20 =	rddreg [dreg:$0x9];
	[sflag:s25] =	ssyncadd.s32 $0xFFFFF800  }
0x23: {  	[hbm:s20], [sflag:s14] =	dma.local [spmem:s18], $0x800  }
0x24: {  	_ =	swait.ge [sflag:s25], $0x800  }
0x25: {  	[sflag:s25] =	ssyncset.done $0x0  }
0x26: {  	s21 =	sshrl.u32 s9, $0x3;
	s22 =	rddreg [dreg:$0xa];
	[sflag:s25] =	ssyncadd.s32 $0xFFFFF800  }
0x27: {  	[hbm:s22], [sflag:s14] =	dma.local [spmem:s21], $0x800  }
0x28: {  	_ =	swait.ge [sflag:s25], $0x800  }
0x29: {  	[sflag:s25] =	ssyncset.done $0x0  }
0x2a: {  	s20 =	sshrl.u32 s10, $0x3;
	[sflag:s25] =	ssyncadd.s32 $0xFFFFF800  }
0x2b: {  	[hbm:s23], [sflag:s14] =	dma.local [spmem:s20], $0x800  }
0x2c: {  	_ =	swait.ge [sflag:s25], $0x800  }
0x2d: {  	[sflag:s25] =	ssyncset.done $0x0  }
0x2e: {  	s21 =	sshrl.u32 s11, $0x3;
	[sflag:s25] =	ssyncadd.s32 $0xFFFFF800  }
0x2f: {  	[hbm:s24], [sflag:s14] =	dma.local [spmem:s21], $0x800  }
0x30: {  	_ =	swait.ge [sflag:s25], $0x800  }
0x31: {  	s13 =	sadd.s32 $0x1, s13;
	s22 =	rddreg [dreg:$0x7]  }
0x32: {  	p0 =	sne.s32 s13, s22  }
.Ltmp1:
0x33: {  	_ = 	snop;
	(pc) =	sbr.rel @!p0 .LBB2_11-.Ltmp1, $3  }
0x34: {  	_ =	sdelay $0x1  }
0x35: {  	[sflag:s25] =	ssyncset.done $0x0  }
0x36: {  	[sflag:s25] =	ssyncadd.s32 $0xFFFFF800  }
.LBB2_1:
0x37: {  	s14 =	simm.s32 $0x0;
	s15 =	simm.s32 $0x200  }
.LBB2_2:
0x38: {  	p0 =	sne.s32 s15, $0xFE00;
	[tilespmem:s14+$0x1270] =	vst v0  }
0x39: {  	[tilespmem:s14+$0x1200] =	vst v0  }
0x3a: {  	[tilespmem:s14+$0x1210] =	vst v0  }
.Ltmp2:
0x3b: {  	[tilespmem:s14+$0x1220] =	vst v0;
	(pc) =	sbr.rel @p0 .LBB2_2-.Ltmp2, $4  }
0x3c: {  	[tilespmem:s14+$0x1230] =	vst v0  }
0x3d: {  	[tilespmem:s14+$0x1240] =	vst v0  }
0x3e: {  	[tilespmem:s14+$0x1250] =	vst v0  }
0x3f: {  	[tilespmem:s14+$0x1260] =	vst v0;
	s14 =	sshra.s32 s15, $0x2;
	s15 =	sadd.s32 $0x200, s15  }
0x40: {  	[tilespmem:s14+$0x1270] =	vst v0  }
0x41: {  	[tilespmem:s14+$0x1200] =	vst v0  }
0x42: {  	[tilespmem:s14+$0x1210] =	vst v0  }
0x43: {  	[tilespmem:s14+$0x1220] =	vst v0  }
0x44: {  	[tilespmem:s14+$0x1230] =	vst v0  }
0x45: {  	[tilespmem:s14+$0x1240] =	vst v0  }
0x46: {  	[tilespmem:s14+$0x1250] =	vst v0  }
0x47: {  	[tilespmem:s14+$0x1260] =	vst v0  }
0x48: {  	[spmem:s7] =	stream.linear.scatter [tilespmem:s19], [sflag:$0x4], $0x4000, $0x38;
	[tilespmem:$0x1D200] =	vst v63  }
0x49: {  	_ =	swait.ge [sflag:s25], $0x4000  }
0x4a: {  	[sflag:s25] =	ssyncset.done $0x0  }
0x4b: {  	[sflag:s25] =	ssyncadd.s32 $0xFFFFC000  }
0x4c: {  	[spmem:s8] =	stream.linear.scatter [tilespmem:s19], [sflag:$0x4], $0x4000, $0x38;
	[tilespmem:$0x1D200] =	vst v63  }
0x4d: {  	_ =	swait.ge [sflag:s25], $0x4000  }
0x4e: {  	[sflag:s25] =	ssyncset.done $0x0  }
0x4f: {  	[sflag:s25] =	ssyncadd.s32 $0xFFFFC000  }
0x50: {  	[spmem:s9] =	stream.linear.scatter [tilespmem:s19], [sflag:$0x4], $0x4000, $0x38;
	[tilespmem:$0x1D200] =	vst v63  }
0x51: {  	_ =	swait.ge [sflag:s25], $0x4000  }
0x52: {  	[sflag:s25] =	ssyncset.done $0x0  }
0x53: {  	[sflag:s25] =	ssyncadd.s32 $0xFFFFC000  }
0x54: {  	[spmem:s10] =	stream.linear.scatter [tilespmem:s19], [sflag:$0x4], $0x4000, $0x38;
	[tilespmem:$0x1D200] =	vst v63  }
0x55: {  	_ =	swait.ge [sflag:s25], $0x4000  }
0x56: {  	[sflag:s25] =	ssyncset.done $0x0  }
0x57: {  	[sflag:s25] =	ssyncadd.s32 $0xFFFFC000  }
0x58: {  	[spmem:s11] =	stream.linear.scatter [tilespmem:s19], [sflag:$0x4], $0x4000, $0x38;
	[tilespmem:$0x1D200] =	vst v63  }
0x59: {  	_ =	swait.ge [sflag:s25], $0x4000  }
0x5a: {  	[sflag:s25] =	ssyncset.done $0x0  }
0x5b: {  	[sflag:s25] =	ssyncadd.s32 $0xFFFFC000  }
0x5c: {  	[bflag:$0x0] =	sbarrier.arrive $0xFFFF  }
0x5d: {  	s14 =	simm.s32 $0x0;
	s15 =	rddreg [dreg:$0x3]  }
0x5e: {  	[tilespmem:s14], [sflag:$0x4] =	stream.linear.gather [hbm4b:s15+s14], $0x100, $0x38;
	[tilespmem:$0x1D200] =	vst v63  }
0x5f: {  	_ =	swait.ge [sflag:s25], $0x100  }
0x60: {  	[sflag:s25] =	ssyncset.done $0x0  }
0x61: {  	s18 =	simm.s32 $0x200;
	s20 =	rddreg [dreg:$0x4];
	[sflag:s25] =	ssyncadd.s32 $0xFFFFFF00  }
0x62: {  	[tilespmem:s18], [sflag:$0x4] =	stream.linear.gather [hbm4b:s20+s14], $0x800, $0x38;
	[tilespmem:$0x1D200] =	vst v63  }
0x63: {  	_ =	swait.ge [sflag:s25], $0x800  }
0x64: {  	[sflag:s25] =	ssyncset.done $0x0  }
0x65: {  	[sflag:s25] =	ssyncadd.s32 $0xFFFFF800  }
0x66: {  	[tilespmem:s19], [sflag:$0x1] =	stream.indirect.gather [hbm4b:s4+s28], $0x80, s14, s28, $0xb8;
	[tilespmem:$0x1D200] =	vst v63  }
0x67: {  	s21 =	rddreg [dreg:$0x5]  }
0x68: {  	[tilespmem:s29], [sflag:$0x3] =	stream.linear.gather [hbm4b:s21+s14], $0x100, $0x38;
	[tilespmem:$0x1D200] =	vst v63  }
0x69: {  	s22 =	rddreg [dreg:$0x6]  }
0x6a: {  	[tilespmem:s30], [sflag:$0x3] =	stream.linear.gather [hbm4b:s22+s14], $0x800, $0x38;
	[tilespmem:$0x1D200] =	vst v63  }
.LBB2_4:
0x6b: {  	_ =	swait.ge [sflag:s31], $0x4000  }
0x6c: {  	[sflag:s31] =	ssyncset.done $0x0  }
0x6d: {  	[sflag:s31] =	ssyncadd.s32 $0xFFFFC000  }
0x6e: {  	_ =	swait.ge [sflag:s0], $0x100  }
0x6f: {  	[sflag:s0] =	ssyncset.done $0x0  }
0x70: {  	[sflag:s0] =	ssyncadd.s32 $0xFFFFFF00  }
0x71: {  	_ =	swait.ge [sflag:s0], $0x800  }
0x72: {  	[sflag:s0] =	ssyncset.done $0x0  }
0x73: {  	s20 =	simm.s32 $0x220;
	[sflag:s0] =	ssyncadd.s32 $0xFFFFF800  }
0x74: {  	[tilespmem:s26], [sflag:$0x2] =	stream.indirect.gather [hbm4b:s4+s28], $0x80, s29, s28, $0xb8;
	[tilespmem:$0x1D200] =	vst v63  }
0x75: {  	s15 =	simm.s32 $0x1300;
	v5 =	vld [tilespmem:s20+$0x10]  }
0x76: {  	v9 =	vld [tilespmem:s15+$0xF0]  }
0x77: {  	v6 =	vld [tilespmem:s15+$0xFFFFFF00]  }
0x78: {  	v7 =	vld [tilespmem:s15+$0xFFFFFF10]  }
0x79: {  	v8 =	vld [tilespmem:s15+$0xFFFFFF20]  }
0x7a: {  	v3 =	vld [tilespmem:s15+$0xFFFFFF30]  }
0x7b: {  	v2 =	vld [tilespmem:s15+$0xFFFFFF40]  }
0x7c: {  	v1 =	vld [tilespmem:s15+$0xFFFFFF50]  }
0x7d: {  	v10 =	vld [tilespmem:s20+$0xFFFFFFF0]  }
0x7e: {  	v4 =	vld [tilespmem:s15+$0xFFFFFF80]  }
0x7f: {  	v11 =	vld [tilespmem:s15+$0xFFFFFF90]  }
0x80: {  	v12 =	vld [tilespmem:s15+$0xFFFFFFA0]  }
0x81: {  	v13 =	vld [tilespmem:s15+$0xFFFFFFB0]  }
0x82: {  	v14 =	vld [tilespmem:s15+$0xFFFFFFC0]  }
0x83: {  	v16 =	vld [tilespmem:s15+$0xFFFFFFD0]  }
0x84: {  	v17 =	vld [tilespmem:s15+$0xFFFFFFE0]  }
0x85: {  	v18 =	vld [tilespmem:s20+$0x0];
	v15 =	vmul.f32 v4, v10  }
0x86: {  	v19 =	vld [tilespmem:s15+$0xA0];
	v9 =	vmul.f32 v9, v5  }
0x87: {  	v4 =	vld [tilespmem:s15+$0xFFFFFF60];
	v11 =	vmul.f32 v11, v10;
	[tilespmem:s15+$0xFFFFFF80] =	vst v15  }
0x88: {  	[tilespmem:s15+$0xF0] =	vst v9;
	v9 =	vmul.f32 v12, v10;
	v12 =	vld [tilespmem:s15+$0x0]  }
0x89: {  	v15 =	vld [tilespmem:s15+$0xFFFFFFF0];
	[tilespmem:s15+$0xFFFFFF90] =	vst v11;
	v11 =	vmul.f32 v13, v10  }
0x8a: {  	v13 =	vld [tilespmem:s15+$0x10];
	[tilespmem:s15+$0xFFFFFFA0] =	vst v9;
	v9 =	vmul.f32 v14, v10  }
0x8b: {  	v14 =	vld [tilespmem:s15+$0x20];
	[tilespmem:s15+$0xFFFFFFB0] =	vst v11;
	v11 =	vmul.f32 v16, v10  }
0x8c: {  	v16 =	vld [tilespmem:s15+$0x30];
	[tilespmem:s15+$0xFFFFFFC0] =	vst v9;
	v9 =	vmul.f32 v17, v10  }
0x8d: {  	v17 =	vld [tilespmem:s15+$0x40];
	[tilespmem:s15+$0xFFFFFFD0] =	vst v11;
	v11 =	vmul.f32 v12, v18  }
0x8e: {  	v12 =	vld [tilespmem:s15+$0x50];
	v10 =	vmul.f32 v15, v10;
	[tilespmem:s15+$0xFFFFFFE0] =	vst v9  }
0x8f: {  	v15 =	vld [tilespmem:s15+$0x60];
	[tilespmem:s15+$0x0] =	vst v11;
	v11 =	vmul.f32 v13, v18  }
0x90: {  	[tilespmem:s15+$0xFFFFFFF0] =	vst v10;
	v10 =	vmul.f32 v14, v18;
	v13 =	vld [tilespmem:s15+$0x70]  }
0x91: {  	[tilespmem:s15+$0x10] =	vst v11;
	v11 =	vmul.f32 v16, v18;
	v16 =	vld [tilespmem:s15+$0x80]  }
0x92: {  	[tilespmem:s15+$0x20] =	vst v10;
	v10 =	vmul.f32 v17, v18;
	v17 =	vld [tilespmem:s15+$0x90]  }
0x93: {  	v9 =	vld [tilespmem:s15+$0xFFFFFF70];
	[tilespmem:s15+$0x30] =	vst v11;
	v11 =	vmul.f32 v12, v18  }
0x94: {  	v14 =	vld [tilespmem:s15+$0xB0];
	[tilespmem:s15+$0x40] =	vst v10;
	v10 =	vmul.f32 v15, v18  }
0x95: {  	v13 =	vmul.f32 v13, v18;
	[tilespmem:s15+$0x50] =	vst v11;
	v11 =	vld [tilespmem:s15+$0xC0]  }
0x96: {  	v12 =	vld [tilespmem:s15+$0xD0];
	[tilespmem:s15+$0x60] =	vst v10;
	v16 =	vmul.f32 v16, v5  }
0x97: {  	[tilespmem:s15+$0x70] =	vst v13;
	v13 =	vld [tilespmem:s15+$0xE0];
	v15 =	vmul.f32 v17, v5  }
0x98: {  	s18 =	simm.s32 $0x0;
	s21 =	simm.s32 $0x1300;
	v10 =	vld [tilespmem:s20+$0xFFFFFFE0];
	s20 =	simm.s32 $0x260;
	[tilespmem:s15+$0x80] =	vst v16;
	v16 =	vmul.f32 v19, v5  }
.LBB2_5:
0x99: {  	v17 =	vld [tilespmem:s20+$0x10];
	[tilespmem:s15+$0x90] =	vst v15;
	v14 =	vmul.f32 v14, v5;
	s21 =	sadd.s32 $0x200, s21  }
0x9a: {  	s18 =	sadd.s32 $0x4, s18;
	v15 =	vld [tilespmem:s21+$0xF0];
	[tilespmem:s15+$0xA0] =	vst v16;
	v11 =	vmul.f32 v11, v5  }
0x9b: {  	p0 =	slt.u32 s18, $0x7C;
	v16 =	vld [tilespmem:s21+$0xFFFFFF00];
	[tilespmem:s15+$0xB0] =	vst v14;
	v12 =	vmul.f32 v12, v5  }
0x9c: {  	v14 =	vld [tilespmem:s21+$0xFFFFFF10];
	[tilespmem:s15+$0xC0] =	vst v11;
	v13 =	vmul.f32 v13, v5  }
0x9d: {  	v11 =	vld [tilespmem:s21+$0xFFFFFF20];
	v19 =	vmul.f32 v6, v10;
	v7 =	vmul.f32 v7, v10;
	[tilespmem:s15+$0xD0] =	vst v12  }
0x9e: {  	v8 =	vmul.f32 v8, v10;
	v12 =	vmul.f32 v3, v10;
	v3 =	vld [tilespmem:s21+$0xFFFFFF30];
	[tilespmem:s15+$0xE0] =	vst v13;
	v5 =	vmov v17  }
0x9f: {  	v13 =	vmul.f32 v15, v5;
	[tilespmem:s15+$0xFFFFFF00] =	vst v19;
	v15 =	vmul.f32 v2, v10;
	v2 =	vld [tilespmem:s21+$0xFFFFFF40]  }
0xa0: {  	v18 =	vmul.f32 v4, v10;
	v17 =	vmul.f32 v1, v10;
	[tilespmem:s15+$0xFFFFFF10] =	vst v7;
	v1 =	vld [tilespmem:s21+$0xFFFFFF50];
	v6 =	vmov v16  }
0xa1: {  	v10 =	vmul.f32 v9, v10;
	v4 =	vld [tilespmem:s21+$0xFFFFFF60];
	[tilespmem:s21+$0xF0] =	vst v13;
	v7 =	vmov v14  }
0xa2: {  	v9 =	vld [tilespmem:s21+$0xFFFFFF70];
	[tilespmem:s15+$0xFFFFFF20] =	vst v8;
	v8 =	vmov v11  }
0xa3: {  	v11 =	vld [tilespmem:s20+$0xFFFFFFF0];
	[tilespmem:s15+$0xFFFFFF30] =	vst v12  }
0xa4: {  	v12 =	vld [tilespmem:s21+$0xFFFFFF80];
	[tilespmem:s15+$0xFFFFFF40] =	vst v15  }
0xa5: {  	v13 =	vld [tilespmem:s21+$0xFFFFFF90];
	[tilespmem:s15+$0xFFFFFF50] =	vst v17  }
0xa6: {  	v14 =	vld [tilespmem:s21+$0xFFFFFFA0];
	[tilespmem:s15+$0xFFFFFF60] =	vst v18  }
0xa7: {  	v15 =	vld [tilespmem:s21+$0xFFFFFFB0];
	[tilespmem:s15+$0xFFFFFF70] =	vst v10;
	s15 =	smov.u32 s21  }
0xa8: {  	v10 =	vld [tilespmem:s21+$0xFFFFFFC0]  }
0xa9: {  	v12 =	vmul.f32 v12, v11;
	v16 =	vld [tilespmem:s21+$0xFFFFFFD0]  }
0xaa: {  	v13 =	vmul.f32 v13, v11;
	v17 =	vld [tilespmem:s21+$0xFFFFFFE0]  }
0xab: {  	[tilespmem:s21+$0xFFFFFF80] =	vst v12;
	v12 =	vmul.f32 v14, v11;
	v14 =	vld [tilespmem:s21+$0xFFFFFFF0]  }
0xac: {  	[tilespmem:s21+$0xFFFFFF90] =	vst v13;
	v13 =	vmul.f32 v15, v11;
	v15 =	vld [tilespmem:s20+$0x0]  }
0xad: {  	[tilespmem:s21+$0xFFFFFFA0] =	vst v12;
	v10 =	vmul.f32 v10, v11;
	v12 =	vld [tilespmem:s21+$0x0]  }
0xae: {  	[tilespmem:s21+$0xFFFFFFB0] =	vst v13;
	v13 =	vmul.f32 v16, v11;
	v16 =	vld [tilespmem:s21+$0x10]  }
0xaf: {  	[tilespmem:s21+$0xFFFFFFC0] =	vst v10;
	v10 =	vmul.f32 v17, v11;
	v17 =	vld [tilespmem:s21+$0x20]  }
0xb0: {  	[tilespmem:s21+$0xFFFFFFD0] =	vst v13;
	v11 =	vmul.f32 v14, v11;
	v13 =	vld [tilespmem:s21+$0x30]  }
0xb1: {  	[tilespmem:s21+$0xFFFFFFE0] =	vst v10;
	v10 =	vld [tilespmem:s21+$0x40]  }
0xb2: {  	[tilespmem:s21+$0xFFFFFFF0] =	vst v11;
	v11 =	vmul.f32 v12, v15;
	v12 =	vld [tilespmem:s21+$0x50]  }
0xb3: {  	v14 =	vmul.f32 v16, v15;
	v16 =	vld [tilespmem:s21+$0x60]  }
0xb4: {  	[tilespmem:s21+$0x0] =	vst v11;
	v11 =	vmul.f32 v17, v15;
	v17 =	vld [tilespmem:s21+$0x70]  }
0xb5: {  	[tilespmem:s21+$0x10] =	vst v14;
	v13 =	vmul.f32 v13, v15;
	v18 =	vld [tilespmem:s21+$0x80]  }
0xb6: {  	[tilespmem:s21+$0x20] =	vst v11;
	v10 =	vmul.f32 v10, v15;
	v19 =	vld [tilespmem:s21+$0x90]  }
0xb7: {  	[tilespmem:s21+$0x30] =	vst v13;
	v11 =	vmul.f32 v12, v15;
	v20 =	vld [tilespmem:s21+$0xA0]  }
.Ltmp3:
0xb8: {  	[tilespmem:s21+$0x40] =	vst v10;
	v10 =	vmul.f32 v16, v15;
	v14 =	vld [tilespmem:s21+$0xB0];
	(pc) =	sbr.rel @p0 .LBB2_5-.Ltmp3, $4  }
0xb9: {  	[tilespmem:s21+$0x50] =	vst v11;
	v13 =	vmul.f32 v17, v15;
	v11 =	vld [tilespmem:s21+$0xC0]  }
0xba: {  	[tilespmem:s21+$0x60] =	vst v10;
	v16 =	vmul.f32 v18, v5;
	v12 =	vld [tilespmem:s21+$0xD0]  }
0xbb: {  	[tilespmem:s21+$0x70] =	vst v13;
	v15 =	vmul.f32 v19, v5;
	v13 =	vld [tilespmem:s21+$0xE0]  }
0xbc: {  	v10 =	vld [tilespmem:s20+$0xFFFFFFE0];
	[tilespmem:s21+$0x80] =	vst v16;
	v16 =	vmul.f32 v20, v5;
	s20 =	sadd.s32 $0x40, s20  }
0xbd: {  	[tilespmem:s15+$0x90] =	vst v15;
	v14 =	vmul.f32 v14, v5  }
0xbe: {  	[tilespmem:s15+$0xA0] =	vst v16;
	v11 =	vmul.f32 v11, v5  }
0xbf: {  	[tilespmem:s15+$0xB0] =	vst v14;
	v12 =	vmul.f32 v12, v5  }
0xc0: {  	[tilespmem:s15+$0xC0] =	vst v11;
	v5 =	vmul.f32 v13, v5  }
0xc1: {  	v6 =	vmul.f32 v6, v10;
	[tilespmem:s15+$0xD0] =	vst v12  }
0xc2: {  	v7 =	vmul.f32 v7, v10;
	[tilespmem:s15+$0xE0] =	vst v5  }
0xc3: {  	v3 =	vmul.f32 v3, v10;
	[tilespmem:s15+$0xFFFFFF00] =	vst v6  }
0xc4: {  	v2 =	vmul.f32 v2, v10;
	[tilespmem:s15+$0xFFFFFF10] =	vst v7  }
0xc5: {  	v1 =	vmul.f32 v1, v10;
	[tilespmem:s15+$0xFFFFFF30] =	vst v3  }
0xc6: {  	v5 =	vmul.f32 v8, v10;
	[tilespmem:s15+$0xFFFFFF40] =	vst v2  }
0xc7: {  	v3 =	vmul.f32 v4, v10;
	[tilespmem:s15+$0xFFFFFF50] =	vst v1  }
0xc8: {  	v2 =	vmul.f32 v9, v10;
	[tilespmem:s15+$0xFFFFFF20] =	vst v5  }
0xc9: {  	[tilespmem:s15+$0xFFFFFF60] =	vst v3  }
0xca: {  	p0 =	seq.s32 s14, $0x27;
	[tilespmem:s15+$0xFFFFFF70] =	vst v2;
	s15 =	sshll.u32 s14, $0x1  }
0xcb: {  	[spmem:s1] =	stream.indirect.scatter.add.f32 [tilespmem:s19], [sflag:$0x4], $0x80, s28, s28, $0xb8;
	[tilespmem:$0x1D200] =	vst v63  }
0xcc: {  	s18 =	sadd.s32 @!p0 s15, s16  }
0xcd: {  	s21 =	simm.s32 @!p0 $0x0;
	_ =	swait.ge [sflag:s25], $0x4000;
	s20 =	sshll.u32 @!p0 s18, $0x5  }
0xce: {  	s18 =	sshll.u32 @!p0 s18, $0x8;
	[sflag:s25] =	ssyncset.done $0x0;
	s20 =	sand.u32 @!p0 $0x1FFFFFC0, s20  }
0xcf: {  	s18 =	sand.u32 @!p0 $0x1FFFFE00, s18;
	[sflag:s25] =	ssyncadd.s32 $0xFFFFC000;
	s20 =	sadd.s32 @!p0 s5, s20  }
0xd0: {  	[tilespmem:s21], [sflag:$0x3] =	stream.linear.gather @!p0 [hbm4b:s20+s21], $0x100, $0x38;
	[tilespmem:$0x1D200] =	vst v63  }
0xd1: {  	s18 =	sadd.s32 @!p0 s6, s18;
	s20 =	simm.s32 @!p0 $0x200  }
0xd2: {  	[tilespmem:s20], [sflag:$0x3] =	stream.linear.gather @!p0 [hbm4b:s18+s21], $0x800, $0x38;
	[tilespmem:$0x1D200] =	vst v63  }
0xd3: {  	_ =	swait.ge [sflag:s3], $0x4000  }
0xd4: {  	p1 =	sgt.u32 s14, $0x26;
	[sflag:s3] =	ssyncset.done $0x0  }
0xd5: {  	s18 =	simm.s32 @!p1 $0x3;
	[sflag:s3] =	ssyncadd.s32 $0xFFFFC000  }
0xd6: {  	_ =	swait.ge @!p1 [sflag:s18], $0x100  }
0xd7: {  	[sflag:s18] =	ssyncset.done @!p1 $0x0  }
0xd8: {  	[sflag:s18] =	ssyncadd.s32 @!p1 $0xFFFFFF00  }
0xd9: {  	_ =	swait.ge @!p1 [sflag:s18], $0x800  }
0xda: {  	s22 =	simm.s32 $0xA20;
	s20 =	simm.s32 @!p1 $0x0;
	[sflag:s18] =	ssyncset.done @!p1 $0x0  }
0xdb: {  	s21 =	simm.s32 @!p1 $0x1200;
	[sflag:s18] =	ssyncadd.s32 @!p1 $0xFFFFF800;
	s18 =	simm.s32 @!p1 $0x80  }
0xdc: {  	[tilespmem:s21], [sflag:$0x1] =	stream.indirect.gather @!p1 [hbm4b:s4+s18], $0x80, s20, s18, $0xb8;
	[tilespmem:$0x1D200] =	vst v63  }
0xdd: {  	s18 =	simm.s32 $0x5300;
	v5 =	vld [tilespmem:s22+$0x10]  }
0xde: {  	v9 =	vld [tilespmem:s18+$0xF0]  }
0xdf: {  	v6 =	vld [tilespmem:s18+$0xFFFFFF00]  }
0xe0: {  	v7 =	vld [tilespmem:s18+$0xFFFFFF10]  }
0xe1: {  	v8 =	vld [tilespmem:s18+$0xFFFFFF20]  }
0xe2: {  	v3 =	vld [tilespmem:s18+$0xFFFFFF30]  }
0xe3: {  	v2 =	vld [tilespmem:s18+$0xFFFFFF40]  }
0xe4: {  	v1 =	vld [tilespmem:s18+$0xFFFFFF50]  }
0xe5: {  	v10 =	vld [tilespmem:s22+$0xFFFFFFF0]  }
0xe6: {  	v4 =	vld [tilespmem:s18+$0xFFFFFF80]  }
0xe7: {  	v11 =	vld [tilespmem:s18+$0xFFFFFF90]  }
0xe8: {  	v12 =	vld [tilespmem:s18+$0xFFFFFFA0]  }
0xe9: {  	v13 =	vld [tilespmem:s18+$0xFFFFFFB0]  }
0xea: {  	v14 =	vld [tilespmem:s18+$0xFFFFFFC0]  }
0xeb: {  	v16 =	vld [tilespmem:s18+$0xFFFFFFD0]  }
0xec: {  	v17 =	vld [tilespmem:s18+$0xFFFFFFE0]  }
0xed: {  	v18 =	vld [tilespmem:s22+$0x0];
	v15 =	vmul.f32 v4, v10  }
0xee: {  	v19 =	vld [tilespmem:s18+$0xA0];
	v9 =	vmul.f32 v9, v5  }
0xef: {  	v4 =	vld [tilespmem:s18+$0xFFFFFF60];
	v11 =	vmul.f32 v11, v10;
	[tilespmem:s18+$0xFFFFFF80] =	vst v15  }
0xf0: {  	[tilespmem:s18+$0xF0] =	vst v9;
	v9 =	vmul.f32 v12, v10;
	v12 =	vld [tilespmem:s18+$0x0]  }
0xf1: {  	v15 =	vld [tilespmem:s18+$0xFFFFFFF0];
	[tilespmem:s18+$0xFFFFFF90] =	vst v11;
	v11 =	vmul.f32 v13, v10  }
0xf2: {  	v13 =	vld [tilespmem:s18+$0x10];
	[tilespmem:s18+$0xFFFFFFA0] =	vst v9;
	v9 =	vmul.f32 v14, v10  }
0xf3: {  	v14 =	vld [tilespmem:s18+$0x20];
	[tilespmem:s18+$0xFFFFFFB0] =	vst v11;
	v11 =	vmul.f32 v16, v10  }
0xf4: {  	v16 =	vld [tilespmem:s18+$0x30];
	[tilespmem:s18+$0xFFFFFFC0] =	vst v9;
	v9 =	vmul.f32 v17, v10  }
0xf5: {  	v17 =	vld [tilespmem:s18+$0x40];
	[tilespmem:s18+$0xFFFFFFD0] =	vst v11;
	v11 =	vmul.f32 v12, v18  }
0xf6: {  	v12 =	vld [tilespmem:s18+$0x50];
	v10 =	vmul.f32 v15, v10;
	[tilespmem:s18+$0xFFFFFFE0] =	vst v9  }
0xf7: {  	v15 =	vld [tilespmem:s18+$0x60];
	[tilespmem:s18+$0x0] =	vst v11;
	v11 =	vmul.f32 v13, v18  }
0xf8: {  	[tilespmem:s18+$0xFFFFFFF0] =	vst v10;
	v10 =	vmul.f32 v14, v18;
	v13 =	vld [tilespmem:s18+$0x70]  }
0xf9: {  	[tilespmem:s18+$0x10] =	vst v11;
	v11 =	vmul.f32 v16, v18;
	v16 =	vld [tilespmem:s18+$0x80]  }
0xfa: {  	[tilespmem:s18+$0x20] =	vst v10;
	v10 =	vmul.f32 v17, v18;
	v17 =	vld [tilespmem:s18+$0x90]  }
0xfb: {  	v9 =	vld [tilespmem:s18+$0xFFFFFF70];
	[tilespmem:s18+$0x30] =	vst v11;
	v11 =	vmul.f32 v12, v18  }
0xfc: {  	v14 =	vld [tilespmem:s18+$0xB0];
	[tilespmem:s18+$0x40] =	vst v10;
	v10 =	vmul.f32 v15, v18  }
0xfd: {  	v13 =	vmul.f32 v13, v18;
	[tilespmem:s18+$0x50] =	vst v11;
	v11 =	vld [tilespmem:s18+$0xC0]  }
0xfe: {  	v12 =	vld [tilespmem:s18+$0xD0];
	[tilespmem:s18+$0x60] =	vst v10;
	v16 =	vmul.f32 v16, v5  }
0xff: {  	[tilespmem:s18+$0x70] =	vst v13;
	v13 =	vld [tilespmem:s18+$0xE0];
	v15 =	vmul.f32 v17, v5  }
0x100: {  	s20 =	simm.s32 $0x0;
	s21 =	simm.s32 $0xA60;
	v10 =	vld [tilespmem:s22+$0xFFFFFFE0];
	s22 =	simm.s32 $0x5300;
	[tilespmem:s18+$0x80] =	vst v16;
	v16 =	vmul.f32 v19, v5  }
.LBB2_7:
0x101: {  	v17 =	vld [tilespmem:s21+$0x10];
	[tilespmem:s18+$0x90] =	vst v15;
	v14 =	vmul.f32 v14, v5;
	s22 =	sadd.s32 $0x200, s22  }
0x102: {  	s20 =	sadd.s32 $0x4, s20;
	v15 =	vld [tilespmem:s22+$0xF0];
	[tilespmem:s18+$0xA0] =	vst v16;
	v11 =	vmul.f32 v11, v5  }
0x103: {  	p1 =	slt.u32 s20, $0x7C;
	v16 =	vld [tilespmem:s22+$0xFFFFFF00];
	[tilespmem:s18+$0xB0] =	vst v14;
	v12 =	vmul.f32 v12, v5  }
0x104: {  	v14 =	vld [tilespmem:s22+$0xFFFFFF10];
	[tilespmem:s18+$0xC0] =	vst v11;
	v13 =	vmul.f32 v13, v5  }
0x105: {  	v11 =	vld [tilespmem:s22+$0xFFFFFF20];
	v19 =	vmul.f32 v6, v10;
	v7 =	vmul.f32 v7, v10;
	[tilespmem:s18+$0xD0] =	vst v12  }
0x106: {  	v8 =	vmul.f32 v8, v10;
	v12 =	vmul.f32 v3, v10;
	v3 =	vld [tilespmem:s22+$0xFFFFFF30];
	[tilespmem:s18+$0xE0] =	vst v13;
	v5 =	vmov v17  }
0x107: {  	v13 =	vmul.f32 v15, v5;
	[tilespmem:s18+$0xFFFFFF00] =	vst v19;
	v15 =	vmul.f32 v2, v10;
	v2 =	vld [tilespmem:s22+$0xFFFFFF40]  }
0x108: {  	v18 =	vmul.f32 v4, v10;
	v17 =	vmul.f32 v1, v10;
	[tilespmem:s18+$0xFFFFFF10] =	vst v7;
	v1 =	vld [tilespmem:s22+$0xFFFFFF50];
	v6 =	vmov v16  }
0x109: {  	v10 =	vmul.f32 v9, v10;
	v4 =	vld [tilespmem:s22+$0xFFFFFF60];
	[tilespmem:s22+$0xF0] =	vst v13;
	v7 =	vmov v14  }
0x10a: {  	v9 =	vld [tilespmem:s22+$0xFFFFFF70];
	[tilespmem:s18+$0xFFFFFF20] =	vst v8;
	v8 =	vmov v11  }
0x10b: {  	v11 =	vld [tilespmem:s21+$0xFFFFFFF0];
	[tilespmem:s18+$0xFFFFFF30] =	vst v12  }
0x10c: {  	v12 =	vld [tilespmem:s22+$0xFFFFFF80];
	[tilespmem:s18+$0xFFFFFF40] =	vst v15  }
0x10d: {  	v13 =	vld [tilespmem:s22+$0xFFFFFF90];
	[tilespmem:s18+$0xFFFFFF50] =	vst v17  }
0x10e: {  	v14 =	vld [tilespmem:s22+$0xFFFFFFA0];
	[tilespmem:s18+$0xFFFFFF60] =	vst v18  }
0x10f: {  	v15 =	vld [tilespmem:s22+$0xFFFFFFB0];
	[tilespmem:s18+$0xFFFFFF70] =	vst v10;
	s18 =	smov.u32 s22  }
0x110: {  	v10 =	vld [tilespmem:s22+$0xFFFFFFC0]  }
0x111: {  	v12 =	vmul.f32 v12, v11;
	v16 =	vld [tilespmem:s22+$0xFFFFFFD0]  }
0x112: {  	v13 =	vmul.f32 v13, v11;
	v17 =	vld [tilespmem:s22+$0xFFFFFFE0]  }
0x113: {  	[tilespmem:s22+$0xFFFFFF80] =	vst v12;
	v12 =	vmul.f32 v14, v11;
	v14 =	vld [tilespmem:s22+$0xFFFFFFF0]  }
0x114: {  	[tilespmem:s22+$0xFFFFFF90] =	vst v13;
	v13 =	vmul.f32 v15, v11;
	v15 =	vld [tilespmem:s21+$0x0]  }
0x115: {  	[tilespmem:s22+$0xFFFFFFA0] =	vst v12;
	v10 =	vmul.f32 v10, v11;
	v12 =	vld [tilespmem:s22+$0x0]  }
0x116: {  	[tilespmem:s22+$0xFFFFFFB0] =	vst v13;
	v13 =	vmul.f32 v16, v11;
	v16 =	vld [tilespmem:s22+$0x10]  }
0x117: {  	[tilespmem:s22+$0xFFFFFFC0] =	vst v10;
	v10 =	vmul.f32 v17, v11;
	v17 =	vld [tilespmem:s22+$0x20]  }
0x118: {  	[tilespmem:s22+$0xFFFFFFD0] =	vst v13;
	v11 =	vmul.f32 v14, v11;
	v13 =	vld [tilespmem:s22+$0x30]  }
0x119: {  	[tilespmem:s22+$0xFFFFFFE0] =	vst v10;
	v10 =	vld [tilespmem:s22+$0x40]  }
0x11a: {  	[tilespmem:s22+$0xFFFFFFF0] =	vst v11;
	v11 =	vmul.f32 v12, v15;
	v12 =	vld [tilespmem:s22+$0x50]  }
0x11b: {  	v14 =	vmul.f32 v16, v15;
	v16 =	vld [tilespmem:s22+$0x60]  }
0x11c: {  	[tilespmem:s22+$0x0] =	vst v11;
	v11 =	vmul.f32 v17, v15;
	v17 =	vld [tilespmem:s22+$0x70]  }
0x11d: {  	[tilespmem:s22+$0x10] =	vst v14;
	v13 =	vmul.f32 v13, v15;
	v18 =	vld [tilespmem:s22+$0x80]  }
0x11e: {  	[tilespmem:s22+$0x20] =	vst v11;
	v10 =	vmul.f32 v10, v15;
	v19 =	vld [tilespmem:s22+$0x90]  }
0x11f: {  	[tilespmem:s22+$0x30] =	vst v13;
	v11 =	vmul.f32 v12, v15;
	v20 =	vld [tilespmem:s22+$0xA0]  }
.Ltmp4:
0x120: {  	[tilespmem:s22+$0x40] =	vst v10;
	v10 =	vmul.f32 v16, v15;
	v14 =	vld [tilespmem:s22+$0xB0];
	(pc) =	sbr.rel @p1 .LBB2_7-.Ltmp4, $4  }
0x121: {  	[tilespmem:s22+$0x50] =	vst v11;
	v13 =	vmul.f32 v17, v15;
	v11 =	vld [tilespmem:s22+$0xC0]  }
0x122: {  	[tilespmem:s22+$0x60] =	vst v10;
	v16 =	vmul.f32 v18, v5;
	v12 =	vld [tilespmem:s22+$0xD0]  }
0x123: {  	[tilespmem:s22+$0x70] =	vst v13;
	v15 =	vmul.f32 v19, v5;
	v13 =	vld [tilespmem:s22+$0xE0]  }
0x124: {  	v10 =	vld [tilespmem:s21+$0xFFFFFFE0];
	[tilespmem:s22+$0x80] =	vst v16;
	v16 =	vmul.f32 v20, v5;
	s21 =	sadd.s32 $0x40, s21  }
0x125: {  	[tilespmem:s18+$0x90] =	vst v15;
	v14 =	vmul.f32 v14, v5  }
0x126: {  	[tilespmem:s18+$0xA0] =	vst v16;
	v11 =	vmul.f32 v11, v5  }
0x127: {  	[tilespmem:s18+$0xB0] =	vst v14;
	v12 =	vmul.f32 v12, v5  }
0x128: {  	[tilespmem:s18+$0xC0] =	vst v11;
	v62 =	vmul.f32 v13, v5  }
0x129: {  	v6 =	vmul.f32 v6, v10;
	[tilespmem:s18+$0xD0] =	vst v12  }
0x12a: {  	v7 =	vmul.f32 v7, v10;
	[tilespmem:s18+$0xE0] =	vst v62  }
0x12b: {  	v63 =	vmul.f32 v8, v10;
	[tilespmem:s18+$0xFFFFFF00] =	vst v6  }
0x12c: {  	v3 =	vmul.f32 v3, v10;
	[tilespmem:s18+$0xFFFFFF10] =	vst v7  }
0x12d: {  	v2 =	vmul.f32 v2, v10;
	[tilespmem:s18+$0xFFFFFF20] =	vst v63  }
0x12e: {  	v1 =	vmul.f32 v1, v10;
	[tilespmem:s18+$0xFFFFFF30] =	vst v3  }
0x12f: {  	v3 =	vmul.f32 v4, v10;
	[tilespmem:s18+$0xFFFFFF40] =	vst v2  }
0x130: {  	v2 =	vmul.f32 v9, v10;
	[tilespmem:s18+$0xFFFFFF50] =	vst v1  }
0x131: {  	[tilespmem:s18+$0xFFFFFF60] =	vst v3  }
.Ltmp5:
0x132: {  	[tilespmem:s18+$0xFFFFFF70] =	vst v2;
	(pc) =	sbr.rel @p0 .LBB2_10-.Ltmp5, $4  }
0x133: {  	[spmem:s1] =	stream.indirect.scatter.add.f32 [tilespmem:s26], [sflag:$0x4], $0x80, s12, s28, $0xb8;
	[tilespmem:$0x1D200] =	vst v63  }
0x134: {  	_ =	swait.ge [sflag:s25], $0x4000  }
0x135: {  	[sflag:s25] =	ssyncset.done $0x0  }
0x136: {  	[sflag:s25] =	ssyncadd.s32 $0xFFFFC000  }
0x137: {  	s15 =	sadd.s32 s15, s17  }
0x138: {  	s18 =	sshll.u32 s15, $0x5  }
.Ltmp6:
0x139: {  	s15 =	sshll.u32 s15, $0x8;
	s18 =	sand.u32 $0x1FFFFFE0, s18;
	(pc) =	sbr.rel .LBB2_4-.Ltmp6, $4  }
0x13a: {  	s15 =	sand.u32 $0x1FFFFF00, s15;
	s18 =	sadd.s32 s5, s18  }
0x13b: {  	[tilespmem:s29], [sflag:$0x3] =	stream.linear.gather [hbm4b:s18+s2], $0x100, $0x38;
	[tilespmem:$0x1D200] =	vst v63  }
0x13c: {  	s14 =	sadd.s32 $0x1, s14;
	s15 =	sadd.s32 s6, s15  }
0x13d: {  	[tilespmem:s30], [sflag:$0x3] =	stream.linear.gather [hbm4b:s15+s2], $0x800, $0x38;
	[tilespmem:$0x1D200] =	vst v63  }
.LBB2_11:
0x13e: {  	_ =	sfence.sel $0x180000  }
0x13f: {  	[bflag:$0x0] =	sbarrier.arrive $0xFFFF  }
0x140: {  	_ =	strace $0x9000004A  }
0x141: {  	s0 =	stileid.u32;
	[bflag:$0x2] =	sbarrier.arrive $0xFFFF  }
0x142: {  	p0 =	sne.s32 s0, $0x0;
	s0 =	rddreg [dreg:$0x2]  }
0x143: {  	s0 =	sadd.s32 @!p0 $0x100000, s0  }
0x144: {  	[sflag:s0] =	ssyncadd.tile.s32 @!p0 $0x1;
	_ =	shalt  }
.Lfunc_end2:
_tile_overlayer_lowered:
.L_overlay_start_2:
0x145: {  	(tag) =	ssettag $0x2  }
0x146: {  	s0 =	rddreg [dreg:$0x0];
	s2 =	stileid.u32  }
0x147: {  	s1 =	rddreg [dreg:$0x1];
	p0 =	sne.s32 s2, $0x0  }
0x148: {  	s3 =	rddreg [dreg:$0x2];
	[bflag:$0x3] =	sbarrier.arrive $0xFFFF;
	s2 =	simm.s32 @!p0 $0x1C04  }
0x149: {  	[timem:s3], [sflag:s2] =	dma.local @!p0 [hbm:s0], s1  }
0x14a: {  	s0 =	simm.s32 @!p0 $0x4  }
0x14b: {  	_ =	swait.ge @!p0 [sflag:s0], s1  }
0x14c: {  	s1 =	ssub.s32 @!p0 $0x0, s1;
	[sflag:s0] =	ssyncset.done @!p0 $0x0  }
0x14d: {  	[sflag:s0] =	ssyncadd.s32 @!p0 s1  }
0x14e: {  	[bflag:$0x3] =	sbarrier.arrive $0xFFFF  }
0x14f: {  	_ =	shalt  }

// kernel: kernel.15.cloned.1.call-start
scs
__scs_entry_jumppad:
0x0: {  	(pc) =	sbr.rel $0x88, $3  }
0x1: {  	(tag) =	ssettag $0x0;
	lr =	simm.s32 $0x1  }
0x2: {  	[smem:$0x3F96] =	sst lr;
	_ =	strace $0xD0000000  }
0x3: {  	_ = 	snop  }
0x4: {  	_ = 	snop  }
0x5: {  	_ = 	snop  }
0x6: {  	_ = 	snop  }
0x7: {  	_ = 	snop  }
__scs_overlays_trampoline_lowered:
0x8: {  	[smem:$0x3FA5] =	sst s0  }
0x9: {  	[smem:$0x3FA6] =	sst s1  }
0xa: {  	[smem:$0x3FA7] =	sst s2  }
0xb: {  	[smem:$0x3FA8] =	sst s3  }
0xc: {  	[smem:$0x3FA9] =	sst s4  }
0xd: {  	[smem:$0x3FAA] =	sst s5  }
0xe: {  	[smem:$0x3FAB] =	sst s6  }
0xf: {  	[smem:$0x3FAC] =	sst s7  }
0x10: {  	[smem:$0x3FAD] =	sst s8  }
0x11: {  	[smem:$0x3FAE] =	sst s9;
	s0 =	simm.s32 @!p0 $0x0  }
0x12: {  	s1 =	sld [smem:$0x3F94];
	s0 =	simm.s32 @p0 $0x1  }
0x13: {  	[smem:$0x3FAF] =	sst s0;
	s0 =	simm.s32 @!p1 $0x0  }
0x14: {  	s2 =	sld [smem:$0x3F93];
	s0 =	simm.s32 @p1 $0x1  }
0x15: {  	[smem:$0x3FB0] =	sst s0;
	s0 =	simm.s32 @!p2 $0x0  }
0x16: {  	s3 =	sld [smem:$0x3FDB];
	s0 =	simm.s32 @p2 $0x1  }
0x17: {  	s4 =	simm.s32 $0x1BF5;
	[smem:$0x3FB2] =	sst s0  }
0x18: {  	s0 =	sld [smem:$0x3F95];
	_ =	swait.ge [sflag:s4], $0x0  }
0x19: {  	s7 =	sld [smem:$0x3F96]  }
0x1a: {  	s8 =	sadd.s32 $0xFFFFE003, lr  }
0x1b: {  	s9 =	sadd.s32 $0xFFFFFEF7, lr;
	s5 =	simm.s32 $0xFFFFFFFF;
	p2 =	slt.u32 s8, $0xFFFFF086  }
0x1c: {  	p1 =	slt.u32 s9, $0xF7A;
	s5 =	simm.s32 @!p2 $0x0  }
0x1d: {  	s5 =	simm.s32 @p1 $0x1;
	p0 =	seq.s32 s7, s2  }
0x1e: {  	s7 =	smul.u32 @!p0 $0xF7A, s2;
	p2 =	seq.s32 @!p0 s5, $0x0  }
0x1f: {  	s9 =	smul.u32 $0xF7A, s1;
	s8 =	simm.s32 @!p0 $0x1BF5;
	p2 =	por !p2, p0  }
0x20: {  	[sflag:s8] =	ssyncset.s32 @!p0 $0xFFFFF086;
	s6 =	sadd.s32 @!p0 s3, s7;
	s7 =	simm.s32 @!p0 $0x108  }
0x21: {  	s3 =	sadd.s32 s3, s9;
	s6 =	sadd.s32 @!p0 $0x88, s6;
	s7 =	simm.s32 @p2 $0x1082  }
0x22: {  	[simem:s7], [sflag:s8] =	dma.local @!p0 [hbm:s6], $0xF7A  }
0x23: {  	s9 =	sor.u32 $0xD0000000, s2;
	s6 =	simm.s32 $0x108;
	_ =	swait.ge @!p0 [sflag:s8], $0x0  }
0x24: {  	s3 =	sadd.s32 $0x88, s3;
	s6 =	simm.s32 @!p1 $0x1082;
	[sflag:s4] =	ssyncset.s32 $0xFFFFF086  }
0x25: {  	[simem:s6], [sflag:s4] =	dma.local [hbm:s3], $0xF7A  }
0x26: {  	[smem:$0x3F96] =	sst s1;
	(tag) =	ssettag s2;
	_ =	strace s9  }
0x27: {  	s1 =	sld [smem:$0x3FA6]  }
0x28: {  	s2 =	sld [smem:$0x3FA7]  }
0x29: {  	s4 =	sld [smem:$0x3FA9]  }
0x2a: {  	p0 =	seq.s32 s5, $0x0;
	s5 =	sld [smem:$0x3FAA]  }
0x2b: {  	s6 =	sld [smem:$0x3FAB]  }
0x2c: {  	s7 =	sld [smem:$0x3FAC]  }
0x2d: {  	s3 =	simm.s32 $0x108;
	s8 =	sld [smem:$0x3FAD]  }
0x2e: {  	s3 =	simm.s32 @!p0 $0x1082;
	s9 =	sld [smem:$0x3FAE]  }
0x2f: {  	lr =	sadd.s32 s0, s3;
	s0 =	sld [smem:$0x3FA5]  }
0x30: {  	s3 =	sld [smem:$0x3FA8]  }
0x31: {  	[smem:$0x3FB1] =	sst s10  }
0x32: {  	s10 =	sld [smem:$0x3FAF];
	_ =	sdelay $0x3  }
0x33: {  	p0 =	seq.s32 s10, $0x1;
	s10 =	sld [smem:$0x3FB1];
	_ =	sdelay $0x3  }
0x34: {  	[smem:$0x3FB1] =	sst s10  }
0x35: {  	s10 =	sld [smem:$0x3FB0];
	_ =	sdelay $0x3  }
0x36: {  	p1 =	seq.s32 s10, $0x1;
	s10 =	sld [smem:$0x3FB1];
	_ =	sdelay $0x3  }
0x37: {  	[smem:$0x3FB1] =	sst s10  }
0x38: {  	s10 =	sld [smem:$0x3FB2]  }
0x39: {  	_ = 	snop;
	(pc) =	sbr.ind lr, $3  }
0x3a: {  	_ = 	snop  }
0x3b: {  	_ = 	snop  }
0x3c: {  	p2 =	seq.s32 s10, $0x1;
	s10 =	sld [smem:$0x3FB1]  }
0x3d: {  	_ =	shalt  }
0x3e: {  	_ =	shalt  }
0x3f: {  	_ =	shalt  }
0x40: {  	_ =	shalt  }
0x41: {  	_ =	shalt  }
0x42: {  	_ =	shalt  }
0x43: {  	_ =	shalt  }
0x44: {  	_ =	shalt  }
0x45: {  	_ =	shalt  }
0x46: {  	_ =	shalt  }
0x47: {  	_ =	shalt  }
0x48: {  	_ =	shalt  }
0x49: {  	_ =	shalt  }
0x4a: {  	_ =	shalt  }
0x4b: {  	_ =	shalt  }
0x4c: {  	_ =	shalt  }
0x4d: {  	_ =	shalt  }
0x4e: {  	_ =	shalt  }
0x4f: {  	_ =	shalt  }
0x50: {  	_ =	shalt  }
0x51: {  	_ =	shalt  }
0x52: {  	_ =	shalt  }
0x53: {  	_ =	shalt  }
0x54: {  	_ =	shalt  }
0x55: {  	_ =	shalt  }
0x56: {  	_ =	shalt  }
0x57: {  	_ =	shalt  }
0x58: {  	_ =	shalt  }
0x59: {  	_ =	shalt  }
0x5a: {  	_ =	shalt  }
0x5b: {  	_ =	shalt  }
0x5c: {  	_ =	shalt  }
0x5d: {  	_ =	shalt  }
0x5e: {  	_ =	shalt  }
0x5f: {  	_ =	shalt  }
0x60: {  	_ =	shalt  }
0x61: {  	_ =	shalt  }
0x62: {  	_ =	shalt  }
0x63: {  	_ =	shalt  }
0x64: {  	_ =	shalt  }
0x65: {  	_ =	shalt  }
0x66: {  	_ =	shalt  }
0x67: {  	_ =	shalt  }
0x68: {  	_ =	shalt  }
0x69: {  	_ =	shalt  }
0x6a: {  	_ =	shalt  }
0x6b: {  	_ =	shalt  }
0x6c: {  	_ =	shalt  }
0x6d: {  	_ =	shalt  }
0x6e: {  	_ =	shalt  }
0x6f: {  	_ =	shalt  }
0x70: {  	_ =	shalt  }
0x71: {  	_ =	shalt  }
0x72: {  	_ =	shalt  }
0x73: {  	_ =	shalt  }
0x74: {  	_ =	shalt  }
0x75: {  	_ =	shalt  }
0x76: {  	_ =	shalt  }
0x77: {  	_ =	shalt  }
0x78: {  	_ =	shalt  }
0x79: {  	_ =	shalt  }
0x7a: {  	_ =	shalt  }
0x7b: {  	_ =	shalt  }
0x7c: {  	_ =	shalt  }
0x7d: {  	_ =	shalt  }
0x7e: {  	_ =	shalt  }
0x7f: {  	_ =	shalt  }
0x80: {  	_ =	shalt  }
0x81: {  	_ =	shalt  }
0x82: {  	_ =	shalt  }
0x83: {  	_ =	shalt  }
0x84: {  	_ =	shalt  }
0x85: {  	_ =	shalt  }
0x86: {  	_ =	shalt  }
0x87: {  	_ =	shalt  }
.Lfunc_end0:
.L_simem_size_0:
called_computation.2_lowered:
.L_overlay_start_0:
0x88: {  	s2 =	sld [smem:$0x3FD9]  }
0x89: {  	s3 =	sld [smem:$0x3FFE];
	_ =	sdelay $0x1  }
0x8a: {  	s1 =	srdreg.scid  }
0x8b: {  	s0 =	sand.u32 $0x1, s1  }
0x8c: {  	s16 =	sshll.u32 s0, $0xA;
	s2 =	sadd.s32 s3, s2  }
0x8d: {  	s2 =	sadd.s32 s2, s16  }
0x8e: {  	[smem:$0x3FBD] =	sst s2  }
0x8f: {  	_ = 	snop  }
0x90: {  	(tm) =	ssettm $0x1  }
0x91: {  	s17 =	sld [smem:$0x3FFB];
	_ =	sdelay $0x3  }
0x92: {  	_ =	strace s17  }
0x93: {  	s2 =	sld [smem:$0x3FFC];
	_ =	sdelay $0x3  }
0x94: {  	_ =	strace s2  }
0x95: {  	s2 =	sld [smem:$0x3FFD];
	_ =	sdelay $0x3  }
0x96: {  	_ =	strace s2  }
0x97: {  	_ =	strace $0x8FFFFFFF  }
0x98: {  	s18 =	sld [smem:$0x3FDB];
	_ =	sdelay $0x1  }
0x99: {  	s19 =	simm.s32 $_scs_section_size  }
0x9a: {  	s4 =	simm.s32 $_size__tile_overlayer_lowered;
	s5 =	simm.s32 $_tile_overlayer_lowered  }
0x9b: {  	s22 =	simm.s32 $0x1BFF;
	s21 =	sshll.u32 s5, $0x1;
	s2 =	sadd.s32 s19, s18  }
0x9c: {  	s6 =	simm.s32 $0x0;
	s20 =	sshll.u32 s4, $0x1;
	s4 =	sadd.s32 s21, s2  }
0x9d: {  	[timem:s6], [sflag:s22] =	dma.local [hbm:s4], s20  }
0x9e: {  	_ =	swait.ge [sflag:s22], s20  }
0x9f: {  	s3 =	ssub.s32 $0x0, s20;
	[sflag:s22] =	ssyncset.done $0x0  }
0xa0: {  	[sflag:s22] =	ssyncadd.s32 s3;
	_ =	sdelay $0x1  }
0xa1: {  	s23 =	simm.s32 $0x1B8B  }
0xa2: {  	_ =	swait.ge [sflag:s23], $0x1  }
0xa3: {  	[sflag:s23] =	ssyncset.done $0x0  }
0xa4: {  	s25 =	simm.s32 $0x1B8E;
	s24 =	sld [smem:$0x3FFE];
	[sflag:s23] =	ssyncadd.s32 $0xFFFFFFFF  }
0xa5: {  	s26 =	simm.s32 $execute0_lowered;
	[smem:$0x3FD2] =	sst s25  }
0xa6: {  	s4 =	sshll.u32 s26, $0x1;
	_ =	strace $0x8000004C;
	[dreg:$0x1] =	wrdreg $0xFFFFFFFF  }
0xa7: {  	s28 =	simm.s32 $_size_execute0_lowered;
	s2 =	sadd.s32 s2, s4;
	[dreg:$0x0] =	wrdreg $0x0  }
0xa8: {  	s4 =	sshll.u32 s28, $0x1;
	[dreg:$0x2] =	wrdreg s2  }
0xa9: {  	[dreg:$0x3] =	wrdreg s4  }
0xaa: {  	[dreg:$0x4] =	wrdreg $0xC0  }
0xab: {  	_ =	task [dreg:s6], $0x5FFFF  }
0xac: {  	[dreg:$0x1] =	wrdreg $0xFFFFFFFF  }
0xad: {  	[dreg:$0x0] =	wrdreg $0x60  }
0xae: {  	[dreg:$0x2] =	wrdreg s24  }
0xaf: {  	[dreg:$0x3] =	wrdreg $0x92000  }
0xb0: {  	[dreg:$0x4] =	wrdreg $0x9  }
0xb1: {  	_ =	task.clear_ibuf [dreg:s6], $0x5FFFF;
	_ =	strace $0x9000004C  }
0xb2: {  	s29 =	simm.s32 $0x9;
	_ =	strace $0x8000004E  }
0xb3: {  	_ =	swait.ge [sflag:s29], $0x1  }
0xb4: {  	[sflag:s29] =	ssyncadd.s32 $0xFFFFFFFF  }
0xb5: {  	_ =	strace $0x9000004E  }
0xb6: {  	_ =	sfence  }
0xb7: {  	s30 =	sld [smem:$0x0];
	_ =	sdelay $0x2  }
0xb8: {  	s31 =	sshll.u32 s1, $0xD;
	s1 =	sshrl.u32 s1, $0x2  }
0xb9: {  	s3 =	sand.u32 $0x4000, s31;
	s1 =	sadd.s32 s1, s30  }
0xba: {  	s0 =	sor.u32 s3, s0;
	s1 =	sshll.u32 s1, $0x11  }
0xbb: {  	s0 =	sor.u32 s1, s0  }
0xbc: {  	s0 =	sadd.s32 $0x8F2B, s0  }
0xbd: {  	[sflag:s0] =	ssyncadd.remote.s32 $0x1  }
0xbe: {  	_ =	sfence.sel $0xFFFF  }
0xbf: {  	[dreg:$0x0] =	wrdreg $0xFFFFFFFF;
	(pc) =	sbr.abs _section_cstart, $3  }
0xc0: {  	[dreg:$0x1] =	wrdreg $0xFFFFFFFF  }
0xc1: {  	_ =	task.clear_ibuf [dreg:s6], $0x2FFFF;
	_ =	strace $0x9FFFFFFF  }
0xc2: {  	(tm) =	ssettm $0x7FFFFFFF  }
0xc3: {  	_ =	shalt  }
tec
execute0_lowered:
.L_overlay_start_1:
0x0: {  	(tag) =	ssettag $0x1  }
0x1: {  	s0 =	rddreg [dreg:$0x0]  }
0x2: {  	s1 =	rddreg [dreg:$0x1];
	s2 =	simm.s32 $0x0  }
0x3: {  	s3 =	srdreg.scid;
	s20 =	stileid.u32;
	s28 =	simm.s32 $0x80  }
0x4: {  	s29 =	simm.s32 $0x100;
	s30 =	simm.s32 $0xA00;
	s31 =	simm.s32 $0x1  }
0x5: {  	[smem:$0x7FF] =	sst s2;
	s3 =	sand.u32 $0x1, s3;
	s11 =	smul.u32 $0x280, s20  }
0x6: {  	s4 =	sadd.s32 $0x21400, s0;
	s6 =	sadd.s32 $0x50D400, s0;
	s10 =	smul.u32 $0x50000, s20  }
0x7: {  	s5 =	sadd.s32 $0xD400, s0;
	s24 =	smul.u32 $0x2800, s20;
	_ =	strace $0x8000004D  }
0x8: {  	s7 =	smul.u32 $0x28000, s3;
	s8 =	ssub.s32 $0x2, s3;
	s3 =	sshll.u32 s3, $0x4  }
0x9: {  	s9 =	sshrl.u32 s8, $0x1;
	s3 =	sor.u32 s20, s3;
	s16 =	sshrl.u32 s10, $0x2  }
0xa: {  	s13 =	sadd.s32 $0x80, s11;
	s14 =	sadd.s32 $0x100, s11;
	s15 =	sadd.s32 $0x180, s11  }
0xb: {  	s0 =	sadd.s32 s7, s0;
	s12 =	ssub.s32 s8, s9;
	s7 =	sadd.s32 s16, s1  }
0xc: {  	s17 =	sshll.u32 s13, $0x7;
	s18 =	sshll.u32 s14, $0x7;
	s19 =	sshll.u32 s15, $0x7  }
0xd: {  	s16 =	smul.u32 $0xA00, s3;
	s13 =	sshll.u32 s13, $0x4;
	s14 =	sshll.u32 s14, $0x4  }
0xe: {  	s15 =	sshll.u32 s15, $0x4;
	s8 =	sadd.s32 s17, s1;
	s9 =	sadd.s32 s18, s1  }
0xf: {  	s17 =	smul.u32 $0x50, s3;
	s10 =	sadd.s32 s19, s1;
	s18 =	sadd.s32 $0x200, s11  }
0x10: {  	s3 =	smul.u32 $0x5000, s3;
	s0 =	sadd.s32 $0x48600, s0;
	s12 =	smax.u32 s12, $0x1  }
0x11: {  	s11 =	sshll.u32 s18, $0x7;
	s16 =	sadd.s32 s5, s16;
	s18 =	sshll.u32 s18, $0x4  }
0x12: {  	[dreg:$0x7] =	wrdreg s12;
	s25 =	sadd.s32 s13, s0;
	s26 =	sadd.s32 s14, s0  }
0x13: {  	s12 =	simm.s32 $0x180;
	s13 =	simm.s32 $0x0;
	s19 =	sor.u32 $0x1, s17  }
0x14: {  	s11 =	sadd.s32 s11, s1;
	[dreg:$0x3] =	wrdreg s16;
	s3 =	sadd.s32 s6, s3  }
0x15: {  	s16 =	sor.u32 $0x2, s17;
	s17 =	sor.u32 $0x3, s17;
	[dreg:$0x9] =	wrdreg s25  }
0x16: {  	[dreg:$0xa] =	wrdreg s26;
	s25 =	simm.s32 $0x4;
	s26 =	simm.s32 $0x5200  }
.Ltmp0:
0x17: {  	s21 =	sshll.u32 s19, $0x5;
	[dreg:$0x4] =	wrdreg s3;
	(pc) =	sbr.rel .LBB2_1-.Ltmp0, $4  }
0x18: {  	s23 =	sshll.u32 s19, $0x8;
	s19 =	simm.s32 $0x1200;
	s22 =	sadd.s32 s5, s21  }
0x19: {  	s3 =	sadd.s32 s6, s23;
	s23 =	sadd.s32 s15, s0;
	[dreg:$0x5] =	wrdreg s22  }
0x1a: {  	[dreg:$0x6] =	wrdreg s3;
	s3 =	sadd.s32 s24, s0;
	s24 =	sadd.s32 s18, s0  }
0x1b: {  	v0 =	vimm.f32 $0.0e+00;
	s0 =	simm.s32 $0x3;
	[dreg:$0x8] =	wrdreg s3;
	s3 =	simm.s32 $0x2  }
.LBB2_10:
0x1c: {  	s14 =	stileid.u32  }
0x1d: {  	[bflag:$0x0] =	sbarrier.arrive $0xFFFF;
	s14 =	sshll.u32 s14, $0x6  }
0x1e: {  	s15 =	sshrl.u32 s7, $0x3;
	s18 =	rddreg [dreg:$0x8];
	s14 =	sor.u32 $0x1C04, s14  }
0x1f: {  	[hbm:s18], [sflag:s14] =	dma.local [spmem:s15], $0x800  }
0x20: {  	_ =	swait.ge [sflag:s25], $0x800  }
0x21: {  	[sflag:s25] =	ssyncset.done $0x0  }
0x22: {  	s18 =	sshrl.u32 s8, $0x3;
	s20 =	rddreg [dreg:$0x9];
	[sflag:s25] =	ssyncadd.s32 $0xFFFFF800  }
0x23: {  	[hbm:s20], [sflag:s14] =	dma.local [spmem:s18], $0x800  }
0x24: {  	_ =	swait.ge [sflag:s25], $0x800  }
0x25: {  	[sflag:s25] =	ssyncset.done $0x0  }
0x26: {  	s21 =	sshrl.u32 s9, $0x3;
	s22 =	rddreg [dreg:$0xa];
	[sflag:s25] =	ssyncadd.s32 $0xFFFFF800  }
0x27: {  	[hbm:s22], [sflag:s14] =	dma.local [spmem:s21], $0x800  }
0x28: {  	_ =	swait.ge [sflag:s25], $0x800  }
0x29: {  	[sflag:s25] =	ssyncset.done $0x0  }
0x2a: {  	s20 =	sshrl.u32 s10, $0x3;
	[sflag:s25] =	ssyncadd.s32 $0xFFFFF800  }
0x2b: {  	[hbm:s23], [sflag:s14] =	dma.local [spmem:s20], $0x800  }
0x2c: {  	_ =	swait.ge [sflag:s25], $0x800  }
0x2d: {  	[sflag:s25] =	ssyncset.done $0x0  }
0x2e: {  	s21 =	sshrl.u32 s11, $0x3;
	[sflag:s25] =	ssyncadd.s32 $0xFFFFF800  }
0x2f: {  	[hbm:s24], [sflag:s14] =	dma.local [spmem:s21], $0x800  }
0x30: {  	_ =	swait.ge [sflag:s25], $0x800  }
0x31: {  	s13 =	sadd.s32 $0x1, s13;
	s22 =	rddreg [dreg:$0x7]  }
0x32: {  	p0 =	sne.s32 s13, s22  }
.Ltmp1:
0x33: {  	_ = 	snop;
	(pc) =	sbr.rel @!p0 .LBB2_11-.Ltmp1, $3  }
0x34: {  	_ =	sdelay $0x1  }
0x35: {  	[sflag:s25] =	ssyncset.done $0x0  }
0x36: {  	[sflag:s25] =	ssyncadd.s32 $0xFFFFF800  }
.LBB2_1:
0x37: {  	s14 =	simm.s32 $0x0;
	s15 =	simm.s32 $0x200  }
.LBB2_2:
0x38: {  	p0 =	sne.s32 s15, $0xFE00;
	[tilespmem:s14+$0x1270] =	vst v0  }
0x39: {  	[tilespmem:s14+$0x1200] =	vst v0  }
0x3a: {  	[tilespmem:s14+$0x1210] =	vst v0  }
.Ltmp2:
0x3b: {  	[tilespmem:s14+$0x1220] =	vst v0;
	(pc) =	sbr.rel @p0 .LBB2_2-.Ltmp2, $4  }
0x3c: {  	[tilespmem:s14+$0x1230] =	vst v0  }
0x3d: {  	[tilespmem:s14+$0x1240] =	vst v0  }
0x3e: {  	[tilespmem:s14+$0x1250] =	vst v0  }
0x3f: {  	[tilespmem:s14+$0x1260] =	vst v0;
	s14 =	sshra.s32 s15, $0x2;
	s15 =	sadd.s32 $0x200, s15  }
0x40: {  	[tilespmem:s14+$0x1270] =	vst v0  }
0x41: {  	[tilespmem:s14+$0x1200] =	vst v0  }
0x42: {  	[tilespmem:s14+$0x1210] =	vst v0  }
0x43: {  	[tilespmem:s14+$0x1220] =	vst v0  }
0x44: {  	[tilespmem:s14+$0x1230] =	vst v0  }
0x45: {  	[tilespmem:s14+$0x1240] =	vst v0  }
0x46: {  	[tilespmem:s14+$0x1250] =	vst v0  }
0x47: {  	[tilespmem:s14+$0x1260] =	vst v0  }
0x48: {  	[spmem:s7] =	stream.linear.scatter [tilespmem:s19], [sflag:$0x4], $0x4000, $0x38;
	[tilespmem:$0x1D200] =	vst v63  }
0x49: {  	_ =	swait.ge [sflag:s25], $0x4000  }
0x4a: {  	[sflag:s25] =	ssyncset.done $0x0  }
0x4b: {  	[sflag:s25] =	ssyncadd.s32 $0xFFFFC000  }
0x4c: {  	[spmem:s8] =	stream.linear.scatter [tilespmem:s19], [sflag:$0x4], $0x4000, $0x38;
	[tilespmem:$0x1D200] =	vst v63  }
0x4d: {  	_ =	swait.ge [sflag:s25], $0x4000  }
0x4e: {  	[sflag:s25] =	ssyncset.done $0x0  }
0x4f: {  	[sflag:s25] =	ssyncadd.s32 $0xFFFFC000  }
0x50: {  	[spmem:s9] =	stream.linear.scatter [tilespmem:s19], [sflag:$0x4], $0x4000, $0x38;
	[tilespmem:$0x1D200] =	vst v63  }
0x51: {  	_ =	swait.ge [sflag:s25], $0x4000  }
0x52: {  	[sflag:s25] =	ssyncset.done $0x0  }
0x53: {  	[sflag:s25] =	ssyncadd.s32 $0xFFFFC000  }
0x54: {  	[spmem:s10] =	stream.linear.scatter [tilespmem:s19], [sflag:$0x4], $0x4000, $0x38;
	[tilespmem:$0x1D200] =	vst v63  }
0x55: {  	_ =	swait.ge [sflag:s25], $0x4000  }
0x56: {  	[sflag:s25] =	ssyncset.done $0x0  }
0x57: {  	[sflag:s25] =	ssyncadd.s32 $0xFFFFC000  }
0x58: {  	[spmem:s11] =	stream.linear.scatter [tilespmem:s19], [sflag:$0x4], $0x4000, $0x38;
	[tilespmem:$0x1D200] =	vst v63  }
0x59: {  	_ =	swait.ge [sflag:s25], $0x4000  }
0x5a: {  	[sflag:s25] =	ssyncset.done $0x0  }
0x5b: {  	[sflag:s25] =	ssyncadd.s32 $0xFFFFC000  }
0x5c: {  	[bflag:$0x0] =	sbarrier.arrive $0xFFFF  }
0x5d: {  	s14 =	simm.s32 $0x0;
	s15 =	rddreg [dreg:$0x3]  }
0x5e: {  	[tilespmem:s14], [sflag:$0x4] =	stream.linear.gather [hbm4b:s15+s14], $0x100, $0x38;
	[tilespmem:$0x1D200] =	vst v63  }
0x5f: {  	_ =	swait.ge [sflag:s25], $0x100  }
0x60: {  	[sflag:s25] =	ssyncset.done $0x0  }
0x61: {  	s18 =	simm.s32 $0x200;
	s20 =	rddreg [dreg:$0x4];
	[sflag:s25] =	ssyncadd.s32 $0xFFFFFF00  }
0x62: {  	[tilespmem:s18], [sflag:$0x4] =	stream.linear.gather [hbm4b:s20+s14], $0x800, $0x38;
	[tilespmem:$0x1D200] =	vst v63  }
0x63: {  	_ =	swait.ge [sflag:s25], $0x800  }
0x64: {  	[sflag:s25] =	ssyncset.done $0x0  }
0x65: {  	[sflag:s25] =	ssyncadd.s32 $0xFFFFF800  }
0x66: {  	[tilespmem:s19], [sflag:$0x1] =	stream.indirect.gather [hbm4b:s4+s28], $0x80, s14, s28, $0xb8;
	[tilespmem:$0x1D200] =	vst v63  }
0x67: {  	s21 =	rddreg [dreg:$0x5]  }
0x68: {  	[tilespmem:s29], [sflag:$0x3] =	stream.linear.gather [hbm4b:s21+s14], $0x100, $0x38;
	[tilespmem:$0x1D200] =	vst v63  }
0x69: {  	s22 =	rddreg [dreg:$0x6]  }
0x6a: {  	[tilespmem:s30], [sflag:$0x3] =	stream.linear.gather [hbm4b:s22+s14], $0x800, $0x38;
	[tilespmem:$0x1D200] =	vst v63  }
.LBB2_4:
0x6b: {  	_ =	swait.ge [sflag:s31], $0x4000  }
0x6c: {  	[sflag:s31] =	ssyncset.done $0x0  }
0x6d: {  	[sflag:s31] =	ssyncadd.s32 $0xFFFFC000  }
0x6e: {  	_ =	swait.ge [sflag:s0], $0x100  }
0x6f: {  	[sflag:s0] =	ssyncset.done $0x0  }
0x70: {  	[sflag:s0] =	ssyncadd.s32 $0xFFFFFF00  }
0x71: {  	_ =	swait.ge [sflag:s0], $0x800  }
0x72: {  	[sflag:s0] =	ssyncset.done $0x0  }
0x73: {  	s20 =	simm.s32 $0x220;
	[sflag:s0] =	ssyncadd.s32 $0xFFFFF800  }
0x74: {  	[tilespmem:s26], [sflag:$0x2] =	stream.indirect.gather [hbm4b:s4+s28], $0x80, s29, s28, $0xb8;
	[tilespmem:$0x1D200] =	vst v63  }
0x75: {  	s15 =	simm.s32 $0x1300;
	v5 =	vld [tilespmem:s20+$0x10]  }
0x76: {  	v9 =	vld [tilespmem:s15+$0xF0]  }
0x77: {  	v6 =	vld [tilespmem:s15+$0xFFFFFF00]  }
0x78: {  	v7 =	vld [tilespmem:s15+$0xFFFFFF10]  }
0x79: {  	v8 =	vld [tilespmem:s15+$0xFFFFFF20]  }
0x7a: {  	v3 =	vld [tilespmem:s15+$0xFFFFFF30]  }
0x7b: {  	v2 =	vld [tilespmem:s15+$0xFFFFFF40]  }
0x7c: {  	v1 =	vld [tilespmem:s15+$0xFFFFFF50]  }
0x7d: {  	v10 =	vld [tilespmem:s20+$0xFFFFFFF0]  }
0x7e: {  	v4 =	vld [tilespmem:s15+$0xFFFFFF80]  }
0x7f: {  	v11 =	vld [tilespmem:s15+$0xFFFFFF90]  }
0x80: {  	v12 =	vld [tilespmem:s15+$0xFFFFFFA0]  }
0x81: {  	v13 =	vld [tilespmem:s15+$0xFFFFFFB0]  }
0x82: {  	v14 =	vld [tilespmem:s15+$0xFFFFFFC0]  }
0x83: {  	v16 =	vld [tilespmem:s15+$0xFFFFFFD0]  }
0x84: {  	v17 =	vld [tilespmem:s15+$0xFFFFFFE0]  }
0x85: {  	v18 =	vld [tilespmem:s20+$0x0];
	v15 =	vmul.f32 v4, v10  }
0x86: {  	v19 =	vld [tilespmem:s15+$0xA0];
	v9 =	vmul.f32 v9, v5  }
0x87: {  	v4 =	vld [tilespmem:s15+$0xFFFFFF60];
	v11 =	vmul.f32 v11, v10;
	[tilespmem:s15+$0xFFFFFF80] =	vst v15  }
0x88: {  	[tilespmem:s15+$0xF0] =	vst v9;
	v9 =	vmul.f32 v12, v10;
	v12 =	vld [tilespmem:s15+$0x0]  }
0x89: {  	v15 =	vld [tilespmem:s15+$0xFFFFFFF0];
	[tilespmem:s15+$0xFFFFFF90] =	vst v11;
	v11 =	vmul.f32 v13, v10  }
0x8a: {  	v13 =	vld [tilespmem:s15+$0x10];
	[tilespmem:s15+$0xFFFFFFA0] =	vst v9;
	v9 =	vmul.f32 v14, v10  }
0x8b: {  	v14 =	vld [tilespmem:s15+$0x20];
	[tilespmem:s15+$0xFFFFFFB0] =	vst v11;
	v11 =	vmul.f32 v16, v10  }
0x8c: {  	v16 =	vld [tilespmem:s15+$0x30];
	[tilespmem:s15+$0xFFFFFFC0] =	vst v9;
	v9 =	vmul.f32 v17, v10  }
0x8d: {  	v17 =	vld [tilespmem:s15+$0x40];
	[tilespmem:s15+$0xFFFFFFD0] =	vst v11;
	v11 =	vmul.f32 v12, v18  }
0x8e: {  	v12 =	vld [tilespmem:s15+$0x50];
	v10 =	vmul.f32 v15, v10;
	[tilespmem:s15+$0xFFFFFFE0] =	vst v9  }
0x8f: {  	v15 =	vld [tilespmem:s15+$0x60];
	[tilespmem:s15+$0x0] =	vst v11;
	v11 =	vmul.f32 v13, v18  }
0x90: {  	[tilespmem:s15+$0xFFFFFFF0] =	vst v10;
	v10 =	vmul.f32 v14, v18;
	v13 =	vld [tilespmem:s15+$0x70]  }
0x91: {  	[tilespmem:s15+$0x10] =	vst v11;
	v11 =	vmul.f32 v16, v18;
	v16 =	vld [tilespmem:s15+$0x80]  }
0x92: {  	[tilespmem:s15+$0x20] =	vst v10;
	v10 =	vmul.f32 v17, v18;
	v17 =	vld [tilespmem:s15+$0x90]  }
0x93: {  	v9 =	vld [tilespmem:s15+$0xFFFFFF70];
	[tilespmem:s15+$0x30] =	vst v11;
	v11 =	vmul.f32 v12, v18  }
0x94: {  	v14 =	vld [tilespmem:s15+$0xB0];
	[tilespmem:s15+$0x40] =	vst v10;
	v10 =	vmul.f32 v15, v18  }
0x95: {  	v13 =	vmul.f32 v13, v18;
	[tilespmem:s15+$0x50] =	vst v11;
	v11 =	vld [tilespmem:s15+$0xC0]  }
0x96: {  	v12 =	vld [tilespmem:s15+$0xD0];
	[tilespmem:s15+$0x60] =	vst v10;
	v16 =	vmul.f32 v16, v5  }
0x97: {  	[tilespmem:s15+$0x70] =	vst v13;
	v13 =	vld [tilespmem:s15+$0xE0];
	v15 =	vmul.f32 v17, v5  }
0x98: {  	s18 =	simm.s32 $0x0;
	s21 =	simm.s32 $0x1300;
	v10 =	vld [tilespmem:s20+$0xFFFFFFE0];
	s20 =	simm.s32 $0x260;
	[tilespmem:s15+$0x80] =	vst v16;
	v16 =	vmul.f32 v19, v5  }
.LBB2_5:
0x99: {  	v17 =	vld [tilespmem:s20+$0x10];
	[tilespmem:s15+$0x90] =	vst v15;
	v14 =	vmul.f32 v14, v5;
	s21 =	sadd.s32 $0x200, s21  }
0x9a: {  	s18 =	sadd.s32 $0x4, s18;
	v15 =	vld [tilespmem:s21+$0xF0];
	[tilespmem:s15+$0xA0] =	vst v16;
	v11 =	vmul.f32 v11, v5  }
0x9b: {  	p0 =	slt.u32 s18, $0x7C;
	v16 =	vld [tilespmem:s21+$0xFFFFFF00];
	[tilespmem:s15+$0xB0] =	vst v14;
	v12 =	vmul.f32 v12, v5  }
0x9c: {  	v14 =	vld [tilespmem:s21+$0xFFFFFF10];
	[tilespmem:s15+$0xC0] =	vst v11;
	v13 =	vmul.f32 v13, v5  }
0x9d: {  	v11 =	vld [tilespmem:s21+$0xFFFFFF20];
	v19 =	vmul.f32 v6, v10;
	v7 =	vmul.f32 v7, v10;
	[tilespmem:s15+$0xD0] =	vst v12  }
0x9e: {  	v8 =	vmul.f32 v8, v10;
	v12 =	vmul.f32 v3, v10;
	v3 =	vld [tilespmem:s21+$0xFFFFFF30];
	[tilespmem:s15+$0xE0] =	vst v13;
	v5 =	vmov v17  }
0x9f: {  	v13 =	vmul.f32 v15, v5;
	[tilespmem:s15+$0xFFFFFF00] =	vst v19;
	v15 =	vmul.f32 v2, v10;
	v2 =	vld [tilespmem:s21+$0xFFFFFF40]  }
0xa0: {  	v18 =	vmul.f32 v4, v10;
	v17 =	vmul.f32 v1, v10;
	[tilespmem:s15+$0xFFFFFF10] =	vst v7;
	v1 =	vld [tilespmem:s21+$0xFFFFFF50];
	v6 =	vmov v16  }
0xa1: {  	v10 =	vmul.f32 v9, v10;
	v4 =	vld [tilespmem:s21+$0xFFFFFF60];
	[tilespmem:s21+$0xF0] =	vst v13;
	v7 =	vmov v14  }
0xa2: {  	v9 =	vld [tilespmem:s21+$0xFFFFFF70];
	[tilespmem:s15+$0xFFFFFF20] =	vst v8;
	v8 =	vmov v11  }
0xa3: {  	v11 =	vld [tilespmem:s20+$0xFFFFFFF0];
	[tilespmem:s15+$0xFFFFFF30] =	vst v12  }
0xa4: {  	v12 =	vld [tilespmem:s21+$0xFFFFFF80];
	[tilespmem:s15+$0xFFFFFF40] =	vst v15  }
0xa5: {  	v13 =	vld [tilespmem:s21+$0xFFFFFF90];
	[tilespmem:s15+$0xFFFFFF50] =	vst v17  }
0xa6: {  	v14 =	vld [tilespmem:s21+$0xFFFFFFA0];
	[tilespmem:s15+$0xFFFFFF60] =	vst v18  }
0xa7: {  	v15 =	vld [tilespmem:s21+$0xFFFFFFB0];
	[tilespmem:s15+$0xFFFFFF70] =	vst v10;
	s15 =	smov.u32 s21  }
0xa8: {  	v10 =	vld [tilespmem:s21+$0xFFFFFFC0]  }
0xa9: {  	v12 =	vmul.f32 v12, v11;
	v16 =	vld [tilespmem:s21+$0xFFFFFFD0]  }
0xaa: {  	v13 =	vmul.f32 v13, v11;
	v17 =	vld [tilespmem:s21+$0xFFFFFFE0]  }
0xab: {  	[tilespmem:s21+$0xFFFFFF80] =	vst v12;
	v12 =	vmul.f32 v14, v11;
	v14 =	vld [tilespmem:s21+$0xFFFFFFF0]  }
0xac: {  	[tilespmem:s21+$0xFFFFFF90] =	vst v13;
	v13 =	vmul.f32 v15, v11;
	v15 =	vld [tilespmem:s20+$0x0]  }
0xad: {  	[tilespmem:s21+$0xFFFFFFA0] =	vst v12;
	v10 =	vmul.f32 v10, v11;
	v12 =	vld [tilespmem:s21+$0x0]  }
0xae: {  	[tilespmem:s21+$0xFFFFFFB0] =	vst v13;
	v13 =	vmul.f32 v16, v11;
	v16 =	vld [tilespmem:s21+$0x10]  }
0xaf: {  	[tilespmem:s21+$0xFFFFFFC0] =	vst v10;
	v10 =	vmul.f32 v17, v11;
	v17 =	vld [tilespmem:s21+$0x20]  }
0xb0: {  	[tilespmem:s21+$0xFFFFFFD0] =	vst v13;
	v11 =	vmul.f32 v14, v11;
	v13 =	vld [tilespmem:s21+$0x30]  }
0xb1: {  	[tilespmem:s21+$0xFFFFFFE0] =	vst v10;
	v10 =	vld [tilespmem:s21+$0x40]  }
0xb2: {  	[tilespmem:s21+$0xFFFFFFF0] =	vst v11;
	v11 =	vmul.f32 v12, v15;
	v12 =	vld [tilespmem:s21+$0x50]  }
0xb3: {  	v14 =	vmul.f32 v16, v15;
	v16 =	vld [tilespmem:s21+$0x60]  }
0xb4: {  	[tilespmem:s21+$0x0] =	vst v11;
	v11 =	vmul.f32 v17, v15;
	v17 =	vld [tilespmem:s21+$0x70]  }
0xb5: {  	[tilespmem:s21+$0x10] =	vst v14;
	v13 =	vmul.f32 v13, v15;
	v18 =	vld [tilespmem:s21+$0x80]  }
0xb6: {  	[tilespmem:s21+$0x20] =	vst v11;
	v10 =	vmul.f32 v10, v15;
	v19 =	vld [tilespmem:s21+$0x90]  }
0xb7: {  	[tilespmem:s21+$0x30] =	vst v13;
	v11 =	vmul.f32 v12, v15;
	v20 =	vld [tilespmem:s21+$0xA0]  }
.Ltmp3:
0xb8: {  	[tilespmem:s21+$0x40] =	vst v10;
	v10 =	vmul.f32 v16, v15;
	v14 =	vld [tilespmem:s21+$0xB0];
	(pc) =	sbr.rel @p0 .LBB2_5-.Ltmp3, $4  }
0xb9: {  	[tilespmem:s21+$0x50] =	vst v11;
	v13 =	vmul.f32 v17, v15;
	v11 =	vld [tilespmem:s21+$0xC0]  }
0xba: {  	[tilespmem:s21+$0x60] =	vst v10;
	v16 =	vmul.f32 v18, v5;
	v12 =	vld [tilespmem:s21+$0xD0]  }
0xbb: {  	[tilespmem:s21+$0x70] =	vst v13;
	v15 =	vmul.f32 v19, v5;
	v13 =	vld [tilespmem:s21+$0xE0]  }
0xbc: {  	v10 =	vld [tilespmem:s20+$0xFFFFFFE0];
	[tilespmem:s21+$0x80] =	vst v16;
	v16 =	vmul.f32 v20, v5;
	s20 =	sadd.s32 $0x40, s20  }
0xbd: {  	[tilespmem:s15+$0x90] =	vst v15;
	v14 =	vmul.f32 v14, v5  }
0xbe: {  	[tilespmem:s15+$0xA0] =	vst v16;
	v11 =	vmul.f32 v11, v5  }
0xbf: {  	[tilespmem:s15+$0xB0] =	vst v14;
	v12 =	vmul.f32 v12, v5  }
0xc0: {  	[tilespmem:s15+$0xC0] =	vst v11;
	v5 =	vmul.f32 v13, v5  }
0xc1: {  	v6 =	vmul.f32 v6, v10;
	[tilespmem:s15+$0xD0] =	vst v12  }
0xc2: {  	v7 =	vmul.f32 v7, v10;
	[tilespmem:s15+$0xE0] =	vst v5  }
0xc3: {  	v3 =	vmul.f32 v3, v10;
	[tilespmem:s15+$0xFFFFFF00] =	vst v6  }
0xc4: {  	v2 =	vmul.f32 v2, v10;
	[tilespmem:s15+$0xFFFFFF10] =	vst v7  }
0xc5: {  	v1 =	vmul.f32 v1, v10;
	[tilespmem:s15+$0xFFFFFF30] =	vst v3  }
0xc6: {  	v5 =	vmul.f32 v8, v10;
	[tilespmem:s15+$0xFFFFFF40] =	vst v2  }
0xc7: {  	v3 =	vmul.f32 v4, v10;
	[tilespmem:s15+$0xFFFFFF50] =	vst v1  }
0xc8: {  	v2 =	vmul.f32 v9, v10;
	[tilespmem:s15+$0xFFFFFF20] =	vst v5  }
0xc9: {  	[tilespmem:s15+$0xFFFFFF60] =	vst v3  }
0xca: {  	p0 =	seq.s32 s14, $0x27;
	[tilespmem:s15+$0xFFFFFF70] =	vst v2;
	s15 =	sshll.u32 s14, $0x1  }
0xcb: {  	[spmem:s1] =	stream.indirect.scatter.add.f32 [tilespmem:s19], [sflag:$0x4], $0x80, s28, s28, $0xb8;
	[tilespmem:$0x1D200] =	vst v63  }
0xcc: {  	s18 =	sadd.s32 @!p0 s15, s16  }
0xcd: {  	s21 =	simm.s32 @!p0 $0x0;
	_ =	swait.ge [sflag:s25], $0x4000;
	s20 =	sshll.u32 @!p0 s18, $0x5  }
0xce: {  	s18 =	sshll.u32 @!p0 s18, $0x8;
	[sflag:s25] =	ssyncset.done $0x0;
	s20 =	sand.u32 @!p0 $0x1FFFFFC0, s20  }
0xcf: {  	s18 =	sand.u32 @!p0 $0x1FFFFE00, s18;
	[sflag:s25] =	ssyncadd.s32 $0xFFFFC000;
	s20 =	sadd.s32 @!p0 s5, s20  }
0xd0: {  	[tilespmem:s21], [sflag:$0x3] =	stream.linear.gather @!p0 [hbm4b:s20+s21], $0x100, $0x38;
	[tilespmem:$0x1D200] =	vst v63  }
0xd1: {  	s18 =	sadd.s32 @!p0 s6, s18;
	s20 =	simm.s32 @!p0 $0x200  }
0xd2: {  	[tilespmem:s20], [sflag:$0x3] =	stream.linear.gather @!p0 [hbm4b:s18+s21], $0x800, $0x38;
	[tilespmem:$0x1D200] =	vst v63  }
0xd3: {  	_ =	swait.ge [sflag:s3], $0x4000  }
0xd4: {  	p1 =	sgt.u32 s14, $0x26;
	[sflag:s3] =	ssyncset.done $0x0  }
0xd5: {  	s18 =	simm.s32 @!p1 $0x3;
	[sflag:s3] =	ssyncadd.s32 $0xFFFFC000  }
0xd6: {  	_ =	swait.ge @!p1 [sflag:s18], $0x100  }
0xd7: {  	[sflag:s18] =	ssyncset.done @!p1 $0x0  }
0xd8: {  	[sflag:s18] =	ssyncadd.s32 @!p1 $0xFFFFFF00  }
0xd9: {  	_ =	swait.ge @!p1 [sflag:s18], $0x800  }
0xda: {  	s22 =	simm.s32 $0xA20;
	s20 =	simm.s32 @!p1 $0x0;
	[sflag:s18] =	ssyncset.done @!p1 $0x0  }
0xdb: {  	s21 =	simm.s32 @!p1 $0x1200;
	[sflag:s18] =	ssyncadd.s32 @!p1 $0xFFFFF800;
	s18 =	simm.s32 @!p1 $0x80  }
0xdc: {  	[tilespmem:s21], [sflag:$0x1] =	stream.indirect.gather @!p1 [hbm4b:s4+s18], $0x80, s20, s18, $0xb8;
	[tilespmem:$0x1D200] =	vst v63  }
0xdd: {  	s18 =	simm.s32 $0x5300;
	v5 =	vld [tilespmem:s22+$0x10]  }
0xde: {  	v9 =	vld [tilespmem:s18+$0xF0]  }
0xdf: {  	v6 =	vld [tilespmem:s18+$0xFFFFFF00]  }
0xe0: {  	v7 =	vld [tilespmem:s18+$0xFFFFFF10]  }
0xe1: {  	v8 =	vld [tilespmem:s18+$0xFFFFFF20]  }
0xe2: {  	v3 =	vld [tilespmem:s18+$0xFFFFFF30]  }
0xe3: {  	v2 =	vld [tilespmem:s18+$0xFFFFFF40]  }
0xe4: {  	v1 =	vld [tilespmem:s18+$0xFFFFFF50]  }
0xe5: {  	v10 =	vld [tilespmem:s22+$0xFFFFFFF0]  }
0xe6: {  	v4 =	vld [tilespmem:s18+$0xFFFFFF80]  }
0xe7: {  	v11 =	vld [tilespmem:s18+$0xFFFFFF90]  }
0xe8: {  	v12 =	vld [tilespmem:s18+$0xFFFFFFA0]  }
0xe9: {  	v13 =	vld [tilespmem:s18+$0xFFFFFFB0]  }
0xea: {  	v14 =	vld [tilespmem:s18+$0xFFFFFFC0]  }
0xeb: {  	v16 =	vld [tilespmem:s18+$0xFFFFFFD0]  }
0xec: {  	v17 =	vld [tilespmem:s18+$0xFFFFFFE0]  }
0xed: {  	v18 =	vld [tilespmem:s22+$0x0];
	v15 =	vmul.f32 v4, v10  }
0xee: {  	v19 =	vld [tilespmem:s18+$0xA0];
	v9 =	vmul.f32 v9, v5  }
0xef: {  	v4 =	vld [tilespmem:s18+$0xFFFFFF60];
	v11 =	vmul.f32 v11, v10;
	[tilespmem:s18+$0xFFFFFF80] =	vst v15  }
0xf0: {  	[tilespmem:s18+$0xF0] =	vst v9;
	v9 =	vmul.f32 v12, v10;
	v12 =	vld [tilespmem:s18+$0x0]  }
0xf1: {  	v15 =	vld [tilespmem:s18+$0xFFFFFFF0];
	[tilespmem:s18+$0xFFFFFF90] =	vst v11;
	v11 =	vmul.f32 v13, v10  }
0xf2: {  	v13 =	vld [tilespmem:s18+$0x10];
	[tilespmem:s18+$0xFFFFFFA0] =	vst v9;
	v9 =	vmul.f32 v14, v10  }
0xf3: {  	v14 =	vld [tilespmem:s18+$0x20];
	[tilespmem:s18+$0xFFFFFFB0] =	vst v11;
	v11 =	vmul.f32 v16, v10  }
0xf4: {  	v16 =	vld [tilespmem:s18+$0x30];
	[tilespmem:s18+$0xFFFFFFC0] =	vst v9;
	v9 =	vmul.f32 v17, v10  }
0xf5: {  	v17 =	vld [tilespmem:s18+$0x40];
	[tilespmem:s18+$0xFFFFFFD0] =	vst v11;
	v11 =	vmul.f32 v12, v18  }
0xf6: {  	v12 =	vld [tilespmem:s18+$0x50];
	v10 =	vmul.f32 v15, v10;
	[tilespmem:s18+$0xFFFFFFE0] =	vst v9  }
0xf7: {  	v15 =	vld [tilespmem:s18+$0x60];
	[tilespmem:s18+$0x0] =	vst v11;
	v11 =	vmul.f32 v13, v18  }
0xf8: {  	[tilespmem:s18+$0xFFFFFFF0] =	vst v10;
	v10 =	vmul.f32 v14, v18;
	v13 =	vld [tilespmem:s18+$0x70]  }
0xf9: {  	[tilespmem:s18+$0x10] =	vst v11;
	v11 =	vmul.f32 v16, v18;
	v16 =	vld [tilespmem:s18+$0x80]  }
0xfa: {  	[tilespmem:s18+$0x20] =	vst v10;
	v10 =	vmul.f32 v17, v18;
	v17 =	vld [tilespmem:s18+$0x90]  }
0xfb: {  	v9 =	vld [tilespmem:s18+$0xFFFFFF70];
	[tilespmem:s18+$0x30] =	vst v11;
	v11 =	vmul.f32 v12, v18  }
0xfc: {  	v14 =	vld [tilespmem:s18+$0xB0];
	[tilespmem:s18+$0x40] =	vst v10;
	v10 =	vmul.f32 v15, v18  }
0xfd: {  	v13 =	vmul.f32 v13, v18;
	[tilespmem:s18+$0x50] =	vst v11;
	v11 =	vld [tilespmem:s18+$0xC0]  }
0xfe: {  	v12 =	vld [tilespmem:s18+$0xD0];
	[tilespmem:s18+$0x60] =	vst v10;
	v16 =	vmul.f32 v16, v5  }
0xff: {  	[tilespmem:s18+$0x70] =	vst v13;
	v13 =	vld [tilespmem:s18+$0xE0];
	v15 =	vmul.f32 v17, v5  }
0x100: {  	s20 =	simm.s32 $0x0;
	s21 =	simm.s32 $0xA60;
	v10 =	vld [tilespmem:s22+$0xFFFFFFE0];
	s22 =	simm.s32 $0x5300;
	[tilespmem:s18+$0x80] =	vst v16;
	v16 =	vmul.f32 v19, v5  }
.LBB2_7:
0x101: {  	v17 =	vld [tilespmem:s21+$0x10];
	[tilespmem:s18+$0x90] =	vst v15;
	v14 =	vmul.f32 v14, v5;
	s22 =	sadd.s32 $0x200, s22  }
0x102: {  	s20 =	sadd.s32 $0x4, s20;
	v15 =	vld [tilespmem:s22+$0xF0];
	[tilespmem:s18+$0xA0] =	vst v16;
	v11 =	vmul.f32 v11, v5  }
0x103: {  	p1 =	slt.u32 s20, $0x7C;
	v16 =	vld [tilespmem:s22+$0xFFFFFF00];
	[tilespmem:s18+$0xB0] =	vst v14;
	v12 =	vmul.f32 v12, v5  }
0x104: {  	v14 =	vld [tilespmem:s22+$0xFFFFFF10];
	[tilespmem:s18+$0xC0] =	vst v11;
	v13 =	vmul.f32 v13, v5  }
0x105: {  	v11 =	vld [tilespmem:s22+$0xFFFFFF20];
	v19 =	vmul.f32 v6, v10;
	v7 =	vmul.f32 v7, v10;
	[tilespmem:s18+$0xD0] =	vst v12  }
0x106: {  	v8 =	vmul.f32 v8, v10;
	v12 =	vmul.f32 v3, v10;
	v3 =	vld [tilespmem:s22+$0xFFFFFF30];
	[tilespmem:s18+$0xE0] =	vst v13;
	v5 =	vmov v17  }
0x107: {  	v13 =	vmul.f32 v15, v5;
	[tilespmem:s18+$0xFFFFFF00] =	vst v19;
	v15 =	vmul.f32 v2, v10;
	v2 =	vld [tilespmem:s22+$0xFFFFFF40]  }
0x108: {  	v18 =	vmul.f32 v4, v10;
	v17 =	vmul.f32 v1, v10;
	[tilespmem:s18+$0xFFFFFF10] =	vst v7;
	v1 =	vld [tilespmem:s22+$0xFFFFFF50];
	v6 =	vmov v16  }
0x109: {  	v10 =	vmul.f32 v9, v10;
	v4 =	vld [tilespmem:s22+$0xFFFFFF60];
	[tilespmem:s22+$0xF0] =	vst v13;
	v7 =	vmov v14  }
0x10a: {  	v9 =	vld [tilespmem:s22+$0xFFFFFF70];
	[tilespmem:s18+$0xFFFFFF20] =	vst v8;
	v8 =	vmov v11  }
0x10b: {  	v11 =	vld [tilespmem:s21+$0xFFFFFFF0];
	[tilespmem:s18+$0xFFFFFF30] =	vst v12  }
0x10c: {  	v12 =	vld [tilespmem:s22+$0xFFFFFF80];
	[tilespmem:s18+$0xFFFFFF40] =	vst v15  }
0x10d: {  	v13 =	vld [tilespmem:s22+$0xFFFFFF90];
	[tilespmem:s18+$0xFFFFFF50] =	vst v17  }
0x10e: {  	v14 =	vld [tilespmem:s22+$0xFFFFFFA0];
	[tilespmem:s18+$0xFFFFFF60] =	vst v18  }
0x10f: {  	v15 =	vld [tilespmem:s22+$0xFFFFFFB0];
	[tilespmem:s18+$0xFFFFFF70] =	vst v10;
	s18 =	smov.u32 s22  }
0x110: {  	v10 =	vld [tilespmem:s22+$0xFFFFFFC0]  }
0x111: {  	v12 =	vmul.f32 v12, v11;
	v16 =	vld [tilespmem:s22+$0xFFFFFFD0]  }
0x112: {  	v13 =	vmul.f32 v13, v11;
	v17 =	vld [tilespmem:s22+$0xFFFFFFE0]  }
0x113: {  	[tilespmem:s22+$0xFFFFFF80] =	vst v12;
	v12 =	vmul.f32 v14, v11;
	v14 =	vld [tilespmem:s22+$0xFFFFFFF0]  }
0x114: {  	[tilespmem:s22+$0xFFFFFF90] =	vst v13;
	v13 =	vmul.f32 v15, v11;
	v15 =	vld [tilespmem:s21+$0x0]  }
0x115: {  	[tilespmem:s22+$0xFFFFFFA0] =	vst v12;
	v10 =	vmul.f32 v10, v11;
	v12 =	vld [tilespmem:s22+$0x0]  }
0x116: {  	[tilespmem:s22+$0xFFFFFFB0] =	vst v13;
	v13 =	vmul.f32 v16, v11;
	v16 =	vld [tilespmem:s22+$0x10]  }
0x117: {  	[tilespmem:s22+$0xFFFFFFC0] =	vst v10;
	v10 =	vmul.f32 v17, v11;
	v17 =	vld [tilespmem:s22+$0x20]  }
0x118: {  	[tilespmem:s22+$0xFFFFFFD0] =	vst v13;
	v11 =	vmul.f32 v14, v11;
	v13 =	vld [tilespmem:s22+$0x30]  }
0x119: {  	[tilespmem:s22+$0xFFFFFFE0] =	vst v10;
	v10 =	vld [tilespmem:s22+$0x40]  }
0x11a: {  	[tilespmem:s22+$0xFFFFFFF0] =	vst v11;
	v11 =	vmul.f32 v12, v15;
	v12 =	vld [tilespmem:s22+$0x50]  }
0x11b: {  	v14 =	vmul.f32 v16, v15;
	v16 =	vld [tilespmem:s22+$0x60]  }
0x11c: {  	[tilespmem:s22+$0x0] =	vst v11;
	v11 =	vmul.f32 v17, v15;
	v17 =	vld [tilespmem:s22+$0x70]  }
0x11d: {  	[tilespmem:s22+$0x10] =	vst v14;
	v13 =	vmul.f32 v13, v15;
	v18 =	vld [tilespmem:s22+$0x80]  }
0x11e: {  	[tilespmem:s22+$0x20] =	vst v11;
	v10 =	vmul.f32 v10, v15;
	v19 =	vld [tilespmem:s22+$0x90]  }
0x11f: {  	[tilespmem:s22+$0x30] =	vst v13;
	v11 =	vmul.f32 v12, v15;
	v20 =	vld [tilespmem:s22+$0xA0]  }
.Ltmp4:
0x120: {  	[tilespmem:s22+$0x40] =	vst v10;
	v10 =	vmul.f32 v16, v15;
	v14 =	vld [tilespmem:s22+$0xB0];
	(pc) =	sbr.rel @p1 .LBB2_7-.Ltmp4, $4  }
0x121: {  	[tilespmem:s22+$0x50] =	vst v11;
	v13 =	vmul.f32 v17, v15;
	v11 =	vld [tilespmem:s22+$0xC0]  }
0x122: {  	[tilespmem:s22+$0x60] =	vst v10;
	v16 =	vmul.f32 v18, v5;
	v12 =	vld [tilespmem:s22+$0xD0]  }
0x123: {  	[tilespmem:s22+$0x70] =	vst v13;
	v15 =	vmul.f32 v19, v5;
	v13 =	vld [tilespmem:s22+$0xE0]  }
0x124: {  	v10 =	vld [tilespmem:s21+$0xFFFFFFE0];
	[tilespmem:s22+$0x80] =	vst v16;
	v16 =	vmul.f32 v20, v5;
	s21 =	sadd.s32 $0x40, s21  }
0x125: {  	[tilespmem:s18+$0x90] =	vst v15;
	v14 =	vmul.f32 v14, v5  }
0x126: {  	[tilespmem:s18+$0xA0] =	vst v16;
	v11 =	vmul.f32 v11, v5  }
0x127: {  	[tilespmem:s18+$0xB0] =	vst v14;
	v12 =	vmul.f32 v12, v5  }
0x128: {  	[tilespmem:s18+$0xC0] =	vst v11;
	v62 =	vmul.f32 v13, v5  }
0x129: {  	v6 =	vmul.f32 v6, v10;
	[tilespmem:s18+$0xD0] =	vst v12  }
0x12a: {  	v7 =	vmul.f32 v7, v10;
	[tilespmem:s18+$0xE0] =	vst v62  }
0x12b: {  	v63 =	vmul.f32 v8, v10;
	[tilespmem:s18+$0xFFFFFF00] =	vst v6  }
0x12c: {  	v3 =	vmul.f32 v3, v10;
	[tilespmem:s18+$0xFFFFFF10] =	vst v7  }
0x12d: {  	v2 =	vmul.f32 v2, v10;
	[tilespmem:s18+$0xFFFFFF20] =	vst v63  }
0x12e: {  	v1 =	vmul.f32 v1, v10;
	[tilespmem:s18+$0xFFFFFF30] =	vst v3  }
0x12f: {  	v3 =	vmul.f32 v4, v10;
	[tilespmem:s18+$0xFFFFFF40] =	vst v2  }
0x130: {  	v2 =	vmul.f32 v9, v10;
	[tilespmem:s18+$0xFFFFFF50] =	vst v1  }
0x131: {  	[tilespmem:s18+$0xFFFFFF60] =	vst v3  }
.Ltmp5:
0x132: {  	[tilespmem:s18+$0xFFFFFF70] =	vst v2;
	(pc) =	sbr.rel @p0 .LBB2_10-.Ltmp5, $4  }
0x133: {  	[spmem:s1] =	stream.indirect.scatter.add.f32 [tilespmem:s26], [sflag:$0x4], $0x80, s12, s28, $0xb8;
	[tilespmem:$0x1D200] =	vst v63  }
0x134: {  	_ =	swait.ge [sflag:s25], $0x4000  }
0x135: {  	[sflag:s25] =	ssyncset.done $0x0  }
0x136: {  	[sflag:s25] =	ssyncadd.s32 $0xFFFFC000  }
0x137: {  	s15 =	sadd.s32 s15, s17  }
0x138: {  	s18 =	sshll.u32 s15, $0x5  }
.Ltmp6:
0x139: {  	s15 =	sshll.u32 s15, $0x8;
	s18 =	sand.u32 $0x1FFFFFE0, s18;
	(pc) =	sbr.rel .LBB2_4-.Ltmp6, $4  }
0x13a: {  	s15 =	sand.u32 $0x1FFFFF00, s15;
	s18 =	sadd.s32 s5, s18  }
0x13b: {  	[tilespmem:s29], [sflag:$0x3] =	stream.linear.gather [hbm4b:s18+s2], $0x100, $0x38;
	[tilespmem:$0x1D200] =	vst v63  }
0x13c: {  	s14 =	sadd.s32 $0x1, s14;
	s15 =	sadd.s32 s6, s15  }
0x13d: {  	[tilespmem:s30], [sflag:$0x3] =	stream.linear.gather [hbm4b:s15+s2], $0x800, $0x38;
	[tilespmem:$0x1D200] =	vst v63  }
.LBB2_11:
0x13e: {  	_ =	sfence.sel $0x180000  }
0x13f: {  	[bflag:$0x0] =	sbarrier.arrive $0xFFFF  }
0x140: {  	_ =	strace $0x9000004D  }
0x141: {  	s0 =	stileid.u32;
	[bflag:$0x2] =	sbarrier.arrive $0xFFFF  }
0x142: {  	p0 =	sne.s32 s0, $0x0;
	s0 =	rddreg [dreg:$0x2]  }
0x143: {  	s0 =	sadd.s32 @!p0 $0x100000, s0  }
0x144: {  	[sflag:s0] =	ssyncadd.tile.s32 @!p0 $0x1;
	_ =	shalt  }
.Lfunc_end2:
_tile_overlayer_lowered:
.L_overlay_start_2:
0x145: {  	(tag) =	ssettag $0x2  }
0x146: {  	s0 =	rddreg [dreg:$0x0];
	s2 =	stileid.u32  }
0x147: {  	s1 =	rddreg [dreg:$0x1];
	p0 =	sne.s32 s2, $0x0  }
0x148: {  	s3 =	rddreg [dreg:$0x2];
	[bflag:$0x3] =	sbarrier.arrive $0xFFFF;
	s2 =	simm.s32 @!p0 $0x1C04  }
0x149: {  	[timem:s3], [sflag:s2] =	dma.local @!p0 [hbm:s0], s1  }
0x14a: {  	s0 =	simm.s32 @!p0 $0x4  }
0x14b: {  	_ =	swait.ge @!p0 [sflag:s0], s1  }
0x14c: {  	s1 =	ssub.s32 @!p0 $0x0, s1;
	[sflag:s0] =	ssyncset.done @!p0 $0x0  }
0x14d: {  	[sflag:s0] =	ssyncadd.s32 @!p0 s1  }
0x14e: {  	[bflag:$0x3] =	sbarrier.arrive $0xFFFF  }
0x14f: {  	_ =	shalt  }

// kernel: kernel.9.cloned.1.call-start
scs
__scs_entry_jumppad:
0x0: {  	(pc) =	sbr.rel $0x88, $3  }
0x1: {  	(tag) =	ssettag $0x0;
	lr =	simm.s32 $0x1  }
0x2: {  	[smem:$0x3F96] =	sst lr;
	_ =	strace $0xD0000000  }
0x3: {  	_ = 	snop  }
0x4: {  	_ = 	snop  }
0x5: {  	_ = 	snop  }
0x6: {  	_ = 	snop  }
0x7: {  	_ = 	snop  }
__scs_overlays_trampoline_lowered:
0x8: {  	[smem:$0x3FA5] =	sst s0  }
0x9: {  	[smem:$0x3FA6] =	sst s1  }
0xa: {  	[smem:$0x3FA7] =	sst s2  }
0xb: {  	[smem:$0x3FA8] =	sst s3  }
0xc: {  	[smem:$0x3FA9] =	sst s4  }
0xd: {  	[smem:$0x3FAA] =	sst s5  }
0xe: {  	[smem:$0x3FAB] =	sst s6  }
0xf: {  	[smem:$0x3FAC] =	sst s7  }
0x10: {  	[smem:$0x3FAD] =	sst s8  }
0x11: {  	[smem:$0x3FAE] =	sst s9;
	s0 =	simm.s32 @!p0 $0x0  }
0x12: {  	s1 =	sld [smem:$0x3F94];
	s0 =	simm.s32 @p0 $0x1  }
0x13: {  	[smem:$0x3FAF] =	sst s0;
	s0 =	simm.s32 @!p1 $0x0  }
0x14: {  	s2 =	sld [smem:$0x3F93];
	s0 =	simm.s32 @p1 $0x1  }
0x15: {  	[smem:$0x3FB0] =	sst s0;
	s0 =	simm.s32 @!p2 $0x0  }
0x16: {  	s3 =	sld [smem:$0x3FDB];
	s0 =	simm.s32 @p2 $0x1  }
0x17: {  	s4 =	simm.s32 $0x1BF5;
	[smem:$0x3FB2] =	sst s0  }
0x18: {  	s0 =	sld [smem:$0x3F95];
	_ =	swait.ge [sflag:s4], $0x0  }
0x19: {  	s7 =	sld [smem:$0x3F96]  }
0x1a: {  	s8 =	sadd.s32 $0xFFFFE003, lr  }
0x1b: {  	s9 =	sadd.s32 $0xFFFFFEF7, lr;
	s5 =	simm.s32 $0xFFFFFFFF;
	p2 =	slt.u32 s8, $0xFFFFF086  }
0x1c: {  	p1 =	slt.u32 s9, $0xF7A;
	s5 =	simm.s32 @!p2 $0x0  }
0x1d: {  	s5 =	simm.s32 @p1 $0x1;
	p0 =	seq.s32 s7, s2  }
0x1e: {  	s7 =	smul.u32 @!p0 $0xF7A, s2;
	p2 =	seq.s32 @!p0 s5, $0x0  }
0x1f: {  	s9 =	smul.u32 $0xF7A, s1;
	s8 =	simm.s32 @!p0 $0x1BF5;
	p2 =	por !p2, p0  }
0x20: {  	[sflag:s8] =	ssyncset.s32 @!p0 $0xFFFFF086;
	s6 =	sadd.s32 @!p0 s3, s7;
	s7 =	simm.s32 @!p0 $0x108  }
0x21: {  	s3 =	sadd.s32 s3, s9;
	s6 =	sadd.s32 @!p0 $0x88, s6;
	s7 =	simm.s32 @p2 $0x1082  }
0x22: {  	[simem:s7], [sflag:s8] =	dma.local @!p0 [hbm:s6], $0xF7A  }
0x23: {  	s9 =	sor.u32 $0xD0000000, s2;
	s6 =	simm.s32 $0x108;
	_ =	swait.ge @!p0 [sflag:s8], $0x0  }
0x24: {  	s3 =	sadd.s32 $0x88, s3;
	s6 =	simm.s32 @!p1 $0x1082;
	[sflag:s4] =	ssyncset.s32 $0xFFFFF086  }
0x25: {  	[simem:s6], [sflag:s4] =	dma.local [hbm:s3], $0xF7A  }
0x26: {  	[smem:$0x3F96] =	sst s1;
	(tag) =	ssettag s2;
	_ =	strace s9  }
0x27: {  	s1 =	sld [smem:$0x3FA6]  }
0x28: {  	s2 =	sld [smem:$0x3FA7]  }
0x29: {  	s4 =	sld [smem:$0x3FA9]  }
0x2a: {  	p0 =	seq.s32 s5, $0x0;
	s5 =	sld [smem:$0x3FAA]  }
0x2b: {  	s6 =	sld [smem:$0x3FAB]  }
0x2c: {  	s7 =	sld [smem:$0x3FAC]  }
0x2d: {  	s3 =	simm.s32 $0x108;
	s8 =	sld [smem:$0x3FAD]  }
0x2e: {  	s3 =	simm.s32 @!p0 $0x1082;
	s9 =	sld [smem:$0x3FAE]  }
0x2f: {  	lr =	sadd.s32 s0, s3;
	s0 =	sld [smem:$0x3FA5]  }
0x30: {  	s3 =	sld [smem:$0x3FA8]  }
0x31: {  	[smem:$0x3FB1] =	sst s10  }
0x32: {  	s10 =	sld [smem:$0x3FAF];
	_ =	sdelay $0x3  }
0x33: {  	p0 =	seq.s32 s10, $0x1;
	s10 =	sld [smem:$0x3FB1];
	_ =	sdelay $0x3  }
0x34: {  	[smem:$0x3FB1] =	sst s10  }
0x35: {  	s10 =	sld [smem:$0x3FB0];
	_ =	sdelay $0x3  }
0x36: {  	p1 =	seq.s32 s10, $0x1;
	s10 =	sld [smem:$0x3FB1];
	_ =	sdelay $0x3  }
0x37: {  	[smem:$0x3FB1] =	sst s10  }
0x38: {  	s10 =	sld [smem:$0x3FB2]  }
0x39: {  	_ = 	snop;
	(pc) =	sbr.ind lr, $3  }
0x3a: {  	_ = 	snop  }
0x3b: {  	_ = 	snop  }
0x3c: {  	p2 =	seq.s32 s10, $0x1;
	s10 =	sld [smem:$0x3FB1]  }
0x3d: {  	_ =	shalt  }
0x3e: {  	_ =	shalt  }
0x3f: {  	_ =	shalt  }
0x40: {  	_ =	shalt  }
0x41: {  	_ =	shalt  }
0x42: {  	_ =	shalt  }
0x43: {  	_ =	shalt  }
0x44: {  	_ =	shalt  }
0x45: {  	_ =	shalt  }
0x46: {  	_ =	shalt  }
0x47: {  	_ =	shalt  }
0x48: {  	_ =	shalt  }
0x49: {  	_ =	shalt  }
0x4a: {  	_ =	shalt  }
0x4b: {  	_ =	shalt  }
0x4c: {  	_ =	shalt  }
0x4d: {  	_ =	shalt  }
0x4e: {  	_ =	shalt  }
0x4f: {  	_ =	shalt  }
0x50: {  	_ =	shalt  }
0x51: {  	_ =	shalt  }
0x52: {  	_ =	shalt  }
0x53: {  	_ =	shalt  }
0x54: {  	_ =	shalt  }
0x55: {  	_ =	shalt  }
0x56: {  	_ =	shalt  }
0x57: {  	_ =	shalt  }
0x58: {  	_ =	shalt  }
0x59: {  	_ =	shalt  }
0x5a: {  	_ =	shalt  }
0x5b: {  	_ =	shalt  }
0x5c: {  	_ =	shalt  }
0x5d: {  	_ =	shalt  }
0x5e: {  	_ =	shalt  }
0x5f: {  	_ =	shalt  }
0x60: {  	_ =	shalt  }
0x61: {  	_ =	shalt  }
0x62: {  	_ =	shalt  }
0x63: {  	_ =	shalt  }
0x64: {  	_ =	shalt  }
0x65: {  	_ =	shalt  }
0x66: {  	_ =	shalt  }
0x67: {  	_ =	shalt  }
0x68: {  	_ =	shalt  }
0x69: {  	_ =	shalt  }
0x6a: {  	_ =	shalt  }
0x6b: {  	_ =	shalt  }
0x6c: {  	_ =	shalt  }
0x6d: {  	_ =	shalt  }
0x6e: {  	_ =	shalt  }
0x6f: {  	_ =	shalt  }
0x70: {  	_ =	shalt  }
0x71: {  	_ =	shalt  }
0x72: {  	_ =	shalt  }
0x73: {  	_ =	shalt  }
0x74: {  	_ =	shalt  }
0x75: {  	_ =	shalt  }
0x76: {  	_ =	shalt  }
0x77: {  	_ =	shalt  }
0x78: {  	_ =	shalt  }
0x79: {  	_ =	shalt  }
0x7a: {  	_ =	shalt  }
0x7b: {  	_ =	shalt  }
0x7c: {  	_ =	shalt  }
0x7d: {  	_ =	shalt  }
0x7e: {  	_ =	shalt  }
0x7f: {  	_ =	shalt  }
0x80: {  	_ =	shalt  }
0x81: {  	_ =	shalt  }
0x82: {  	_ =	shalt  }
0x83: {  	_ =	shalt  }
0x84: {  	_ =	shalt  }
0x85: {  	_ =	shalt  }
0x86: {  	_ =	shalt  }
0x87: {  	_ =	shalt  }
.Lfunc_end0:
.L_simem_size_0:
called_computation_lowered:
.L_overlay_start_0:
0x88: {  	s2 =	sld [smem:$0x3FD9]  }
0x89: {  	s3 =	sld [smem:$0x3FFE];
	_ =	sdelay $0x1  }
0x8a: {  	s1 =	srdreg.scid  }
0x8b: {  	s0 =	sand.u32 $0x1, s1  }
0x8c: {  	s17 =	sshll.u32 s0, $0xA;
	s2 =	sadd.s32 s3, s2  }
0x8d: {  	s2 =	sadd.s32 s2, s17  }
0x8e: {  	[smem:$0x3FBD] =	sst s2  }
0x8f: {  	_ = 	snop  }
0x90: {  	s2 =	sld [smem:$0x3FD0];
	(tm) =	ssettm $0x1  }
0x91: {  	s18 =	sld [smem:$0x3FFB];
	_ =	sdelay $0x3  }
0x92: {  	_ =	strace s18  }
0x93: {  	s3 =	sld [smem:$0x3FFC];
	_ =	sdelay $0x3  }
0x94: {  	_ =	strace s3  }
0x95: {  	s3 =	sld [smem:$0x3FFD];
	_ =	sdelay $0x3  }
0x96: {  	_ =	strace s3  }
0x97: {  	_ =	strace $0x8FFFFFFF  }
0x98: {  	s19 =	sld [smem:$0x3FDB];
	_ =	sdelay $0x1  }
0x99: {  	s4 =	simm.s32 $_scs_section_size  }
0x9a: {  	s5 =	simm.s32 $_size__tile_overlayer_lowered;
	s6 =	simm.s32 $_tile_overlayer_lowered  }
0x9b: {  	s22 =	simm.s32 $0x1BFF;
	s21 =	sshll.u32 s6, $0x1;
	s3 =	sadd.s32 s4, s19  }
0x9c: {  	s7 =	simm.s32 $0x0;
	s20 =	sshll.u32 s5, $0x1;
	s5 =	sadd.s32 s21, s3  }
0x9d: {  	[timem:s7], [sflag:s22] =	dma.local [hbm:s5], s20  }
0x9e: {  	_ =	swait.ge [sflag:s22], s20  }
0x9f: {  	s4 =	ssub.s32 $0x0, s20;
	[sflag:s22] =	ssyncset.done $0x0  }
0xa0: {  	[sflag:s22] =	ssyncadd.s32 s4;
	_ =	sdelay $0x1  }
0xa1: {  	s23 =	simm.s32 $0x1B8B  }
0xa2: {  	_ =	swait.ge [sflag:s23], $0x1  }
0xa3: {  	[sflag:s23] =	ssyncset.done $0x0  }
0xa4: {  	s25 =	simm.s32 $0x1B8E;
	s24 =	sld [smem:$0x3FFE];
	[sflag:s23] =	ssyncadd.s32 $0xFFFFFFFF  }
0xa5: {  	s26 =	simm.s32 $execute0_lowered;
	[smem:$0x3FD2] =	sst s25  }
0xa6: {  	s5 =	sshll.u32 s26, $0x1;
	_ =	strace $0x80000046;
	[dreg:$0x1] =	wrdreg $0xFFFFFFFF  }
0xa7: {  	s28 =	simm.s32 $_size_execute0_lowered;
	s3 =	sadd.s32 s3, s5;
	[dreg:$0x0] =	wrdreg $0x0  }
0xa8: {  	s5 =	sshll.u32 s28, $0x1;
	[dreg:$0x2] =	wrdreg s3  }
0xa9: {  	[dreg:$0x3] =	wrdreg s5  }
0xaa: {  	[dreg:$0x4] =	wrdreg $0xC0  }
0xab: {  	_ =	task [dreg:s7], $0x5FFFF  }
0xac: {  	[dreg:$0x1] =	wrdreg $0xFFFFFFFF  }
0xad: {  	[dreg:$0x0] =	wrdreg $0x60  }
0xae: {  	[dreg:$0x2] =	wrdreg s2  }
0xaf: {  	[dreg:$0x3] =	wrdreg s24  }
0xb0: {  	[dreg:$0x4] =	wrdreg $0x4800  }
0xb1: {  	[dreg:$0x5] =	wrdreg $0x9  }
0xb2: {  	_ =	task.clear_ibuf [dreg:s7], $0x6FFFF;
	_ =	strace $0x90000046  }
0xb3: {  	s29 =	simm.s32 $0x9;
	_ =	strace $0x80000048  }
0xb4: {  	_ =	swait.ge [sflag:s29], $0x1  }
0xb5: {  	[sflag:s29] =	ssyncadd.s32 $0xFFFFFFFF  }
0xb6: {  	_ =	strace $0x90000048  }
0xb7: {  	_ =	sfence  }
0xb8: {  	s30 =	sld [smem:$0x0];
	_ =	sdelay $0x2  }
0xb9: {  	s31 =	sshll.u32 s1, $0xD;
	s1 =	sshrl.u32 s1, $0x2  }
0xba: {  	s3 =	sand.u32 $0x4000, s31;
	s1 =	sadd.s32 s1, s30  }
0xbb: {  	s0 =	sor.u32 s3, s0;
	s1 =	sshll.u32 s1, $0x11  }
0xbc: {  	s0 =	sor.u32 s1, s0  }
0xbd: {  	s0 =	sadd.s32 $0x8F2B, s0  }
0xbe: {  	[sflag:s0] =	ssyncadd.remote.s32 $0x1  }
0xbf: {  	_ =	sfence.sel $0xFFFF  }
0xc0: {  	[dreg:$0x0] =	wrdreg $0xFFFFFFFF;
	(pc) =	sbr.abs _section_cstart, $3  }
0xc1: {  	[dreg:$0x1] =	wrdreg $0xFFFFFFFF  }
0xc2: {  	_ =	task.clear_ibuf [dreg:s7], $0x2FFFF;
	_ =	strace $0x9FFFFFFF  }
0xc3: {  	(tm) =	ssettm $0x7FFFFFFF  }
tec
execute0_lowered:
.L_overlay_start_1:
0x0: {  	(tag) =	ssettag $0x1  }
0x1: {  	s17 =	rddreg [dreg:$0x0]  }
0x2: {  	s4 =	rddreg [dreg:$0x1]  }
0x3: {  	s2 =	rddreg [dreg:$0x2]  }
0x4: {  	s0 =	rddreg [dreg:$0x3]  }
0x5: {  	s5 =	srdreg.scid;
	s1 =	stileid.u32  }
0x6: {  	s3 =	simm.s32 $0x0;
	s20 =	simm.s32 $0x2;
	s21 =	simm.s32 $0x100  }
0x7: {  	s22 =	simm.s32 $0x80;
	s23 =	simm.s32 $0x180;
	s24 =	simm.s32 $0x1  }
0x8: {  	s25 =	simm.s32 $0x0;
	s5 =	sand.u32 $0x1, s5;
	s6 =	smul.u32 $0x280, s1  }
0x9: {  	[smem:$0x7FF] =	sst s3;
	s18 =	sadd.s32 $0x2A00, s4;
	s11 =	smul.u32 $0x50, s1  }
0xa: {  	s7 =	smul.u32 $0x2800, s5;
	_ =	strace $0x80000047;
	s8 =	sshll.u32 s5, $0x4  }
0xb: {  	s9 =	ssub.s32 $0x2, s5;
	s10 =	smul.u32 $0x500, s5;
	s8 =	sor.u32 s1, s8  }
0xc: {  	s29 =	sshrl.u32 s9, $0x1;
	s7 =	sadd.s32 s6, s7;
	s13 =	smul.u32 $0x500, s8  }
0xd: {  	s30 =	ssub.s32 s9, s29;
	s15 =	sadd.s32 s11, s10;
	s7 =	sshrl.u32 s7, $0x3  }
0xe: {  	s8 =	smax.u32 s30, $0x1;
	s19 =	sshll.u32 s15, $0x4;
	s7 =	sadd.s32 s7, s4  }
0xf: {  	s4 =	sadd.s32 s6, s2;
	s5 =	sadd.s32 s17, s13;
	s6 =	sadd.s32 s18, s13  }
0x10: {  	s12 =	sor.u32 $0x10, s13;
	s14 =	sor.u32 $0x20, s13;
	s31 =	sadd.s32 $0x4F0, s13  }
0x11: {  	s16 =	sor.u32 $0x40, s19;
	s7 =	sadd.s32 $0xCA00, s7;
	s9 =	sadd.s32 s17, s12  }
0x12: {  	s10 =	sadd.s32 s18, s12;
	s11 =	sadd.s32 s17, s14;
	s12 =	sadd.s32 s18, s14  }
0x13: {  	s13 =	sadd.s32 s17, s31;
	s14 =	sadd.s32 s18, s31;
	s15 =	sadd.s32 s16, s17  }
0x14: {  	s16 =	sadd.s32 s16, s18;
	s17 =	sadd.s32 s19, s17;
	s18 =	sadd.s32 s19, s18  }
0x15: {  	v0 =	vimm.f32 $0.0e+00;
	s19 =	simm.s32 $0x200;
	s17 =	sadd.s32 $0x30, s17;
	s18 =	sadd.s32 $0x30, s18  }
.LBB2_1:
0x16: {  	[tilespmem:$0x200] =	vst v0  }
0x17: {  	[tilespmem:$0x210] =	vst v0  }
0x18: {  	[tilespmem:$0x220] =	vst v0  }
0x19: {  	[tilespmem:$0x230] =	vst v0  }
0x1a: {  	[tilespmem:$0x240] =	vst v0  }
0x1b: {  	[tilespmem:$0x250] =	vst v0  }
0x1c: {  	[tilespmem:$0x260] =	vst v0  }
0x1d: {  	[tilespmem:$0x270] =	vst v0  }
0x1e: {  	[tilespmem:$0x280] =	vst v0  }
0x1f: {  	[tilespmem:$0x290] =	vst v0  }
0x20: {  	[tilespmem:$0x2A0] =	vst v0  }
0x21: {  	[tilespmem:$0x2B0] =	vst v0  }
0x22: {  	[tilespmem:$0x2C0] =	vst v0  }
0x23: {  	[tilespmem:$0x2D0] =	vst v0  }
0x24: {  	[tilespmem:$0x2E0] =	vst v0  }
0x25: {  	[tilespmem:$0x2F0] =	vst v0  }
0x26: {  	[tilespmem:$0x300] =	vst v0  }
0x27: {  	[tilespmem:$0x310] =	vst v0  }
0x28: {  	[tilespmem:$0x320] =	vst v0  }
0x29: {  	[tilespmem:$0x330] =	vst v0  }
0x2a: {  	[tilespmem:$0x340] =	vst v0  }
0x2b: {  	[tilespmem:$0x350] =	vst v0  }
0x2c: {  	[tilespmem:$0x360] =	vst v0  }
0x2d: {  	[tilespmem:$0x370] =	vst v0  }
0x2e: {  	[tilespmem:$0x380] =	vst v0  }
0x2f: {  	[tilespmem:$0x390] =	vst v0  }
0x30: {  	[tilespmem:$0x3A0] =	vst v0  }
0x31: {  	[tilespmem:$0x3B0] =	vst v0  }
0x32: {  	[tilespmem:$0x3C0] =	vst v0  }
0x33: {  	[tilespmem:$0x3D0] =	vst v0  }
0x34: {  	[tilespmem:$0x3E0] =	vst v0  }
0x35: {  	[tilespmem:$0x3F0] =	vst v0  }
0x36: {  	[tilespmem:$0x400] =	vst v0  }
0x37: {  	[tilespmem:$0x410] =	vst v0  }
0x38: {  	[tilespmem:$0x420] =	vst v0  }
0x39: {  	[tilespmem:$0x430] =	vst v0  }
0x3a: {  	[tilespmem:$0x440] =	vst v0  }
0x3b: {  	[tilespmem:$0x450] =	vst v0  }
0x3c: {  	[tilespmem:$0x460] =	vst v0  }
0x3d: {  	[tilespmem:$0x470] =	vst v0  }
0x3e: {  	[spmem:s4] =	stream.linear.scatter [tilespmem:s19], [sflag:$0x2], $0x280, $0x38;
	[tilespmem:$0x700] =	vst v63  }
0x3f: {  	_ =	swait.ge [sflag:s20], $0x280  }
0x40: {  	[sflag:s20] =	ssyncset.done $0x0  }
0x41: {  	[sflag:s20] =	ssyncadd.s32 $0xFFFFFD80  }
0x42: {  	[bflag:$0x0] =	sbarrier.arrive $0xFFFF  }
0x43: {  	[tilespmem:s3], [sflag:$0x2] =	stream.linear.gather [hbm4b:s5+s3], $0x80, $0x38;
	[tilespmem:$0x700] =	vst v63  }
0x44: {  	_ =	swait.ge [sflag:s20], $0x80  }
0x45: {  	[sflag:s20] =	ssyncset.done $0x0  }
0x46: {  	[sflag:s20] =	ssyncadd.s32 $0xFFFFFF80  }
0x47: {  	[tilespmem:s21], [sflag:$0x2] =	stream.linear.gather [hbm4b:s6+s3], $0x80, $0x38;
	[tilespmem:$0x700] =	vst v63  }
0x48: {  	_ =	swait.ge [sflag:s20], $0x80  }
0x49: {  	[sflag:s20] =	ssyncset.done $0x0  }
0x4a: {  	[sflag:s20] =	ssyncadd.s32 $0xFFFFFF80  }
0x4b: {  	[tilespmem:s22], [sflag:$0x1] =	stream.linear.gather [hbm4b:s9+s3], $0x80, $0x38;
	[tilespmem:$0x700] =	vst v63  }
0x4c: {  	_ = 	snop  }
0x4d: {  	[tilespmem:s23], [sflag:$0x1] =	stream.linear.gather [hbm4b:s10+s3], $0x80, $0x38;
	[tilespmem:$0x700] =	vst v63  }
0x4e: {  	_ = 	snop  }
0x4f: {  	[spmem:s2] =	stream.indirect.scatter.add.f32 [tilespmem:s21], [sflag:$0x2], $0x1, s3, s22, $0xb8;
	[tilespmem:$0x700] =	vst v63  }
0x50: {  	_ =	swait.ge [sflag:s20], $0x80  }
0x51: {  	[sflag:s20] =	ssyncset.done $0x0  }
0x52: {  	[sflag:s20] =	ssyncadd.s32 $0xFFFFFF80  }
0x53: {  	_ =	swait.ge [sflag:s24], $0x80  }
0x54: {  	[sflag:s24] =	ssyncset.done $0x0  }
0x55: {  	[sflag:s24] =	ssyncadd.s32 $0xFFFFFF80  }
0x56: {  	_ =	swait.ge [sflag:s24], $0x80  }
0x57: {  	[sflag:s24] =	ssyncset.done $0x0  }
0x58: {  	[sflag:s24] =	ssyncadd.s32 $0xFFFFFF80  }
0x59: {  	[tilespmem:s3], [sflag:$0x1] =	stream.linear.gather [hbm4b:s11+s3], $0x80, $0x38;
	[tilespmem:$0x700] =	vst v63  }
0x5a: {  	_ = 	snop  }
0x5b: {  	[tilespmem:s21], [sflag:$0x1] =	stream.linear.gather [hbm4b:s12+s3], $0x80, $0x38;
	[tilespmem:$0x700] =	vst v63  }
0x5c: {  	_ = 	snop  }
0x5d: {  	[spmem:s2] =	stream.indirect.scatter.add.f32 [tilespmem:s23], [sflag:$0x2], $0x1, s22, s22, $0xb8;
	[tilespmem:$0x700] =	vst v63  }
0x5e: {  	_ =	swait.ge [sflag:s20], $0x80  }
0x5f: {  	[sflag:s20] =	ssyncset.done $0x0  }
0x60: {  	[sflag:s20] =	ssyncadd.s32 $0xFFFFFF80  }
0x61: {  	_ =	swait.ge [sflag:s24], $0x80  }
0x62: {  	[sflag:s24] =	ssyncset.done $0x0  }
0x63: {  	[sflag:s24] =	ssyncadd.s32 $0xFFFFFF80  }
0x64: {  	_ =	swait.ge [sflag:s24], $0x80  }
0x65: {  	[sflag:s24] =	ssyncset.done $0x0  }
0x66: {  	s26 =	sadd.s32 $0x0, s17;
	[sflag:s24] =	ssyncadd.s32 $0xFFFFFF80  }
0x67: {  	[tilespmem:s22], [sflag:$0x1] =	stream.linear.gather [hbm4b:s26+s3], $0x80, $0x38;
	[tilespmem:$0x700] =	vst v63  }
0x68: {  	s29 =	sadd.s32 $0x0, s18  }
0x69: {  	[tilespmem:s23], [sflag:$0x1] =	stream.linear.gather [hbm4b:s29+s3], $0x80, $0x38;
	[tilespmem:$0x700] =	vst v63  }
0x6a: {  	_ = 	snop  }
0x6b: {  	[spmem:s2] =	stream.indirect.scatter.add.f32 [tilespmem:s21], [sflag:$0x2], $0x1, s3, s22, $0xb8;
	[tilespmem:$0x700] =	vst v63  }
0x6c: {  	_ =	swait.ge [sflag:s20], $0x80  }
0x6d: {  	[sflag:s20] =	ssyncset.done $0x0  }
0x6e: {  	[sflag:s20] =	ssyncadd.s32 $0xFFFFFF80  }
0x6f: {  	_ =	swait.ge [sflag:s24], $0x80  }
0x70: {  	[sflag:s24] =	ssyncset.done $0x0  }
0x71: {  	[sflag:s24] =	ssyncadd.s32 $0xFFFFFF80  }
0x72: {  	_ =	swait.ge [sflag:s24], $0x80  }
0x73: {  	[sflag:s24] =	ssyncset.done $0x0  }
0x74: {  	s30 =	sadd.s32 $0x0, s15;
	[sflag:s24] =	ssyncadd.s32 $0xFFFFFF80  }
0x75: {  	[tilespmem:s3], [sflag:$0x1] =	stream.linear.gather [hbm4b:s30+s3], $0x80, $0x38;
	[tilespmem:$0x700] =	vst v63  }
0x76: {  	s31 =	sadd.s32 $0x0, s16  }
0x77: {  	[tilespmem:s21], [sflag:$0x1] =	stream.linear.gather [hbm4b:s31+s3], $0x80, $0x38;
	[tilespmem:$0x700] =	vst v63  }
0x78: {  	_ = 	snop  }
0x79: {  	[spmem:s2] =	stream.indirect.scatter.add.f32 [tilespmem:s23], [sflag:$0x2], $0x1, s22, s22, $0xb8;
	[tilespmem:$0x700] =	vst v63  }
0x7a: {  	_ =	swait.ge [sflag:s20], $0x80  }
0x7b: {  	s26 =	simm.s32 $0x20;
	[sflag:s20] =	ssyncset.done $0x0  }
.LBB2_2:
0x7c: {  	p0 =	sne.s32 s26, $0x4A0  }
0x7d: {  	[sflag:s20] =	ssyncadd.s32 $0xFFFFFF80;
	s28 =	smov.u32 s26;
	s26 =	sadd.s32 $0x20, s26  }
0x7e: {  	_ = 	snop  }
0x7f: {  	_ =	swait.ge [sflag:s24], $0x80  }
0x80: {  	[sflag:s24] =	ssyncset.done $0x0  }
0x81: {  	[sflag:s24] =	ssyncadd.s32 $0xFFFFFF80  }
0x82: {  	_ =	swait.ge [sflag:s24], $0x80  }
0x83: {  	[sflag:s24] =	ssyncset.done $0x0  }
0x84: {  	s29 =	sadd.s32 s28, s17;
	[sflag:s24] =	ssyncadd.s32 $0xFFFFFF80  }
0x85: {  	[tilespmem:s22], [sflag:$0x1] =	stream.linear.gather [hbm4b:s29+s3], $0x80, $0x38;
	[tilespmem:$0x700] =	vst v63  }
0x86: {  	s29 =	sadd.s32 s28, s18  }
0x87: {  	[tilespmem:s23], [sflag:$0x1] =	stream.linear.gather [hbm4b:s29+s3], $0x80, $0x38;
	[tilespmem:$0x700] =	vst v63  }
0x88: {  	_ = 	snop  }
0x89: {  	[spmem:s2] =	stream.indirect.scatter.add.f32 [tilespmem:s21], [sflag:$0x2], $0x1, s3, s22, $0xb8;
	[tilespmem:$0x700] =	vst v63  }
0x8a: {  	_ =	swait.ge [sflag:s20], $0x80  }
0x8b: {  	[sflag:s20] =	ssyncset.done $0x0  }
0x8c: {  	[sflag:s20] =	ssyncadd.s32 $0xFFFFFF80  }
0x8d: {  	_ =	swait.ge [sflag:s24], $0x80  }
0x8e: {  	[sflag:s24] =	ssyncset.done $0x0  }
0x8f: {  	[sflag:s24] =	ssyncadd.s32 $0xFFFFFF80  }
0x90: {  	_ =	swait.ge [sflag:s24], $0x80  }
0x91: {  	[sflag:s24] =	ssyncset.done $0x0  }
0x92: {  	s29 =	sadd.s32 s28, s15;
	[sflag:s24] =	ssyncadd.s32 $0xFFFFFF80  }
0x93: {  	[tilespmem:s3], [sflag:$0x1] =	stream.linear.gather [hbm4b:s29+s3], $0x80, $0x38;
	[tilespmem:$0x700] =	vst v63  }
0x94: {  	s28 =	sadd.s32 s28, s16  }
0x95: {  	[tilespmem:s21], [sflag:$0x1] =	stream.linear.gather [hbm4b:s28+s3], $0x80, $0x38;
	[tilespmem:$0x700] =	vst v63  }
.Ltmp0:
0x96: {  	_ = 	snop;
	(pc) =	sbr.rel @p0 .LBB2_2-.Ltmp0, $4  }
0x97: {  	_ = 	snop  }
0x98: {  	[spmem:s2] =	stream.indirect.scatter.add.f32 [tilespmem:s23], [sflag:$0x2], $0x1, s22, s22, $0xb8;
	[tilespmem:$0x700] =	vst v63  }
0x99: {  	_ =	swait.ge [sflag:s20], $0x80  }
0x9a: {  	[sflag:s20] =	ssyncset.done $0x0  }
0x9b: {  	[sflag:s20] =	ssyncadd.s32 $0xFFFFFF80  }
0x9c: {  	_ =	swait.ge [sflag:s24], $0x80  }
0x9d: {  	[sflag:s24] =	ssyncset.done $0x0  }
0x9e: {  	[sflag:s24] =	ssyncadd.s32 $0xFFFFFF80  }
0x9f: {  	_ =	swait.ge [sflag:s24], $0x80  }
0xa0: {  	[sflag:s24] =	ssyncset.done $0x0  }
0xa1: {  	[sflag:s24] =	ssyncadd.s32 $0xFFFFFF80  }
0xa2: {  	[tilespmem:s22], [sflag:$0x1] =	stream.linear.gather [hbm4b:s13+s3], $0x80, $0x38;
	[tilespmem:$0x700] =	vst v63  }
0xa3: {  	_ = 	snop  }
0xa4: {  	[tilespmem:s23], [sflag:$0x1] =	stream.linear.gather [hbm4b:s14+s3], $0x80, $0x38;
	[tilespmem:$0x700] =	vst v63  }
0xa5: {  	_ = 	snop  }
0xa6: {  	[spmem:s2] =	stream.indirect.scatter.add.f32 [tilespmem:s21], [sflag:$0x2], $0x1, s3, s22, $0xb8;
	[tilespmem:$0x700] =	vst v63  }
0xa7: {  	_ =	swait.ge [sflag:s20], $0x80  }
0xa8: {  	[sflag:s20] =	ssyncset.done $0x0  }
0xa9: {  	[sflag:s20] =	ssyncadd.s32 $0xFFFFFF80  }
0xaa: {  	_ =	swait.ge [sflag:s24], $0x80  }
0xab: {  	[sflag:s24] =	ssyncset.done $0x0  }
0xac: {  	[sflag:s24] =	ssyncadd.s32 $0xFFFFFF80  }
0xad: {  	_ =	swait.ge [sflag:s24], $0x80  }
0xae: {  	[sflag:s24] =	ssyncset.done $0x0  }
0xaf: {  	[sflag:s24] =	ssyncadd.s32 $0xFFFFFF80  }
0xb0: {  	[spmem:s2] =	stream.indirect.scatter.add.f32 [tilespmem:s23], [sflag:$0x2], $0x1, s22, s22, $0xb8;
	[tilespmem:$0x700] =	vst v63  }
0xb1: {  	_ =	swait.ge [sflag:s20], $0x80  }
0xb2: {  	[sflag:s20] =	ssyncset.done $0x0  }
0xb3: {  	[sflag:s20] =	ssyncadd.s32 $0xFFFFFF80  }
0xb4: {  	[bflag:$0x0] =	sbarrier.arrive $0xFFFF  }
0xb5: {  	[tilespmem:s19], [sflag:$0x2] =	stream.linear.gather [spmem:s4], $0x280, $0x38;
	[tilespmem:$0x700] =	vst v63  }
0xb6: {  	s25 =	sadd.s32 $0x1, s25;
	_ =	swait.ge [sflag:s20], $0x280  }
0xb7: {  	p0 =	sne.s32 s25, s8;
	[sflag:s20] =	ssyncset.done $0x0  }
.Ltmp1:
0xb8: {  	[sflag:s20] =	ssyncadd.s32 $0xFFFFFD80;
	(pc) =	sbr.rel @p0 .LBB2_1-.Ltmp1, $4  }
0xb9: {  	[hbm4b:s7+s3] =	stream.linear.scatter [tilespmem:s19], [sflag:$0x2], $0x280, $0x38;
	[tilespmem:$0x700] =	vst v63  }
0xba: {  	_ =	swait.ge [sflag:s20], $0x280  }
0xbb: {  	[sflag:s20] =	ssyncset.done $0x0  }
0xbc: {  	[sflag:s20] =	ssyncadd.s32 $0xFFFFFD80  }
0xbd: {  	_ =	sfence.sel $0x180000  }
0xbe: {  	[bflag:$0x0] =	sbarrier.arrive $0xFFFF  }
0xbf: {  	p0 =	sne.s32 s1, $0x0;
	_ =	strace $0x90000047  }
0xc0: {  	s0 =	sadd.s32 @!p0 $0x100000, s0;
	[bflag:$0x2] =	sbarrier.arrive $0xFFFF  }
0xc1: {  	[sflag:s0] =	ssyncadd.tile.s32 @!p0 $0x1;
	_ =	shalt  }
.Lfunc_end2:
_tile_overlayer_lowered:
.L_overlay_start_2:
0xc2: {  	(tag) =	ssettag $0x2  }
0xc3: {  	s0 =	rddreg [dreg:$0x0];
	s2 =	stileid.u32  }
0xc4: {  	s1 =	rddreg [dreg:$0x1];
	p0 =	sne.s32 s2, $0x0  }
0xc5: {  	s3 =	rddreg [dreg:$0x2];
	[bflag:$0x3] =	sbarrier.arrive $0xFFFF;
	s2 =	simm.s32 @!p0 $0x1C02  }
0xc6: {  	[timem:s3], [sflag:s2] =	dma.local @!p0 [hbm:s0], s1  }
0xc7: {  	s0 =	simm.s32 @!p0 $0x2  }
0xc8: {  	_ =	swait.ge @!p0 [sflag:s0], s1  }
0xc9: {  	s1 =	ssub.s32 @!p0 $0x0, s1;
	[sflag:s0] =	ssyncset.done @!p0 $0x0  }
0xca: {  	[sflag:s0] =	ssyncadd.s32 @!p0 s1  }
0xcb: {  	[bflag:$0x3] =	sbarrier.arrive $0xFFFF  }
0xcc: {  	_ =	shalt  }

</sc_bundles>
